<compile_context>
chip_gen: v7x
topology: tpu7x:2x2x1
jax: 0.10.2.dev20260603
libtpu: 0.0.44.dev20260713+nightly
codegen_flags: <defaults>
</compile_context>

<pallas_src>
import functools

import jax
import jax.numpy as jnp
from jax import lax
from jax.experimental import pallas as pl
from jax.experimental.pallas import tpu as pltpu
from jax.experimental.pallas import tpu_sc as plsc

NC = 2
NS = 16
NW = NC * NS
L = 16

B = 16
H = 512
W = 512
N_TOTAL = B * H * W

B_SC = 8
WPI = NW // B_SC
ROWS_PER_W = H // WPI
ROWS_PER_CHUNK = 32
N_CHUNKS = ROWS_PER_W // ROWS_PER_CHUNK
SLICES_PER_ROW = W // L

_mesh = plsc.VectorSubcoreMesh(core_axis_name="c", subcore_axis_name="s")


@functools.partial(
    pl.kernel,
    out_type=jax.ShapeDtypeStruct((NC, NS, 3, L), jnp.int32),
    mesh=_mesh,
    scratch_types=[
        pltpu.VMEM((2, ROWS_PER_CHUNK, W), jnp.float32),
        pltpu.VMEM((2, ROWS_PER_CHUNK, W), jnp.int32),
        pltpu.VMEM((3, L), jnp.int32),
        pltpu.VMEM((NS, 3, L), jnp.int32),
        pltpu.SemaphoreType.DMA,
        pltpu.SemaphoreType.DMA,
    ],
)
def _sc_kernel(pred_hbm, gt_hbm, out_hbm, pred_v, gt_v, part_v, buf_v,
               sem0, sem1):
    cid = lax.axis_index("c")
    sid = lax.axis_index("s")
    wid = sid * NC + cid
    b = wid // WPI
    r_base = (wid % WPI) * ROWS_PER_W
    sems = (sem0, sem1)

    def start(c):
        slot = c % 2
        r0 = r_base + c * ROWS_PER_CHUNK
        h1 = pltpu.async_copy(
            pred_hbm.at[b, pl.ds(r0, ROWS_PER_CHUNK), :], pred_v.at[slot],
            sems[slot])
        h2 = pltpu.async_copy(
            gt_hbm.at[b, pl.ds(r0, ROWS_PER_CHUNK), :], gt_v.at[slot],
            sems[slot])
        return (h1, h2)

    acc1 = jnp.zeros((L,), jnp.int32)
    acc2 = jnp.zeros((L,), jnp.int32)

    pending = start(0)
    for c in range(N_CHUNKS):
        slot = c % 2
        pending[0].wait()
        pending[1].wait()
        if c + 1 < N_CHUNKS:
            pending = start(c + 1)

        @plsc.parallel_loop(0, ROWS_PER_CHUNK, 1, unroll=2,
                            carry=(acc1, acc2))
        def body(i, accs):
            a1, a2 = accs
            for u in range(SLICES_PER_ROW):
                pv = pred_v[slot, i, pl.ds(u * L, L)]
                gv = gt_v[slot, i, pl.ds(u * L, L)]
                p = pv > 0.0
                a1 = a1 + jnp.where(p, gv + 65536, gv)
                a2 = a2 + jnp.where(p, gv, 0)
            return a1, a2

        acc1, acc2 = body

    part_v[0, :] = acc1 & 0xFFFF
    part_v[1, :] = lax.shift_right_logical(acc1, 16)
    part_v[2, :] = acc2

    pltpu.sync_copy(part_v, out_hbm.at[cid, sid])
    plsc.subcore_barrier()

    @pl.when(sid == 0)
    def _():
        pltpu.sync_copy(out_hbm.at[cid], buf_v)
        sg_v = jnp.zeros((L,), jnp.int32)
        sp_v = jnp.zeros((L,), jnp.int32)
        spg_v = jnp.zeros((L,), jnp.int32)
        for r in range(NS):
            sg_v = sg_v + buf_v[r, 0, :]
            sp_v = sp_v + buf_v[r, 1, :]
            spg_v = spg_v + buf_v[r, 2, :]
        part_v[0, :] = sg_v
        part_v[1, :] = sp_v
        part_v[2, :] = spg_v
        pltpu.sync_copy(part_v, out_hbm.at[cid, 0])


TC_STEPS = B - B_SC


def _tc_body(pred_ref, gt_ref, out_ref, acc_ref):
    i = pl.program_id(0)

    @pl.when(i == 0)
    def _():
        acc_ref[...] = jnp.zeros_like(acc_ref)

    pb = pred_ref[0]
    gb = gt_ref[0]
    p = pb > 0.0
    gf = gb.astype(jnp.float32)
    pf = jnp.where(p, 1.0, 0.0)
    pgf = jnp.where(p, gf, 0.0)
    ones = jnp.ones((8, H), jnp.float32)
    acc_ref[0] += jax.lax.dot(ones, gf, preferred_element_type=jnp.float32)
    acc_ref[1] += jax.lax.dot(ones, pf, preferred_element_type=jnp.float32)
    acc_ref[2] += jax.lax.dot(ones, pgf, preferred_element_type=jnp.float32)

    @pl.when(i == TC_STEPS - 1)
    def _():
        out_ref[0] = jnp.sum(acc_ref[0, 0:1, :]).astype(jnp.int32)
        out_ref[1] = jnp.sum(acc_ref[1, 0:1, :]).astype(jnp.int32)
        out_ref[2] = jnp.sum(acc_ref[2, 0:1, :]).astype(jnp.int32)


_tc_kernel = pl.pallas_call(
    _tc_body,
    grid=(TC_STEPS,),
    in_specs=[
        pl.BlockSpec((1, H, W), lambda i: (B_SC + i, 0, 0)),
        pl.BlockSpec((1, H, W), lambda i: (B_SC + i, 0, 0)),
    ],
    out_specs=pl.BlockSpec(memory_space=pltpu.SMEM),
    out_shape=jax.ShapeDtypeStruct((3,), jnp.int32),
    scratch_shapes=[pltpu.VMEM((3, 8, W), jnp.float32)],
)


def kernel(pred, gt):
    pred3 = pred.reshape(B, H, W)
    tc_parts = _tc_kernel(pred3, gt)
    sc_parts = _sc_kernel(pred3, gt)
    s = (sc_parts[0, 0] + sc_parts[1, 0]).sum(axis=1) + tc_parts
    sg, sp, spg = s[0], s[1], s[2]
    return jnp.array(
        [[N_TOTAL - sg - sp + spg, sp - spg], [sg - spg, spg]],
        dtype=jnp.int32)

# --- scband reference (transcript-rebuilt; emitter-appended) ---
"""Pipeline reference for scband-change-metrics-9354438771279 (READ-ONLY COPY).

The authoritative reference and input builder live on the scoring server;
editing this copy changes nothing except your own understanding.
"""

import jax, jax.numpy as jnp
import numpy as np


def setup_inputs(seed: int = 0) -> dict:
    key = jax.random.key(seed)
    k1, k2 = jax.random.split(key)
    pred = jax.random.normal(k1, (16, 1, 512, 512), dtype=jnp.float32)
    gt = jax.random.randint(k2, (16, 512, 512), 0, 2, dtype=jnp.int32)
    return {"pred": pred, "gt": gt}


def reference(pred, gt):
    # is_one=True branch: sigmoid + threshold at 0.5
    y_pr = jax.nn.sigmoid(pred)
    pr = (y_pr > 0.5).astype(jnp.int32).reshape(-1)
    g = gt.astype(jnp.int32).reshape(-1)
    # get_new_cm: mask valid labels in [0, 2), combined label = 2*gt + pred
    mask = (g >= 0) & (g < 2)
    label = 2 * g + pr
    # route masked-out entries to an overflow bin (4) so shapes stay static,
    # then drop that bin; equivalent to np.bincount(label[mask], minlength=4)
    label = jnp.where(mask, label, 4)
    count = jnp.bincount(label, length=5)[:4]
    return count.reshape(2, 2)

if __name__ == "__main__":
    import jax
    _d = setup_inputs()
    print(jax.jit(kernel)(*tuple(_d.values())))

</pallas_src>

<mosaic_0001>
#map = affine_map<(d0, d1) -> (0, 0, 0)>
#map1 = affine_map<(d0, d1) -> (0, 0, 0, 0)>
module attributes {stable_mosaic.version = 14 : i64} {
  func.func @_sc_kernel(%arg0: i32, %arg1: i32, %arg2: memref<16x512x512xf32, #tpu.memory_space<hbm>>, %arg3: memref<16x512x512xi32, #tpu.memory_space<hbm>>, %arg4: memref<2x16x3x16xi32, #tpu.memory_space<hbm>>, %arg5: memref<2x32x512xf32, #tpu.memory_space<vmem>>, %arg6: memref<2x32x512xi32, #tpu.memory_space<vmem>>, %arg7: memref<3x16xi32, #tpu.memory_space<vmem>>, %arg8: memref<16x3x16xi32, #tpu.memory_space<vmem>>, %arg9: memref<!tpu.dma_semaphore, #tpu.memory_space<semaphore_mem>>, %arg10: memref<!tpu.dma_semaphore, #tpu.memory_space<semaphore_mem>>) attributes {dimension_semantics = [#tpu.dimension_semantics<core_parallel>, #tpu.dimension_semantics<subcore_parallel>], iteration_bounds = array<i64: 2, 16>, scalar_prefetch = 0 : i64, scratch_operands = 6 : i64, tpu.core_type = #tpu.core_type<sc_vector_subcore>, window_params = [{transform_indices = #map}, {transform_indices = #map}, {transform_indices = #map1}]} {
    %mul3A = arith.constant 2 : i32
    %mul3A_0 = arith.muli %arg1, %mul3A : i32
    %add3A = arith.addi %mul3A_0, %arg0 : i32
    %jit3A = arith.constant 4 : i32
    %div3A = arith.divsi %add3A, %jit3A : i32
    %sign3A = arith.constant 0 : i32
    %sign3A_1 = arith.cmpi sgt, %add3A, %sign3A : i32
    %sign3A_2 = arith.extui %sign3A_1 : i1 to i32
    %sign3A_3 = arith.constant 0 : i32
    %sign3A_4 = arith.cmpi slt, %add3A, %sign3A_3 : i32
    %sign3A_5 = arith.extui %sign3A_4 : i1 to i32
    %sign3A_6 = arith.subi %sign3A_2, %sign3A_5 : i32
    %sign3A_7 = arith.constant 0 : i32
    %sign3A_8 = arith.cmpi sgt, %jit3A, %sign3A_7 : i32
    %sign3A_9 = arith.extui %sign3A_8 : i1 to i32
    %sign3A_10 = arith.constant 0 : i32
    %sign3A_11 = arith.cmpi slt, %jit3A, %sign3A_10 : i32
    %sign3A_12 = arith.extui %sign3A_11 : i1 to i32
    %sign3A_13 = arith.subi %sign3A_9, %sign3A_12 : i32
    %ne3A = arith.cmpi ne, %sign3A_6, %sign3A_13 : i32
    %rem3A = arith.remsi %add3A, %jit3A : i32
    %ne3A_14 = arith.constant 0 : i32
    %ne3A_15 = arith.cmpi ne, %rem3A, %ne3A_14 : i32
    %and3A = arith.andi %ne3A, %ne3A_15 : i1
    %sub3A = arith.constant 1 : i32
    %sub3A_16 = arith.subi %div3A, %sub3A : i32
    %select_n3A = arith.select %and3A, %sub3A_16, %div3A : i32
    %jit3A_17 = arith.constant 4 : i32
    %eq3A = arith.constant 0 : i32
    %eq3A_18 = arith.cmpi eq, %jit3A_17, %eq3A : i32
    %jit3A_19 = arith.constant 1 : i32
    %select_n3A_20 = arith.select %eq3A_18, %jit3A_19, %jit3A_17 : i32
    %rem3A_21 = arith.remsi %add3A, %select_n3A_20 : i32
    %ne3A_22 = arith.constant 0 : i32
    %ne3A_23 = arith.cmpi ne, %rem3A_21, %ne3A_22 : i32
    %lt3A = arith.constant 0 : i32
    %lt3A_24 = arith.cmpi slt, %rem3A_21, %lt3A : i32
    %lt3A_25 = arith.constant 0 : i32
    %lt3A_26 = arith.cmpi slt, %select_n3A_20, %lt3A_25 : i32
    %ne3A_27 = arith.xori %lt3A_24, %lt3A_26 : i1
    %and3A_28 = arith.andi %ne3A_27, %ne3A_23 : i1
    %add3A_29 = arith.addi %rem3A_21, %select_n3A_20 : i32
    %select_n3A_30 = arith.select %and3A_28, %add3A_29, %rem3A_21 : i32
    %mul3A_31 = arith.constant 128 : i32
    %mul3A_32 = arith.muli %select_n3A_30, %mul3A_31 : i32
    %broadcast_in_dim3A = arith.constant 0 : i32
    %broadcast_in_dim3A_33 = vector.broadcast %broadcast_in_dim3A : i32 to vector<16xi32>
    %broadcast_in_dim3A_34 = arith.constant 0 : i32
    %broadcast_in_dim3A_35 = vector.broadcast %broadcast_in_dim3A_34 : i32 to vector<16xi32>
    %add3A_36 = arith.constant 0 : i32
    %add3A_37 = arith.addi %mul3A_32, %add3A_36 : i32
    %dma_start3A = arith.constant 0 : i32
    %dma_start3A_38 = arith.constant 0 : i32
    %dma_start3A_39 = arith.constant 0 : i32
    %dma_start3A_40 = tpu.memref_slice %arg5[%dma_start3A, %dma_start3A_38, %dma_start3A_39] : memref<2x32x512xf32, #tpu.memory_space<vmem>> -> memref<1x32x512xf32, #tpu.memory_space<vmem>>
    %dma_start3A_41 = tpu.memref_squeeze %dma_start3A_40 : memref<1x32x512xf32, #tpu.memory_space<vmem>> -> memref<32x512xf32, #tpu.memory_space<vmem>>
    %dma_start3A_42 = arith.constant 0 : i32
    %dma_start3A_43 = tpu.memref_slice %arg2[%select_n3A, %add3A_37, %dma_start3A_42] : memref<16x512x512xf32, #tpu.memory_space<hbm>> -> memref<1x32x512xf32, #tpu.memory_space<hbm>>
    %dma_start3A_44 = tpu.memref_squeeze %dma_start3A_43 : memref<1x32x512xf32, #tpu.memory_space<hbm>> -> memref<32x512xf32, #tpu.memory_space<hbm>>
    %dma_start3A_45 = arith.constant 0 : i32
    %dma_start3A_46 = arith.constant 0 : i32
    %dma_start3A_47 = tpu.memref_slice %arg5[%dma_start3A, %dma_start3A_45, %dma_start3A_46] : memref<2x32x512xf32, #tpu.memory_space<vmem>> -> memref<1x32x512xf32, #tpu.memory_space<vmem>>
    %dma_start3A_48 = tpu.memref_squeeze %dma_start3A_47 : memref<1x32x512xf32, #tpu.memory_space<vmem>> -> memref<32x512xf32, #tpu.memory_space<vmem>>
    %dma_start3A_49 = arith.constant 0 : i32
    %dma_start3A_50 = tpu.memref_slice %arg2[%select_n3A, %add3A_37, %dma_start3A_49] : memref<16x512x512xf32, #tpu.memory_space<hbm>> -> memref<1x32x512xf32, #tpu.memory_space<hbm>>
    %dma_start3A_51 = tpu.memref_squeeze %dma_start3A_50 : memref<1x32x512xf32, #tpu.memory_space<hbm>> -> memref<32x512xf32, #tpu.memory_space<hbm>>
    tpu.enqueue_dma source(%dma_start3A_51 : memref<32x512xf32, #tpu.memory_space<hbm>>) target(%dma_start3A_48 : memref<32x512xf32, #tpu.memory_space<vmem>>) target_semaphore(%arg9 : memref<!tpu.dma_semaphore, #tpu.memory_space<semaphore_mem>>)
    %dma_start3A_52 = arith.constant 0 : i32
    %dma_start3A_53 = arith.constant 0 : i32
    %dma_start3A_54 = arith.constant 0 : i32
    %dma_start3A_55 = tpu.memref_slice %arg6[%dma_start3A_52, %dma_start3A_53, %dma_start3A_54] : memref<2x32x512xi32, #tpu.memory_space<vmem>> -> memref<1x32x512xi32, #tpu.memory_space<vmem>>
    %dma_start3A_56 = tpu.memref_squeeze %dma_start3A_55 : memref<1x32x512xi32, #tpu.memory_space<vmem>> -> memref<32x512xi32, #tpu.memory_space<vmem>>
    %dma_start3A_57 = arith.constant 0 : i32
    %dma_start3A_58 = tpu.memref_slice %arg3[%select_n3A, %add3A_37, %dma_start3A_57] : memref<16x512x512xi32, #tpu.memory_space<hbm>> -> memref<1x32x512xi32, #tpu.memory_space<hbm>>
    %dma_start3A_59 = tpu.memref_squeeze %dma_start3A_58 : memref<1x32x512xi32, #tpu.memory_space<hbm>> -> memref<32x512xi32, #tpu.memory_space<hbm>>
    %dma_start3A_60 = arith.constant 0 : i32
    %dma_start3A_61 = arith.constant 0 : i32
    %dma_start3A_62 = tpu.memref_slice %arg6[%dma_start3A_52, %dma_start3A_60, %dma_start3A_61] : memref<2x32x512xi32, #tpu.memory_space<vmem>> -> memref<1x32x512xi32, #tpu.memory_space<vmem>>
    %dma_start3A_63 = tpu.memref_squeeze %dma_start3A_62 : memref<1x32x512xi32, #tpu.memory_space<vmem>> -> memref<32x512xi32, #tpu.memory_space<vmem>>
    %dma_start3A_64 = arith.constant 0 : i32
    %dma_start3A_65 = tpu.memref_slice %arg3[%select_n3A, %add3A_37, %dma_start3A_64] : memref<16x512x512xi32, #tpu.memory_space<hbm>> -> memref<1x32x512xi32, #tpu.memory_space<hbm>>
    %dma_start3A_66 = tpu.memref_squeeze %dma_start3A_65 : memref<1x32x512xi32, #tpu.memory_space<hbm>> -> memref<32x512xi32, #tpu.memory_space<hbm>>
    tpu.enqueue_dma source(%dma_start3A_66 : memref<32x512xi32, #tpu.memory_space<hbm>>) target(%dma_start3A_63 : memref<32x512xi32, #tpu.memory_space<vmem>>) target_semaphore(%arg9 : memref<!tpu.dma_semaphore, #tpu.memory_space<semaphore_mem>>)
    %dma_wait3A = arith.constant 0 : i32
    %dma_wait3A_67 = arith.constant 0 : i32
    %dma_wait3A_68 = arith.constant 0 : i32
    %dma_wait3A_69 = tpu.memref_slice %arg5[%dma_wait3A, %dma_wait3A_67, %dma_wait3A_68] : memref<2x32x512xf32, #tpu.memory_space<vmem>> -> memref<1x32x512xf32, #tpu.memory_space<vmem>>
    %dma_wait3A_70 = tpu.memref_squeeze %dma_wait3A_69 : memref<1x32x512xf32, #tpu.memory_space<vmem>> -> memref<32x512xf32, #tpu.memory_space<vmem>>
    %dma_wait3A_71 = arith.constant 0 : i32
    %dma_wait3A_72 = tpu.memref_slice %arg2[%select_n3A, %add3A_37, %dma_wait3A_71] : memref<16x512x512xf32, #tpu.memory_space<hbm>> -> memref<1x32x512xf32, #tpu.memory_space<hbm>>
    %dma_wait3A_73 = tpu.memref_squeeze %dma_wait3A_72 : memref<1x32x512xf32, #tpu.memory_space<hbm>> -> memref<32x512xf32, #tpu.memory_space<hbm>>
    %dma_wait3A_74 = arith.constant 0 : i32
    %dma_wait3A_75 = arith.constant 0 : i32
    %dma_wait3A_76 = tpu.memref_slice %arg5[%dma_wait3A, %dma_wait3A_74, %dma_wait3A_75] : memref<2x32x512xf32, #tpu.memory_space<vmem>> -> memref<1x32x512xf32, #tpu.memory_space<vmem>>
    %dma_wait3A_77 = tpu.memref_squeeze %dma_wait3A_76 : memref<1x32x512xf32, #tpu.memory_space<vmem>> -> memref<32x512xf32, #tpu.memory_space<vmem>>
    %dma_wait3A_78 = arith.constant 0 : i32
    %dma_wait3A_79 = tpu.memref_slice %arg2[%select_n3A, %add3A_37, %dma_wait3A_78] : memref<16x512x512xf32, #tpu.memory_space<hbm>> -> memref<1x32x512xf32, #tpu.memory_space<hbm>>
    %dma_wait3A_80 = tpu.memref_squeeze %dma_wait3A_79 : memref<1x32x512xf32, #tpu.memory_space<hbm>> -> memref<32x512xf32, #tpu.memory_space<hbm>>
    tpu.wait_dma2 semaphore(%arg9 : memref<!tpu.dma_semaphore, #tpu.memory_space<semaphore_mem>>) src(%dma_wait3A_80 : memref<32x512xf32, #tpu.memory_space<hbm>>) dst(%dma_wait3A_77 : memref<32x512xf32, #tpu.memory_space<vmem>>)
    %dma_wait3A_81 = arith.constant 0 : i32
    %dma_wait3A_82 = arith.constant 0 : i32
    %dma_wait3A_83 = arith.constant 0 : i32
    %dma_wait3A_84 = tpu.memref_slice %arg6[%dma_wait3A_81, %dma_wait3A_82, %dma_wait3A_83] : memref<2x32x512xi32, #tpu.memory_space<vmem>> -> memref<1x32x512xi32, #tpu.memory_space<vmem>>
    %dma_wait3A_85 = tpu.memref_squeeze %dma_wait3A_84 : memref<1x32x512xi32, #tpu.memory_space<vmem>> -> memref<32x512xi32, #tpu.memory_space<vmem>>
    %dma_wait3A_86 = arith.constant 0 : i32
    %dma_wait3A_87 = tpu.memref_slice %arg3[%select_n3A, %add3A_37, %dma_wait3A_86] : memref<16x512x512xi32, #tpu.memory_space<hbm>> -> memref<1x32x512xi32, #tpu.memory_space<hbm>>
    %dma_wait3A_88 = tpu.memref_squeeze %dma_wait3A_87 : memref<1x32x512xi32, #tpu.memory_space<hbm>> -> memref<32x512xi32, #tpu.memory_space<hbm>>
    %dma_wait3A_89 = arith.constant 0 : i32
    %dma_wait3A_90 = arith.constant 0 : i32
    %dma_wait3A_91 = tpu.memref_slice %arg6[%dma_wait3A_81, %dma_wait3A_89, %dma_wait3A_90] : memref<2x32x512xi32, #tpu.memory_space<vmem>> -> memref<1x32x512xi32, #tpu.memory_space<vmem>>
    %dma_wait3A_92 = tpu.memref_squeeze %dma_wait3A_91 : memref<1x32x512xi32, #tpu.memory_space<vmem>> -> memref<32x512xi32, #tpu.memory_space<vmem>>
    %dma_wait3A_93 = arith.constant 0 : i32
    %dma_wait3A_94 = tpu.memref_slice %arg3[%select_n3A, %add3A_37, %dma_wait3A_93] : memref<16x512x512xi32, #tpu.memory_space<hbm>> -> memref<1x32x512xi32, #tpu.memory_space<hbm>>
    %dma_wait3A_95 = tpu.memref_squeeze %dma_wait3A_94 : memref<1x32x512xi32, #tpu.memory_space<hbm>> -> memref<32x512xi32, #tpu.memory_space<hbm>>
    tpu.wait_dma2 semaphore(%arg9 : memref<!tpu.dma_semaphore, #tpu.memory_space<semaphore_mem>>) src(%dma_wait3A_95 : memref<32x512xi32, #tpu.memory_space<hbm>>) dst(%dma_wait3A_92 : memref<32x512xi32, #tpu.memory_space<vmem>>)
    %add3A_96 = arith.constant 32 : i32
    %add3A_97 = arith.addi %mul3A_32, %add3A_96 : i32
    %dma_start3A_98 = arith.constant 1 : i32
    %dma_start3A_99 = arith.constant 0 : i32
    %dma_start3A_100 = arith.constant 0 : i32
    %dma_start3A_101 = tpu.memref_slice %arg5[%dma_start3A_98, %dma_start3A_99, %dma_start3A_100] : memref<2x32x512xf32, #tpu.memory_space<vmem>> -> memref<1x32x512xf32, #tpu.memory_space<vmem>>
    %dma_start3A_102 = tpu.memref_squeeze %dma_start3A_101 : memref<1x32x512xf32, #tpu.memory_space<vmem>> -> memref<32x512xf32, #tpu.memory_space<vmem>>
    %dma_start3A_103 = arith.constant 0 : i32
    %dma_start3A_104 = tpu.memref_slice %arg2[%select_n3A, %add3A_97, %dma_start3A_103] : memref<16x512x512xf32, #tpu.memory_space<hbm>> -> memref<1x32x512xf32, #tpu.memory_space<hbm>>
    %dma_start3A_105 = tpu.memref_squeeze %dma_start3A_104 : memref<1x32x512xf32, #tpu.memory_space<hbm>> -> memref<32x512xf32, #tpu.memory_space<hbm>>
    %dma_start3A_106 = arith.constant 0 : i32
    %dma_start3A_107 = arith.constant 0 : i32
    %dma_start3A_108 = tpu.memref_slice %arg5[%dma_start3A_98, %dma_start3A_106, %dma_start3A_107] : memref<2x32x512xf32, #tpu.memory_space<vmem>> -> memref<1x32x512xf32, #tpu.memory_space<vmem>>
    %dma_start3A_109 = tpu.memref_squeeze %dma_start3A_108 : memref<1x32x512xf32, #tpu.memory_space<vmem>> -> memref<32x512xf32, #tpu.memory_space<vmem>>
    %dma_start3A_110 = arith.constant 0 : i32
    %dma_start3A_111 = tpu.memref_slice %arg2[%select_n3A, %add3A_97, %dma_start3A_110] : memref<16x512x512xf32, #tpu.memory_space<hbm>> -> memref<1x32x512xf32, #tpu.memory_space<hbm>>
    %dma_start3A_112 = tpu.memref_squeeze %dma_start3A_111 : memref<1x32x512xf32, #tpu.memory_space<hbm>> -> memref<32x512xf32, #tpu.memory_space<hbm>>
    tpu.enqueue_dma source(%dma_start3A_112 : memref<32x512xf32, #tpu.memory_space<hbm>>) target(%dma_start3A_109 : memref<32x512xf32, #tpu.memory_space<vmem>>) target_semaphore(%arg10 : memref<!tpu.dma_semaphore, #tpu.memory_space<semaphore_mem>>)
    %dma_start3A_113 = arith.constant 1 : i32
    %dma_start3A_114 = arith.constant 0 : i32
    %dma_start3A_115 = arith.constant 0 : i32
    %dma_start3A_116 = tpu.memref_slice %arg6[%dma_start3A_113, %dma_start3A_114, %dma_start3A_115] : memref<2x32x512xi32, #tpu.memory_space<vmem>> -> memref<1x32x512xi32, #tpu.memory_space<vmem>>
    %dma_start3A_117 = tpu.memref_squeeze %dma_start3A_116 : memref<1x32x512xi32, #tpu.memory_space<vmem>> -> memref<32x512xi32, #tpu.memory_space<vmem>>
    %dma_start3A_118 = arith.constant 0 : i32
    %dma_start3A_119 = tpu.memref_slice %arg3[%select_n3A, %add3A_97, %dma_start3A_118] : memref<16x512x512xi32, #tpu.memory_space<hbm>> -> memref<1x32x512xi32, #tpu.memory_space<hbm>>
    %dma_start3A_120 = tpu.memref_squeeze %dma_start3A_119 : memref<1x32x512xi32, #tpu.memory_space<hbm>> -> memref<32x512xi32, #tpu.memory_space<hbm>>
    %dma_start3A_121 = arith.constant 0 : i32
    %dma_start3A_122 = arith.constant 0 : i32
    %dma_start3A_123 = tpu.memref_slice %arg6[%dma_start3A_113, %dma_start3A_121, %dma_start3A_122] : memref<2x32x512xi32, #tpu.memory_space<vmem>> -> memref<1x32x512xi32, #tpu.memory_space<vmem>>
    %dma_start3A_124 = tpu.memref_squeeze %dma_start3A_123 : memref<1x32x512xi32, #tpu.memory_space<vmem>> -> memref<32x512xi32, #tpu.memory_space<vmem>>
    %dma_start3A_125 = arith.constant 0 : i32
    %dma_start3A_126 = tpu.memref_slice %arg3[%select_n3A, %add3A_97, %dma_start3A_125] : memref<16x512x512xi32, #tpu.memory_space<hbm>> -> memref<1x32x512xi32, #tpu.memory_space<hbm>>
    %dma_start3A_127 = tpu.memref_squeeze %dma_start3A_126 : memref<1x32x512xi32, #tpu.memory_space<hbm>> -> memref<32x512xi32, #tpu.memory_space<hbm>>
    tpu.enqueue_dma source(%dma_start3A_127 : memref<32x512xi32, #tpu.memory_space<hbm>>) target(%dma_start3A_124 : memref<32x512xi32, #tpu.memory_space<vmem>>) target_semaphore(%arg10 : memref<!tpu.dma_semaphore, #tpu.memory_space<semaphore_mem>>)
    %parallel_loop3A = arith.constant 0 : i32
    %parallel_loop3A_128 = arith.constant 32 : i32
    %parallel_loop3A_129 = arith.constant 1 : i32
    %parallel_loop3A_130:2 = scf.for %parallel_loop3A_322 = %parallel_loop3A to %parallel_loop3A_128 step %parallel_loop3A_129 iter_args(%parallel_loop3A_323 = %broadcast_in_dim3A_33, %parallel_loop3A_324 = %broadcast_in_dim3A_35) -> (vector<16xi32>, vector<16xi32>)  : i32 {
      %parallel_loop3A_325 = arith.constant 0 : i32
      %parallel_loop3A_326 = arith.index_cast %parallel_loop3A_325 : i32 to index
      %parallel_loop3A_327 = arith.index_cast %parallel_loop3A_322 : i32 to index
      %parallel_loop3A_328 = arith.constant 0 : index
      %parallel_loop3A_329 = tpu.vector_load %arg5[%parallel_loop3A_326, %parallel_loop3A_327, %parallel_loop3A_328] {strides = array<i32>} : memref<2x32x512xf32, #tpu.memory_space<vmem>>, vector<1x1x16xf32>,
      %parallel_loop3A_330 = vector.shape_cast %parallel_loop3A_329 : vector<1x1x16xf32> to vector<16xf32>
      %parallel_loop3A_331 = arith.constant 0 : i32
      %parallel_loop3A_332 = arith.index_cast %parallel_loop3A_331 : i32 to index
      %parallel_loop3A_333 = arith.index_cast %parallel_loop3A_322 : i32 to index
      %parallel_loop3A_334 = arith.constant 0 : index
      %parallel_loop3A_335 = tpu.vector_load %arg6[%parallel_loop3A_332, %parallel_loop3A_333, %parallel_loop3A_334] {strides = array<i32>} : memref<2x32x512xi32, #tpu.memory_space<vmem>>, vector<1x1x16xi32>,
      %parallel_loop3A_336 = vector.shape_cast %parallel_loop3A_335 : vector<1x1x16xi32> to vector<16xi32>
      %parallel_loop3A_337 = arith.constant 0.000000e+00 : f32
      %parallel_loop3A_338 = vector.broadcast %parallel_loop3A_337 : f32 to vector<16xf32>
      %parallel_loop3A_339 = arith.cmpf ogt, %parallel_loop3A_330, %parallel_loop3A_338 : vector<16xf32>
      %parallel_loop3A_340 = arith.constant 65536 : i32
      %parallel_loop3A_341 = vector.broadcast %parallel_loop3A_340 : i32 to vector<16xi32>
      %parallel_loop3A_342 = arith.addi %parallel_loop3A_336, %parallel_loop3A_341 : vector<16xi32>
      %parallel_loop3A_343 = arith.select %parallel_loop3A_339, %parallel_loop3A_342, %parallel_loop3A_336 : vector<16xi1>, vector<16xi32>
      %parallel_loop3A_344 = arith.addi %parallel_loop3A_323, %parallel_loop3A_343 : vector<16xi32>
      %parallel_loop3A_345 = arith.constant 0 : i32
      %parallel_loop3A_346 = vector.broadcast %parallel_loop3A_345 : i32 to vector<16xi32>
      %parallel_loop3A_347 = arith.select %parallel_loop3A_339, %parallel_loop3A_336, %parallel_loop3A_346 : vector<16xi1>, vector<16xi32>
      %parallel_loop3A_348 = arith.addi %parallel_loop3A_324, %parallel_loop3A_347 : vector<16xi32>
      %parallel_loop3A_349 = arith.constant 0 : i32
      %parallel_loop3A_350 = arith.index_cast %parallel_loop3A_349 : i32 to index
      %parallel_loop3A_351 = arith.index_cast %parallel_loop3A_322 : i32 to index
      %parallel_loop3A_352 = arith.constant 16 : index
      %parallel_loop3A_353 = tpu.vector_load %arg5[%parallel_loop3A_350, %parallel_loop3A_351, %parallel_loop3A_352] {strides = array<i32>} : memref<2x32x512xf32, #tpu.memory_space<vmem>>, vector<1x1x16xf32>,
      %parallel_loop3A_354 = vector.shape_cast %parallel_loop3A_353 : vector<1x1x16xf32> to vector<16xf32>
      %parallel_loop3A_355 = arith.constant 0 : i32
      %parallel_loop3A_356 = arith.index_cast %parallel_loop3A_355 : i32 to index
      %parallel_loop3A_357 = arith.index_cast %parallel_loop3A_322 : i32 to index
      %parallel_loop3A_358 = arith.constant 16 : index
      %parallel_loop3A_359 = tpu.vector_load %arg6[%parallel_loop3A_356, %parallel_loop3A_357, %parallel_loop3A_358] {strides = array<i32>} : memref<2x32x512xi32, #tpu.memory_space<vmem>>, vector<1x1x16xi32>,
      %parallel_loop3A_360 = vector.shape_cast %parallel_loop3A_359 : vector<1x1x16xi32> to vector<16xi32>
      %parallel_loop3A_361 = arith.constant 0.000000e+00 : f32
      %parallel_loop3A_362 = vector.broadcast %parallel_loop3A_361 : f32 to vector<16xf32>
      %parallel_loop3A_363 = arith.cmpf ogt, %parallel_loop3A_354, %parallel_loop3A_362 : vector<16xf32>
      %parallel_loop3A_364 = arith.constant 65536 : i32
      %parallel_loop3A_365 = vector.broadcast %parallel_loop3A_364 : i32 to vector<16xi32>
      %parallel_loop3A_366 = arith.addi %parallel_loop3A_360, %parallel_loop3A_365 : vector<16xi32>
      %parallel_loop3A_367 = arith.select %parallel_loop3A_363, %parallel_loop3A_366, %parallel_loop3A_360 : vector<16xi1>, vector<16xi32>
      %parallel_loop3A_368 = arith.addi %parallel_loop3A_344, %parallel_loop3A_367 : vector<16xi32>
      %parallel_loop3A_369 = arith.constant 0 : i32
      %parallel_loop3A_370 = vector.broadcast %parallel_loop3A_369 : i32 to vector<16xi32>
      %parallel_loop3A_371 = arith.select %parallel_loop3A_363, %parallel_loop3A_360, %parallel_loop3A_370 : vector<16xi1>, vector<16xi32>
      %parallel_loop3A_372 = arith.addi %parallel_loop3A_348, %parallel_loop3A_371 : vector<16xi32>
      %parallel_loop3A_373 = arith.constant 0 : i32
      %parallel_loop3A_374 = arith.index_cast %parallel_loop3A_373 : i32 to index
      %parallel_loop3A_375 = arith.index_cast %parallel_loop3A_322 : i32 to index
      %parallel_loop3A_376 = arith.constant 32 : index
      %parallel_loop3A_377 = tpu.vector_load %arg5[%parallel_loop3A_374, %parallel_loop3A_375, %parallel_loop3A_376] {strides = array<i32>} : memref<2x32x512xf32, #tpu.memory_space<vmem>>, vector<1x1x16xf32>,
      %parallel_loop3A_378 = vector.shape_cast %parallel_loop3A_377 : vector<1x1x16xf32> to vector<16xf32>
      %parallel_loop3A_379 = arith.constant 0 : i32
      %parallel_loop3A_380 = arith.index_cast %parallel_loop3A_379 : i32 to index
      %parallel_loop3A_381 = arith.index_cast %parallel_loop3A_322 : i32 to index
      %parallel_loop3A_382 = arith.constant 32 : index
      %parallel_loop3A_383 = tpu.vector_load %arg6[%parallel_loop3A_380, %parallel_loop3A_381, %parallel_loop3A_382] {strides = array<i32>} : memref<2x32x512xi32, #tpu.memory_space<vmem>>, vector<1x1x16xi32>,
      %parallel_loop3A_384 = vector.shape_cast %parallel_loop3A_383 : vector<1x1x16xi32> to vector<16xi32>
      %parallel_loop3A_385 = arith.constant 0.000000e+00 : f32
      %parallel_loop3A_386 = vector.broadcast %parallel_loop3A_385 : f32 to vector<16xf32>
      %parallel_loop3A_387 = arith.cmpf ogt, %parallel_loop3A_378, %parallel_loop3A_386 : vector<16xf32>
      %parallel_loop3A_388 = arith.constant 65536 : i32
      %parallel_loop3A_389 = vector.broadcast %parallel_loop3A_388 : i32 to vector<16xi32>
      %parallel_loop3A_390 = arith.addi %parallel_loop3A_384, %parallel_loop3A_389 : vector<16xi32>
      %parallel_loop3A_391 = arith.select %parallel_loop3A_387, %parallel_loop3A_390, %parallel_loop3A_384 : vector<16xi1>, vector<16xi32>
      %parallel_loop3A_392 = arith.addi %parallel_loop3A_368, %parallel_loop3A_391 : vector<16xi32>
      %parallel_loop3A_393 = arith.constant 0 : i32
      %parallel_loop3A_394 = vector.broadcast %parallel_loop3A_393 : i32 to vector<16xi32>
      %parallel_loop3A_395 = arith.select %parallel_loop3A_387, %parallel_loop3A_384, %parallel_loop3A_394 : vector<16xi1>, vector<16xi32>
      %parallel_loop3A_396 = arith.addi %parallel_loop3A_372, %parallel_loop3A_395 : vector<16xi32>
      %parallel_loop3A_397 = arith.constant 0 : i32
      %parallel_loop3A_398 = arith.index_cast %parallel_loop3A_397 : i32 to index
      %parallel_loop3A_399 = arith.index_cast %parallel_loop3A_322 : i32 to index
      %parallel_loop3A_400 = arith.constant 48 : index
      %parallel_loop3A_401 = tpu.vector_load %arg5[%parallel_loop3A_398, %parallel_loop3A_399, %parallel_loop3A_400] {strides = array<i32>} : memref<2x32x512xf32, #tpu.memory_space<vmem>>, vector<1x1x16xf32>,
      %parallel_loop3A_402 = vector.shape_cast %parallel_loop3A_401 : vector<1x1x16xf32> to vector<16xf32>
      %parallel_loop3A_403 = arith.constant 0 : i32
      %parallel_loop3A_404 = arith.index_cast %parallel_loop3A_403 : i32 to index
      %parallel_loop3A_405 = arith.index_cast %parallel_loop3A_322 : i32 to index
      %parallel_loop3A_406 = arith.constant 48 : index
      %parallel_loop3A_407 = tpu.vector_load %arg6[%parallel_loop3A_404, %parallel_loop3A_405, %parallel_loop3A_406] {strides = array<i32>} : memref<2x32x512xi32, #tpu.memory_space<vmem>>, vector<1x1x16xi32>,
      %parallel_loop3A_408 = vector.shape_cast %parallel_loop3A_407 : vector<1x1x16xi32> to vector<16xi32>
      %parallel_loop3A_409 = arith.constant 0.000000e+00 : f32
      %parallel_loop3A_410 = vector.broadcast %parallel_loop3A_409 : f32 to vector<16xf32>
      %parallel_loop3A_411 = arith.cmpf ogt, %parallel_loop3A_402, %parallel_loop3A_410 : vector<16xf32>
      %parallel_loop3A_412 = arith.constant 65536 : i32
      %parallel_loop3A_413 = vector.broadcast %parallel_loop3A_412 : i32 to vector<16xi32>
      %parallel_loop3A_414 = arith.addi %parallel_loop3A_408, %parallel_loop3A_413 : vector<16xi32>
      %parallel_loop3A_415 = arith.select %parallel_loop3A_411, %parallel_loop3A_414, %parallel_loop3A_408 : vector<16xi1>, vector<16xi32>
      %parallel_loop3A_416 = arith.addi %parallel_loop3A_392, %parallel_loop3A_415 : vector<16xi32>
      %parallel_loop3A_417 = arith.constant 0 : i32
      %parallel_loop3A_418 = vector.broadcast %parallel_loop3A_417 : i32 to vector<16xi32>
      %parallel_loop3A_419 = arith.select %parallel_loop3A_411, %parallel_loop3A_408, %parallel_loop3A_418 : vector<16xi1>, vector<16xi32>
      %parallel_loop3A_420 = arith.addi %parallel_loop3A_396, %parallel_loop3A_419 : vector<16xi32>
      %parallel_loop3A_421 = arith.constant 0 : i32
      %parallel_loop3A_422 = arith.index_cast %parallel_loop3A_421 : i32 to index
      %parallel_loop3A_423 = arith.index_cast %parallel_loop3A_322 : i32 to index
      %parallel_loop3A_424 = arith.constant 64 : index
      %parallel_loop3A_425 = tpu.vector_load %arg5[%parallel_loop3A_422, %parallel_loop3A_423, %parallel_loop3A_424] {strides = array<i32>} : memref<2x32x512xf32, #tpu.memory_space<vmem>>, vector<1x1x16xf32>,
      %parallel_loop3A_426 = vector.shape_cast %parallel_loop3A_425 : vector<1x1x16xf32> to vector<16xf32>
      %parallel_loop3A_427 = arith.constant 0 : i32
      %parallel_loop3A_428 = arith.index_cast %parallel_loop3A_427 : i32 to index
      %parallel_loop3A_429 = arith.index_cast %parallel_loop3A_322 : i32 to index
      %parallel_loop3A_430 = arith.constant 64 : index
      %parallel_loop3A_431 = tpu.vector_load %arg6[%parallel_loop3A_428, %parallel_loop3A_429, %parallel_loop3A_430] {strides = array<i32>} : memref<2x32x512xi32, #tpu.memory_space<vmem>>, vector<1x1x16xi32>,
      %parallel_loop3A_432 = vector.shape_cast %parallel_loop3A_431 : vector<1x1x16xi32> to vector<16xi32>
      %parallel_loop3A_433 = arith.constant 0.000000e+00 : f32
      %parallel_loop3A_434 = vector.broadcast %parallel_loop3A_433 : f32 to vector<16xf32>
      %parallel_loop3A_435 = arith.cmpf ogt, %parallel_loop3A_426, %parallel_loop3A_434 : vector<16xf32>
      %parallel_loop3A_436 = arith.constant 65536 : i32
      %parallel_loop3A_437 = vector.broadcast %parallel_loop3A_436 : i32 to vector<16xi32>
      %parallel_loop3A_438 = arith.addi %parallel_loop3A_432, %parallel_loop3A_437 : vector<16xi32>
      %parallel_loop3A_439 = arith.select %parallel_loop3A_435, %parallel_loop3A_438, %parallel_loop3A_432 : vector<16xi1>, vector<16xi32>
      %parallel_loop3A_440 = arith.addi %parallel_loop3A_416, %parallel_loop3A_439 : vector<16xi32>
      %parallel_loop3A_441 = arith.constant 0 : i32
      %parallel_loop3A_442 = vector.broadcast %parallel_loop3A_441 : i32 to vector<16xi32>
      %parallel_loop3A_443 = arith.select %parallel_loop3A_435, %parallel_loop3A_432, %parallel_loop3A_442 : vector<16xi1>, vector<16xi32>
      %parallel_loop3A_444 = arith.addi %parallel_loop3A_420, %parallel_loop3A_443 : vector<16xi32>
      %parallel_loop3A_445 = arith.constant 0 : i32
      %parallel_loop3A_446 = arith.index_cast %parallel_loop3A_445 : i32 to index
      %parallel_loop3A_447 = arith.index_cast %parallel_loop3A_322 : i32 to index
      %parallel_loop3A_448 = arith.constant 80 : index
      %parallel_loop3A_449 = tpu.vector_load %arg5[%parallel_loop3A_446, %parallel_loop3A_447, %parallel_loop3A_448] {strides = array<i32>} : memref<2x32x512xf32, #tpu.memory_space<vmem>>, vector<1x1x16xf32>,
      %parallel_loop3A_450 = vector.shape_cast %parallel_loop3A_449 : vector<1x1x16xf32> to vector<16xf32>
      %parallel_loop3A_451 = arith.constant 0 : i32
      %parallel_loop3A_452 = arith.index_cast %parallel_loop3A_451 : i32 to index
      %parallel_loop3A_453 = arith.index_cast %parallel_loop3A_322 : i32 to index
      %parallel_loop3A_454 = arith.constant 80 : index
      %parallel_loop3A_455 = tpu.vector_load %arg6[%parallel_loop3A_452, %parallel_loop3A_453, %parallel_loop3A_454] {strides = array<i32>} : memref<2x32x512xi32, #tpu.memory_space<vmem>>, vector<1x1x16xi32>,
      %parallel_loop3A_456 = vector.shape_cast %parallel_loop3A_455 : vector<1x1x16xi32> to vector<16xi32>
      %parallel_loop3A_457 = arith.constant 0.000000e+00 : f32
      %parallel_loop3A_458 = vector.broadcast %parallel_loop3A_457 : f32 to vector<16xf32>
      %parallel_loop3A_459 = arith.cmpf ogt, %parallel_loop3A_450, %parallel_loop3A_458 : vector<16xf32>
      %parallel_loop3A_460 = arith.constant 65536 : i32
      %parallel_loop3A_461 = vector.broadcast %parallel_loop3A_460 : i32 to vector<16xi32>
      %parallel_loop3A_462 = arith.addi %parallel_loop3A_456, %parallel_loop3A_461 : vector<16xi32>
      %parallel_loop3A_463 = arith.select %parallel_loop3A_459, %parallel_loop3A_462, %parallel_loop3A_456 : vector<16xi1>, vector<16xi32>
      %parallel_loop3A_464 = arith.addi %parallel_loop3A_440, %parallel_loop3A_463 : vector<16xi32>
      %parallel_loop3A_465 = arith.constant 0 : i32
      %parallel_loop3A_466 = vector.broadcast %parallel_loop3A_465 : i32 to vector<16xi32>
      %parallel_loop3A_467 = arith.select %parallel_loop3A_459, %parallel_loop3A_456, %parallel_loop3A_466 : vector<16xi1>, vector<16xi32>
      %parallel_loop3A_468 = arith.addi %parallel_loop3A_444, %parallel_loop3A_467 : vector<16xi32>
      %parallel_loop3A_469 = arith.constant 0 : i32
      %parallel_loop3A_470 = arith.index_cast %parallel_loop3A_469 : i32 to index
      %parallel_loop3A_471 = arith.index_cast %parallel_loop3A_322 : i32 to index
      %parallel_loop3A_472 = arith.constant 96 : index
      %parallel_loop3A_473 = tpu.vector_load %arg5[%parallel_loop3A_470, %parallel_loop3A_471, %parallel_loop3A_472] {strides = array<i32>} : memref<2x32x512xf32, #tpu.memory_space<vmem>>, vector<1x1x16xf32>,
      %parallel_loop3A_474 = vector.shape_cast %parallel_loop3A_473 : vector<1x1x16xf32> to vector<16xf32>
      %parallel_loop3A_475 = arith.constant 0 : i32
      %parallel_loop3A_476 = arith.index_cast %parallel_loop3A_475 : i32 to index
      %parallel_loop3A_477 = arith.index_cast %parallel_loop3A_322 : i32 to index
      %parallel_loop3A_478 = arith.constant 96 : index
      %parallel_loop3A_479 = tpu.vector_load %arg6[%parallel_loop3A_476, %parallel_loop3A_477, %parallel_loop3A_478] {strides = array<i32>} : memref<2x32x512xi32, #tpu.memory_space<vmem>>, vector<1x1x16xi32>,
      %parallel_loop3A_480 = vector.shape_cast %parallel_loop3A_479 : vector<1x1x16xi32> to vector<16xi32>
      %parallel_loop3A_481 = arith.constant 0.000000e+00 : f32
      %parallel_loop3A_482 = vector.broadcast %parallel_loop3A_481 : f32 to vector<16xf32>
      %parallel_loop3A_483 = arith.cmpf ogt, %parallel_loop3A_474, %parallel_loop3A_482 : vector<16xf32>
      %parallel_loop3A_484 = arith.constant 65536 : i32
      %parallel_loop3A_485 = vector.broadcast %parallel_loop3A_484 : i32 to vector<16xi32>
      %parallel_loop3A_486 = arith.addi %parallel_loop3A_480, %parallel_loop3A_485 : vector<16xi32>
      %parallel_loop3A_487 = arith.select %parallel_loop3A_483, %parallel_loop3A_486, %parallel_loop3A_480 : vector<16xi1>, vector<16xi32>
      %parallel_loop3A_488 = arith.addi %parallel_loop3A_464, %parallel_loop3A_487 : vector<16xi32>
      %parallel_loop3A_489 = arith.constant 0 : i32
      %parallel_loop3A_490 = vector.broadcast %parallel_loop3A_489 : i32 to vector<16xi32>
      %parallel_loop3A_491 = arith.select %parallel_loop3A_483, %parallel_loop3A_480, %parallel_loop3A_490 : vector<16xi1>, vector<16xi32>
      %parallel_loop3A_492 = arith.addi %parallel_loop3A_468, %parallel_loop3A_491 : vector<16xi32>
      %parallel_loop3A_493 = arith.constant 0 : i32
      %parallel_loop3A_494 = arith.index_cast %parallel_loop3A_493 : i32 to index
      %parallel_loop3A_495 = arith.index_cast %parallel_loop3A_322 : i32 to index
      %parallel_loop3A_496 = arith.constant 112 : index
      %parallel_loop3A_497 = tpu.vector_load %arg5[%parallel_loop3A_494, %parallel_loop3A_495, %parallel_loop3A_496] {strides = array<i32>} : memref<2x32x512xf32, #tpu.memory_space<vmem>>, vector<1x1x16xf32>,
      %parallel_loop3A_498 = vector.shape_cast %parallel_loop3A_497 : vector<1x1x16xf32> to vector<16xf32>
      %parallel_loop3A_499 = arith.constant 0 : i32
      %parallel_loop3A_500 = arith.index_cast %parallel_loop3A_499 : i32 to index
      %parallel_loop3A_501 = arith.index_cast %parallel_loop3A_322 : i32 to index
      %parallel_loop3A_502 = arith.constant 112 : index
      %parallel_loop3A_503 = tpu.vector_load %arg6[%parallel_loop3A_500, %parallel_loop3A_501, %parallel_loop3A_502] {strides = array<i32>} : memref<2x32x512xi32, #tpu.memory_space<vmem>>, vector<1x1x16xi32>,
      %parallel_loop3A_504 = vector.shape_cast %parallel_loop3A_503 : vector<1x1x16xi32> to vector<16xi32>
      %parallel_loop3A_505 = arith.constant 0.000000e+00 : f32
      %parallel_loop3A_506 = vector.broadcast %parallel_loop3A_505 : f32 to vector<16xf32>
      %parallel_loop3A_507 = arith.cmpf ogt, %parallel_loop3A_498, %parallel_loop3A_506 : vector<16xf32>
      %parallel_loop3A_508 = arith.constant 65536 : i32
      %parallel_loop3A_509 = vector.broadcast %parallel_loop3A_508 : i32 to vector<16xi32>
      %parallel_loop3A_510 = arith.addi %parallel_loop3A_504, %parallel_loop3A_509 : vector<16xi32>
      %parallel_loop3A_511 = arith.select %parallel_loop3A_507, %parallel_loop3A_510, %parallel_loop3A_504 : vector<16xi1>, vector<16xi32>
      %parallel_loop3A_512 = arith.addi %parallel_loop3A_488, %parallel_loop3A_511 : vector<16xi32>
      %parallel_loop3A_513 = arith.constant 0 : i32
      %parallel_loop3A_514 = vector.broadcast %parallel_loop3A_513 : i32 to vector<16xi32>
      %parallel_loop3A_515 = arith.select %parallel_loop3A_507, %parallel_loop3A_504, %parallel_loop3A_514 : vector<16xi1>, vector<16xi32>
      %parallel_loop3A_516 = arith.addi %parallel_loop3A_492, %parallel_loop3A_515 : vector<16xi32>
      %parallel_loop3A_517 = arith.constant 0 : i32
      %parallel_loop3A_518 = arith.index_cast %parallel_loop3A_517 : i32 to index
      %parallel_loop3A_519 = arith.index_cast %parallel_loop3A_322 : i32 to index
      %parallel_loop3A_520 = arith.constant 128 : index
      %parallel_loop3A_521 = tpu.vector_load %arg5[%parallel_loop3A_518, %parallel_loop3A_519, %parallel_loop3A_520] {strides = array<i32>} : memref<2x32x512xf32, #tpu.memory_space<vmem>>, vector<1x1x16xf32>,
      %parallel_loop3A_522 = vector.shape_cast %parallel_loop3A_521 : vector<1x1x16xf32> to vector<16xf32>
      %parallel_loop3A_523 = arith.constant 0 : i32
      %parallel_loop3A_524 = arith.index_cast %parallel_loop3A_523 : i32 to index
      %parallel_loop3A_525 = arith.index_cast %parallel_loop3A_322 : i32 to index
      %parallel_loop3A_526 = arith.constant 128 : index
      %parallel_loop3A_527 = tpu.vector_load %arg6[%parallel_loop3A_524, %parallel_loop3A_525, %parallel_loop3A_526] {strides = array<i32>} : memref<2x32x512xi32, #tpu.memory_space<vmem>>, vector<1x1x16xi32>,
      %parallel_loop3A_528 = vector.shape_cast %parallel_loop3A_527 : vector<1x1x16xi32> to vector<16xi32>
      %parallel_loop3A_529 = arith.constant 0.000000e+00 : f32
      %parallel_loop3A_530 = vector.broadcast %parallel_loop3A_529 : f32 to vector<16xf32>
      %parallel_loop3A_531 = arith.cmpf ogt, %parallel_loop3A_522, %parallel_loop3A_530 : vector<16xf32>
      %parallel_loop3A_532 = arith.constant 65536 : i32
      %parallel_loop3A_533 = vector.broadcast %parallel_loop3A_532 : i32 to vector<16xi32>
      %parallel_loop3A_534 = arith.addi %parallel_loop3A_528, %parallel_loop3A_533 : vector<16xi32>
      %parallel_loop3A_535 = arith.select %parallel_loop3A_531, %parallel_loop3A_534, %parallel_loop3A_528 : vector<16xi1>, vector<16xi32>
      %parallel_loop3A_536 = arith.addi %parallel_loop3A_512, %parallel_loop3A_535 : vector<16xi32>
      %parallel_loop3A_537 = arith.constant 0 : i32
      %parallel_loop3A_538 = vector.broadcast %parallel_loop3A_537 : i32 to vector<16xi32>
      %parallel_loop3A_539 = arith.select %parallel_loop3A_531, %parallel_loop3A_528, %parallel_loop3A_538 : vector<16xi1>, vector<16xi32>
      %parallel_loop3A_540 = arith.addi %parallel_loop3A_516, %parallel_loop3A_539 : vector<16xi32>
      %parallel_loop3A_541 = arith.constant 0 : i32
      %parallel_loop3A_542 = arith.index_cast %parallel_loop3A_541 : i32 to index
      %parallel_loop3A_543 = arith.index_cast %parallel_loop3A_322 : i32 to index
      %parallel_loop3A_544 = arith.constant 144 : index
      %parallel_loop3A_545 = tpu.vector_load %arg5[%parallel_loop3A_542, %parallel_loop3A_543, %parallel_loop3A_544] {strides = array<i32>} : memref<2x32x512xf32, #tpu.memory_space<vmem>>, vector<1x1x16xf32>,
      %parallel_loop3A_546 = vector.shape_cast %parallel_loop3A_545 : vector<1x1x16xf32> to vector<16xf32>
      %parallel_loop3A_547 = arith.constant 0 : i32
      %parallel_loop3A_548 = arith.index_cast %parallel_loop3A_547 : i32 to index
      %parallel_loop3A_549 = arith.index_cast %parallel_loop3A_322 : i32 to index
      %parallel_loop3A_550 = arith.constant 144 : index
      %parallel_loop3A_551 = tpu.vector_load %arg6[%parallel_loop3A_548, %parallel_loop3A_549, %parallel_loop3A_550] {strides = array<i32>} : memref<2x32x512xi32, #tpu.memory_space<vmem>>, vector<1x1x16xi32>,
      %parallel_loop3A_552 = vector.shape_cast %parallel_loop3A_551 : vector<1x1x16xi32> to vector<16xi32>
      %parallel_loop3A_553 = arith.constant 0.000000e+00 : f32
      %parallel_loop3A_554 = vector.broadcast %parallel_loop3A_553 : f32 to vector<16xf32>
      %parallel_loop3A_555 = arith.cmpf ogt, %parallel_loop3A_546, %parallel_loop3A_554 : vector<16xf32>
      %parallel_loop3A_556 = arith.constant 65536 : i32
      %parallel_loop3A_557 = vector.broadcast %parallel_loop3A_556 : i32 to vector<16xi32>
      %parallel_loop3A_558 = arith.addi %parallel_loop3A_552, %parallel_loop3A_557 : vector<16xi32>
      %parallel_loop3A_559 = arith.select %parallel_loop3A_555, %parallel_loop3A_558, %parallel_loop3A_552 : vector<16xi1>, vector<16xi32>
      %parallel_loop3A_560 = arith.addi %parallel_loop3A_536, %parallel_loop3A_559 : vector<16xi32>
      %parallel_loop3A_561 = arith.constant 0 : i32
      %parallel_loop3A_562 = vector.broadcast %parallel_loop3A_561 : i32 to vector<16xi32>
      %parallel_loop3A_563 = arith.select %parallel_loop3A_555, %parallel_loop3A_552, %parallel_loop3A_562 : vector<16xi1>, vector<16xi32>
      %parallel_loop3A_564 = arith.addi %parallel_loop3A_540, %parallel_loop3A_563 : vector<16xi32>
      %parallel_loop3A_565 = arith.constant 0 : i32
      %parallel_loop3A_566 = arith.index_cast %parallel_loop3A_565 : i32 to index
      %parallel_loop3A_567 = arith.index_cast %parallel_loop3A_322 : i32 to index
      %parallel_loop3A_568 = arith.constant 160 : index
      %parallel_loop3A_569 = tpu.vector_load %arg5[%parallel_loop3A_566, %parallel_loop3A_567, %parallel_loop3A_568] {strides = array<i32>} : memref<2x32x512xf32, #tpu.memory_space<vmem>>, vector<1x1x16xf32>,
      %parallel_loop3A_570 = vector.shape_cast %parallel_loop3A_569 : vector<1x1x16xf32> to vector<16xf32>
      %parallel_loop3A_571 = arith.constant 0 : i32
      %parallel_loop3A_572 = arith.index_cast %parallel_loop3A_571 : i32 to index
      %parallel_loop3A_573 = arith.index_cast %parallel_loop3A_322 : i32 to index
      %parallel_loop3A_574 = arith.constant 160 : index
      %parallel_loop3A_575 = tpu.vector_load %arg6[%parallel_loop3A_572, %parallel_loop3A_573, %parallel_loop3A_574] {strides = array<i32>} : memref<2x32x512xi32, #tpu.memory_space<vmem>>, vector<1x1x16xi32>,
      %parallel_loop3A_576 = vector.shape_cast %parallel_loop3A_575 : vector<1x1x16xi32> to vector<16xi32>
      %parallel_loop3A_577 = arith.constant 0.000000e+00 : f32
      %parallel_loop3A_578 = vector.broadcast %parallel_loop3A_577 : f32 to vector<16xf32>
      %parallel_loop3A_579 = arith.cmpf ogt, %parallel_loop3A_570, %parallel_loop3A_578 : vector<16xf32>
      %parallel_loop3A_580 = arith.constant 65536 : i32
      %parallel_loop3A_581 = vector.broadcast %parallel_loop3A_580 : i32 to vector<16xi32>
      %parallel_loop3A_582 = arith.addi %parallel_loop3A_576, %parallel_loop3A_581 : vector<16xi32>
      %parallel_loop3A_583 = arith.select %parallel_loop3A_579, %parallel_loop3A_582, %parallel_loop3A_576 : vector<16xi1>, vector<16xi32>
      %parallel_loop3A_584 = arith.addi %parallel_loop3A_560, %parallel_loop3A_583 : vector<16xi32>
      %parallel_loop3A_585 = arith.constant 0 : i32
      %parallel_loop3A_586 = vector.broadcast %parallel_loop3A_585 : i32 to vector<16xi32>
      %parallel_loop3A_587 = arith.select %parallel_loop3A_579, %parallel_loop3A_576, %parallel_loop3A_586 : vector<16xi1>, vector<16xi32>
      %parallel_loop3A_588 = arith.addi %parallel_loop3A_564, %parallel_loop3A_587 : vector<16xi32>
      %parallel_loop3A_589 = arith.constant 0 : i32
      %parallel_loop3A_590 = arith.index_cast %parallel_loop3A_589 : i32 to index
      %parallel_loop3A_591 = arith.index_cast %parallel_loop3A_322 : i32 to index
      %parallel_loop3A_592 = arith.constant 176 : index
      %parallel_loop3A_593 = tpu.vector_load %arg5[%parallel_loop3A_590, %parallel_loop3A_591, %parallel_loop3A_592] {strides = array<i32>} : memref<2x32x512xf32, #tpu.memory_space<vmem>>, vector<1x1x16xf32>,
      %parallel_loop3A_594 = vector.shape_cast %parallel_loop3A_593 : vector<1x1x16xf32> to vector<16xf32>
      %parallel_loop3A_595 = arith.constant 0 : i32
      %parallel_loop3A_596 = arith.index_cast %parallel_loop3A_595 : i32 to index
      %parallel_loop3A_597 = arith.index_cast %parallel_loop3A_322 : i32 to index
      %parallel_loop3A_598 = arith.constant 176 : index
      %parallel_loop3A_599 = tpu.vector_load %arg6[%parallel_loop3A_596, %parallel_loop3A_597, %parallel_loop3A_598] {strides = array<i32>} : memref<2x32x512xi32, #tpu.memory_space<vmem>>, vector<1x1x16xi32>,
      %parallel_loop3A_600 = vector.shape_cast %parallel_loop3A_599 : vector<1x1x16xi32> to vector<16xi32>
      %parallel_loop3A_601 = arith.constant 0.000000e+00 : f32
      %parallel_loop3A_602 = vector.broadcast %parallel_loop3A_601 : f32 to vector<16xf32>
      %parallel_loop3A_603 = arith.cmpf ogt, %parallel_loop3A_594, %parallel_loop3A_602 : vector<16xf32>
      %parallel_loop3A_604 = arith.constant 65536 : i32
      %parallel_loop3A_605 = vector.broadcast %parallel_loop3A_604 : i32 to vector<16xi32>
      %parallel_loop3A_606 = arith.addi %parallel_loop3A_600, %parallel_loop3A_605 : vector<16xi32>
      %parallel_loop3A_607 = arith.select %parallel_loop3A_603, %parallel_loop3A_606, %parallel_loop3A_600 : vector<16xi1>, vector<16xi32>
      %parallel_loop3A_608 = arith.addi %parallel_loop3A_584, %parallel_loop3A_607 : vector<16xi32>
      %parallel_loop3A_609 = arith.constant 0 : i32
      %parallel_loop3A_610 = vector.broadcast %parallel_loop3A_609 : i32 to vector<16xi32>
      %parallel_loop3A_611 = arith.select %parallel_loop3A_603, %parallel_loop3A_600, %parallel_loop3A_610 : vector<16xi1>, vector<16xi32>
      %parallel_loop3A_612 = arith.addi %parallel_loop3A_588, %parallel_loop3A_611 : vector<16xi32>
      %parallel_loop3A_613 = arith.constant 0 : i32
      %parallel_loop3A_614 = arith.index_cast %parallel_loop3A_613 : i32 to index
      %parallel_loop3A_615 = arith.index_cast %parallel_loop3A_322 : i32 to index
      %parallel_loop3A_616 = arith.constant 192 : index
      %parallel_loop3A_617 = tpu.vector_load %arg5[%parallel_loop3A_614, %parallel_loop3A_615, %parallel_loop3A_616] {strides = array<i32>} : memref<2x32x512xf32, #tpu.memory_space<vmem>>, vector<1x1x16xf32>,
      %parallel_loop3A_618 = vector.shape_cast %parallel_loop3A_617 : vector<1x1x16xf32> to vector<16xf32>
      %parallel_loop3A_619 = arith.constant 0 : i32
      %parallel_loop3A_620 = arith.index_cast %parallel_loop3A_619 : i32 to index
      %parallel_loop3A_621 = arith.index_cast %parallel_loop3A_322 : i32 to index
      %parallel_loop3A_622 = arith.constant 192 : index
      %parallel_loop3A_623 = tpu.vector_load %arg6[%parallel_loop3A_620, %parallel_loop3A_621, %parallel_loop3A_622] {strides = array<i32>} : memref<2x32x512xi32, #tpu.memory_space<vmem>>, vector<1x1x16xi32>,
      %parallel_loop3A_624 = vector.shape_cast %parallel_loop3A_623 : vector<1x1x16xi32> to vector<16xi32>
      %parallel_loop3A_625 = arith.constant 0.000000e+00 : f32
      %parallel_loop3A_626 = vector.broadcast %parallel_loop3A_625 : f32 to vector<16xf32>
      %parallel_loop3A_627 = arith.cmpf ogt, %parallel_loop3A_618, %parallel_loop3A_626 : vector<16xf32>
      %parallel_loop3A_628 = arith.constant 65536 : i32
      %parallel_loop3A_629 = vector.broadcast %parallel_loop3A_628 : i32 to vector<16xi32>
      %parallel_loop3A_630 = arith.addi %parallel_loop3A_624, %parallel_loop3A_629 : vector<16xi32>
      %parallel_loop3A_631 = arith.select %parallel_loop3A_627, %parallel_loop3A_630, %parallel_loop3A_624 : vector<16xi1>, vector<16xi32>
      %parallel_loop3A_632 = arith.addi %parallel_loop3A_608, %parallel_loop3A_631 : vector<16xi32>
      %parallel_loop3A_633 = arith.constant 0 : i32
      %parallel_loop3A_634 = vector.broadcast %parallel_loop3A_633 : i32 to vector<16xi32>
      %parallel_loop3A_635 = arith.select %parallel_loop3A_627, %parallel_loop3A_624, %parallel_loop3A_634 : vector<16xi1>, vector<16xi32>
      %parallel_loop3A_636 = arith.addi %parallel_loop3A_612, %parallel_loop3A_635 : vector<16xi32>
      %parallel_loop3A_637 = arith.constant 0 : i32
      %parallel_loop3A_638 = arith.index_cast %parallel_loop3A_637 : i32 to index
      %parallel_loop3A_639 = arith.index_cast %parallel_loop3A_322 : i32 to index
      %parallel_loop3A_640 = arith.constant 208 : index
      %parallel_loop3A_641 = tpu.vector_load %arg5[%parallel_loop3A_638, %parallel_loop3A_639, %parallel_loop3A_640] {strides = array<i32>} : memref<2x32x512xf32, #tpu.memory_space<vmem>>, vector<1x1x16xf32>,
      %parallel_loop3A_642 = vector.shape_cast %parallel_loop3A_641 : vector<1x1x16xf32> to vector<16xf32>
      %parallel_loop3A_643 = arith.constant 0 : i32
      %parallel_loop3A_644 = arith.index_cast %parallel_loop3A_643 : i32 to index
      %parallel_loop3A_645 = arith.index_cast %parallel_loop3A_322 : i32 to index
      %parallel_loop3A_646 = arith.constant 208 : index
      %parallel_loop3A_647 = tpu.vector_load %arg6[%parallel_loop3A_644, %parallel_loop3A_645, %parallel_loop3A_646] {strides = array<i32>} : memref<2x32x512xi32, #tpu.memory_space<vmem>>, vector<1x1x16xi32>,
      %parallel_loop3A_648 = vector.shape_cast %parallel_loop3A_647 : vector<1x1x16xi32> to vector<16xi32>
      %parallel_loop3A_649 = arith.constant 0.000000e+00 : f32
      %parallel_loop3A_650 = vector.broadcast %parallel_loop3A_649 : f32 to vector<16xf32>
      %parallel_loop3A_651 = arith.cmpf ogt, %parallel_loop3A_642, %parallel_loop3A_650 : vector<16xf32>
      %parallel_loop3A_652 = arith.constant 65536 : i32
      %parallel_loop3A_653 = vector.broadcast %parallel_loop3A_652 : i32 to vector<16xi32>
      %parallel_loop3A_654 = arith.addi %parallel_loop3A_648, %parallel_loop3A_653 : vector<16xi32>
      %parallel_loop3A_655 = arith.select %parallel_loop3A_651, %parallel_loop3A_654, %parallel_loop3A_648 : vector<16xi1>, vector<16xi32>
      %parallel_loop3A_656 = arith.addi %parallel_loop3A_632, %parallel_loop3A_655 : vector<16xi32>
      %parallel_loop3A_657 = arith.constant 0 : i32
      %parallel_loop3A_658 = vector.broadcast %parallel_loop3A_657 : i32 to vector<16xi32>
      %parallel_loop3A_659 = arith.select %parallel_loop3A_651, %parallel_loop3A_648, %parallel_loop3A_658 : vector<16xi1>, vector<16xi32>
      %parallel_loop3A_660 = arith.addi %parallel_loop3A_636, %parallel_loop3A_659 : vector<16xi32>
      %parallel_loop3A_661 = arith.constant 0 : i32
      %parallel_loop3A_662 = arith.index_cast %parallel_loop3A_661 : i32 to index
      %parallel_loop3A_663 = arith.index_cast %parallel_loop3A_322 : i32 to index
      %parallel_loop3A_664 = arith.constant 224 : index
      %parallel_loop3A_665 = tpu.vector_load %arg5[%parallel_loop3A_662, %parallel_loop3A_663, %parallel_loop3A_664] {strides = array<i32>} : memref<2x32x512xf32, #tpu.memory_space<vmem>>, vector<1x1x16xf32>,
      %parallel_loop3A_666 = vector.shape_cast %parallel_loop3A_665 : vector<1x1x16xf32> to vector<16xf32>
      %parallel_loop3A_667 = arith.constant 0 : i32
      %parallel_loop3A_668 = arith.index_cast %parallel_loop3A_667 : i32 to index
      %parallel_loop3A_669 = arith.index_cast %parallel_loop3A_322 : i32 to index
      %parallel_loop3A_670 = arith.constant 224 : index
      %parallel_loop3A_671 = tpu.vector_load %arg6[%parallel_loop3A_668, %parallel_loop3A_669, %parallel_loop3A_670] {strides = array<i32>} : memref<2x32x512xi32, #tpu.memory_space<vmem>>, vector<1x1x16xi32>,
      %parallel_loop3A_672 = vector.shape_cast %parallel_loop3A_671 : vector<1x1x16xi32> to vector<16xi32>
      %parallel_loop3A_673 = arith.constant 0.000000e+00 : f32
      %parallel_loop3A_674 = vector.broadcast %parallel_loop3A_673 : f32 to vector<16xf32>
      %parallel_loop3A_675 = arith.cmpf ogt, %parallel_loop3A_666, %parallel_loop3A_674 : vector<16xf32>
      %parallel_loop3A_676 = arith.constant 65536 : i32
      %parallel_loop3A_677 = vector.broadcast %parallel_loop3A_676 : i32 to vector<16xi32>
      %parallel_loop3A_678 = arith.addi %parallel_loop3A_672, %parallel_loop3A_677 : vector<16xi32>
      %parallel_loop3A_679 = arith.select %parallel_loop3A_675, %parallel_loop3A_678, %parallel_loop3A_672 : vector<16xi1>, vector<16xi32>
      %parallel_loop3A_680 = arith.addi %parallel_loop3A_656, %parallel_loop3A_679 : vector<16xi32>
      %parallel_loop3A_681 = arith.constant 0 : i32
      %parallel_loop3A_682 = vector.broadcast %parallel_loop3A_681 : i32 to vector<16xi32>
      %parallel_loop3A_683 = arith.select %parallel_loop3A_675, %parallel_loop3A_672, %parallel_loop3A_682 : vector<16xi1>, vector<16xi32>
      %parallel_loop3A_684 = arith.addi %parallel_loop3A_660, %parallel_loop3A_683 : vector<16xi32>
      %parallel_loop3A_685 = arith.constant 0 : i32
      %parallel_loop3A_686 = arith.index_cast %parallel_loop3A_685 : i32 to index
      %parallel_loop3A_687 = arith.index_cast %parallel_loop3A_322 : i32 to index
      %parallel_loop3A_688 = arith.constant 240 : index
      %parallel_loop3A_689 = tpu.vector_load %arg5[%parallel_loop3A_686, %parallel_loop3A_687, %parallel_loop3A_688] {strides = array<i32>} : memref<2x32x512xf32, #tpu.memory_space<vmem>>, vector<1x1x16xf32>,
      %parallel_loop3A_690 = vector.shape_cast %parallel_loop3A_689 : vector<1x1x16xf32> to vector<16xf32>
      %parallel_loop3A_691 = arith.constant 0 : i32
      %parallel_loop3A_692 = arith.index_cast %parallel_loop3A_691 : i32 to index
      %parallel_loop3A_693 = arith.index_cast %parallel_loop3A_322 : i32 to index
      %parallel_loop3A_694 = arith.constant 240 : index
      %parallel_loop3A_695 = tpu.vector_load %arg6[%parallel_loop3A_692, %parallel_loop3A_693, %parallel_loop3A_694] {strides = array<i32>} : memref<2x32x512xi32, #tpu.memory_space<vmem>>, vector<1x1x16xi32>,
      %parallel_loop3A_696 = vector.shape_cast %parallel_loop3A_695 : vector<1x1x16xi32> to vector<16xi32>
      %parallel_loop3A_697 = arith.constant 0.000000e+00 : f32
      %parallel_loop3A_698 = vector.broadcast %parallel_loop3A_697 : f32 to vector<16xf32>
      %parallel_loop3A_699 = arith.cmpf ogt, %parallel_loop3A_690, %parallel_loop3A_698 : vector<16xf32>
      %parallel_loop3A_700 = arith.constant 65536 : i32
      %parallel_loop3A_701 = vector.broadcast %parallel_loop3A_700 : i32 to vector<16xi32>
      %parallel_loop3A_702 = arith.addi %parallel_loop3A_696, %parallel_loop3A_701 : vector<16xi32>
      %parallel_loop3A_703 = arith.select %parallel_loop3A_699, %parallel_loop3A_702, %parallel_loop3A_696 : vector<16xi1>, vector<16xi32>
      %parallel_loop3A_704 = arith.addi %parallel_loop3A_680, %parallel_loop3A_703 : vector<16xi32>
      %parallel_loop3A_705 = arith.constant 0 : i32
      %parallel_loop3A_706 = vector.broadcast %parallel_loop3A_705 : i32 to vector<16xi32>
      %parallel_loop3A_707 = arith.select %parallel_loop3A_699, %parallel_loop3A_696, %parallel_loop3A_706 : vector<16xi1>, vector<16xi32>
      %parallel_loop3A_708 = arith.addi %parallel_loop3A_684, %parallel_loop3A_707 : vector<16xi32>
      %parallel_loop3A_709 = arith.constant 0 : i32
      %parallel_loop3A_710 = arith.index_cast %parallel_loop3A_709 : i32 to index
      %parallel_loop3A_711 = arith.index_cast %parallel_loop3A_322 : i32 to index
      %parallel_loop3A_712 = arith.constant 256 : index
      %parallel_loop3A_713 = tpu.vector_load %arg5[%parallel_loop3A_710, %parallel_loop3A_711, %parallel_loop3A_712] {strides = array<i32>} : memref<2x32x512xf32, #tpu.memory_space<vmem>>, vector<1x1x16xf32>,
      %parallel_loop3A_714 = vector.shape_cast %parallel_loop3A_713 : vector<1x1x16xf32> to vector<16xf32>
      %parallel_loop3A_715 = arith.constant 0 : i32
      %parallel_loop3A_716 = arith.index_cast %parallel_loop3A_715 : i32 to index
      %parallel_loop3A_717 = arith.index_cast %parallel_loop3A_322 : i32 to index
      %parallel_loop3A_718 = arith.constant 256 : index
      %parallel_loop3A_719 = tpu.vector_load %arg6[%parallel_loop3A_716, %parallel_loop3A_717, %parallel_loop3A_718] {strides = array<i32>} : memref<2x32x512xi32, #tpu.memory_space<vmem>>, vector<1x1x16xi32>,
      %parallel_loop3A_720 = vector.shape_cast %parallel_loop3A_719 : vector<1x1x16xi32> to vector<16xi32>
      %parallel_loop3A_721 = arith.constant 0.000000e+00 : f32
      %parallel_loop3A_722 = vector.broadcast %parallel_loop3A_721 : f32 to vector<16xf32>
      %parallel_loop3A_723 = arith.cmpf ogt, %parallel_loop3A_714, %parallel_loop3A_722 : vector<16xf32>
      %parallel_loop3A_724 = arith.constant 65536 : i32
      %parallel_loop3A_725 = vector.broadcast %parallel_loop3A_724 : i32 to vector<16xi32>
      %parallel_loop3A_726 = arith.addi %parallel_loop3A_720, %parallel_loop3A_725 : vector<16xi32>
      %parallel_loop3A_727 = arith.select %parallel_loop3A_723, %parallel_loop3A_726, %parallel_loop3A_720 : vector<16xi1>, vector<16xi32>
      %parallel_loop3A_728 = arith.addi %parallel_loop3A_704, %parallel_loop3A_727 : vector<16xi32>
      %parallel_loop3A_729 = arith.constant 0 : i32
      %parallel_loop3A_730 = vector.broadcast %parallel_loop3A_729 : i32 to vector<16xi32>
      %parallel_loop3A_731 = arith.select %parallel_loop3A_723, %parallel_loop3A_720, %parallel_loop3A_730 : vector<16xi1>, vector<16xi32>
      %parallel_loop3A_732 = arith.addi %parallel_loop3A_708, %parallel_loop3A_731 : vector<16xi32>
      %parallel_loop3A_733 = arith.constant 0 : i32
      %parallel_loop3A_734 = arith.index_cast %parallel_loop3A_733 : i32 to index
      %parallel_loop3A_735 = arith.index_cast %parallel_loop3A_322 : i32 to index
      %parallel_loop3A_736 = arith.constant 272 : index
      %parallel_loop3A_737 = tpu.vector_load %arg5[%parallel_loop3A_734, %parallel_loop3A_735, %parallel_loop3A_736] {strides = array<i32>} : memref<2x32x512xf32, #tpu.memory_space<vmem>>, vector<1x1x16xf32>,
      %parallel_loop3A_738 = vector.shape_cast %parallel_loop3A_737 : vector<1x1x16xf32> to vector<16xf32>
      %parallel_loop3A_739 = arith.constant 0 : i32
      %parallel_loop3A_740 = arith.index_cast %parallel_loop3A_739 : i32 to index
      %parallel_loop3A_741 = arith.index_cast %parallel_loop3A_322 : i32 to index
      %parallel_loop3A_742 = arith.constant 272 : index
      %parallel_loop3A_743 = tpu.vector_load %arg6[%parallel_loop3A_740, %parallel_loop3A_741, %parallel_loop3A_742] {strides = array<i32>} : memref<2x32x512xi32, #tpu.memory_space<vmem>>, vector<1x1x16xi32>,
      %parallel_loop3A_744 = vector.shape_cast %parallel_loop3A_743 : vector<1x1x16xi32> to vector<16xi32>
      %parallel_loop3A_745 = arith.constant 0.000000e+00 : f32
      %parallel_loop3A_746 = vector.broadcast %parallel_loop3A_745 : f32 to vector<16xf32>
      %parallel_loop3A_747 = arith.cmpf ogt, %parallel_loop3A_738, %parallel_loop3A_746 : vector<16xf32>
      %parallel_loop3A_748 = arith.constant 65536 : i32
      %parallel_loop3A_749 = vector.broadcast %parallel_loop3A_748 : i32 to vector<16xi32>
      %parallel_loop3A_750 = arith.addi %parallel_loop3A_744, %parallel_loop3A_749 : vector<16xi32>
      %parallel_loop3A_751 = arith.select %parallel_loop3A_747, %parallel_loop3A_750, %parallel_loop3A_744 : vector<16xi1>, vector<16xi32>
      %parallel_loop3A_752 = arith.addi %parallel_loop3A_728, %parallel_loop3A_751 : vector<16xi32>
      %parallel_loop3A_753 = arith.constant 0 : i32
      %parallel_loop3A_754 = vector.broadcast %parallel_loop3A_753 : i32 to vector<16xi32>
      %parallel_loop3A_755 = arith.select %parallel_loop3A_747, %parallel_loop3A_744, %parallel_loop3A_754 : vector<16xi1>, vector<16xi32>
      %parallel_loop3A_756 = arith.addi %parallel_loop3A_732, %parallel_loop3A_755 : vector<16xi32>
      %parallel_loop3A_757 = arith.constant 0 : i32
      %parallel_loop3A_758 = arith.index_cast %parallel_loop3A_757 : i32 to index
      %parallel_loop3A_759 = arith.index_cast %parallel_loop3A_322 : i32 to index
      %parallel_loop3A_760 = arith.constant 288 : index
      %parallel_loop3A_761 = tpu.vector_load %arg5[%parallel_loop3A_758, %parallel_loop3A_759, %parallel_loop3A_760] {strides = array<i32>} : memref<2x32x512xf32, #tpu.memory_space<vmem>>, vector<1x1x16xf32>,
      %parallel_loop3A_762 = vector.shape_cast %parallel_loop3A_761 : vector<1x1x16xf32> to vector<16xf32>
      %parallel_loop3A_763 = arith.constant 0 : i32
      %parallel_loop3A_764 = arith.index_cast %parallel_loop3A_763 : i32 to index
      %parallel_loop3A_765 = arith.index_cast %parallel_loop3A_322 : i32 to index
      %parallel_loop3A_766 = arith.constant 288 : index
      %parallel_loop3A_767 = tpu.vector_load %arg6[%parallel_loop3A_764, %parallel_loop3A_765, %parallel_loop3A_766] {strides = array<i32>} : memref<2x32x512xi32, #tpu.memory_space<vmem>>, vector<1x1x16xi32>,
      %parallel_loop3A_768 = vector.shape_cast %parallel_loop3A_767 : vector<1x1x16xi32> to vector<16xi32>
      %parallel_loop3A_769 = arith.constant 0.000000e+00 : f32
      %parallel_loop3A_770 = vector.broadcast %parallel_loop3A_769 : f32 to vector<16xf32>
      %parallel_loop3A_771 = arith.cmpf ogt, %parallel_loop3A_762, %parallel_loop3A_770 : vector<16xf32>
      %parallel_loop3A_772 = arith.constant 65536 : i32
      %parallel_loop3A_773 = vector.broadcast %parallel_loop3A_772 : i32 to vector<16xi32>
      %parallel_loop3A_774 = arith.addi %parallel_loop3A_768, %parallel_loop3A_773 : vector<16xi32>
      %parallel_loop3A_775 = arith.select %parallel_loop3A_771, %parallel_loop3A_774, %parallel_loop3A_768 : vector<16xi1>, vector<16xi32>
      %parallel_loop3A_776 = arith.addi %parallel_loop3A_752, %parallel_loop3A_775 : vector<16xi32>
      %parallel_loop3A_777 = arith.constant 0 : i32
      %parallel_loop3A_778 = vector.broadcast %parallel_loop3A_777 : i32 to vector<16xi32>
      %parallel_loop3A_779 = arith.select %parallel_loop3A_771, %parallel_loop3A_768, %parallel_loop3A_778 : vector<16xi1>, vector<16xi32>
      %parallel_loop3A_780 = arith.addi %parallel_loop3A_756, %parallel_loop3A_779 : vector<16xi32>
      %parallel_loop3A_781 = arith.constant 0 : i32
      %parallel_loop3A_782 = arith.index_cast %parallel_loop3A_781 : i32 to index
      %parallel_loop3A_783 = arith.index_cast %parallel_loop3A_322 : i32 to index
      %parallel_loop3A_784 = arith.constant 304 : index
      %parallel_loop3A_785 = tpu.vector_load %arg5[%parallel_loop3A_782, %parallel_loop3A_783, %parallel_loop3A_784] {strides = array<i32>} : memref<2x32x512xf32, #tpu.memory_space<vmem>>, vector<1x1x16xf32>,
      %parallel_loop3A_786 = vector.shape_cast %parallel_loop3A_785 : vector<1x1x16xf32> to vector<16xf32>
      %parallel_loop3A_787 = arith.constant 0 : i32
      %parallel_loop3A_788 = arith.index_cast %parallel_loop3A_787 : i32 to index
      %parallel_loop3A_789 = arith.index_cast %parallel_loop3A_322 : i32 to index
      %parallel_loop3A_790 = arith.constant 304 : index
      %parallel_loop3A_791 = tpu.vector_load %arg6[%parallel_loop3A_788, %parallel_loop3A_789, %parallel_loop3A_790] {strides = array<i32>} : memref<2x32x512xi32, #tpu.memory_space<vmem>>, vector<1x1x16xi32>,
      %parallel_loop3A_792 = vector.shape_cast %parallel_loop3A_791 : vector<1x1x16xi32> to vector<16xi32>
      %parallel_loop3A_793 = arith.constant 0.000000e+00 : f32
      %parallel_loop3A_794 = vector.broadcast %parallel_loop3A_793 : f32 to vector<16xf32>
      %parallel_loop3A_795 = arith.cmpf ogt, %parallel_loop3A_786, %parallel_loop3A_794 : vector<16xf32>
      %parallel_loop3A_796 = arith.constant 65536 : i32
      %parallel_loop3A_797 = vector.broadcast %parallel_loop3A_796 : i32 to vector<16xi32>
      %parallel_loop3A_798 = arith.addi %parallel_loop3A_792, %parallel_loop3A_797 : vector<16xi32>
      %parallel_loop3A_799 = arith.select %parallel_loop3A_795, %parallel_loop3A_798, %parallel_loop3A_792 : vector<16xi1>, vector<16xi32>
      %parallel_loop3A_800 = arith.addi %parallel_loop3A_776, %parallel_loop3A_799 : vector<16xi32>
      %parallel_loop3A_801 = arith.constant 0 : i32
      %parallel_loop3A_802 = vector.broadcast %parallel_loop3A_801 : i32 to vector<16xi32>
      %parallel_loop3A_803 = arith.select %parallel_loop3A_795, %parallel_loop3A_792, %parallel_loop3A_802 : vector<16xi1>, vector<16xi32>
      %parallel_loop3A_804 = arith.addi %parallel_loop3A_780, %parallel_loop3A_803 : vector<16xi32>
      %parallel_loop3A_805 = arith.constant 0 : i32
      %parallel_loop3A_806 = arith.index_cast %parallel_loop3A_805 : i32 to index
      %parallel_loop3A_807 = arith.index_cast %parallel_loop3A_322 : i32 to index
      %parallel_loop3A_808 = arith.constant 320 : index
      %parallel_loop3A_809 = tpu.vector_load %arg5[%parallel_loop3A_806, %parallel_loop3A_807, %parallel_loop3A_808] {strides = array<i32>} : memref<2x32x512xf32, #tpu.memory_space<vmem>>, vector<1x1x16xf32>,
      %parallel_loop3A_810 = vector.shape_cast %parallel_loop3A_809 : vector<1x1x16xf32> to vector<16xf32>
      %parallel_loop3A_811 = arith.constant 0 : i32
      %parallel_loop3A_812 = arith.index_cast %parallel_loop3A_811 : i32 to index
      %parallel_loop3A_813 = arith.index_cast %parallel_loop3A_322 : i32 to index
      %parallel_loop3A_814 = arith.constant 320 : index
      %parallel_loop3A_815 = tpu.vector_load %arg6[%parallel_loop3A_812, %parallel_loop3A_813, %parallel_loop3A_814] {strides = array<i32>} : memref<2x32x512xi32, #tpu.memory_space<vmem>>, vector<1x1x16xi32>,
      %parallel_loop3A_816 = vector.shape_cast %parallel_loop3A_815 : vector<1x1x16xi32> to vector<16xi32>
      %parallel_loop3A_817 = arith.constant 0.000000e+00 : f32
      %parallel_loop3A_818 = vector.broadcast %parallel_loop3A_817 : f32 to vector<16xf32>
      %parallel_loop3A_819 = arith.cmpf ogt, %parallel_loop3A_810, %parallel_loop3A_818 : vector<16xf32>
      %parallel_loop3A_820 = arith.constant 65536 : i32
      %parallel_loop3A_821 = vector.broadcast %parallel_loop3A_820 : i32 to vector<16xi32>
      %parallel_loop3A_822 = arith.addi %parallel_loop3A_816, %parallel_loop3A_821 : vector<16xi32>
      %parallel_loop3A_823 = arith.select %parallel_loop3A_819, %parallel_loop3A_822, %parallel_loop3A_816 : vector<16xi1>, vector<16xi32>
      %parallel_loop3A_824 = arith.addi %parallel_loop3A_800, %parallel_loop3A_823 : vector<16xi32>
      %parallel_loop3A_825 = arith.constant 0 : i32
      %parallel_loop3A_826 = vector.broadcast %parallel_loop3A_825 : i32 to vector<16xi32>
      %parallel_loop3A_827 = arith.select %parallel_loop3A_819, %parallel_loop3A_816, %parallel_loop3A_826 : vector<16xi1>, vector<16xi32>
      %parallel_loop3A_828 = arith.addi %parallel_loop3A_804, %parallel_loop3A_827 : vector<16xi32>
      %parallel_loop3A_829 = arith.constant 0 : i32
      %parallel_loop3A_830 = arith.index_cast %parallel_loop3A_829 : i32 to index
      %parallel_loop3A_831 = arith.index_cast %parallel_loop3A_322 : i32 to index
      %parallel_loop3A_832 = arith.constant 336 : index
      %parallel_loop3A_833 = tpu.vector_load %arg5[%parallel_loop3A_830, %parallel_loop3A_831, %parallel_loop3A_832] {strides = array<i32>} : memref<2x32x512xf32, #tpu.memory_space<vmem>>, vector<1x1x16xf32>,
      %parallel_loop3A_834 = vector.shape_cast %parallel_loop3A_833 : vector<1x1x16xf32> to vector<16xf32>
      %parallel_loop3A_835 = arith.constant 0 : i32
      %parallel_loop3A_836 = arith.index_cast %parallel_loop3A_835 : i32 to index
      %parallel_loop3A_837 = arith.index_cast %parallel_loop3A_322 : i32 to index
      %parallel_loop3A_838 = arith.constant 336 : index
      %parallel_loop3A_839 = tpu.vector_load %arg6[%parallel_loop3A_836, %parallel_loop3A_837, %parallel_loop3A_838] {strides = array<i32>} : memref<2x32x512xi32, #tpu.memory_space<vmem>>, vector<1x1x16xi32>,
      %parallel_loop3A_840 = vector.shape_cast %parallel_loop3A_839 : vector<1x1x16xi32> to vector<16xi32>
      %parallel_loop3A_841 = arith.constant 0.000000e+00 : f32
      %parallel_loop3A_842 = vector.broadcast %parallel_loop3A_841 : f32 to vector<16xf32>
      %parallel_loop3A_843 = arith.cmpf ogt, %parallel_loop3A_834, %parallel_loop3A_842 : vector<16xf32>
      %parallel_loop3A_844 = arith.constant 65536 : i32
      %parallel_loop3A_845 = vector.broadcast %parallel_loop3A_844 : i32 to vector<16xi32>
      %parallel_loop3A_846 = arith.addi %parallel_loop3A_840, %parallel_loop3A_845 : vector<16xi32>
      %parallel_loop3A_847 = arith.select %parallel_loop3A_843, %parallel_loop3A_846, %parallel_loop3A_840 : vector<16xi1>, vector<16xi32>
      %parallel_loop3A_848 = arith.addi %parallel_loop3A_824, %parallel_loop3A_847 : vector<16xi32>
      %parallel_loop3A_849 = arith.constant 0 : i32
      %parallel_loop3A_850 = vector.broadcast %parallel_loop3A_849 : i32 to vector<16xi32>
      %parallel_loop3A_851 = arith.select %parallel_loop3A_843, %parallel_loop3A_840, %parallel_loop3A_850 : vector<16xi1>, vector<16xi32>
      %parallel_loop3A_852 = arith.addi %parallel_loop3A_828, %parallel_loop3A_851 : vector<16xi32>
      %parallel_loop3A_853 = arith.constant 0 : i32
      %parallel_loop3A_854 = arith.index_cast %parallel_loop3A_853 : i32 to index
      %parallel_loop3A_855 = arith.index_cast %parallel_loop3A_322 : i32 to index
      %parallel_loop3A_856 = arith.constant 352 : index
      %parallel_loop3A_857 = tpu.vector_load %arg5[%parallel_loop3A_854, %parallel_loop3A_855, %parallel_loop3A_856] {strides = array<i32>} : memref<2x32x512xf32, #tpu.memory_space<vmem>>, vector<1x1x16xf32>,
      %parallel_loop3A_858 = vector.shape_cast %parallel_loop3A_857 : vector<1x1x16xf32> to vector<16xf32>
      %parallel_loop3A_859 = arith.constant 0 : i32
      %parallel_loop3A_860 = arith.index_cast %parallel_loop3A_859 : i32 to index
      %parallel_loop3A_861 = arith.index_cast %parallel_loop3A_322 : i32 to index
      %parallel_loop3A_862 = arith.constant 352 : index
      %parallel_loop3A_863 = tpu.vector_load %arg6[%parallel_loop3A_860, %parallel_loop3A_861, %parallel_loop3A_862] {strides = array<i32>} : memref<2x32x512xi32, #tpu.memory_space<vmem>>, vector<1x1x16xi32>,
      %parallel_loop3A_864 = vector.shape_cast %parallel_loop3A_863 : vector<1x1x16xi32> to vector<16xi32>
      %parallel_loop3A_865 = arith.constant 0.000000e+00 : f32
      %parallel_loop3A_866 = vector.broadcast %parallel_loop3A_865 : f32 to vector<16xf32>
      %parallel_loop3A_867 = arith.cmpf ogt, %parallel_loop3A_858, %parallel_loop3A_866 : vector<16xf32>
      %parallel_loop3A_868 = arith.constant 65536 : i32
      %parallel_loop3A_869 = vector.broadcast %parallel_loop3A_868 : i32 to vector<16xi32>
      %parallel_loop3A_870 = arith.addi %parallel_loop3A_864, %parallel_loop3A_869 : vector<16xi32>
      %parallel_loop3A_871 = arith.select %parallel_loop3A_867, %parallel_loop3A_870, %parallel_loop3A_864 : vector<16xi1>, vector<16xi32>
      %parallel_loop3A_872 = arith.addi %parallel_loop3A_848, %parallel_loop3A_871 : vector<16xi32>
      %parallel_loop3A_873 = arith.constant 0 : i32
      %parallel_loop3A_874 = vector.broadcast %parallel_loop3A_873 : i32 to vector<16xi32>
      %parallel_loop3A_875 = arith.select %parallel_loop3A_867, %parallel_loop3A_864, %parallel_loop3A_874 : vector<16xi1>, vector<16xi32>
      %parallel_loop3A_876 = arith.addi %parallel_loop3A_852, %parallel_loop3A_875 : vector<16xi32>
      %parallel_loop3A_877 = arith.constant 0 : i32
      %parallel_loop3A_878 = arith.index_cast %parallel_loop3A_877 : i32 to index
      %parallel_loop3A_879 = arith.index_cast %parallel_loop3A_322 : i32 to index
      %parallel_loop3A_880 = arith.constant 368 : index
      %parallel_loop3A_881 = tpu.vector_load %arg5[%parallel_loop3A_878, %parallel_loop3A_879, %parallel_loop3A_880] {strides = array<i32>} : memref<2x32x512xf32, #tpu.memory_space<vmem>>, vector<1x1x16xf32>,
      %parallel_loop3A_882 = vector.shape_cast %parallel_loop3A_881 : vector<1x1x16xf32> to vector<16xf32>
      %parallel_loop3A_883 = arith.constant 0 : i32
      %parallel_loop3A_884 = arith.index_cast %parallel_loop3A_883 : i32 to index
      %parallel_loop3A_885 = arith.index_cast %parallel_loop3A_322 : i32 to index
      %parallel_loop3A_886 = arith.constant 368 : index
      %parallel_loop3A_887 = tpu.vector_load %arg6[%parallel_loop3A_884, %parallel_loop3A_885, %parallel_loop3A_886] {strides = array<i32>} : memref<2x32x512xi32, #tpu.memory_space<vmem>>, vector<1x1x16xi32>,
      %parallel_loop3A_888 = vector.shape_cast %parallel_loop3A_887 : vector<1x1x16xi32> to vector<16xi32>
      %parallel_loop3A_889 = arith.constant 0.000000e+00 : f32
      %parallel_loop3A_890 = vector.broadcast %parallel_loop3A_889 : f32 to vector<16xf32>
      %parallel_loop3A_891 = arith.cmpf ogt, %parallel_loop3A_882, %parallel_loop3A_890 : vector<16xf32>
      %parallel_loop3A_892 = arith.constant 65536 : i32
      %parallel_loop3A_893 = vector.broadcast %parallel_loop3A_892 : i32 to vector<16xi32>
      %parallel_loop3A_894 = arith.addi %parallel_loop3A_888, %parallel_loop3A_893 : vector<16xi32>
      %parallel_loop3A_895 = arith.select %parallel_loop3A_891, %parallel_loop3A_894, %parallel_loop3A_888 : vector<16xi1>, vector<16xi32>
      %parallel_loop3A_896 = arith.addi %parallel_loop3A_872, %parallel_loop3A_895 : vector<16xi32>
      %parallel_loop3A_897 = arith.constant 0 : i32
      %parallel_loop3A_898 = vector.broadcast %parallel_loop3A_897 : i32 to vector<16xi32>
      %parallel_loop3A_899 = arith.select %parallel_loop3A_891, %parallel_loop3A_888, %parallel_loop3A_898 : vector<16xi1>, vector<16xi32>
      %parallel_loop3A_900 = arith.addi %parallel_loop3A_876, %parallel_loop3A_899 : vector<16xi32>
      %parallel_loop3A_901 = arith.constant 0 : i32
      %parallel_loop3A_902 = arith.index_cast %parallel_loop3A_901 : i32 to index
      %parallel_loop3A_903 = arith.index_cast %parallel_loop3A_322 : i32 to index
      %parallel_loop3A_904 = arith.constant 384 : index
      %parallel_loop3A_905 = tpu.vector_load %arg5[%parallel_loop3A_902, %parallel_loop3A_903, %parallel_loop3A_904] {strides = array<i32>} : memref<2x32x512xf32, #tpu.memory_space<vmem>>, vector<1x1x16xf32>,
      %parallel_loop3A_906 = vector.shape_cast %parallel_loop3A_905 : vector<1x1x16xf32> to vector<16xf32>
      %parallel_loop3A_907 = arith.constant 0 : i32
      %parallel_loop3A_908 = arith.index_cast %parallel_loop3A_907 : i32 to index
      %parallel_loop3A_909 = arith.index_cast %parallel_loop3A_322 : i32 to index
      %parallel_loop3A_910 = arith.constant 384 : index
      %parallel_loop3A_911 = tpu.vector_load %arg6[%parallel_loop3A_908, %parallel_loop3A_909, %parallel_loop3A_910] {strides = array<i32>} : memref<2x32x512xi32, #tpu.memory_space<vmem>>, vector<1x1x16xi32>,
      %parallel_loop3A_912 = vector.shape_cast %parallel_loop3A_911 : vector<1x1x16xi32> to vector<16xi32>
      %parallel_loop3A_913 = arith.constant 0.000000e+00 : f32
      %parallel_loop3A_914 = vector.broadcast %parallel_loop3A_913 : f32 to vector<16xf32>
      %parallel_loop3A_915 = arith.cmpf ogt, %parallel_loop3A_906, %parallel_loop3A_914 : vector<16xf32>
      %parallel_loop3A_916 = arith.constant 65536 : i32
      %parallel_loop3A_917 = vector.broadcast %parallel_loop3A_916 : i32 to vector<16xi32>
      %parallel_loop3A_918 = arith.addi %parallel_loop3A_912, %parallel_loop3A_917 : vector<16xi32>
      %parallel_loop3A_919 = arith.select %parallel_loop3A_915, %parallel_loop3A_918, %parallel_loop3A_912 : vector<16xi1>, vector<16xi32>
      %parallel_loop3A_920 = arith.addi %parallel_loop3A_896, %parallel_loop3A_919 : vector<16xi32>
      %parallel_loop3A_921 = arith.constant 0 : i32
      %parallel_loop3A_922 = vector.broadcast %parallel_loop3A_921 : i32 to vector<16xi32>
      %parallel_loop3A_923 = arith.select %parallel_loop3A_915, %parallel_loop3A_912, %parallel_loop3A_922 : vector<16xi1>, vector<16xi32>
      %parallel_loop3A_924 = arith.addi %parallel_loop3A_900, %parallel_loop3A_923 : vector<16xi32>
      %parallel_loop3A_925 = arith.constant 0 : i32
      %parallel_loop3A_926 = arith.index_cast %parallel_loop3A_925 : i32 to index
      %parallel_loop3A_927 = arith.index_cast %parallel_loop3A_322 : i32 to index
      %parallel_loop3A_928 = arith.constant 400 : index
      %parallel_loop3A_929 = tpu.vector_load %arg5[%parallel_loop3A_926, %parallel_loop3A_927, %parallel_loop3A_928] {strides = array<i32>} : memref<2x32x512xf32, #tpu.memory_space<vmem>>, vector<1x1x16xf32>,
      %parallel_loop3A_930 = vector.shape_cast %parallel_loop3A_929 : vector<1x1x16xf32> to vector<16xf32>
      %parallel_loop3A_931 = arith.constant 0 : i32
      %parallel_loop3A_932 = arith.index_cast %parallel_loop3A_931 : i32 to index
      %parallel_loop3A_933 = arith.index_cast %parallel_loop3A_322 : i32 to index
      %parallel_loop3A_934 = arith.constant 400 : index
      %parallel_loop3A_935 = tpu.vector_load %arg6[%parallel_loop3A_932, %parallel_loop3A_933, %parallel_loop3A_934] {strides = array<i32>} : memref<2x32x512xi32, #tpu.memory_space<vmem>>, vector<1x1x16xi32>,
      %parallel_loop3A_936 = vector.shape_cast %parallel_loop3A_935 : vector<1x1x16xi32> to vector<16xi32>
      %parallel_loop3A_937 = arith.constant 0.000000e+00 : f32
      %parallel_loop3A_938 = vector.broadcast %parallel_loop3A_937 : f32 to vector<16xf32>
      %parallel_loop3A_939 = arith.cmpf ogt, %parallel_loop3A_930, %parallel_loop3A_938 : vector<16xf32>
      %parallel_loop3A_940 = arith.constant 65536 : i32
      %parallel_loop3A_941 = vector.broadcast %parallel_loop3A_940 : i32 to vector<16xi32>
      %parallel_loop3A_942 = arith.addi %parallel_loop3A_936, %parallel_loop3A_941 : vector<16xi32>
      %parallel_loop3A_943 = arith.select %parallel_loop3A_939, %parallel_loop3A_942, %parallel_loop3A_936 : vector<16xi1>, vector<16xi32>
      %parallel_loop3A_944 = arith.addi %parallel_loop3A_920, %parallel_loop3A_943 : vector<16xi32>
      %parallel_loop3A_945 = arith.constant 0 : i32
      %parallel_loop3A_946 = vector.broadcast %parallel_loop3A_945 : i32 to vector<16xi32>
      %parallel_loop3A_947 = arith.select %parallel_loop3A_939, %parallel_loop3A_936, %parallel_loop3A_946 : vector<16xi1>, vector<16xi32>
      %parallel_loop3A_948 = arith.addi %parallel_loop3A_924, %parallel_loop3A_947 : vector<16xi32>
      %parallel_loop3A_949 = arith.constant 0 : i32
      %parallel_loop3A_950 = arith.index_cast %parallel_loop3A_949 : i32 to index
      %parallel_loop3A_951 = arith.index_cast %parallel_loop3A_322 : i32 to index
      %parallel_loop3A_952 = arith.constant 416 : index
      %parallel_loop3A_953 = tpu.vector_load %arg5[%parallel_loop3A_950, %parallel_loop3A_951, %parallel_loop3A_952] {strides = array<i32>} : memref<2x32x512xf32, #tpu.memory_space<vmem>>, vector<1x1x16xf32>,
      %parallel_loop3A_954 = vector.shape_cast %parallel_loop3A_953 : vector<1x1x16xf32> to vector<16xf32>
      %parallel_loop3A_955 = arith.constant 0 : i32
      %parallel_loop3A_956 = arith.index_cast %parallel_loop3A_955 : i32 to index
      %parallel_loop3A_957 = arith.index_cast %parallel_loop3A_322 : i32 to index
      %parallel_loop3A_958 = arith.constant 416 : index
      %parallel_loop3A_959 = tpu.vector_load %arg6[%parallel_loop3A_956, %parallel_loop3A_957, %parallel_loop3A_958] {strides = array<i32>} : memref<2x32x512xi32, #tpu.memory_space<vmem>>, vector<1x1x16xi32>,
      %parallel_loop3A_960 = vector.shape_cast %parallel_loop3A_959 : vector<1x1x16xi32> to vector<16xi32>
      %parallel_loop3A_961 = arith.constant 0.000000e+00 : f32
      %parallel_loop3A_962 = vector.broadcast %parallel_loop3A_961 : f32 to vector<16xf32>
      %parallel_loop3A_963 = arith.cmpf ogt, %parallel_loop3A_954, %parallel_loop3A_962 : vector<16xf32>
      %parallel_loop3A_964 = arith.constant 65536 : i32
      %parallel_loop3A_965 = vector.broadcast %parallel_loop3A_964 : i32 to vector<16xi32>
      %parallel_loop3A_966 = arith.addi %parallel_loop3A_960, %parallel_loop3A_965 : vector<16xi32>
      %parallel_loop3A_967 = arith.select %parallel_loop3A_963, %parallel_loop3A_966, %parallel_loop3A_960 : vector<16xi1>, vector<16xi32>
      %parallel_loop3A_968 = arith.addi %parallel_loop3A_944, %parallel_loop3A_967 : vector<16xi32>
      %parallel_loop3A_969 = arith.constant 0 : i32
      %parallel_loop3A_970 = vector.broadcast %parallel_loop3A_969 : i32 to vector<16xi32>
      %parallel_loop3A_971 = arith.select %parallel_loop3A_963, %parallel_loop3A_960, %parallel_loop3A_970 : vector<16xi1>, vector<16xi32>
      %parallel_loop3A_972 = arith.addi %parallel_loop3A_948, %parallel_loop3A_971 : vector<16xi32>
      %parallel_loop3A_973 = arith.constant 0 : i32
      %parallel_loop3A_974 = arith.index_cast %parallel_loop3A_973 : i32 to index
      %parallel_loop3A_975 = arith.index_cast %parallel_loop3A_322 : i32 to index
      %parallel_loop3A_976 = arith.constant 432 : index
      %parallel_loop3A_977 = tpu.vector_load %arg5[%parallel_loop3A_974, %parallel_loop3A_975, %parallel_loop3A_976] {strides = array<i32>} : memref<2x32x512xf32, #tpu.memory_space<vmem>>, vector<1x1x16xf32>,
      %parallel_loop3A_978 = vector.shape_cast %parallel_loop3A_977 : vector<1x1x16xf32> to vector<16xf32>
      %parallel_loop3A_979 = arith.constant 0 : i32
      %parallel_loop3A_980 = arith.index_cast %parallel_loop3A_979 : i32 to index
      %parallel_loop3A_981 = arith.index_cast %parallel_loop3A_322 : i32 to index
      %parallel_loop3A_982 = arith.constant 432 : index
      %parallel_loop3A_983 = tpu.vector_load %arg6[%parallel_loop3A_980, %parallel_loop3A_981, %parallel_loop3A_982] {strides = array<i32>} : memref<2x32x512xi32, #tpu.memory_space<vmem>>, vector<1x1x16xi32>,
      %parallel_loop3A_984 = vector.shape_cast %parallel_loop3A_983 : vector<1x1x16xi32> to vector<16xi32>
      %parallel_loop3A_985 = arith.constant 0.000000e+00 : f32
      %parallel_loop3A_986 = vector.broadcast %parallel_loop3A_985 : f32 to vector<16xf32>
      %parallel_loop3A_987 = arith.cmpf ogt, %parallel_loop3A_978, %parallel_loop3A_986 : vector<16xf32>
      %parallel_loop3A_988 = arith.constant 65536 : i32
      %parallel_loop3A_989 = vector.broadcast %parallel_loop3A_988 : i32 to vector<16xi32>
      %parallel_loop3A_990 = arith.addi %parallel_loop3A_984, %parallel_loop3A_989 : vector<16xi32>
      %parallel_loop3A_991 = arith.select %parallel_loop3A_987, %parallel_loop3A_990, %parallel_loop3A_984 : vector<16xi1>, vector<16xi32>
      %parallel_loop3A_992 = arith.addi %parallel_loop3A_968, %parallel_loop3A_991 : vector<16xi32>
      %parallel_loop3A_993 = arith.constant 0 : i32
      %parallel_loop3A_994 = vector.broadcast %parallel_loop3A_993 : i32 to vector<16xi32>
      %parallel_loop3A_995 = arith.select %parallel_loop3A_987, %parallel_loop3A_984, %parallel_loop3A_994 : vector<16xi1>, vector<16xi32>
      %parallel_loop3A_996 = arith.addi %parallel_loop3A_972, %parallel_loop3A_995 : vector<16xi32>
      %parallel_loop3A_997 = arith.constant 0 : i32
      %parallel_loop3A_998 = arith.index_cast %parallel_loop3A_997 : i32 to index
      %parallel_loop3A_999 = arith.index_cast %parallel_loop3A_322 : i32 to index
      %parallel_loop3A_1000 = arith.constant 448 : index
      %parallel_loop3A_1001 = tpu.vector_load %arg5[%parallel_loop3A_998, %parallel_loop3A_999, %parallel_loop3A_1000] {strides = array<i32>} : memref<2x32x512xf32, #tpu.memory_space<vmem>>, vector<1x1x16xf32>,
      %parallel_loop3A_1002 = vector.shape_cast %parallel_loop3A_1001 : vector<1x1x16xf32> to vector<16xf32>
      %parallel_loop3A_1003 = arith.constant 0 : i32
      %parallel_loop3A_1004 = arith.index_cast %parallel_loop3A_1003 : i32 to index
      %parallel_loop3A_1005 = arith.index_cast %parallel_loop3A_322 : i32 to index
      %parallel_loop3A_1006 = arith.constant 448 : index
      %parallel_loop3A_1007 = tpu.vector_load %arg6[%parallel_loop3A_1004, %parallel_loop3A_1005, %parallel_loop3A_1006] {strides = array<i32>} : memref<2x32x512xi32, #tpu.memory_space<vmem>>, vector<1x1x16xi32>,
      %parallel_loop3A_1008 = vector.shape_cast %parallel_loop3A_1007 : vector<1x1x16xi32> to vector<16xi32>
      %parallel_loop3A_1009 = arith.constant 0.000000e+00 : f32
      %parallel_loop3A_1010 = vector.broadcast %parallel_loop3A_1009 : f32 to vector<16xf32>
      %parallel_loop3A_1011 = arith.cmpf ogt, %parallel_loop3A_1002, %parallel_loop3A_1010 : vector<16xf32>
      %parallel_loop3A_1012 = arith.constant 65536 : i32
      %parallel_loop3A_1013 = vector.broadcast %parallel_loop3A_1012 : i32 to vector<16xi32>
      %parallel_loop3A_1014 = arith.addi %parallel_loop3A_1008, %parallel_loop3A_1013 : vector<16xi32>
      %parallel_loop3A_1015 = arith.select %parallel_loop3A_1011, %parallel_loop3A_1014, %parallel_loop3A_1008 : vector<16xi1>, vector<16xi32>
      %parallel_loop3A_1016 = arith.addi %parallel_loop3A_992, %parallel_loop3A_1015 : vector<16xi32>
      %parallel_loop3A_1017 = arith.constant 0 : i32
      %parallel_loop3A_1018 = vector.broadcast %parallel_loop3A_1017 : i32 to vector<16xi32>
      %parallel_loop3A_1019 = arith.select %parallel_loop3A_1011, %parallel_loop3A_1008, %parallel_loop3A_1018 : vector<16xi1>, vector<16xi32>
      %parallel_loop3A_1020 = arith.addi %parallel_loop3A_996, %parallel_loop3A_1019 : vector<16xi32>
      %parallel_loop3A_1021 = arith.constant 0 : i32
      %parallel_loop3A_1022 = arith.index_cast %parallel_loop3A_1021 : i32 to index
      %parallel_loop3A_1023 = arith.index_cast %parallel_loop3A_322 : i32 to index
      %parallel_loop3A_1024 = arith.constant 464 : index
      %parallel_loop3A_1025 = tpu.vector_load %arg5[%parallel_loop3A_1022, %parallel_loop3A_1023, %parallel_loop3A_1024] {strides = array<i32>} : memref<2x32x512xf32, #tpu.memory_space<vmem>>, vector<1x1x16xf32>,
      %parallel_loop3A_1026 = vector.shape_cast %parallel_loop3A_1025 : vector<1x1x16xf32> to vector<16xf32>
      %parallel_loop3A_1027 = arith.constant 0 : i32
      %parallel_loop3A_1028 = arith.index_cast %parallel_loop3A_1027 : i32 to index
      %parallel_loop3A_1029 = arith.index_cast %parallel_loop3A_322 : i32 to index
      %parallel_loop3A_1030 = arith.constant 464 : index
      %parallel_loop3A_1031 = tpu.vector_load %arg6[%parallel_loop3A_1028, %parallel_loop3A_1029, %parallel_loop3A_1030] {strides = array<i32>} : memref<2x32x512xi32, #tpu.memory_space<vmem>>, vector<1x1x16xi32>,
      %parallel_loop3A_1032 = vector.shape_cast %parallel_loop3A_1031 : vector<1x1x16xi32> to vector<16xi32>
      %parallel_loop3A_1033 = arith.constant 0.000000e+00 : f32
      %parallel_loop3A_1034 = vector.broadcast %parallel_loop3A_1033 : f32 to vector<16xf32>
      %parallel_loop3A_1035 = arith.cmpf ogt, %parallel_loop3A_1026, %parallel_loop3A_1034 : vector<16xf32>
      %parallel_loop3A_1036 = arith.constant 65536 : i32
      %parallel_loop3A_1037 = vector.broadcast %parallel_loop3A_1036 : i32 to vector<16xi32>
      %parallel_loop3A_1038 = arith.addi %parallel_loop3A_1032, %parallel_loop3A_1037 : vector<16xi32>
      %parallel_loop3A_1039 = arith.select %parallel_loop3A_1035, %parallel_loop3A_1038, %parallel_loop3A_1032 : vector<16xi1>, vector<16xi32>
      %parallel_loop3A_1040 = arith.addi %parallel_loop3A_1016, %parallel_loop3A_1039 : vector<16xi32>
      %parallel_loop3A_1041 = arith.constant 0 : i32
      %parallel_loop3A_1042 = vector.broadcast %parallel_loop3A_1041 : i32 to vector<16xi32>
      %parallel_loop3A_1043 = arith.select %parallel_loop3A_1035, %parallel_loop3A_1032, %parallel_loop3A_1042 : vector<16xi1>, vector<16xi32>
      %parallel_loop3A_1044 = arith.addi %parallel_loop3A_1020, %parallel_loop3A_1043 : vector<16xi32>
      %parallel_loop3A_1045 = arith.constant 0 : i32
      %parallel_loop3A_1046 = arith.index_cast %parallel_loop3A_1045 : i32 to index
      %parallel_loop3A_1047 = arith.index_cast %parallel_loop3A_322 : i32 to index
      %parallel_loop3A_1048 = arith.constant 480 : index
      %parallel_loop3A_1049 = tpu.vector_load %arg5[%parallel_loop3A_1046, %parallel_loop3A_1047, %parallel_loop3A_1048] {strides = array<i32>} : memref<2x32x512xf32, #tpu.memory_space<vmem>>, vector<1x1x16xf32>,
      %parallel_loop3A_1050 = vector.shape_cast %parallel_loop3A_1049 : vector<1x1x16xf32> to vector<16xf32>
      %parallel_loop3A_1051 = arith.constant 0 : i32
      %parallel_loop3A_1052 = arith.index_cast %parallel_loop3A_1051 : i32 to index
      %parallel_loop3A_1053 = arith.index_cast %parallel_loop3A_322 : i32 to index
      %parallel_loop3A_1054 = arith.constant 480 : index
      %parallel_loop3A_1055 = tpu.vector_load %arg6[%parallel_loop3A_1052, %parallel_loop3A_1053, %parallel_loop3A_1054] {strides = array<i32>} : memref<2x32x512xi32, #tpu.memory_space<vmem>>, vector<1x1x16xi32>,
      %parallel_loop3A_1056 = vector.shape_cast %parallel_loop3A_1055 : vector<1x1x16xi32> to vector<16xi32>
      %parallel_loop3A_1057 = arith.constant 0.000000e+00 : f32
      %parallel_loop3A_1058 = vector.broadcast %parallel_loop3A_1057 : f32 to vector<16xf32>
      %parallel_loop3A_1059 = arith.cmpf ogt, %parallel_loop3A_1050, %parallel_loop3A_1058 : vector<16xf32>
      %parallel_loop3A_1060 = arith.constant 65536 : i32
      %parallel_loop3A_1061 = vector.broadcast %parallel_loop3A_1060 : i32 to vector<16xi32>
      %parallel_loop3A_1062 = arith.addi %parallel_loop3A_1056, %parallel_loop3A_1061 : vector<16xi32>
      %parallel_loop3A_1063 = arith.select %parallel_loop3A_1059, %parallel_loop3A_1062, %parallel_loop3A_1056 : vector<16xi1>, vector<16xi32>
      %parallel_loop3A_1064 = arith.addi %parallel_loop3A_1040, %parallel_loop3A_1063 : vector<16xi32>
      %parallel_loop3A_1065 = arith.constant 0 : i32
      %parallel_loop3A_1066 = vector.broadcast %parallel_loop3A_1065 : i32 to vector<16xi32>
      %parallel_loop3A_1067 = arith.select %parallel_loop3A_1059, %parallel_loop3A_1056, %parallel_loop3A_1066 : vector<16xi1>, vector<16xi32>
      %parallel_loop3A_1068 = arith.addi %parallel_loop3A_1044, %parallel_loop3A_1067 : vector<16xi32>
      %parallel_loop3A_1069 = arith.constant 0 : i32
      %parallel_loop3A_1070 = arith.index_cast %parallel_loop3A_1069 : i32 to index
      %parallel_loop3A_1071 = arith.index_cast %parallel_loop3A_322 : i32 to index
      %parallel_loop3A_1072 = arith.constant 496 : index
      %parallel_loop3A_1073 = tpu.vector_load %arg5[%parallel_loop3A_1070, %parallel_loop3A_1071, %parallel_loop3A_1072] {strides = array<i32>} : memref<2x32x512xf32, #tpu.memory_space<vmem>>, vector<1x1x16xf32>,
      %parallel_loop3A_1074 = vector.shape_cast %parallel_loop3A_1073 : vector<1x1x16xf32> to vector<16xf32>
      %parallel_loop3A_1075 = arith.constant 0 : i32
      %parallel_loop3A_1076 = arith.index_cast %parallel_loop3A_1075 : i32 to index
      %parallel_loop3A_1077 = arith.index_cast %parallel_loop3A_322 : i32 to index
      %parallel_loop3A_1078 = arith.constant 496 : index
      %parallel_loop3A_1079 = tpu.vector_load %arg6[%parallel_loop3A_1076, %parallel_loop3A_1077, %parallel_loop3A_1078] {strides = array<i32>} : memref<2x32x512xi32, #tpu.memory_space<vmem>>, vector<1x1x16xi32>,
      %parallel_loop3A_1080 = vector.shape_cast %parallel_loop3A_1079 : vector<1x1x16xi32> to vector<16xi32>
      %parallel_loop3A_1081 = arith.constant 0.000000e+00 : f32
      %parallel_loop3A_1082 = vector.broadcast %parallel_loop3A_1081 : f32 to vector<16xf32>
      %parallel_loop3A_1083 = arith.cmpf ogt, %parallel_loop3A_1074, %parallel_loop3A_1082 : vector<16xf32>
      %parallel_loop3A_1084 = arith.constant 65536 : i32
      %parallel_loop3A_1085 = vector.broadcast %parallel_loop3A_1084 : i32 to vector<16xi32>
      %parallel_loop3A_1086 = arith.addi %parallel_loop3A_1080, %parallel_loop3A_1085 : vector<16xi32>
      %parallel_loop3A_1087 = arith.select %parallel_loop3A_1083, %parallel_loop3A_1086, %parallel_loop3A_1080 : vector<16xi1>, vector<16xi32>
      %parallel_loop3A_1088 = arith.addi %parallel_loop3A_1064, %parallel_loop3A_1087 : vector<16xi32>
      %parallel_loop3A_1089 = arith.constant 0 : i32
      %parallel_loop3A_1090 = vector.broadcast %parallel_loop3A_1089 : i32 to vector<16xi32>
      %parallel_loop3A_1091 = arith.select %parallel_loop3A_1083, %parallel_loop3A_1080, %parallel_loop3A_1090 : vector<16xi1>, vector<16xi32>
      %parallel_loop3A_1092 = arith.addi %parallel_loop3A_1068, %parallel_loop3A_1091 : vector<16xi32>
      scf.yield %parallel_loop3A_1088, %parallel_loop3A_1092 : vector<16xi32>, vector<16xi32>
    } {sc.loop_unroll_factor = 2 : i64, sc.parallel_access}
    %dma_wait3A_131 = arith.constant 1 : i32
    %dma_wait3A_132 = arith.constant 0 : i32
    %dma_wait3A_133 = arith.constant 0 : i32
    %dma_wait3A_134 = tpu.memref_slice %arg5[%dma_wait3A_131, %dma_wait3A_132, %dma_wait3A_133] : memref<2x32x512xf32, #tpu.memory_space<vmem>> -> memref<1x32x512xf32, #tpu.memory_space<vmem>>
    %dma_wait3A_135 = tpu.memref_squeeze %dma_wait3A_134 : memref<1x32x512xf32, #tpu.memory_space<vmem>> -> memref<32x512xf32, #tpu.memory_space<vmem>>
    %dma_wait3A_136 = arith.constant 0 : i32
    %dma_wait3A_137 = tpu.memref_slice %arg2[%select_n3A, %add3A_97, %dma_wait3A_136] : memref<16x512x512xf32, #tpu.memory_space<hbm>> -> memref<1x32x512xf32, #tpu.memory_space<hbm>>
    %dma_wait3A_138 = tpu.memref_squeeze %dma_wait3A_137 : memref<1x32x512xf32, #tpu.memory_space<hbm>> -> memref<32x512xf32, #tpu.memory_space<hbm>>
    %dma_wait3A_139 = arith.constant 0 : i32
    %dma_wait3A_140 = arith.constant 0 : i32
    %dma_wait3A_141 = tpu.memref_slice %arg5[%dma_wait3A_131, %dma_wait3A_139, %dma_wait3A_140] : memref<2x32x512xf32, #tpu.memory_space<vmem>> -> memref<1x32x512xf32, #tpu.memory_space<vmem>>
    %dma_wait3A_142 = tpu.memref_squeeze %dma_wait3A_141 : memref<1x32x512xf32, #tpu.memory_space<vmem>> -> memref<32x512xf32, #tpu.memory_space<vmem>>
    %dma_wait3A_143 = arith.constant 0 : i32
    %dma_wait3A_144 = tpu.memref_slice %arg2[%select_n3A, %add3A_97, %dma_wait3A_143] : memref<16x512x512xf32, #tpu.memory_space<hbm>> -> memref<1x32x512xf32, #tpu.memory_space<hbm>>
    %dma_wait3A_145 = tpu.memref_squeeze %dma_wait3A_144 : memref<1x32x512xf32, #tpu.memory_space<hbm>> -> memref<32x512xf32, #tpu.memory_space<hbm>>
    tpu.wait_dma2 semaphore(%arg10 : memref<!tpu.dma_semaphore, #tpu.memory_space<semaphore_mem>>) src(%dma_wait3A_145 : memref<32x512xf32, #tpu.memory_space<hbm>>) dst(%dma_wait3A_142 : memref<32x512xf32, #tpu.memory_space<vmem>>)
    %dma_wait3A_146 = arith.constant 1 : i32
    %dma_wait3A_147 = arith.constant 0 : i32
    %dma_wait3A_148 = arith.constant 0 : i32
    %dma_wait3A_149 = tpu.memref_slice %arg6[%dma_wait3A_146, %dma_wait3A_147, %dma_wait3A_148] : memref<2x32x512xi32, #tpu.memory_space<vmem>> -> memref<1x32x512xi32, #tpu.memory_space<vmem>>
    %dma_wait3A_150 = tpu.memref_squeeze %dma_wait3A_149 : memref<1x32x512xi32, #tpu.memory_space<vmem>> -> memref<32x512xi32, #tpu.memory_space<vmem>>
    %dma_wait3A_151 = arith.constant 0 : i32
    %dma_wait3A_152 = tpu.memref_slice %arg3[%select_n3A, %add3A_97, %dma_wait3A_151] : memref<16x512x512xi32, #tpu.memory_space<hbm>> -> memref<1x32x512xi32, #tpu.memory_space<hbm>>
    %dma_wait3A_153 = tpu.memref_squeeze %dma_wait3A_152 : memref<1x32x512xi32, #tpu.memory_space<hbm>> -> memref<32x512xi32, #tpu.memory_space<hbm>>
    %dma_wait3A_154 = arith.constant 0 : i32
    %dma_wait3A_155 = arith.constant 0 : i32
    %dma_wait3A_156 = tpu.memref_slice %arg6[%dma_wait3A_146, %dma_wait3A_154, %dma_wait3A_155] : memref<2x32x512xi32, #tpu.memory_space<vmem>> -> memref<1x32x512xi32, #tpu.memory_space<vmem>>
    %dma_wait3A_157 = tpu.memref_squeeze %dma_wait3A_156 : memref<1x32x512xi32, #tpu.memory_space<vmem>> -> memref<32x512xi32, #tpu.memory_space<vmem>>
    %dma_wait3A_158 = arith.constant 0 : i32
    %dma_wait3A_159 = tpu.memref_slice %arg3[%select_n3A, %add3A_97, %dma_wait3A_158] : memref<16x512x512xi32, #tpu.memory_space<hbm>> -> memref<1x32x512xi32, #tpu.memory_space<hbm>>
    %dma_wait3A_160 = tpu.memref_squeeze %dma_wait3A_159 : memref<1x32x512xi32, #tpu.memory_space<hbm>> -> memref<32x512xi32, #tpu.memory_space<hbm>>
    tpu.wait_dma2 semaphore(%arg10 : memref<!tpu.dma_semaphore, #tpu.memory_space<semaphore_mem>>) src(%dma_wait3A_160 : memref<32x512xi32, #tpu.memory_space<hbm>>) dst(%dma_wait3A_157 : memref<32x512xi32, #tpu.memory_space<vmem>>)
    %add3A_161 = arith.constant 64 : i32
    %add3A_162 = arith.addi %mul3A_32, %add3A_161 : i32
    %dma_start3A_163 = arith.constant 0 : i32
    %dma_start3A_164 = arith.constant 0 : i32
    %dma_start3A_165 = arith.constant 0 : i32
    %dma_start3A_166 = tpu.memref_slice %arg5[%dma_start3A_163, %dma_start3A_164, %dma_start3A_165] : memref<2x32x512xf32, #tpu.memory_space<vmem>> -> memref<1x32x512xf32, #tpu.memory_space<vmem>>
    %dma_start3A_167 = tpu.memref_squeeze %dma_start3A_166 : memref<1x32x512xf32, #tpu.memory_space<vmem>> -> memref<32x512xf32, #tpu.memory_space<vmem>>
    %dma_start3A_168 = arith.constant 0 : i32
    %dma_start3A_169 = tpu.memref_slice %arg2[%select_n3A, %add3A_162, %dma_start3A_168] : memref<16x512x512xf32, #tpu.memory_space<hbm>> -> memref<1x32x512xf32, #tpu.memory_space<hbm>>
    %dma_start3A_170 = tpu.memref_squeeze %dma_start3A_169 : memref<1x32x512xf32, #tpu.memory_space<hbm>> -> memref<32x512xf32, #tpu.memory_space<hbm>>
    %dma_start3A_171 = arith.constant 0 : i32
    %dma_start3A_172 = arith.constant 0 : i32
    %dma_start3A_173 = tpu.memref_slice %arg5[%dma_start3A_163, %dma_start3A_171, %dma_start3A_172] : memref<2x32x512xf32, #tpu.memory_space<vmem>> -> memref<1x32x512xf32, #tpu.memory_space<vmem>>
    %dma_start3A_174 = tpu.memref_squeeze %dma_start3A_173 : memref<1x32x512xf32, #tpu.memory_space<vmem>> -> memref<32x512xf32, #tpu.memory_space<vmem>>
    %dma_start3A_175 = arith.constant 0 : i32
    %dma_start3A_176 = tpu.memref_slice %arg2[%select_n3A, %add3A_162, %dma_start3A_175] : memref<16x512x512xf32, #tpu.memory_space<hbm>> -> memref<1x32x512xf32, #tpu.memory_space<hbm>>
    %dma_start3A_177 = tpu.memref_squeeze %dma_start3A_176 : memref<1x32x512xf32, #tpu.memory_space<hbm>> -> memref<32x512xf32, #tpu.memory_space<hbm>>
    tpu.enqueue_dma source(%dma_start3A_177 : memref<32x512xf32, #tpu.memory_space<hbm>>) target(%dma_start3A_174 : memref<32x512xf32, #tpu.memory_space<vmem>>) target_semaphore(%arg9 : memref<!tpu.dma_semaphore, #tpu.memory_space<semaphore_mem>>)
    %dma_start3A_178 = arith.constant 0 : i32
    %dma_start3A_179 = arith.constant 0 : i32
    %dma_start3A_180 = arith.constant 0 : i32
    %dma_start3A_181 = tpu.memref_slice %arg6[%dma_start3A_178, %dma_start3A_179, %dma_start3A_180] : memref<2x32x512xi32, #tpu.memory_space<vmem>> -> memref<1x32x512xi32, #tpu.memory_space<vmem>>
    %dma_start3A_182 = tpu.memref_squeeze %dma_start3A_181 : memref<1x32x512xi32, #tpu.memory_space<vmem>> -> memref<32x512xi32, #tpu.memory_space<vmem>>
    %dma_start3A_183 = arith.constant 0 : i32
    %dma_start3A_184 = tpu.memref_slice %arg3[%select_n3A, %add3A_162, %dma_start3A_183] : memref<16x512x512xi32, #tpu.memory_space<hbm>> -> memref<1x32x512xi32, #tpu.memory_space<hbm>>
    %dma_start3A_185 = tpu.memref_squeeze %dma_start3A_184 : memref<1x32x512xi32, #tpu.memory_space<hbm>> -> memref<32x512xi32, #tpu.memory_space<hbm>>
    %dma_start3A_186 = arith.constant 0 : i32
    %dma_start3A_187 = arith.constant 0 : i32
    %dma_start3A_188 = tpu.memref_slice %arg6[%dma_start3A_178, %dma_start3A_186, %dma_start3A_187] : memref<2x32x512xi32, #tpu.memory_space<vmem>> -> memref<1x32x512xi32, #tpu.memory_space<vmem>>
    %dma_start3A_189 = tpu.memref_squeeze %dma_start3A_188 : memref<1x32x512xi32, #tpu.memory_space<vmem>> -> memref<32x512xi32, #tpu.memory_space<vmem>>
    %dma_start3A_190 = arith.constant 0 : i32
    %dma_start3A_191 = tpu.memref_slice %arg3[%select_n3A, %add3A_162, %dma_start3A_190] : memref<16x512x512xi32, #tpu.memory_space<hbm>> -> memref<1x32x512xi32, #tpu.memory_space<hbm>>
    %dma_start3A_192 = tpu.memref_squeeze %dma_start3A_191 : memref<1x32x512xi32, #tpu.memory_space<hbm>> -> memref<32x512xi32, #tpu.memory_space<hbm>>
    tpu.enqueue_dma source(%dma_start3A_192 : memref<32x512xi32, #tpu.memory_space<hbm>>) target(%dma_start3A_189 : memref<32x512xi32, #tpu.memory_space<vmem>>) target_semaphore(%arg9 : memref<!tpu.dma_semaphore, #tpu.memory_space<semaphore_mem>>)
    %parallel_loop3A_193 = arith.constant 0 : i32
    %parallel_loop3A_194 = arith.constant 32 : i32
    %parallel_loop3A_195 = arith.constant 1 : i32
    %parallel_loop3A_196:2 = scf.for %parallel_loop3A_322 = %parallel_loop3A_193 to %parallel_loop3A_194 step %parallel_loop3A_195 iter_args(%parallel_loop3A_323 = %parallel_loop3A_130#0, %parallel_loop3A_324 = %parallel_loop3A_130#1) -> (vector<16xi32>, vector<16xi32>)  : i32 {
      %parallel_loop3A_325 = arith.constant 1 : i32
      %parallel_loop3A_326 = arith.index_cast %parallel_loop3A_325 : i32 to index
      %parallel_loop3A_327 = arith.index_cast %parallel_loop3A_322 : i32 to index
      %parallel_loop3A_328 = arith.constant 0 : index
      %parallel_loop3A_329 = tpu.vector_load %arg5[%parallel_loop3A_326, %parallel_loop3A_327, %parallel_loop3A_328] {strides = array<i32>} : memref<2x32x512xf32, #tpu.memory_space<vmem>>, vector<1x1x16xf32>,
      %parallel_loop3A_330 = vector.shape_cast %parallel_loop3A_329 : vector<1x1x16xf32> to vector<16xf32>
      %parallel_loop3A_331 = arith.constant 1 : i32
      %parallel_loop3A_332 = arith.index_cast %parallel_loop3A_331 : i32 to index
      %parallel_loop3A_333 = arith.index_cast %parallel_loop3A_322 : i32 to index
      %parallel_loop3A_334 = arith.constant 0 : index
      %parallel_loop3A_335 = tpu.vector_load %arg6[%parallel_loop3A_332, %parallel_loop3A_333, %parallel_loop3A_334] {strides = array<i32>} : memref<2x32x512xi32, #tpu.memory_space<vmem>>, vector<1x1x16xi32>,
      %parallel_loop3A_336 = vector.shape_cast %parallel_loop3A_335 : vector<1x1x16xi32> to vector<16xi32>
      %parallel_loop3A_337 = arith.constant 0.000000e+00 : f32
      %parallel_loop3A_338 = vector.broadcast %parallel_loop3A_337 : f32 to vector<16xf32>
      %parallel_loop3A_339 = arith.cmpf ogt, %parallel_loop3A_330, %parallel_loop3A_338 : vector<16xf32>
      %parallel_loop3A_340 = arith.constant 65536 : i32
      %parallel_loop3A_341 = vector.broadcast %parallel_loop3A_340 : i32 to vector<16xi32>
      %parallel_loop3A_342 = arith.addi %parallel_loop3A_336, %parallel_loop3A_341 : vector<16xi32>
      %parallel_loop3A_343 = arith.select %parallel_loop3A_339, %parallel_loop3A_342, %parallel_loop3A_336 : vector<16xi1>, vector<16xi32>
      %parallel_loop3A_344 = arith.addi %parallel_loop3A_323, %parallel_loop3A_343 : vector<16xi32>
      %parallel_loop3A_345 = arith.constant 0 : i32
      %parallel_loop3A_346 = vector.broadcast %parallel_loop3A_345 : i32 to vector<16xi32>
      %parallel_loop3A_347 = arith.select %parallel_loop3A_339, %parallel_loop3A_336, %parallel_loop3A_346 : vector<16xi1>, vector<16xi32>
      %parallel_loop3A_348 = arith.addi %parallel_loop3A_324, %parallel_loop3A_347 : vector<16xi32>
      %parallel_loop3A_349 = arith.constant 1 : i32
      %parallel_loop3A_350 = arith.index_cast %parallel_loop3A_349 : i32 to index
      %parallel_loop3A_351 = arith.index_cast %parallel_loop3A_322 : i32 to index
      %parallel_loop3A_352 = arith.constant 16 : index
      %parallel_loop3A_353 = tpu.vector_load %arg5[%parallel_loop3A_350, %parallel_loop3A_351, %parallel_loop3A_352] {strides = array<i32>} : memref<2x32x512xf32, #tpu.memory_space<vmem>>, vector<1x1x16xf32>,
      %parallel_loop3A_354 = vector.shape_cast %parallel_loop3A_353 : vector<1x1x16xf32> to vector<16xf32>
      %parallel_loop3A_355 = arith.constant 1 : i32
      %parallel_loop3A_356 = arith.index_cast %parallel_loop3A_355 : i32 to index
      %parallel_loop3A_357 = arith.index_cast %parallel_loop3A_322 : i32 to index
      %parallel_loop3A_358 = arith.constant 16 : index
      %parallel_loop3A_359 = tpu.vector_load %arg6[%parallel_loop3A_356, %parallel_loop3A_357, %parallel_loop3A_358] {strides = array<i32>} : memref<2x32x512xi32, #tpu.memory_space<vmem>>, vector<1x1x16xi32>,
      %parallel_loop3A_360 = vector.shape_cast %parallel_loop3A_359 : vector<1x1x16xi32> to vector<16xi32>
      %parallel_loop3A_361 = arith.constant 0.000000e+00 : f32
      %parallel_loop3A_362 = vector.broadcast %parallel_loop3A_361 : f32 to vector<16xf32>
      %parallel_loop3A_363 = arith.cmpf ogt, %parallel_loop3A_354, %parallel_loop3A_362 : vector<16xf32>
      %parallel_loop3A_364 = arith.constant 65536 : i32
      %parallel_loop3A_365 = vector.broadcast %parallel_loop3A_364 : i32 to vector<16xi32>
      %parallel_loop3A_366 = arith.addi %parallel_loop3A_360, %parallel_loop3A_365 : vector<16xi32>
      %parallel_loop3A_367 = arith.select %parallel_loop3A_363, %parallel_loop3A_366, %parallel_loop3A_360 : vector<16xi1>, vector<16xi32>
      %parallel_loop3A_368 = arith.addi %parallel_loop3A_344, %parallel_loop3A_367 : vector<16xi32>
      %parallel_loop3A_369 = arith.constant 0 : i32
      %parallel_loop3A_370 = vector.broadcast %parallel_loop3A_369 : i32 to vector<16xi32>
      %parallel_loop3A_371 = arith.select %parallel_loop3A_363, %parallel_loop3A_360, %parallel_loop3A_370 : vector<16xi1>, vector<16xi32>
      %parallel_loop3A_372 = arith.addi %parallel_loop3A_348, %parallel_loop3A_371 : vector<16xi32>
      %parallel_loop3A_373 = arith.constant 1 : i32
      %parallel_loop3A_374 = arith.index_cast %parallel_loop3A_373 : i32 to index
      %parallel_loop3A_375 = arith.index_cast %parallel_loop3A_322 : i32 to index
      %parallel_loop3A_376 = arith.constant 32 : index
      %parallel_loop3A_377 = tpu.vector_load %arg5[%parallel_loop3A_374, %parallel_loop3A_375, %parallel_loop3A_376] {strides = array<i32>} : memref<2x32x512xf32, #tpu.memory_space<vmem>>, vector<1x1x16xf32>,
      %parallel_loop3A_378 = vector.shape_cast %parallel_loop3A_377 : vector<1x1x16xf32> to vector<16xf32>
      %parallel_loop3A_379 = arith.constant 1 : i32
      %parallel_loop3A_380 = arith.index_cast %parallel_loop3A_379 : i32 to index
      %parallel_loop3A_381 = arith.index_cast %parallel_loop3A_322 : i32 to index
      %parallel_loop3A_382 = arith.constant 32 : index
      %parallel_loop3A_383 = tpu.vector_load %arg6[%parallel_loop3A_380, %parallel_loop3A_381, %parallel_loop3A_382] {strides = array<i32>} : memref<2x32x512xi32, #tpu.memory_space<vmem>>, vector<1x1x16xi32>,
      %parallel_loop3A_384 = vector.shape_cast %parallel_loop3A_383 : vector<1x1x16xi32> to vector<16xi32>
      %parallel_loop3A_385 = arith.constant 0.000000e+00 : f32
      %parallel_loop3A_386 = vector.broadcast %parallel_loop3A_385 : f32 to vector<16xf32>
      %parallel_loop3A_387 = arith.cmpf ogt, %parallel_loop3A_378, %parallel_loop3A_386 : vector<16xf32>
      %parallel_loop3A_388 = arith.constant 65536 : i32
      %parallel_loop3A_389 = vector.broadcast %parallel_loop3A_388 : i32 to vector<16xi32>
      %parallel_loop3A_390 = arith.addi %parallel_loop3A_384, %parallel_loop3A_389 : vector<16xi32>
      %parallel_loop3A_391 = arith.select %parallel_loop3A_387, %parallel_loop3A_390, %parallel_loop3A_384 : vector<16xi1>, vector<16xi32>
      %parallel_loop3A_392 = arith.addi %parallel_loop3A_368, %parallel_loop3A_391 : vector<16xi32>
      %parallel_loop3A_393 = arith.constant 0 : i32
      %parallel_loop3A_394 = vector.broadcast %parallel_loop3A_393 : i32 to vector<16xi32>
      %parallel_loop3A_395 = arith.select %parallel_loop3A_387, %parallel_loop3A_384, %parallel_loop3A_394 : vector<16xi1>, vector<16xi32>
      %parallel_loop3A_396 = arith.addi %parallel_loop3A_372, %parallel_loop3A_395 : vector<16xi32>
      %parallel_loop3A_397 = arith.constant 1 : i32
      %parallel_loop3A_398 = arith.index_cast %parallel_loop3A_397 : i32 to index
      %parallel_loop3A_399 = arith.index_cast %parallel_loop3A_322 : i32 to index
      %parallel_loop3A_400 = arith.constant 48 : index
      %parallel_loop3A_401 = tpu.vector_load %arg5[%parallel_loop3A_398, %parallel_loop3A_399, %parallel_loop3A_400] {strides = array<i32>} : memref<2x32x512xf32, #tpu.memory_space<vmem>>, vector<1x1x16xf32>,
      %parallel_loop3A_402 = vector.shape_cast %parallel_loop3A_401 : vector<1x1x16xf32> to vector<16xf32>
      %parallel_loop3A_403 = arith.constant 1 : i32
      %parallel_loop3A_404 = arith.index_cast %parallel_loop3A_403 : i32 to index
      %parallel_loop3A_405 = arith.index_cast %parallel_loop3A_322 : i32 to index
      %parallel_loop3A_406 = arith.constant 48 : index
      %parallel_loop3A_407 = tpu.vector_load %arg6[%parallel_loop3A_404, %parallel_loop3A_405, %parallel_loop3A_406] {strides = array<i32>} : memref<2x32x512xi32, #tpu.memory_space<vmem>>, vector<1x1x16xi32>,
      %parallel_loop3A_408 = vector.shape_cast %parallel_loop3A_407 : vector<1x1x16xi32> to vector<16xi32>
      %parallel_loop3A_409 = arith.constant 0.000000e+00 : f32
      %parallel_loop3A_410 = vector.broadcast %parallel_loop3A_409 : f32 to vector<16xf32>
      %parallel_loop3A_411 = arith.cmpf ogt, %parallel_loop3A_402, %parallel_loop3A_410 : vector<16xf32>
      %parallel_loop3A_412 = arith.constant 65536 : i32
      %parallel_loop3A_413 = vector.broadcast %parallel_loop3A_412 : i32 to vector<16xi32>
      %parallel_loop3A_414 = arith.addi %parallel_loop3A_408, %parallel_loop3A_413 : vector<16xi32>
      %parallel_loop3A_415 = arith.select %parallel_loop3A_411, %parallel_loop3A_414, %parallel_loop3A_408 : vector<16xi1>, vector<16xi32>
      %parallel_loop3A_416 = arith.addi %parallel_loop3A_392, %parallel_loop3A_415 : vector<16xi32>
      %parallel_loop3A_417 = arith.constant 0 : i32
      %parallel_loop3A_418 = vector.broadcast %parallel_loop3A_417 : i32 to vector<16xi32>
      %parallel_loop3A_419 = arith.select %parallel_loop3A_411, %parallel_loop3A_408, %parallel_loop3A_418 : vector<16xi1>, vector<16xi32>
      %parallel_loop3A_420 = arith.addi %parallel_loop3A_396, %parallel_loop3A_419 : vector<16xi32>
      %parallel_loop3A_421 = arith.constant 1 : i32
      %parallel_loop3A_422 = arith.index_cast %parallel_loop3A_421 : i32 to index
      %parallel_loop3A_423 = arith.index_cast %parallel_loop3A_322 : i32 to index
      %parallel_loop3A_424 = arith.constant 64 : index
      %parallel_loop3A_425 = tpu.vector_load %arg5[%parallel_loop3A_422, %parallel_loop3A_423, %parallel_loop3A_424] {strides = array<i32>} : memref<2x32x512xf32, #tpu.memory_space<vmem>>, vector<1x1x16xf32>,
      %parallel_loop3A_426 = vector.shape_cast %parallel_loop3A_425 : vector<1x1x16xf32> to vector<16xf32>
      %parallel_loop3A_427 = arith.constant 1 : i32
      %parallel_loop3A_428 = arith.index_cast %parallel_loop3A_427 : i32 to index
      %parallel_loop3A_429 = arith.index_cast %parallel_loop3A_322 : i32 to index
      %parallel_loop3A_430 = arith.constant 64 : index
      %parallel_loop3A_431 = tpu.vector_load %arg6[%parallel_loop3A_428, %parallel_loop3A_429, %parallel_loop3A_430] {strides = array<i32>} : memref<2x32x512xi32, #tpu.memory_space<vmem>>, vector<1x1x16xi32>,
      %parallel_loop3A_432 = vector.shape_cast %parallel_loop3A_431 : vector<1x1x16xi32> to vector<16xi32>
      %parallel_loop3A_433 = arith.constant 0.000000e+00 : f32
      %parallel_loop3A_434 = vector.broadcast %parallel_loop3A_433 : f32 to vector<16xf32>
      %parallel_loop3A_435 = arith.cmpf ogt, %parallel_loop3A_426, %parallel_loop3A_434 : vector<16xf32>
      %parallel_loop3A_436 = arith.constant 65536 : i32
      %parallel_loop3A_437 = vector.broadcast %parallel_loop3A_436 : i32 to vector<16xi32>
      %parallel_loop3A_438 = arith.addi %parallel_loop3A_432, %parallel_loop3A_437 : vector<16xi32>
      %parallel_loop3A_439 = arith.select %parallel_loop3A_435, %parallel_loop3A_438, %parallel_loop3A_432 : vector<16xi1>, vector<16xi32>
      %parallel_loop3A_440 = arith.addi %parallel_loop3A_416, %parallel_loop3A_439 : vector<16xi32>
      %parallel_loop3A_441 = arith.constant 0 : i32
      %parallel_loop3A_442 = vector.broadcast %parallel_loop3A_441 : i32 to vector<16xi32>
      %parallel_loop3A_443 = arith.select %parallel_loop3A_435, %parallel_loop3A_432, %parallel_loop3A_442 : vector<16xi1>, vector<16xi32>
      %parallel_loop3A_444 = arith.addi %parallel_loop3A_420, %parallel_loop3A_443 : vector<16xi32>
      %parallel_loop3A_445 = arith.constant 1 : i32
      %parallel_loop3A_446 = arith.index_cast %parallel_loop3A_445 : i32 to index
      %parallel_loop3A_447 = arith.index_cast %parallel_loop3A_322 : i32 to index
      %parallel_loop3A_448 = arith.constant 80 : index
      %parallel_loop3A_449 = tpu.vector_load %arg5[%parallel_loop3A_446, %parallel_loop3A_447, %parallel_loop3A_448] {strides = array<i32>} : memref<2x32x512xf32, #tpu.memory_space<vmem>>, vector<1x1x16xf32>,
      %parallel_loop3A_450 = vector.shape_cast %parallel_loop3A_449 : vector<1x1x16xf32> to vector<16xf32>
      %parallel_loop3A_451 = arith.constant 1 : i32
      %parallel_loop3A_452 = arith.index_cast %parallel_loop3A_451 : i32 to index
      %parallel_loop3A_453 = arith.index_cast %parallel_loop3A_322 : i32 to index
      %parallel_loop3A_454 = arith.constant 80 : index
      %parallel_loop3A_455 = tpu.vector_load %arg6[%parallel_loop3A_452, %parallel_loop3A_453, %parallel_loop3A_454] {strides = array<i32>} : memref<2x32x512xi32, #tpu.memory_space<vmem>>, vector<1x1x16xi32>,
      %parallel_loop3A_456 = vector.shape_cast %parallel_loop3A_455 : vector<1x1x16xi32> to vector<16xi32>
      %parallel_loop3A_457 = arith.constant 0.000000e+00 : f32
      %parallel_loop3A_458 = vector.broadcast %parallel_loop3A_457 : f32 to vector<16xf32>
      %parallel_loop3A_459 = arith.cmpf ogt, %parallel_loop3A_450, %parallel_loop3A_458 : vector<16xf32>
      %parallel_loop3A_460 = arith.constant 65536 : i32
      %parallel_loop3A_461 = vector.broadcast %parallel_loop3A_460 : i32 to vector<16xi32>
      %parallel_loop3A_462 = arith.addi %parallel_loop3A_456, %parallel_loop3A_461 : vector<16xi32>
      %parallel_loop3A_463 = arith.select %parallel_loop3A_459, %parallel_loop3A_462, %parallel_loop3A_456 : vector<16xi1>, vector<16xi32>
      %parallel_loop3A_464 = arith.addi %parallel_loop3A_440, %parallel_loop3A_463 : vector<16xi32>
      %parallel_loop3A_465 = arith.constant 0 : i32
      %parallel_loop3A_466 = vector.broadcast %parallel_loop3A_465 : i32 to vector<16xi32>
      %parallel_loop3A_467 = arith.select %parallel_loop3A_459, %parallel_loop3A_456, %parallel_loop3A_466 : vector<16xi1>, vector<16xi32>
      %parallel_loop3A_468 = arith.addi %parallel_loop3A_444, %parallel_loop3A_467 : vector<16xi32>
      %parallel_loop3A_469 = arith.constant 1 : i32
      %parallel_loop3A_470 = arith.index_cast %parallel_loop3A_469 : i32 to index
      %parallel_loop3A_471 = arith.index_cast %parallel_loop3A_322 : i32 to index
      %parallel_loop3A_472 = arith.constant 96 : index
      %parallel_loop3A_473 = tpu.vector_load %arg5[%parallel_loop3A_470, %parallel_loop3A_471, %parallel_loop3A_472] {strides = array<i32>} : memref<2x32x512xf32, #tpu.memory_space<vmem>>, vector<1x1x16xf32>,
      %parallel_loop3A_474 = vector.shape_cast %parallel_loop3A_473 : vector<1x1x16xf32> to vector<16xf32>
      %parallel_loop3A_475 = arith.constant 1 : i32
      %parallel_loop3A_476 = arith.index_cast %parallel_loop3A_475 : i32 to index
      %parallel_loop3A_477 = arith.index_cast %parallel_loop3A_322 : i32 to index
      %parallel_loop3A_478 = arith.constant 96 : index
      %parallel_loop3A_479 = tpu.vector_load %arg6[%parallel_loop3A_476, %parallel_loop3A_477, %parallel_loop3A_478] {strides = array<i32>} : memref<2x32x512xi32, #tpu.memory_space<vmem>>, vector<1x1x16xi32>,
      %parallel_loop3A_480 = vector.shape_cast %parallel_loop3A_479 : vector<1x1x16xi32> to vector<16xi32>
      %parallel_loop3A_481 = arith.constant 0.000000e+00 : f32
      %parallel_loop3A_482 = vector.broadcast %parallel_loop3A_481 : f32 to vector<16xf32>
      %parallel_loop3A_483 = arith.cmpf ogt, %parallel_loop3A_474, %parallel_loop3A_482 : vector<16xf32>
      %parallel_loop3A_484 = arith.constant 65536 : i32
      %parallel_loop3A_485 = vector.broadcast %parallel_loop3A_484 : i32 to vector<16xi32>
      %parallel_loop3A_486 = arith.addi %parallel_loop3A_480, %parallel_loop3A_485 : vector<16xi32>
      %parallel_loop3A_487 = arith.select %parallel_loop3A_483, %parallel_loop3A_486, %parallel_loop3A_480 : vector<16xi1>, vector<16xi32>
      %parallel_loop3A_488 = arith.addi %parallel_loop3A_464, %parallel_loop3A_487 : vector<16xi32>
      %parallel_loop3A_489 = arith.constant 0 : i32
      %parallel_loop3A_490 = vector.broadcast %parallel_loop3A_489 : i32 to vector<16xi32>
      %parallel_loop3A_491 = arith.select %parallel_loop3A_483, %parallel_loop3A_480, %parallel_loop3A_490 : vector<16xi1>, vector<16xi32>
      %parallel_loop3A_492 = arith.addi %parallel_loop3A_468, %parallel_loop3A_491 : vector<16xi32>
      %parallel_loop3A_493 = arith.constant 1 : i32
      %parallel_loop3A_494 = arith.index_cast %parallel_loop3A_493 : i32 to index
      %parallel_loop3A_495 = arith.index_cast %parallel_loop3A_322 : i32 to index
      %parallel_loop3A_496 = arith.constant 112 : index
      %parallel_loop3A_497 = tpu.vector_load %arg5[%parallel_loop3A_494, %parallel_loop3A_495, %parallel_loop3A_496] {strides = array<i32>} : memref<2x32x512xf32, #tpu.memory_space<vmem>>, vector<1x1x16xf32>,
      %parallel_loop3A_498 = vector.shape_cast %parallel_loop3A_497 : vector<1x1x16xf32> to vector<16xf32>
      %parallel_loop3A_499 = arith.constant 1 : i32
      %parallel_loop3A_500 = arith.index_cast %parallel_loop3A_499 : i32 to index
      %parallel_loop3A_501 = arith.index_cast %parallel_loop3A_322 : i32 to index
      %parallel_loop3A_502 = arith.constant 112 : index
      %parallel_loop3A_503 = tpu.vector_load %arg6[%parallel_loop3A_500, %parallel_loop3A_501, %parallel_loop3A_502] {strides = array<i32>} : memref<2x32x512xi32, #tpu.memory_space<vmem>>, vector<1x1x16xi32>,
      %parallel_loop3A_504 = vector.shape_cast %parallel_loop3A_503 : vector<1x1x16xi32> to vector<16xi32>
      %parallel_loop3A_505 = arith.constant 0.000000e+00 : f32
      %parallel_loop3A_506 = vector.broadcast %parallel_loop3A_505 : f32 to vector<16xf32>
      %parallel_loop3A_507 = arith.cmpf ogt, %parallel_loop3A_498, %parallel_loop3A_506 : vector<16xf32>
      %parallel_loop3A_508 = arith.constant 65536 : i32
      %parallel_loop3A_509 = vector.broadcast %parallel_loop3A_508 : i32 to vector<16xi32>
      %parallel_loop3A_510 = arith.addi %parallel_loop3A_504, %parallel_loop3A_509 : vector<16xi32>
      %parallel_loop3A_511 = arith.select %parallel_loop3A_507, %parallel_loop3A_510, %parallel_loop3A_504 : vector<16xi1>, vector<16xi32>
      %parallel_loop3A_512 = arith.addi %parallel_loop3A_488, %parallel_loop3A_511 : vector<16xi32>
      %parallel_loop3A_513 = arith.constant 0 : i32
      %parallel_loop3A_514 = vector.broadcast %parallel_loop3A_513 : i32 to vector<16xi32>
      %parallel_loop3A_515 = arith.select %parallel_loop3A_507, %parallel_loop3A_504, %parallel_loop3A_514 : vector<16xi1>, vector<16xi32>
      %parallel_loop3A_516 = arith.addi %parallel_loop3A_492, %parallel_loop3A_515 : vector<16xi32>
      %parallel_loop3A_517 = arith.constant 1 : i32
      %parallel_loop3A_518 = arith.index_cast %parallel_loop3A_517 : i32 to index
      %parallel_loop3A_519 = arith.index_cast %parallel_loop3A_322 : i32 to index
      %parallel_loop3A_520 = arith.constant 128 : index
      %parallel_loop3A_521 = tpu.vector_load %arg5[%parallel_loop3A_518, %parallel_loop3A_519, %parallel_loop3A_520] {strides = array<i32>} : memref<2x32x512xf32, #tpu.memory_space<vmem>>, vector<1x1x16xf32>,
      %parallel_loop3A_522 = vector.shape_cast %parallel_loop3A_521 : vector<1x1x16xf32> to vector<16xf32>
      %parallel_loop3A_523 = arith.constant 1 : i32
      %parallel_loop3A_524 = arith.index_cast %parallel_loop3A_523 : i32 to index
      %parallel_loop3A_525 = arith.index_cast %parallel_loop3A_322 : i32 to index
      %parallel_loop3A_526 = arith.constant 128 : index
      %parallel_loop3A_527 = tpu.vector_load %arg6[%parallel_loop3A_524, %parallel_loop3A_525, %parallel_loop3A_526] {strides = array<i32>} : memref<2x32x512xi32, #tpu.memory_space<vmem>>, vector<1x1x16xi32>,
      %parallel_loop3A_528 = vector.shape_cast %parallel_loop3A_527 : vector<1x1x16xi32> to vector<16xi32>
      %parallel_loop3A_529 = arith.constant 0.000000e+00 : f32
      %parallel_loop3A_530 = vector.broadcast %parallel_loop3A_529 : f32 to vector<16xf32>
      %parallel_loop3A_531 = arith.cmpf ogt, %parallel_loop3A_522, %parallel_loop3A_530 : vector<16xf32>
      %parallel_loop3A_532 = arith.constant 65536 : i32
      %parallel_loop3A_533 = vector.broadcast %parallel_loop3A_532 : i32 to vector<16xi32>
      %parallel_loop3A_534 = arith.addi %parallel_loop3A_528, %parallel_loop3A_533 : vector<16xi32>
      %parallel_loop3A_535 = arith.select %parallel_loop3A_531, %parallel_loop3A_534, %parallel_loop3A_528 : vector<16xi1>, vector<16xi32>
      %parallel_loop3A_536 = arith.addi %parallel_loop3A_512, %parallel_loop3A_535 : vector<16xi32>
      %parallel_loop3A_537 = arith.constant 0 : i32
      %parallel_loop3A_538 = vector.broadcast %parallel_loop3A_537 : i32 to vector<16xi32>
      %parallel_loop3A_539 = arith.select %parallel_loop3A_531, %parallel_loop3A_528, %parallel_loop3A_538 : vector<16xi1>, vector<16xi32>
      %parallel_loop3A_540 = arith.addi %parallel_loop3A_516, %parallel_loop3A_539 : vector<16xi32>
      %parallel_loop3A_541 = arith.constant 1 : i32
      %parallel_loop3A_542 = arith.index_cast %parallel_loop3A_541 : i32 to index
      %parallel_loop3A_543 = arith.index_cast %parallel_loop3A_322 : i32 to index
      %parallel_loop3A_544 = arith.constant 144 : index
      %parallel_loop3A_545 = tpu.vector_load %arg5[%parallel_loop3A_542, %parallel_loop3A_543, %parallel_loop3A_544] {strides = array<i32>} : memref<2x32x512xf32, #tpu.memory_space<vmem>>, vector<1x1x16xf32>,
      %parallel_loop3A_546 = vector.shape_cast %parallel_loop3A_545 : vector<1x1x16xf32> to vector<16xf32>
      %parallel_loop3A_547 = arith.constant 1 : i32
      %parallel_loop3A_548 = arith.index_cast %parallel_loop3A_547 : i32 to index
      %parallel_loop3A_549 = arith.index_cast %parallel_loop3A_322 : i32 to index
      %parallel_loop3A_550 = arith.constant 144 : index
      %parallel_loop3A_551 = tpu.vector_load %arg6[%parallel_loop3A_548, %parallel_loop3A_549, %parallel_loop3A_550] {strides = array<i32>} : memref<2x32x512xi32, #tpu.memory_space<vmem>>, vector<1x1x16xi32>,
      %parallel_loop3A_552 = vector.shape_cast %parallel_loop3A_551 : vector<1x1x16xi32> to vector<16xi32>
      %parallel_loop3A_553 = arith.constant 0.000000e+00 : f32
      %parallel_loop3A_554 = vector.broadcast %parallel_loop3A_553 : f32 to vector<16xf32>
      %parallel_loop3A_555 = arith.cmpf ogt, %parallel_loop3A_546, %parallel_loop3A_554 : vector<16xf32>
      %parallel_loop3A_556 = arith.constant 65536 : i32
      %parallel_loop3A_557 = vector.broadcast %parallel_loop3A_556 : i32 to vector<16xi32>
      %parallel_loop3A_558 = arith.addi %parallel_loop3A_552, %parallel_loop3A_557 : vector<16xi32>
      %parallel_loop3A_559 = arith.select %parallel_loop3A_555, %parallel_loop3A_558, %parallel_loop3A_552 : vector<16xi1>, vector<16xi32>
      %parallel_loop3A_560 = arith.addi %parallel_loop3A_536, %parallel_loop3A_559 : vector<16xi32>
      %parallel_loop3A_561 = arith.constant 0 : i32
      %parallel_loop3A_562 = vector.broadcast %parallel_loop3A_561 : i32 to vector<16xi32>
      %parallel_loop3A_563 = arith.select %parallel_loop3A_555, %parallel_loop3A_552, %parallel_loop3A_562 : vector<16xi1>, vector<16xi32>
      %parallel_loop3A_564 = arith.addi %parallel_loop3A_540, %parallel_loop3A_563 : vector<16xi32>
      %parallel_loop3A_565 = arith.constant 1 : i32
      %parallel_loop3A_566 = arith.index_cast %parallel_loop3A_565 : i32 to index
      %parallel_loop3A_567 = arith.index_cast %parallel_loop3A_322 : i32 to index
      %parallel_loop3A_568 = arith.constant 160 : index
      %parallel_loop3A_569 = tpu.vector_load %arg5[%parallel_loop3A_566, %parallel_loop3A_567, %parallel_loop3A_568] {strides = array<i32>} : memref<2x32x512xf32, #tpu.memory_space<vmem>>, vector<1x1x16xf32>,
      %parallel_loop3A_570 = vector.shape_cast %parallel_loop3A_569 : vector<1x1x16xf32> to vector<16xf32>
      %parallel_loop3A_571 = arith.constant 1 : i32
      %parallel_loop3A_572 = arith.index_cast %parallel_loop3A_571 : i32 to index
      %parallel_loop3A_573 = arith.index_cast %parallel_loop3A_322 : i32 to index
      %parallel_loop3A_574 = arith.constant 160 : index
      %parallel_loop3A_575 = tpu.vector_load %arg6[%parallel_loop3A_572, %parallel_loop3A_573, %parallel_loop3A_574] {strides = array<i32>} : memref<2x32x512xi32, #tpu.memory_space<vmem>>, vector<1x1x16xi32>,
      %parallel_loop3A_576 = vector.shape_cast %parallel_loop3A_575 : vector<1x1x16xi32> to vector<16xi32>
      %parallel_loop3A_577 = arith.constant 0.000000e+00 : f32
      %parallel_loop3A_578 = vector.broadcast %parallel_loop3A_577 : f32 to vector<16xf32>
      %parallel_loop3A_579 = arith.cmpf ogt, %parallel_loop3A_570, %parallel_loop3A_578 : vector<16xf32>
      %parallel_loop3A_580 = arith.constant 65536 : i32
      %parallel_loop3A_581 = vector.broadcast %parallel_loop3A_580 : i32 to vector<16xi32>
      %parallel_loop3A_582 = arith.addi %parallel_loop3A_576, %parallel_loop3A_581 : vector<16xi32>
      %parallel_loop3A_583 = arith.select %parallel_loop3A_579, %parallel_loop3A_582, %parallel_loop3A_576 : vector<16xi1>, vector<16xi32>
      %parallel_loop3A_584 = arith.addi %parallel_loop3A_560, %parallel_loop3A_583 : vector<16xi32>
      %parallel_loop3A_585 = arith.constant 0 : i32
      %parallel_loop3A_586 = vector.broadcast %parallel_loop3A_585 : i32 to vector<16xi32>
      %parallel_loop3A_587 = arith.select %parallel_loop3A_579, %parallel_loop3A_576, %parallel_loop3A_586 : vector<16xi1>, vector<16xi32>
      %parallel_loop3A_588 = arith.addi %parallel_loop3A_564, %parallel_loop3A_587 : vector<16xi32>
      %parallel_loop3A_589 = arith.constant 1 : i32
      %parallel_loop3A_590 = arith.index_cast %parallel_loop3A_589 : i32 to index
      %parallel_loop3A_591 = arith.index_cast %parallel_loop3A_322 : i32 to index
      %parallel_loop3A_592 = arith.constant 176 : index
      %parallel_loop3A_593 = tpu.vector_load %arg5[%parallel_loop3A_590, %parallel_loop3A_591, %parallel_loop3A_592] {strides = array<i32>} : memref<2x32x512xf32, #tpu.memory_space<vmem>>, vector<1x1x16xf32>,
      %parallel_loop3A_594 = vector.shape_cast %parallel_loop3A_593 : vector<1x1x16xf32> to vector<16xf32>
      %parallel_loop3A_595 = arith.constant 1 : i32
      %parallel_loop3A_596 = arith.index_cast %parallel_loop3A_595 : i32 to index
      %parallel_loop3A_597 = arith.index_cast %parallel_loop3A_322 : i32 to index
      %parallel_loop3A_598 = arith.constant 176 : index
      %parallel_loop3A_599 = tpu.vector_load %arg6[%parallel_loop3A_596, %parallel_loop3A_597, %parallel_loop3A_598] {strides = array<i32>} : memref<2x32x512xi32, #tpu.memory_space<vmem>>, vector<1x1x16xi32>,
      %parallel_loop3A_600 = vector.shape_cast %parallel_loop3A_599 : vector<1x1x16xi32> to vector<16xi32>
      %parallel_loop3A_601 = arith.constant 0.000000e+00 : f32
      %parallel_loop3A_602 = vector.broadcast %parallel_loop3A_601 : f32 to vector<16xf32>
      %parallel_loop3A_603 = arith.cmpf ogt, %parallel_loop3A_594, %parallel_loop3A_602 : vector<16xf32>
      %parallel_loop3A_604 = arith.constant 65536 : i32
      %parallel_loop3A_605 = vector.broadcast %parallel_loop3A_604 : i32 to vector<16xi32>
      %parallel_loop3A_606 = arith.addi %parallel_loop3A_600, %parallel_loop3A_605 : vector<16xi32>
      %parallel_loop3A_607 = arith.select %parallel_loop3A_603, %parallel_loop3A_606, %parallel_loop3A_600 : vector<16xi1>, vector<16xi32>
      %parallel_loop3A_608 = arith.addi %parallel_loop3A_584, %parallel_loop3A_607 : vector<16xi32>
      %parallel_loop3A_609 = arith.constant 0 : i32
      %parallel_loop3A_610 = vector.broadcast %parallel_loop3A_609 : i32 to vector<16xi32>
      %parallel_loop3A_611 = arith.select %parallel_loop3A_603, %parallel_loop3A_600, %parallel_loop3A_610 : vector<16xi1>, vector<16xi32>
      %parallel_loop3A_612 = arith.addi %parallel_loop3A_588, %parallel_loop3A_611 : vector<16xi32>
      %parallel_loop3A_613 = arith.constant 1 : i32
      %parallel_loop3A_614 = arith.index_cast %parallel_loop3A_613 : i32 to index
      %parallel_loop3A_615 = arith.index_cast %parallel_loop3A_322 : i32 to index
      %parallel_loop3A_616 = arith.constant 192 : index
      %parallel_loop3A_617 = tpu.vector_load %arg5[%parallel_loop3A_614, %parallel_loop3A_615, %parallel_loop3A_616] {strides = array<i32>} : memref<2x32x512xf32, #tpu.memory_space<vmem>>, vector<1x1x16xf32>,
      %parallel_loop3A_618 = vector.shape_cast %parallel_loop3A_617 : vector<1x1x16xf32> to vector<16xf32>
      %parallel_loop3A_619 = arith.constant 1 : i32
      %parallel_loop3A_620 = arith.index_cast %parallel_loop3A_619 : i32 to index
      %parallel_loop3A_621 = arith.index_cast %parallel_loop3A_322 : i32 to index
      %parallel_loop3A_622 = arith.constant 192 : index
      %parallel_loop3A_623 = tpu.vector_load %arg6[%parallel_loop3A_620, %parallel_loop3A_621, %parallel_loop3A_622] {strides = array<i32>} : memref<2x32x512xi32, #tpu.memory_space<vmem>>, vector<1x1x16xi32>,
      %parallel_loop3A_624 = vector.shape_cast %parallel_loop3A_623 : vector<1x1x16xi32> to vector<16xi32>
      %parallel_loop3A_625 = arith.constant 0.000000e+00 : f32
      %parallel_loop3A_626 = vector.broadcast %parallel_loop3A_625 : f32 to vector<16xf32>
      %parallel_loop3A_627 = arith.cmpf ogt, %parallel_loop3A_618, %parallel_loop3A_626 : vector<16xf32>
      %parallel_loop3A_628 = arith.constant 65536 : i32
      %parallel_loop3A_629 = vector.broadcast %parallel_loop3A_628 : i32 to vector<16xi32>
      %parallel_loop3A_630 = arith.addi %parallel_loop3A_624, %parallel_loop3A_629 : vector<16xi32>
      %parallel_loop3A_631 = arith.select %parallel_loop3A_627, %parallel_loop3A_630, %parallel_loop3A_624 : vector<16xi1>, vector<16xi32>
      %parallel_loop3A_632 = arith.addi %parallel_loop3A_608, %parallel_loop3A_631 : vector<16xi32>
      %parallel_loop3A_633 = arith.constant 0 : i32
      %parallel_loop3A_634 = vector.broadcast %parallel_loop3A_633 : i32 to vector<16xi32>
      %parallel_loop3A_635 = arith.select %parallel_loop3A_627, %parallel_loop3A_624, %parallel_loop3A_634 : vector<16xi1>, vector<16xi32>
      %parallel_loop3A_636 = arith.addi %parallel_loop3A_612, %parallel_loop3A_635 : vector<16xi32>
      %parallel_loop3A_637 = arith.constant 1 : i32
      %parallel_loop3A_638 = arith.index_cast %parallel_loop3A_637 : i32 to index
      %parallel_loop3A_639 = arith.index_cast %parallel_loop3A_322 : i32 to index
      %parallel_loop3A_640 = arith.constant 208 : index
      %parallel_loop3A_641 = tpu.vector_load %arg5[%parallel_loop3A_638, %parallel_loop3A_639, %parallel_loop3A_640] {strides = array<i32>} : memref<2x32x512xf32, #tpu.memory_space<vmem>>, vector<1x1x16xf32>,
      %parallel_loop3A_642 = vector.shape_cast %parallel_loop3A_641 : vector<1x1x16xf32> to vector<16xf32>
      %parallel_loop3A_643 = arith.constant 1 : i32
      %parallel_loop3A_644 = arith.index_cast %parallel_loop3A_643 : i32 to index
      %parallel_loop3A_645 = arith.index_cast %parallel_loop3A_322 : i32 to index
      %parallel_loop3A_646 = arith.constant 208 : index
      %parallel_loop3A_647 = tpu.vector_load %arg6[%parallel_loop3A_644, %parallel_loop3A_645, %parallel_loop3A_646] {strides = array<i32>} : memref<2x32x512xi32, #tpu.memory_space<vmem>>, vector<1x1x16xi32>,
      %parallel_loop3A_648 = vector.shape_cast %parallel_loop3A_647 : vector<1x1x16xi32> to vector<16xi32>
      %parallel_loop3A_649 = arith.constant 0.000000e+00 : f32
      %parallel_loop3A_650 = vector.broadcast %parallel_loop3A_649 : f32 to vector<16xf32>
      %parallel_loop3A_651 = arith.cmpf ogt, %parallel_loop3A_642, %parallel_loop3A_650 : vector<16xf32>
      %parallel_loop3A_652 = arith.constant 65536 : i32
      %parallel_loop3A_653 = vector.broadcast %parallel_loop3A_652 : i32 to vector<16xi32>
      %parallel_loop3A_654 = arith.addi %parallel_loop3A_648, %parallel_loop3A_653 : vector<16xi32>
      %parallel_loop3A_655 = arith.select %parallel_loop3A_651, %parallel_loop3A_654, %parallel_loop3A_648 : vector<16xi1>, vector<16xi32>
      %parallel_loop3A_656 = arith.addi %parallel_loop3A_632, %parallel_loop3A_655 : vector<16xi32>
      %parallel_loop3A_657 = arith.constant 0 : i32
      %parallel_loop3A_658 = vector.broadcast %parallel_loop3A_657 : i32 to vector<16xi32>
      %parallel_loop3A_659 = arith.select %parallel_loop3A_651, %parallel_loop3A_648, %parallel_loop3A_658 : vector<16xi1>, vector<16xi32>
      %parallel_loop3A_660 = arith.addi %parallel_loop3A_636, %parallel_loop3A_659 : vector<16xi32>
      %parallel_loop3A_661 = arith.constant 1 : i32
      %parallel_loop3A_662 = arith.index_cast %parallel_loop3A_661 : i32 to index
      %parallel_loop3A_663 = arith.index_cast %parallel_loop3A_322 : i32 to index
      %parallel_loop3A_664 = arith.constant 224 : index
      %parallel_loop3A_665 = tpu.vector_load %arg5[%parallel_loop3A_662, %parallel_loop3A_663, %parallel_loop3A_664] {strides = array<i32>} : memref<2x32x512xf32, #tpu.memory_space<vmem>>, vector<1x1x16xf32>,
      %parallel_loop3A_666 = vector.shape_cast %parallel_loop3A_665 : vector<1x1x16xf32> to vector<16xf32>
      %parallel_loop3A_667 = arith.constant 1 : i32
      %parallel_loop3A_668 = arith.index_cast %parallel_loop3A_667 : i32 to index
      %parallel_loop3A_669 = arith.index_cast %parallel_loop3A_322 : i32 to index
      %parallel_loop3A_670 = arith.constant 224 : index
      %parallel_loop3A_671 = tpu.vector_load %arg6[%parallel_loop3A_668, %parallel_loop3A_669, %parallel_loop3A_670] {strides = array<i32>} : memref<2x32x512xi32, #tpu.memory_space<vmem>>, vector<1x1x16xi32>,
      %parallel_loop3A_672 = vector.shape_cast %parallel_loop3A_671 : vector<1x1x16xi32> to vector<16xi32>
      %parallel_loop3A_673 = arith.constant 0.000000e+00 : f32
      %parallel_loop3A_674 = vector.broadcast %parallel_loop3A_673 : f32 to vector<16xf32>
      %parallel_loop3A_675 = arith.cmpf ogt, %parallel_loop3A_666, %parallel_loop3A_674 : vector<16xf32>
      %parallel_loop3A_676 = arith.constant 65536 : i32
      %parallel_loop3A_677 = vector.broadcast %parallel_loop3A_676 : i32 to vector<16xi32>
      %parallel_loop3A_678 = arith.addi %parallel_loop3A_672, %parallel_loop3A_677 : vector<16xi32>
      %parallel_loop3A_679 = arith.select %parallel_loop3A_675, %parallel_loop3A_678, %parallel_loop3A_672 : vector<16xi1>, vector<16xi32>
      %parallel_loop3A_680 = arith.addi %parallel_loop3A_656, %parallel_loop3A_679 : vector<16xi32>
      %parallel_loop3A_681 = arith.constant 0 : i32
      %parallel_loop3A_682 = vector.broadcast %parallel_loop3A_681 : i32 to vector<16xi32>
      %parallel_loop3A_683 = arith.select %parallel_loop3A_675, %parallel_loop3A_672, %parallel_loop3A_682 : vector<16xi1>, vector<16xi32>
      %parallel_loop3A_684 = arith.addi %parallel_loop3A_660, %parallel_loop3A_683 : vector<16xi32>
      %parallel_loop3A_685 = arith.constant 1 : i32
      %parallel_loop3A_686 = arith.index_cast %parallel_loop3A_685 : i32 to index
      %parallel_loop3A_687 = arith.index_cast %parallel_loop3A_322 : i32 to index
      %parallel_loop3A_688 = arith.constant 240 : index
      %parallel_loop3A_689 = tpu.vector_load %arg5[%parallel_loop3A_686, %parallel_loop3A_687, %parallel_loop3A_688] {strides = array<i32>} : memref<2x32x512xf32, #tpu.memory_space<vmem>>, vector<1x1x16xf32>,
      %parallel_loop3A_690 = vector.shape_cast %parallel_loop3A_689 : vector<1x1x16xf32> to vector<16xf32>
      %parallel_loop3A_691 = arith.constant 1 : i32
      %parallel_loop3A_692 = arith.index_cast %parallel_loop3A_691 : i32 to index
      %parallel_loop3A_693 = arith.index_cast %parallel_loop3A_322 : i32 to index
      %parallel_loop3A_694 = arith.constant 240 : index
      %parallel_loop3A_695 = tpu.vector_load %arg6[%parallel_loop3A_692, %parallel_loop3A_693, %parallel_loop3A_694] {strides = array<i32>} : memref<2x32x512xi32, #tpu.memory_space<vmem>>, vector<1x1x16xi32>,
      %parallel_loop3A_696 = vector.shape_cast %parallel_loop3A_695 : vector<1x1x16xi32> to vector<16xi32>
      %parallel_loop3A_697 = arith.constant 0.000000e+00 : f32
      %parallel_loop3A_698 = vector.broadcast %parallel_loop3A_697 : f32 to vector<16xf32>
      %parallel_loop3A_699 = arith.cmpf ogt, %parallel_loop3A_690, %parallel_loop3A_698 : vector<16xf32>
      %parallel_loop3A_700 = arith.constant 65536 : i32
      %parallel_loop3A_701 = vector.broadcast %parallel_loop3A_700 : i32 to vector<16xi32>
      %parallel_loop3A_702 = arith.addi %parallel_loop3A_696, %parallel_loop3A_701 : vector<16xi32>
      %parallel_loop3A_703 = arith.select %parallel_loop3A_699, %parallel_loop3A_702, %parallel_loop3A_696 : vector<16xi1>, vector<16xi32>
      %parallel_loop3A_704 = arith.addi %parallel_loop3A_680, %parallel_loop3A_703 : vector<16xi32>
      %parallel_loop3A_705 = arith.constant 0 : i32
      %parallel_loop3A_706 = vector.broadcast %parallel_loop3A_705 : i32 to vector<16xi32>
      %parallel_loop3A_707 = arith.select %parallel_loop3A_699, %parallel_loop3A_696, %parallel_loop3A_706 : vector<16xi1>, vector<16xi32>
      %parallel_loop3A_708 = arith.addi %parallel_loop3A_684, %parallel_loop3A_707 : vector<16xi32>
      %parallel_loop3A_709 = arith.constant 1 : i32
      %parallel_loop3A_710 = arith.index_cast %parallel_loop3A_709 : i32 to index
      %parallel_loop3A_711 = arith.index_cast %parallel_loop3A_322 : i32 to index
      %parallel_loop3A_712 = arith.constant 256 : index
      %parallel_loop3A_713 = tpu.vector_load %arg5[%parallel_loop3A_710, %parallel_loop3A_711, %parallel_loop3A_712] {strides = array<i32>} : memref<2x32x512xf32, #tpu.memory_space<vmem>>, vector<1x1x16xf32>,
      %parallel_loop3A_714 = vector.shape_cast %parallel_loop3A_713 : vector<1x1x16xf32> to vector<16xf32>
      %parallel_loop3A_715 = arith.constant 1 : i32
      %parallel_loop3A_716 = arith.index_cast %parallel_loop3A_715 : i32 to index
      %parallel_loop3A_717 = arith.index_cast %parallel_loop3A_322 : i32 to index
      %parallel_loop3A_718 = arith.constant 256 : index
      %parallel_loop3A_719 = tpu.vector_load %arg6[%parallel_loop3A_716, %parallel_loop3A_717, %parallel_loop3A_718] {strides = array<i32>} : memref<2x32x512xi32, #tpu.memory_space<vmem>>, vector<1x1x16xi32>,
      %parallel_loop3A_720 = vector.shape_cast %parallel_loop3A_719 : vector<1x1x16xi32> to vector<16xi32>
      %parallel_loop3A_721 = arith.constant 0.000000e+00 : f32
      %parallel_loop3A_722 = vector.broadcast %parallel_loop3A_721 : f32 to vector<16xf32>
      %parallel_loop3A_723 = arith.cmpf ogt, %parallel_loop3A_714, %parallel_loop3A_722 : vector<16xf32>
      %parallel_loop3A_724 = arith.constant 65536 : i32
      %parallel_loop3A_725 = vector.broadcast %parallel_loop3A_724 : i32 to vector<16xi32>
      %parallel_loop3A_726 = arith.addi %parallel_loop3A_720, %parallel_loop3A_725 : vector<16xi32>
      %parallel_loop3A_727 = arith.select %parallel_loop3A_723, %parallel_loop3A_726, %parallel_loop3A_720 : vector<16xi1>, vector<16xi32>
      %parallel_loop3A_728 = arith.addi %parallel_loop3A_704, %parallel_loop3A_727 : vector<16xi32>
      %parallel_loop3A_729 = arith.constant 0 : i32
      %parallel_loop3A_730 = vector.broadcast %parallel_loop3A_729 : i32 to vector<16xi32>
      %parallel_loop3A_731 = arith.select %parallel_loop3A_723, %parallel_loop3A_720, %parallel_loop3A_730 : vector<16xi1>, vector<16xi32>
      %parallel_loop3A_732 = arith.addi %parallel_loop3A_708, %parallel_loop3A_731 : vector<16xi32>
      %parallel_loop3A_733 = arith.constant 1 : i32
      %parallel_loop3A_734 = arith.index_cast %parallel_loop3A_733 : i32 to index
      %parallel_loop3A_735 = arith.index_cast %parallel_loop3A_322 : i32 to index
      %parallel_loop3A_736 = arith.constant 272 : index
      %parallel_loop3A_737 = tpu.vector_load %arg5[%parallel_loop3A_734, %parallel_loop3A_735, %parallel_loop3A_736] {strides = array<i32>} : memref<2x32x512xf32, #tpu.memory_space<vmem>>, vector<1x1x16xf32>,
      %parallel_loop3A_738 = vector.shape_cast %parallel_loop3A_737 : vector<1x1x16xf32> to vector<16xf32>
      %parallel_loop3A_739 = arith.constant 1 : i32
      %parallel_loop3A_740 = arith.index_cast %parallel_loop3A_739 : i32 to index
      %parallel_loop3A_741 = arith.index_cast %parallel_loop3A_322 : i32 to index
      %parallel_loop3A_742 = arith.constant 272 : index
      %parallel_loop3A_743 = tpu.vector_load %arg6[%parallel_loop3A_740, %parallel_loop3A_741, %parallel_loop3A_742] {strides = array<i32>} : memref<2x32x512xi32, #tpu.memory_space<vmem>>, vector<1x1x16xi32>,
      %parallel_loop3A_744 = vector.shape_cast %parallel_loop3A_743 : vector<1x1x16xi32> to vector<16xi32>
      %parallel_loop3A_745 = arith.constant 0.000000e+00 : f32
      %parallel_loop3A_746 = vector.broadcast %parallel_loop3A_745 : f32 to vector<16xf32>
      %parallel_loop3A_747 = arith.cmpf ogt, %parallel_loop3A_738, %parallel_loop3A_746 : vector<16xf32>
      %parallel_loop3A_748 = arith.constant 65536 : i32
      %parallel_loop3A_749 = vector.broadcast %parallel_loop3A_748 : i32 to vector<16xi32>
      %parallel_loop3A_750 = arith.addi %parallel_loop3A_744, %parallel_loop3A_749 : vector<16xi32>
      %parallel_loop3A_751 = arith.select %parallel_loop3A_747, %parallel_loop3A_750, %parallel_loop3A_744 : vector<16xi1>, vector<16xi32>
      %parallel_loop3A_752 = arith.addi %parallel_loop3A_728, %parallel_loop3A_751 : vector<16xi32>
      %parallel_loop3A_753 = arith.constant 0 : i32
      %parallel_loop3A_754 = vector.broadcast %parallel_loop3A_753 : i32 to vector<16xi32>
      %parallel_loop3A_755 = arith.select %parallel_loop3A_747, %parallel_loop3A_744, %parallel_loop3A_754 : vector<16xi1>, vector<16xi32>
      %parallel_loop3A_756 = arith.addi %parallel_loop3A_732, %parallel_loop3A_755 : vector<16xi32>
      %parallel_loop3A_757 = arith.constant 1 : i32
      %parallel_loop3A_758 = arith.index_cast %parallel_loop3A_757 : i32 to index
      %parallel_loop3A_759 = arith.index_cast %parallel_loop3A_322 : i32 to index
      %parallel_loop3A_760 = arith.constant 288 : index
      %parallel_loop3A_761 = tpu.vector_load %arg5[%parallel_loop3A_758, %parallel_loop3A_759, %parallel_loop3A_760] {strides = array<i32>} : memref<2x32x512xf32, #tpu.memory_space<vmem>>, vector<1x1x16xf32>,
      %parallel_loop3A_762 = vector.shape_cast %parallel_loop3A_761 : vector<1x1x16xf32> to vector<16xf32>
      %parallel_loop3A_763 = arith.constant 1 : i32
      %parallel_loop3A_764 = arith.index_cast %parallel_loop3A_763 : i32 to index
      %parallel_loop3A_765 = arith.index_cast %parallel_loop3A_322 : i32 to index
      %parallel_loop3A_766 = arith.constant 288 : index
      %parallel_loop3A_767 = tpu.vector_load %arg6[%parallel_loop3A_764, %parallel_loop3A_765, %parallel_loop3A_766] {strides = array<i32>} : memref<2x32x512xi32, #tpu.memory_space<vmem>>, vector<1x1x16xi32>,
      %parallel_loop3A_768 = vector.shape_cast %parallel_loop3A_767 : vector<1x1x16xi32> to vector<16xi32>
      %parallel_loop3A_769 = arith.constant 0.000000e+00 : f32
      %parallel_loop3A_770 = vector.broadcast %parallel_loop3A_769 : f32 to vector<16xf32>
      %parallel_loop3A_771 = arith.cmpf ogt, %parallel_loop3A_762, %parallel_loop3A_770 : vector<16xf32>
      %parallel_loop3A_772 = arith.constant 65536 : i32
      %parallel_loop3A_773 = vector.broadcast %parallel_loop3A_772 : i32 to vector<16xi32>
      %parallel_loop3A_774 = arith.addi %parallel_loop3A_768, %parallel_loop3A_773 : vector<16xi32>
      %parallel_loop3A_775 = arith.select %parallel_loop3A_771, %parallel_loop3A_774, %parallel_loop3A_768 : vector<16xi1>, vector<16xi32>
      %parallel_loop3A_776 = arith.addi %parallel_loop3A_752, %parallel_loop3A_775 : vector<16xi32>
      %parallel_loop3A_777 = arith.constant 0 : i32
      %parallel_loop3A_778 = vector.broadcast %parallel_loop3A_777 : i32 to vector<16xi32>
      %parallel_loop3A_779 = arith.select %parallel_loop3A_771, %parallel_loop3A_768, %parallel_loop3A_778 : vector<16xi1>, vector<16xi32>
      %parallel_loop3A_780 = arith.addi %parallel_loop3A_756, %parallel_loop3A_779 : vector<16xi32>
      %parallel_loop3A_781 = arith.constant 1 : i32
      %parallel_loop3A_782 = arith.index_cast %parallel_loop3A_781 : i32 to index
      %parallel_loop3A_783 = arith.index_cast %parallel_loop3A_322 : i32 to index
      %parallel_loop3A_784 = arith.constant 304 : index
      %parallel_loop3A_785 = tpu.vector_load %arg5[%parallel_loop3A_782, %parallel_loop3A_783, %parallel_loop3A_784] {strides = array<i32>} : memref<2x32x512xf32, #tpu.memory_space<vmem>>, vector<1x1x16xf32>,
      %parallel_loop3A_786 = vector.shape_cast %parallel_loop3A_785 : vector<1x1x16xf32> to vector<16xf32>
      %parallel_loop3A_787 = arith.constant 1 : i32
      %parallel_loop3A_788 = arith.index_cast %parallel_loop3A_787 : i32 to index
      %parallel_loop3A_789 = arith.index_cast %parallel_loop3A_322 : i32 to index
      %parallel_loop3A_790 = arith.constant 304 : index
      %parallel_loop3A_791 = tpu.vector_load %arg6[%parallel_loop3A_788, %parallel_loop3A_789, %parallel_loop3A_790] {strides = array<i32>} : memref<2x32x512xi32, #tpu.memory_space<vmem>>, vector<1x1x16xi32>,
      %parallel_loop3A_792 = vector.shape_cast %parallel_loop3A_791 : vector<1x1x16xi32> to vector<16xi32>
      %parallel_loop3A_793 = arith.constant 0.000000e+00 : f32
      %parallel_loop3A_794 = vector.broadcast %parallel_loop3A_793 : f32 to vector<16xf32>
      %parallel_loop3A_795 = arith.cmpf ogt, %parallel_loop3A_786, %parallel_loop3A_794 : vector<16xf32>
      %parallel_loop3A_796 = arith.constant 65536 : i32
      %parallel_loop3A_797 = vector.broadcast %parallel_loop3A_796 : i32 to vector<16xi32>
      %parallel_loop3A_798 = arith.addi %parallel_loop3A_792, %parallel_loop3A_797 : vector<16xi32>
      %parallel_loop3A_799 = arith.select %parallel_loop3A_795, %parallel_loop3A_798, %parallel_loop3A_792 : vector<16xi1>, vector<16xi32>
      %parallel_loop3A_800 = arith.addi %parallel_loop3A_776, %parallel_loop3A_799 : vector<16xi32>
      %parallel_loop3A_801 = arith.constant 0 : i32
      %parallel_loop3A_802 = vector.broadcast %parallel_loop3A_801 : i32 to vector<16xi32>
      %parallel_loop3A_803 = arith.select %parallel_loop3A_795, %parallel_loop3A_792, %parallel_loop3A_802 : vector<16xi1>, vector<16xi32>
      %parallel_loop3A_804 = arith.addi %parallel_loop3A_780, %parallel_loop3A_803 : vector<16xi32>
      %parallel_loop3A_805 = arith.constant 1 : i32
      %parallel_loop3A_806 = arith.index_cast %parallel_loop3A_805 : i32 to index
      %parallel_loop3A_807 = arith.index_cast %parallel_loop3A_322 : i32 to index
      %parallel_loop3A_808 = arith.constant 320 : index
      %parallel_loop3A_809 = tpu.vector_load %arg5[%parallel_loop3A_806, %parallel_loop3A_807, %parallel_loop3A_808] {strides = array<i32>} : memref<2x32x512xf32, #tpu.memory_space<vmem>>, vector<1x1x16xf32>,
      %parallel_loop3A_810 = vector.shape_cast %parallel_loop3A_809 : vector<1x1x16xf32> to vector<16xf32>
      %parallel_loop3A_811 = arith.constant 1 : i32
      %parallel_loop3A_812 = arith.index_cast %parallel_loop3A_811 : i32 to index
      %parallel_loop3A_813 = arith.index_cast %parallel_loop3A_322 : i32 to index
      %parallel_loop3A_814 = arith.constant 320 : index
      %parallel_loop3A_815 = tpu.vector_load %arg6[%parallel_loop3A_812, %parallel_loop3A_813, %parallel_loop3A_814] {strides = array<i32>} : memref<2x32x512xi32, #tpu.memory_space<vmem>>, vector<1x1x16xi32>,
      %parallel_loop3A_816 = vector.shape_cast %parallel_loop3A_815 : vector<1x1x16xi32> to vector<16xi32>
      %parallel_loop3A_817 = arith.constant 0.000000e+00 : f32
      %parallel_loop3A_818 = vector.broadcast %parallel_loop3A_817 : f32 to vector<16xf32>
      %parallel_loop3A_819 = arith.cmpf ogt, %parallel_loop3A_810, %parallel_loop3A_818 : vector<16xf32>
      %parallel_loop3A_820 = arith.constant 65536 : i32
      %parallel_loop3A_821 = vector.broadcast %parallel_loop3A_820 : i32 to vector<16xi32>
      %parallel_loop3A_822 = arith.addi %parallel_loop3A_816, %parallel_loop3A_821 : vector<16xi32>
      %parallel_loop3A_823 = arith.select %parallel_loop3A_819, %parallel_loop3A_822, %parallel_loop3A_816 : vector<16xi1>, vector<16xi32>
      %parallel_loop3A_824 = arith.addi %parallel_loop3A_800, %parallel_loop3A_823 : vector<16xi32>
      %parallel_loop3A_825 = arith.constant 0 : i32
      %parallel_loop3A_826 = vector.broadcast %parallel_loop3A_825 : i32 to vector<16xi32>
      %parallel_loop3A_827 = arith.select %parallel_loop3A_819, %parallel_loop3A_816, %parallel_loop3A_826 : vector<16xi1>, vector<16xi32>
      %parallel_loop3A_828 = arith.addi %parallel_loop3A_804, %parallel_loop3A_827 : vector<16xi32>
      %parallel_loop3A_829 = arith.constant 1 : i32
      %parallel_loop3A_830 = arith.index_cast %parallel_loop3A_829 : i32 to index
      %parallel_loop3A_831 = arith.index_cast %parallel_loop3A_322 : i32 to index
      %parallel_loop3A_832 = arith.constant 336 : index
      %parallel_loop3A_833 = tpu.vector_load %arg5[%parallel_loop3A_830, %parallel_loop3A_831, %parallel_loop3A_832] {strides = array<i32>} : memref<2x32x512xf32, #tpu.memory_space<vmem>>, vector<1x1x16xf32>,
      %parallel_loop3A_834 = vector.shape_cast %parallel_loop3A_833 : vector<1x1x16xf32> to vector<16xf32>
      %parallel_loop3A_835 = arith.constant 1 : i32
      %parallel_loop3A_836 = arith.index_cast %parallel_loop3A_835 : i32 to index
      %parallel_loop3A_837 = arith.index_cast %parallel_loop3A_322 : i32 to index
      %parallel_loop3A_838 = arith.constant 336 : index
      %parallel_loop3A_839 = tpu.vector_load %arg6[%parallel_loop3A_836, %parallel_loop3A_837, %parallel_loop3A_838] {strides = array<i32>} : memref<2x32x512xi32, #tpu.memory_space<vmem>>, vector<1x1x16xi32>,
      %parallel_loop3A_840 = vector.shape_cast %parallel_loop3A_839 : vector<1x1x16xi32> to vector<16xi32>
      %parallel_loop3A_841 = arith.constant 0.000000e+00 : f32
      %parallel_loop3A_842 = vector.broadcast %parallel_loop3A_841 : f32 to vector<16xf32>
      %parallel_loop3A_843 = arith.cmpf ogt, %parallel_loop3A_834, %parallel_loop3A_842 : vector<16xf32>
      %parallel_loop3A_844 = arith.constant 65536 : i32
      %parallel_loop3A_845 = vector.broadcast %parallel_loop3A_844 : i32 to vector<16xi32>
      %parallel_loop3A_846 = arith.addi %parallel_loop3A_840, %parallel_loop3A_845 : vector<16xi32>
      %parallel_loop3A_847 = arith.select %parallel_loop3A_843, %parallel_loop3A_846, %parallel_loop3A_840 : vector<16xi1>, vector<16xi32>
      %parallel_loop3A_848 = arith.addi %parallel_loop3A_824, %parallel_loop3A_847 : vector<16xi32>
      %parallel_loop3A_849 = arith.constant 0 : i32
      %parallel_loop3A_850 = vector.broadcast %parallel_loop3A_849 : i32 to vector<16xi32>
      %parallel_loop3A_851 = arith.select %parallel_loop3A_843, %parallel_loop3A_840, %parallel_loop3A_850 : vector<16xi1>, vector<16xi32>
      %parallel_loop3A_852 = arith.addi %parallel_loop3A_828, %parallel_loop3A_851 : vector<16xi32>
      %parallel_loop3A_853 = arith.constant 1 : i32
      %parallel_loop3A_854 = arith.index_cast %parallel_loop3A_853 : i32 to index
      %parallel_loop3A_855 = arith.index_cast %parallel_loop3A_322 : i32 to index
      %parallel_loop3A_856 = arith.constant 352 : index
      %parallel_loop3A_857 = tpu.vector_load %arg5[%parallel_loop3A_854, %parallel_loop3A_855, %parallel_loop3A_856] {strides = array<i32>} : memref<2x32x512xf32, #tpu.memory_space<vmem>>, vector<1x1x16xf32>,
      %parallel_loop3A_858 = vector.shape_cast %parallel_loop3A_857 : vector<1x1x16xf32> to vector<16xf32>
      %parallel_loop3A_859 = arith.constant 1 : i32
      %parallel_loop3A_860 = arith.index_cast %parallel_loop3A_859 : i32 to index
      %parallel_loop3A_861 = arith.index_cast %parallel_loop3A_322 : i32 to index
      %parallel_loop3A_862 = arith.constant 352 : index
      %parallel_loop3A_863 = tpu.vector_load %arg6[%parallel_loop3A_860, %parallel_loop3A_861, %parallel_loop3A_862] {strides = array<i32>} : memref<2x32x512xi32, #tpu.memory_space<vmem>>, vector<1x1x16xi32>,
      %parallel_loop3A_864 = vector.shape_cast %parallel_loop3A_863 : vector<1x1x16xi32> to vector<16xi32>
      %parallel_loop3A_865 = arith.constant 0.000000e+00 : f32
      %parallel_loop3A_866 = vector.broadcast %parallel_loop3A_865 : f32 to vector<16xf32>
      %parallel_loop3A_867 = arith.cmpf ogt, %parallel_loop3A_858, %parallel_loop3A_866 : vector<16xf32>
      %parallel_loop3A_868 = arith.constant 65536 : i32
      %parallel_loop3A_869 = vector.broadcast %parallel_loop3A_868 : i32 to vector<16xi32>
      %parallel_loop3A_870 = arith.addi %parallel_loop3A_864, %parallel_loop3A_869 : vector<16xi32>
      %parallel_loop3A_871 = arith.select %parallel_loop3A_867, %parallel_loop3A_870, %parallel_loop3A_864 : vector<16xi1>, vector<16xi32>
      %parallel_loop3A_872 = arith.addi %parallel_loop3A_848, %parallel_loop3A_871 : vector<16xi32>
      %parallel_loop3A_873 = arith.constant 0 : i32
      %parallel_loop3A_874 = vector.broadcast %parallel_loop3A_873 : i32 to vector<16xi32>
      %parallel_loop3A_875 = arith.select %parallel_loop3A_867, %parallel_loop3A_864, %parallel_loop3A_874 : vector<16xi1>, vector<16xi32>
      %parallel_loop3A_876 = arith.addi %parallel_loop3A_852, %parallel_loop3A_875 : vector<16xi32>
      %parallel_loop3A_877 = arith.constant 1 : i32
      %parallel_loop3A_878 = arith.index_cast %parallel_loop3A_877 : i32 to index
      %parallel_loop3A_879 = arith.index_cast %parallel_loop3A_322 : i32 to index
      %parallel_loop3A_880 = arith.constant 368 : index
      %parallel_loop3A_881 = tpu.vector_load %arg5[%parallel_loop3A_878, %parallel_loop3A_879, %parallel_loop3A_880] {strides = array<i32>} : memref<2x32x512xf32, #tpu.memory_space<vmem>>, vector<1x1x16xf32>,
      %parallel_loop3A_882 = vector.shape_cast %parallel_loop3A_881 : vector<1x1x16xf32> to vector<16xf32>
      %parallel_loop3A_883 = arith.constant 1 : i32
      %parallel_loop3A_884 = arith.index_cast %parallel_loop3A_883 : i32 to index
      %parallel_loop3A_885 = arith.index_cast %parallel_loop3A_322 : i32 to index
      %parallel_loop3A_886 = arith.constant 368 : index
      %parallel_loop3A_887 = tpu.vector_load %arg6[%parallel_loop3A_884, %parallel_loop3A_885, %parallel_loop3A_886] {strides = array<i32>} : memref<2x32x512xi32, #tpu.memory_space<vmem>>, vector<1x1x16xi32>,
      %parallel_loop3A_888 = vector.shape_cast %parallel_loop3A_887 : vector<1x1x16xi32> to vector<16xi32>
      %parallel_loop3A_889 = arith.constant 0.000000e+00 : f32
      %parallel_loop3A_890 = vector.broadcast %parallel_loop3A_889 : f32 to vector<16xf32>
      %parallel_loop3A_891 = arith.cmpf ogt, %parallel_loop3A_882, %parallel_loop3A_890 : vector<16xf32>
      %parallel_loop3A_892 = arith.constant 65536 : i32
      %parallel_loop3A_893 = vector.broadcast %parallel_loop3A_892 : i32 to vector<16xi32>
      %parallel_loop3A_894 = arith.addi %parallel_loop3A_888, %parallel_loop3A_893 : vector<16xi32>
      %parallel_loop3A_895 = arith.select %parallel_loop3A_891, %parallel_loop3A_894, %parallel_loop3A_888 : vector<16xi1>, vector<16xi32>
      %parallel_loop3A_896 = arith.addi %parallel_loop3A_872, %parallel_loop3A_895 : vector<16xi32>
      %parallel_loop3A_897 = arith.constant 0 : i32
      %parallel_loop3A_898 = vector.broadcast %parallel_loop3A_897 : i32 to vector<16xi32>
      %parallel_loop3A_899 = arith.select %parallel_loop3A_891, %parallel_loop3A_888, %parallel_loop3A_898 : vector<16xi1>, vector<16xi32>
      %parallel_loop3A_900 = arith.addi %parallel_loop3A_876, %parallel_loop3A_899 : vector<16xi32>
      %parallel_loop3A_901 = arith.constant 1 : i32
      %parallel_loop3A_902 = arith.index_cast %parallel_loop3A_901 : i32 to index
      %parallel_loop3A_903 = arith.index_cast %parallel_loop3A_322 : i32 to index
      %parallel_loop3A_904 = arith.constant 384 : index
      %parallel_loop3A_905 = tpu.vector_load %arg5[%parallel_loop3A_902, %parallel_loop3A_903, %parallel_loop3A_904] {strides = array<i32>} : memref<2x32x512xf32, #tpu.memory_space<vmem>>, vector<1x1x16xf32>,
      %parallel_loop3A_906 = vector.shape_cast %parallel_loop3A_905 : vector<1x1x16xf32> to vector<16xf32>
      %parallel_loop3A_907 = arith.constant 1 : i32
      %parallel_loop3A_908 = arith.index_cast %parallel_loop3A_907 : i32 to index
      %parallel_loop3A_909 = arith.index_cast %parallel_loop3A_322 : i32 to index
      %parallel_loop3A_910 = arith.constant 384 : index
      %parallel_loop3A_911 = tpu.vector_load %arg6[%parallel_loop3A_908, %parallel_loop3A_909, %parallel_loop3A_910] {strides = array<i32>} : memref<2x32x512xi32, #tpu.memory_space<vmem>>, vector<1x1x16xi32>,
      %parallel_loop3A_912 = vector.shape_cast %parallel_loop3A_911 : vector<1x1x16xi32> to vector<16xi32>
      %parallel_loop3A_913 = arith.constant 0.000000e+00 : f32
      %parallel_loop3A_914 = vector.broadcast %parallel_loop3A_913 : f32 to vector<16xf32>
      %parallel_loop3A_915 = arith.cmpf ogt, %parallel_loop3A_906, %parallel_loop3A_914 : vector<16xf32>
      %parallel_loop3A_916 = arith.constant 65536 : i32
      %parallel_loop3A_917 = vector.broadcast %parallel_loop3A_916 : i32 to vector<16xi32>
      %parallel_loop3A_918 = arith.addi %parallel_loop3A_912, %parallel_loop3A_917 : vector<16xi32>
      %parallel_loop3A_919 = arith.select %parallel_loop3A_915, %parallel_loop3A_918, %parallel_loop3A_912 : vector<16xi1>, vector<16xi32>
      %parallel_loop3A_920 = arith.addi %parallel_loop3A_896, %parallel_loop3A_919 : vector<16xi32>
      %parallel_loop3A_921 = arith.constant 0 : i32
      %parallel_loop3A_922 = vector.broadcast %parallel_loop3A_921 : i32 to vector<16xi32>
      %parallel_loop3A_923 = arith.select %parallel_loop3A_915, %parallel_loop3A_912, %parallel_loop3A_922 : vector<16xi1>, vector<16xi32>
      %parallel_loop3A_924 = arith.addi %parallel_loop3A_900, %parallel_loop3A_923 : vector<16xi32>
      %parallel_loop3A_925 = arith.constant 1 : i32
      %parallel_loop3A_926 = arith.index_cast %parallel_loop3A_925 : i32 to index
      %parallel_loop3A_927 = arith.index_cast %parallel_loop3A_322 : i32 to index
      %parallel_loop3A_928 = arith.constant 400 : index
      %parallel_loop3A_929 = tpu.vector_load %arg5[%parallel_loop3A_926, %parallel_loop3A_927, %parallel_loop3A_928] {strides = array<i32>} : memref<2x32x512xf32, #tpu.memory_space<vmem>>, vector<1x1x16xf32>,
      %parallel_loop3A_930 = vector.shape_cast %parallel_loop3A_929 : vector<1x1x16xf32> to vector<16xf32>
      %parallel_loop3A_931 = arith.constant 1 : i32
      %parallel_loop3A_932 = arith.index_cast %parallel_loop3A_931 : i32 to index
      %parallel_loop3A_933 = arith.index_cast %parallel_loop3A_322 : i32 to index
      %parallel_loop3A_934 = arith.constant 400 : index
      %parallel_loop3A_935 = tpu.vector_load %arg6[%parallel_loop3A_932, %parallel_loop3A_933, %parallel_loop3A_934] {strides = array<i32>} : memref<2x32x512xi32, #tpu.memory_space<vmem>>, vector<1x1x16xi32>,
      %parallel_loop3A_936 = vector.shape_cast %parallel_loop3A_935 : vector<1x1x16xi32> to vector<16xi32>
      %parallel_loop3A_937 = arith.constant 0.000000e+00 : f32
      %parallel_loop3A_938 = vector.broadcast %parallel_loop3A_937 : f32 to vector<16xf32>
      %parallel_loop3A_939 = arith.cmpf ogt, %parallel_loop3A_930, %parallel_loop3A_938 : vector<16xf32>
      %parallel_loop3A_940 = arith.constant 65536 : i32
      %parallel_loop3A_941 = vector.broadcast %parallel_loop3A_940 : i32 to vector<16xi32>
      %parallel_loop3A_942 = arith.addi %parallel_loop3A_936, %parallel_loop3A_941 : vector<16xi32>
      %parallel_loop3A_943 = arith.select %parallel_loop3A_939, %parallel_loop3A_942, %parallel_loop3A_936 : vector<16xi1>, vector<16xi32>
      %parallel_loop3A_944 = arith.addi %parallel_loop3A_920, %parallel_loop3A_943 : vector<16xi32>
      %parallel_loop3A_945 = arith.constant 0 : i32
      %parallel_loop3A_946 = vector.broadcast %parallel_loop3A_945 : i32 to vector<16xi32>
      %parallel_loop3A_947 = arith.select %parallel_loop3A_939, %parallel_loop3A_936, %parallel_loop3A_946 : vector<16xi1>, vector<16xi32>
      %parallel_loop3A_948 = arith.addi %parallel_loop3A_924, %parallel_loop3A_947 : vector<16xi32>
      %parallel_loop3A_949 = arith.constant 1 : i32
      %parallel_loop3A_950 = arith.index_cast %parallel_loop3A_949 : i32 to index
      %parallel_loop3A_951 = arith.index_cast %parallel_loop3A_322 : i32 to index
      %parallel_loop3A_952 = arith.constant 416 : index
      %parallel_loop3A_953 = tpu.vector_load %arg5[%parallel_loop3A_950, %parallel_loop3A_951, %parallel_loop3A_952] {strides = array<i32>} : memref<2x32x512xf32, #tpu.memory_space<vmem>>, vector<1x1x16xf32>,
      %parallel_loop3A_954 = vector.shape_cast %parallel_loop3A_953 : vector<1x1x16xf32> to vector<16xf32>
      %parallel_loop3A_955 = arith.constant 1 : i32
      %parallel_loop3A_956 = arith.index_cast %parallel_loop3A_955 : i32 to index
      %parallel_loop3A_957 = arith.index_cast %parallel_loop3A_322 : i32 to index
      %parallel_loop3A_958 = arith.constant 416 : index
      %parallel_loop3A_959 = tpu.vector_load %arg6[%parallel_loop3A_956, %parallel_loop3A_957, %parallel_loop3A_958] {strides = array<i32>} : memref<2x32x512xi32, #tpu.memory_space<vmem>>, vector<1x1x16xi32>,
      %parallel_loop3A_960 = vector.shape_cast %parallel_loop3A_959 : vector<1x1x16xi32> to vector<16xi32>
      %parallel_loop3A_961 = arith.constant 0.000000e+00 : f32
      %parallel_loop3A_962 = vector.broadcast %parallel_loop3A_961 : f32 to vector<16xf32>
      %parallel_loop3A_963 = arith.cmpf ogt, %parallel_loop3A_954, %parallel_loop3A_962 : vector<16xf32>
      %parallel_loop3A_964 = arith.constant 65536 : i32
      %parallel_loop3A_965 = vector.broadcast %parallel_loop3A_964 : i32 to vector<16xi32>
      %parallel_loop3A_966 = arith.addi %parallel_loop3A_960, %parallel_loop3A_965 : vector<16xi32>
      %parallel_loop3A_967 = arith.select %parallel_loop3A_963, %parallel_loop3A_966, %parallel_loop3A_960 : vector<16xi1>, vector<16xi32>
      %parallel_loop3A_968 = arith.addi %parallel_loop3A_944, %parallel_loop3A_967 : vector<16xi32>
      %parallel_loop3A_969 = arith.constant 0 : i32
      %parallel_loop3A_970 = vector.broadcast %parallel_loop3A_969 : i32 to vector<16xi32>
      %parallel_loop3A_971 = arith.select %parallel_loop3A_963, %parallel_loop3A_960, %parallel_loop3A_970 : vector<16xi1>, vector<16xi32>
      %parallel_loop3A_972 = arith.addi %parallel_loop3A_948, %parallel_loop3A_971 : vector<16xi32>
      %parallel_loop3A_973 = arith.constant 1 : i32
      %parallel_loop3A_974 = arith.index_cast %parallel_loop3A_973 : i32 to index
      %parallel_loop3A_975 = arith.index_cast %parallel_loop3A_322 : i32 to index
      %parallel_loop3A_976 = arith.constant 432 : index
      %parallel_loop3A_977 = tpu.vector_load %arg5[%parallel_loop3A_974, %parallel_loop3A_975, %parallel_loop3A_976] {strides = array<i32>} : memref<2x32x512xf32, #tpu.memory_space<vmem>>, vector<1x1x16xf32>,
      %parallel_loop3A_978 = vector.shape_cast %parallel_loop3A_977 : vector<1x1x16xf32> to vector<16xf32>
      %parallel_loop3A_979 = arith.constant 1 : i32
      %parallel_loop3A_980 = arith.index_cast %parallel_loop3A_979 : i32 to index
      %parallel_loop3A_981 = arith.index_cast %parallel_loop3A_322 : i32 to index
      %parallel_loop3A_982 = arith.constant 432 : index
      %parallel_loop3A_983 = tpu.vector_load %arg6[%parallel_loop3A_980, %parallel_loop3A_981, %parallel_loop3A_982] {strides = array<i32>} : memref<2x32x512xi32, #tpu.memory_space<vmem>>, vector<1x1x16xi32>,
      %parallel_loop3A_984 = vector.shape_cast %parallel_loop3A_983 : vector<1x1x16xi32> to vector<16xi32>
      %parallel_loop3A_985 = arith.constant 0.000000e+00 : f32
      %parallel_loop3A_986 = vector.broadcast %parallel_loop3A_985 : f32 to vector<16xf32>
      %parallel_loop3A_987 = arith.cmpf ogt, %parallel_loop3A_978, %parallel_loop3A_986 : vector<16xf32>
      %parallel_loop3A_988 = arith.constant 65536 : i32
      %parallel_loop3A_989 = vector.broadcast %parallel_loop3A_988 : i32 to vector<16xi32>
      %parallel_loop3A_990 = arith.addi %parallel_loop3A_984, %parallel_loop3A_989 : vector<16xi32>
      %parallel_loop3A_991 = arith.select %parallel_loop3A_987, %parallel_loop3A_990, %parallel_loop3A_984 : vector<16xi1>, vector<16xi32>
      %parallel_loop3A_992 = arith.addi %parallel_loop3A_968, %parallel_loop3A_991 : vector<16xi32>
      %parallel_loop3A_993 = arith.constant 0 : i32
      %parallel_loop3A_994 = vector.broadcast %parallel_loop3A_993 : i32 to vector<16xi32>
      %parallel_loop3A_995 = arith.select %parallel_loop3A_987, %parallel_loop3A_984, %parallel_loop3A_994 : vector<16xi1>, vector<16xi32>
      %parallel_loop3A_996 = arith.addi %parallel_loop3A_972, %parallel_loop3A_995 : vector<16xi32>
      %parallel_loop3A_997 = arith.constant 1 : i32
      %parallel_loop3A_998 = arith.index_cast %parallel_loop3A_997 : i32 to index
      %parallel_loop3A_999 = arith.index_cast %parallel_loop3A_322 : i32 to index
      %parallel_loop3A_1000 = arith.constant 448 : index
      %parallel_loop3A_1001 = tpu.vector_load %arg5[%parallel_loop3A_998, %parallel_loop3A_999, %parallel_loop3A_1000] {strides = array<i32>} : memref<2x32x512xf32, #tpu.memory_space<vmem>>, vector<1x1x16xf32>,
      %parallel_loop3A_1002 = vector.shape_cast %parallel_loop3A_1001 : vector<1x1x16xf32> to vector<16xf32>
      %parallel_loop3A_1003 = arith.constant 1 : i32
      %parallel_loop3A_1004 = arith.index_cast %parallel_loop3A_1003 : i32 to index
      %parallel_loop3A_1005 = arith.index_cast %parallel_loop3A_322 : i32 to index
      %parallel_loop3A_1006 = arith.constant 448 : index
      %parallel_loop3A_1007 = tpu.vector_load %arg6[%parallel_loop3A_1004, %parallel_loop3A_1005, %parallel_loop3A_1006] {strides = array<i32>} : memref<2x32x512xi32, #tpu.memory_space<vmem>>, vector<1x1x16xi32>,
      %parallel_loop3A_1008 = vector.shape_cast %parallel_loop3A_1007 : vector<1x1x16xi32> to vector<16xi32>
      %parallel_loop3A_1009 = arith.constant 0.000000e+00 : f32
      %parallel_loop3A_1010 = vector.broadcast %parallel_loop3A_1009 : f32 to vector<16xf32>
      %parallel_loop3A_1011 = arith.cmpf ogt, %parallel_loop3A_1002, %parallel_loop3A_1010 : vector<16xf32>
      %parallel_loop3A_1012 = arith.constant 65536 : i32
      %parallel_loop3A_1013 = vector.broadcast %parallel_loop3A_1012 : i32 to vector<16xi32>
      %parallel_loop3A_1014 = arith.addi %parallel_loop3A_1008, %parallel_loop3A_1013 : vector<16xi32>
      %parallel_loop3A_1015 = arith.select %parallel_loop3A_1011, %parallel_loop3A_1014, %parallel_loop3A_1008 : vector<16xi1>, vector<16xi32>
      %parallel_loop3A_1016 = arith.addi %parallel_loop3A_992, %parallel_loop3A_1015 : vector<16xi32>
      %parallel_loop3A_1017 = arith.constant 0 : i32
      %parallel_loop3A_1018 = vector.broadcast %parallel_loop3A_1017 : i32 to vector<16xi32>
      %parallel_loop3A_1019 = arith.select %parallel_loop3A_1011, %parallel_loop3A_1008, %parallel_loop3A_1018 : vector<16xi1>, vector<16xi32>
      %parallel_loop3A_1020 = arith.addi %parallel_loop3A_996, %parallel_loop3A_1019 : vector<16xi32>
      %parallel_loop3A_1021 = arith.constant 1 : i32
      %parallel_loop3A_1022 = arith.index_cast %parallel_loop3A_1021 : i32 to index
      %parallel_loop3A_1023 = arith.index_cast %parallel_loop3A_322 : i32 to index
      %parallel_loop3A_1024 = arith.constant 464 : index
      %parallel_loop3A_1025 = tpu.vector_load %arg5[%parallel_loop3A_1022, %parallel_loop3A_1023, %parallel_loop3A_1024] {strides = array<i32>} : memref<2x32x512xf32, #tpu.memory_space<vmem>>, vector<1x1x16xf32>,
      %parallel_loop3A_1026 = vector.shape_cast %parallel_loop3A_1025 : vector<1x1x16xf32> to vector<16xf32>
      %parallel_loop3A_1027 = arith.constant 1 : i32
      %parallel_loop3A_1028 = arith.index_cast %parallel_loop3A_1027 : i32 to index
      %parallel_loop3A_1029 = arith.index_cast %parallel_loop3A_322 : i32 to index
      %parallel_loop3A_1030 = arith.constant 464 : index
      %parallel_loop3A_1031 = tpu.vector_load %arg6[%parallel_loop3A_1028, %parallel_loop3A_1029, %parallel_loop3A_1030] {strides = array<i32>} : memref<2x32x512xi32, #tpu.memory_space<vmem>>, vector<1x1x16xi32>,
      %parallel_loop3A_1032 = vector.shape_cast %parallel_loop3A_1031 : vector<1x1x16xi32> to vector<16xi32>
      %parallel_loop3A_1033 = arith.constant 0.000000e+00 : f32
      %parallel_loop3A_1034 = vector.broadcast %parallel_loop3A_1033 : f32 to vector<16xf32>
      %parallel_loop3A_1035 = arith.cmpf ogt, %parallel_loop3A_1026, %parallel_loop3A_1034 : vector<16xf32>
      %parallel_loop3A_1036 = arith.constant 65536 : i32
      %parallel_loop3A_1037 = vector.broadcast %parallel_loop3A_1036 : i32 to vector<16xi32>
      %parallel_loop3A_1038 = arith.addi %parallel_loop3A_1032, %parallel_loop3A_1037 : vector<16xi32>
      %parallel_loop3A_1039 = arith.select %parallel_loop3A_1035, %parallel_loop3A_1038, %parallel_loop3A_1032 : vector<16xi1>, vector<16xi32>
      %parallel_loop3A_1040 = arith.addi %parallel_loop3A_1016, %parallel_loop3A_1039 : vector<16xi32>
      %parallel_loop3A_1041 = arith.constant 0 : i32
      %parallel_loop3A_1042 = vector.broadcast %parallel_loop3A_1041 : i32 to vector<16xi32>
      %parallel_loop3A_1043 = arith.select %parallel_loop3A_1035, %parallel_loop3A_1032, %parallel_loop3A_1042 : vector<16xi1>, vector<16xi32>
      %parallel_loop3A_1044 = arith.addi %parallel_loop3A_1020, %parallel_loop3A_1043 : vector<16xi32>
      %parallel_loop3A_1045 = arith.constant 1 : i32
      %parallel_loop3A_1046 = arith.index_cast %parallel_loop3A_1045 : i32 to index
      %parallel_loop3A_1047 = arith.index_cast %parallel_loop3A_322 : i32 to index
      %parallel_loop3A_1048 = arith.constant 480 : index
      %parallel_loop3A_1049 = tpu.vector_load %arg5[%parallel_loop3A_1046, %parallel_loop3A_1047, %parallel_loop3A_1048] {strides = array<i32>} : memref<2x32x512xf32, #tpu.memory_space<vmem>>, vector<1x1x16xf32>,
      %parallel_loop3A_1050 = vector.shape_cast %parallel_loop3A_1049 : vector<1x1x16xf32> to vector<16xf32>
      %parallel_loop3A_1051 = arith.constant 1 : i32
      %parallel_loop3A_1052 = arith.index_cast %parallel_loop3A_1051 : i32 to index
      %parallel_loop3A_1053 = arith.index_cast %parallel_loop3A_322 : i32 to index
      %parallel_loop3A_1054 = arith.constant 480 : index
      %parallel_loop3A_1055 = tpu.vector_load %arg6[%parallel_loop3A_1052, %parallel_loop3A_1053, %parallel_loop3A_1054] {strides = array<i32>} : memref<2x32x512xi32, #tpu.memory_space<vmem>>, vector<1x1x16xi32>,
      %parallel_loop3A_1056 = vector.shape_cast %parallel_loop3A_1055 : vector<1x1x16xi32> to vector<16xi32>
      %parallel_loop3A_1057 = arith.constant 0.000000e+00 : f32
      %parallel_loop3A_1058 = vector.broadcast %parallel_loop3A_1057 : f32 to vector<16xf32>
      %parallel_loop3A_1059 = arith.cmpf ogt, %parallel_loop3A_1050, %parallel_loop3A_1058 : vector<16xf32>
      %parallel_loop3A_1060 = arith.constant 65536 : i32
      %parallel_loop3A_1061 = vector.broadcast %parallel_loop3A_1060 : i32 to vector<16xi32>
      %parallel_loop3A_1062 = arith.addi %parallel_loop3A_1056, %parallel_loop3A_1061 : vector<16xi32>
      %parallel_loop3A_1063 = arith.select %parallel_loop3A_1059, %parallel_loop3A_1062, %parallel_loop3A_1056 : vector<16xi1>, vector<16xi32>
      %parallel_loop3A_1064 = arith.addi %parallel_loop3A_1040, %parallel_loop3A_1063 : vector<16xi32>
      %parallel_loop3A_1065 = arith.constant 0 : i32
      %parallel_loop3A_1066 = vector.broadcast %parallel_loop3A_1065 : i32 to vector<16xi32>
      %parallel_loop3A_1067 = arith.select %parallel_loop3A_1059, %parallel_loop3A_1056, %parallel_loop3A_1066 : vector<16xi1>, vector<16xi32>
      %parallel_loop3A_1068 = arith.addi %parallel_loop3A_1044, %parallel_loop3A_1067 : vector<16xi32>
      %parallel_loop3A_1069 = arith.constant 1 : i32
      %parallel_loop3A_1070 = arith.index_cast %parallel_loop3A_1069 : i32 to index
      %parallel_loop3A_1071 = arith.index_cast %parallel_loop3A_322 : i32 to index
      %parallel_loop3A_1072 = arith.constant 496 : index
      %parallel_loop3A_1073 = tpu.vector_load %arg5[%parallel_loop3A_1070, %parallel_loop3A_1071, %parallel_loop3A_1072] {strides = array<i32>} : memref<2x32x512xf32, #tpu.memory_space<vmem>>, vector<1x1x16xf32>,
      %parallel_loop3A_1074 = vector.shape_cast %parallel_loop3A_1073 : vector<1x1x16xf32> to vector<16xf32>
      %parallel_loop3A_1075 = arith.constant 1 : i32
      %parallel_loop3A_1076 = arith.index_cast %parallel_loop3A_1075 : i32 to index
      %parallel_loop3A_1077 = arith.index_cast %parallel_loop3A_322 : i32 to index
      %parallel_loop3A_1078 = arith.constant 496 : index
      %parallel_loop3A_1079 = tpu.vector_load %arg6[%parallel_loop3A_1076, %parallel_loop3A_1077, %parallel_loop3A_1078] {strides = array<i32>} : memref<2x32x512xi32, #tpu.memory_space<vmem>>, vector<1x1x16xi32>,
      %parallel_loop3A_1080 = vector.shape_cast %parallel_loop3A_1079 : vector<1x1x16xi32> to vector<16xi32>
      %parallel_loop3A_1081 = arith.constant 0.000000e+00 : f32
      %parallel_loop3A_1082 = vector.broadcast %parallel_loop3A_1081 : f32 to vector<16xf32>
      %parallel_loop3A_1083 = arith.cmpf ogt, %parallel_loop3A_1074, %parallel_loop3A_1082 : vector<16xf32>
      %parallel_loop3A_1084 = arith.constant 65536 : i32
      %parallel_loop3A_1085 = vector.broadcast %parallel_loop3A_1084 : i32 to vector<16xi32>
      %parallel_loop3A_1086 = arith.addi %parallel_loop3A_1080, %parallel_loop3A_1085 : vector<16xi32>
      %parallel_loop3A_1087 = arith.select %parallel_loop3A_1083, %parallel_loop3A_1086, %parallel_loop3A_1080 : vector<16xi1>, vector<16xi32>
      %parallel_loop3A_1088 = arith.addi %parallel_loop3A_1064, %parallel_loop3A_1087 : vector<16xi32>
      %parallel_loop3A_1089 = arith.constant 0 : i32
      %parallel_loop3A_1090 = vector.broadcast %parallel_loop3A_1089 : i32 to vector<16xi32>
      %parallel_loop3A_1091 = arith.select %parallel_loop3A_1083, %parallel_loop3A_1080, %parallel_loop3A_1090 : vector<16xi1>, vector<16xi32>
      %parallel_loop3A_1092 = arith.addi %parallel_loop3A_1068, %parallel_loop3A_1091 : vector<16xi32>
      scf.yield %parallel_loop3A_1088, %parallel_loop3A_1092 : vector<16xi32>, vector<16xi32>
    } {sc.loop_unroll_factor = 2 : i64, sc.parallel_access}
    %dma_wait3A_197 = arith.constant 0 : i32
    %dma_wait3A_198 = arith.constant 0 : i32
    %dma_wait3A_199 = arith.constant 0 : i32
    %dma_wait3A_200 = tpu.memref_slice %arg5[%dma_wait3A_197, %dma_wait3A_198, %dma_wait3A_199] : memref<2x32x512xf32, #tpu.memory_space<vmem>> -> memref<1x32x512xf32, #tpu.memory_space<vmem>>
    %dma_wait3A_201 = tpu.memref_squeeze %dma_wait3A_200 : memref<1x32x512xf32, #tpu.memory_space<vmem>> -> memref<32x512xf32, #tpu.memory_space<vmem>>
    %dma_wait3A_202 = arith.constant 0 : i32
    %dma_wait3A_203 = tpu.memref_slice %arg2[%select_n3A, %add3A_162, %dma_wait3A_202] : memref<16x512x512xf32, #tpu.memory_space<hbm>> -> memref<1x32x512xf32, #tpu.memory_space<hbm>>
    %dma_wait3A_204 = tpu.memref_squeeze %dma_wait3A_203 : memref<1x32x512xf32, #tpu.memory_space<hbm>> -> memref<32x512xf32, #tpu.memory_space<hbm>>
    %dma_wait3A_205 = arith.constant 0 : i32
    %dma_wait3A_206 = arith.constant 0 : i32
    %dma_wait3A_207 = tpu.memref_slice %arg5[%dma_wait3A_197, %dma_wait3A_205, %dma_wait3A_206] : memref<2x32x512xf32, #tpu.memory_space<vmem>> -> memref<1x32x512xf32, #tpu.memory_space<vmem>>
    %dma_wait3A_208 = tpu.memref_squeeze %dma_wait3A_207 : memref<1x32x512xf32, #tpu.memory_space<vmem>> -> memref<32x512xf32, #tpu.memory_space<vmem>>
    %dma_wait3A_209 = arith.constant 0 : i32
    %dma_wait3A_210 = tpu.memref_slice %arg2[%select_n3A, %add3A_162, %dma_wait3A_209] : memref<16x512x512xf32, #tpu.memory_space<hbm>> -> memref<1x32x512xf32, #tpu.memory_space<hbm>>
    %dma_wait3A_211 = tpu.memref_squeeze %dma_wait3A_210 : memref<1x32x512xf32, #tpu.memory_space<hbm>> -> memref<32x512xf32, #tpu.memory_space<hbm>>
    tpu.wait_dma2 semaphore(%arg9 : memref<!tpu.dma_semaphore, #tpu.memory_space<semaphore_mem>>) src(%dma_wait3A_211 : memref<32x512xf32, #tpu.memory_space<hbm>>) dst(%dma_wait3A_208 : memref<32x512xf32, #tpu.memory_space<vmem>>)
    %dma_wait3A_212 = arith.constant 0 : i32
    %dma_wait3A_213 = arith.constant 0 : i32
    %dma_wait3A_214 = arith.constant 0 : i32
    %dma_wait3A_215 = tpu.memref_slice %arg6[%dma_wait3A_212, %dma_wait3A_213, %dma_wait3A_214] : memref<2x32x512xi32, #tpu.memory_space<vmem>> -> memref<1x32x512xi32, #tpu.memory_space<vmem>>
    %dma_wait3A_216 = tpu.memref_squeeze %dma_wait3A_215 : memref<1x32x512xi32, #tpu.memory_space<vmem>> -> memref<32x512xi32, #tpu.memory_space<vmem>>
    %dma_wait3A_217 = arith.constant 0 : i32
    %dma_wait3A_218 = tpu.memref_slice %arg3[%select_n3A, %add3A_162, %dma_wait3A_217] : memref<16x512x512xi32, #tpu.memory_space<hbm>> -> memref<1x32x512xi32, #tpu.memory_space<hbm>>
    %dma_wait3A_219 = tpu.memref_squeeze %dma_wait3A_218 : memref<1x32x512xi32, #tpu.memory_space<hbm>> -> memref<32x512xi32, #tpu.memory_space<hbm>>
    %dma_wait3A_220 = arith.constant 0 : i32
    %dma_wait3A_221 = arith.constant 0 : i32
    %dma_wait3A_222 = tpu.memref_slice %arg6[%dma_wait3A_212, %dma_wait3A_220, %dma_wait3A_221] : memref<2x32x512xi32, #tpu.memory_space<vmem>> -> memref<1x32x512xi32, #tpu.memory_space<vmem>>
    %dma_wait3A_223 = tpu.memref_squeeze %dma_wait3A_222 : memref<1x32x512xi32, #tpu.memory_space<vmem>> -> memref<32x512xi32, #tpu.memory_space<vmem>>
    %dma_wait3A_224 = arith.constant 0 : i32
    %dma_wait3A_225 = tpu.memref_slice %arg3[%select_n3A, %add3A_162, %dma_wait3A_224] : memref<16x512x512xi32, #tpu.memory_space<hbm>> -> memref<1x32x512xi32, #tpu.memory_space<hbm>>
    %dma_wait3A_226 = tpu.memref_squeeze %dma_wait3A_225 : memref<1x32x512xi32, #tpu.memory_space<hbm>> -> memref<32x512xi32, #tpu.memory_space<hbm>>
    tpu.wait_dma2 semaphore(%arg9 : memref<!tpu.dma_semaphore, #tpu.memory_space<semaphore_mem>>) src(%dma_wait3A_226 : memref<32x512xi32, #tpu.memory_space<hbm>>) dst(%dma_wait3A_223 : memref<32x512xi32, #tpu.memory_space<vmem>>)
    %add3A_227 = arith.constant 96 : i32
    %add3A_228 = arith.addi %mul3A_32, %add3A_227 : i32
    %dma_start3A_229 = arith.constant 1 : i32
    %dma_start3A_230 = arith.constant 0 : i32
    %dma_start3A_231 = arith.constant 0 : i32
    %dma_start3A_232 = tpu.memref_slice %arg5[%dma_start3A_229, %dma_start3A_230, %dma_start3A_231] : memref<2x32x512xf32, #tpu.memory_space<vmem>> -> memref<1x32x512xf32, #tpu.memory_space<vmem>>
    %dma_start3A_233 = tpu.memref_squeeze %dma_start3A_232 : memref<1x32x512xf32, #tpu.memory_space<vmem>> -> memref<32x512xf32, #tpu.memory_space<vmem>>
    %dma_start3A_234 = arith.constant 0 : i32
    %dma_start3A_235 = tpu.memref_slice %arg2[%select_n3A, %add3A_228, %dma_start3A_234] : memref<16x512x512xf32, #tpu.memory_space<hbm>> -> memref<1x32x512xf32, #tpu.memory_space<hbm>>
    %dma_start3A_236 = tpu.memref_squeeze %dma_start3A_235 : memref<1x32x512xf32, #tpu.memory_space<hbm>> -> memref<32x512xf32, #tpu.memory_space<hbm>>
    %dma_start3A_237 = arith.constant 0 : i32
    %dma_start3A_238 = arith.constant 0 : i32
    %dma_start3A_239 = tpu.memref_slice %arg5[%dma_start3A_229, %dma_start3A_237, %dma_start3A_238] : memref<2x32x512xf32, #tpu.memory_space<vmem>> -> memref<1x32x512xf32, #tpu.memory_space<vmem>>
    %dma_start3A_240 = tpu.memref_squeeze %dma_start3A_239 : memref<1x32x512xf32, #tpu.memory_space<vmem>> -> memref<32x512xf32, #tpu.memory_space<vmem>>
    %dma_start3A_241 = arith.constant 0 : i32
    %dma_start3A_242 = tpu.memref_slice %arg2[%select_n3A, %add3A_228, %dma_start3A_241] : memref<16x512x512xf32, #tpu.memory_space<hbm>> -> memref<1x32x512xf32, #tpu.memory_space<hbm>>
    %dma_start3A_243 = tpu.memref_squeeze %dma_start3A_242 : memref<1x32x512xf32, #tpu.memory_space<hbm>> -> memref<32x512xf32, #tpu.memory_space<hbm>>
    tpu.enqueue_dma source(%dma_start3A_243 : memref<32x512xf32, #tpu.memory_space<hbm>>) target(%dma_start3A_240 : memref<32x512xf32, #tpu.memory_space<vmem>>) target_semaphore(%arg10 : memref<!tpu.dma_semaphore, #tpu.memory_space<semaphore_mem>>)
    %dma_start3A_244 = arith.constant 1 : i32
    %dma_start3A_245 = arith.constant 0 : i32
    %dma_start3A_246 = arith.constant 0 : i32
    %dma_start3A_247 = tpu.memref_slice %arg6[%dma_start3A_244, %dma_start3A_245, %dma_start3A_246] : memref<2x32x512xi32, #tpu.memory_space<vmem>> -> memref<1x32x512xi32, #tpu.memory_space<vmem>>
    %dma_start3A_248 = tpu.memref_squeeze %dma_start3A_247 : memref<1x32x512xi32, #tpu.memory_space<vmem>> -> memref<32x512xi32, #tpu.memory_space<vmem>>
    %dma_start3A_249 = arith.constant 0 : i32
    %dma_start3A_250 = tpu.memref_slice %arg3[%select_n3A, %add3A_228, %dma_start3A_249] : memref<16x512x512xi32, #tpu.memory_space<hbm>> -> memref<1x32x512xi32, #tpu.memory_space<hbm>>
    %dma_start3A_251 = tpu.memref_squeeze %dma_start3A_250 : memref<1x32x512xi32, #tpu.memory_space<hbm>> -> memref<32x512xi32, #tpu.memory_space<hbm>>
    %dma_start3A_252 = arith.constant 0 : i32
    %dma_start3A_253 = arith.constant 0 : i32
    %dma_start3A_254 = tpu.memref_slice %arg6[%dma_start3A_244, %dma_start3A_252, %dma_start3A_253] : memref<2x32x512xi32, #tpu.memory_space<vmem>> -> memref<1x32x512xi32, #tpu.memory_space<vmem>>
    %dma_start3A_255 = tpu.memref_squeeze %dma_start3A_254 : memref<1x32x512xi32, #tpu.memory_space<vmem>> -> memref<32x512xi32, #tpu.memory_space<vmem>>
    %dma_start3A_256 = arith.constant 0 : i32
    %dma_start3A_257 = tpu.memref_slice %arg3[%select_n3A, %add3A_228, %dma_start3A_256] : memref<16x512x512xi32, #tpu.memory_space<hbm>> -> memref<1x32x512xi32, #tpu.memory_space<hbm>>
    %dma_start3A_258 = tpu.memref_squeeze %dma_start3A_257 : memref<1x32x512xi32, #tpu.memory_space<hbm>> -> memref<32x512xi32, #tpu.memory_space<hbm>>
    tpu.enqueue_dma source(%dma_start3A_258 : memref<32x512xi32, #tpu.memory_space<hbm>>) target(%dma_start3A_255 : memref<32x512xi32, #tpu.memory_space<vmem>>) target_semaphore(%arg10 : memref<!tpu.dma_semaphore, #tpu.memory_space<semaphore_mem>>)
    %parallel_loop3A_259 = arith.constant 0 : i32
    %parallel_loop3A_260 = arith.constant 32 : i32
    %parallel_loop3A_261 = arith.constant 1 : i32
    %parallel_loop3A_262:2 = scf.for %parallel_loop3A_322 = %parallel_loop3A_259 to %parallel_loop3A_260 step %parallel_loop3A_261 iter_args(%parallel_loop3A_323 = %parallel_loop3A_196#0, %parallel_loop3A_324 = %parallel_loop3A_196#1) -> (vector<16xi32>, vector<16xi32>)  : i32 {
      %parallel_loop3A_325 = arith.constant 0 : i32
      %parallel_loop3A_326 = arith.index_cast %parallel_loop3A_325 : i32 to index
      %parallel_loop3A_327 = arith.index_cast %parallel_loop3A_322 : i32 to index
      %parallel_loop3A_328 = arith.constant 0 : index
      %parallel_loop3A_329 = tpu.vector_load %arg5[%parallel_loop3A_326, %parallel_loop3A_327, %parallel_loop3A_328] {strides = array<i32>} : memref<2x32x512xf32, #tpu.memory_space<vmem>>, vector<1x1x16xf32>,
      %parallel_loop3A_330 = vector.shape_cast %parallel_loop3A_329 : vector<1x1x16xf32> to vector<16xf32>
      %parallel_loop3A_331 = arith.constant 0 : i32
      %parallel_loop3A_332 = arith.index_cast %parallel_loop3A_331 : i32 to index
      %parallel_loop3A_333 = arith.index_cast %parallel_loop3A_322 : i32 to index
      %parallel_loop3A_334 = arith.constant 0 : index
      %parallel_loop3A_335 = tpu.vector_load %arg6[%parallel_loop3A_332, %parallel_loop3A_333, %parallel_loop3A_334] {strides = array<i32>} : memref<2x32x512xi32, #tpu.memory_space<vmem>>, vector<1x1x16xi32>,
      %parallel_loop3A_336 = vector.shape_cast %parallel_loop3A_335 : vector<1x1x16xi32> to vector<16xi32>
      %parallel_loop3A_337 = arith.constant 0.000000e+00 : f32
      %parallel_loop3A_338 = vector.broadcast %parallel_loop3A_337 : f32 to vector<16xf32>
      %parallel_loop3A_339 = arith.cmpf ogt, %parallel_loop3A_330, %parallel_loop3A_338 : vector<16xf32>
      %parallel_loop3A_340 = arith.constant 65536 : i32
      %parallel_loop3A_341 = vector.broadcast %parallel_loop3A_340 : i32 to vector<16xi32>
      %parallel_loop3A_342 = arith.addi %parallel_loop3A_336, %parallel_loop3A_341 : vector<16xi32>
      %parallel_loop3A_343 = arith.select %parallel_loop3A_339, %parallel_loop3A_342, %parallel_loop3A_336 : vector<16xi1>, vector<16xi32>
      %parallel_loop3A_344 = arith.addi %parallel_loop3A_323, %parallel_loop3A_343 : vector<16xi32>
      %parallel_loop3A_345 = arith.constant 0 : i32
      %parallel_loop3A_346 = vector.broadcast %parallel_loop3A_345 : i32 to vector<16xi32>
      %parallel_loop3A_347 = arith.select %parallel_loop3A_339, %parallel_loop3A_336, %parallel_loop3A_346 : vector<16xi1>, vector<16xi32>
      %parallel_loop3A_348 = arith.addi %parallel_loop3A_324, %parallel_loop3A_347 : vector<16xi32>
      %parallel_loop3A_349 = arith.constant 0 : i32
      %parallel_loop3A_350 = arith.index_cast %parallel_loop3A_349 : i32 to index
      %parallel_loop3A_351 = arith.index_cast %parallel_loop3A_322 : i32 to index
      %parallel_loop3A_352 = arith.constant 16 : index
      %parallel_loop3A_353 = tpu.vector_load %arg5[%parallel_loop3A_350, %parallel_loop3A_351, %parallel_loop3A_352] {strides = array<i32>} : memref<2x32x512xf32, #tpu.memory_space<vmem>>, vector<1x1x16xf32>,
      %parallel_loop3A_354 = vector.shape_cast %parallel_loop3A_353 : vector<1x1x16xf32> to vector<16xf32>
      %parallel_loop3A_355 = arith.constant 0 : i32
      %parallel_loop3A_356 = arith.index_cast %parallel_loop3A_355 : i32 to index
      %parallel_loop3A_357 = arith.index_cast %parallel_loop3A_322 : i32 to index
      %parallel_loop3A_358 = arith.constant 16 : index
      %parallel_loop3A_359 = tpu.vector_load %arg6[%parallel_loop3A_356, %parallel_loop3A_357, %parallel_loop3A_358] {strides = array<i32>} : memref<2x32x512xi32, #tpu.memory_space<vmem>>, vector<1x1x16xi32>,
      %parallel_loop3A_360 = vector.shape_cast %parallel_loop3A_359 : vector<1x1x16xi32> to vector<16xi32>
      %parallel_loop3A_361 = arith.constant 0.000000e+00 : f32
      %parallel_loop3A_362 = vector.broadcast %parallel_loop3A_361 : f32 to vector<16xf32>
      %parallel_loop3A_363 = arith.cmpf ogt, %parallel_loop3A_354, %parallel_loop3A_362 : vector<16xf32>
      %parallel_loop3A_364 = arith.constant 65536 : i32
      %parallel_loop3A_365 = vector.broadcast %parallel_loop3A_364 : i32 to vector<16xi32>
      %parallel_loop3A_366 = arith.addi %parallel_loop3A_360, %parallel_loop3A_365 : vector<16xi32>
      %parallel_loop3A_367 = arith.select %parallel_loop3A_363, %parallel_loop3A_366, %parallel_loop3A_360 : vector<16xi1>, vector<16xi32>
      %parallel_loop3A_368 = arith.addi %parallel_loop3A_344, %parallel_loop3A_367 : vector<16xi32>
      %parallel_loop3A_369 = arith.constant 0 : i32
      %parallel_loop3A_370 = vector.broadcast %parallel_loop3A_369 : i32 to vector<16xi32>
      %parallel_loop3A_371 = arith.select %parallel_loop3A_363, %parallel_loop3A_360, %parallel_loop3A_370 : vector<16xi1>, vector<16xi32>
      %parallel_loop3A_372 = arith.addi %parallel_loop3A_348, %parallel_loop3A_371 : vector<16xi32>
      %parallel_loop3A_373 = arith.constant 0 : i32
      %parallel_loop3A_374 = arith.index_cast %parallel_loop3A_373 : i32 to index
      %parallel_loop3A_375 = arith.index_cast %parallel_loop3A_322 : i32 to index
      %parallel_loop3A_376 = arith.constant 32 : index
      %parallel_loop3A_377 = tpu.vector_load %arg5[%parallel_loop3A_374, %parallel_loop3A_375, %parallel_loop3A_376] {strides = array<i32>} : memref<2x32x512xf32, #tpu.memory_space<vmem>>, vector<1x1x16xf32>,
      %parallel_loop3A_378 = vector.shape_cast %parallel_loop3A_377 : vector<1x1x16xf32> to vector<16xf32>
      %parallel_loop3A_379 = arith.constant 0 : i32
      %parallel_loop3A_380 = arith.index_cast %parallel_loop3A_379 : i32 to index
      %parallel_loop3A_381 = arith.index_cast %parallel_loop3A_322 : i32 to index
      %parallel_loop3A_382 = arith.constant 32 : index
      %parallel_loop3A_383 = tpu.vector_load %arg6[%parallel_loop3A_380, %parallel_loop3A_381, %parallel_loop3A_382] {strides = array<i32>} : memref<2x32x512xi32, #tpu.memory_space<vmem>>, vector<1x1x16xi32>,
      %parallel_loop3A_384 = vector.shape_cast %parallel_loop3A_383 : vector<1x1x16xi32> to vector<16xi32>
      %parallel_loop3A_385 = arith.constant 0.000000e+00 : f32
      %parallel_loop3A_386 = vector.broadcast %parallel_loop3A_385 : f32 to vector<16xf32>
      %parallel_loop3A_387 = arith.cmpf ogt, %parallel_loop3A_378, %parallel_loop3A_386 : vector<16xf32>
      %parallel_loop3A_388 = arith.constant 65536 : i32
      %parallel_loop3A_389 = vector.broadcast %parallel_loop3A_388 : i32 to vector<16xi32>
      %parallel_loop3A_390 = arith.addi %parallel_loop3A_384, %parallel_loop3A_389 : vector<16xi32>
      %parallel_loop3A_391 = arith.select %parallel_loop3A_387, %parallel_loop3A_390, %parallel_loop3A_384 : vector<16xi1>, vector<16xi32>
      %parallel_loop3A_392 = arith.addi %parallel_loop3A_368, %parallel_loop3A_391 : vector<16xi32>
      %parallel_loop3A_393 = arith.constant 0 : i32
      %parallel_loop3A_394 = vector.broadcast %parallel_loop3A_393 : i32 to vector<16xi32>
      %parallel_loop3A_395 = arith.select %parallel_loop3A_387, %parallel_loop3A_384, %parallel_loop3A_394 : vector<16xi1>, vector<16xi32>
      %parallel_loop3A_396 = arith.addi %parallel_loop3A_372, %parallel_loop3A_395 : vector<16xi32>
      %parallel_loop3A_397 = arith.constant 0 : i32
      %parallel_loop3A_398 = arith.index_cast %parallel_loop3A_397 : i32 to index
      %parallel_loop3A_399 = arith.index_cast %parallel_loop3A_322 : i32 to index
      %parallel_loop3A_400 = arith.constant 48 : index
      %parallel_loop3A_401 = tpu.vector_load %arg5[%parallel_loop3A_398, %parallel_loop3A_399, %parallel_loop3A_400] {strides = array<i32>} : memref<2x32x512xf32, #tpu.memory_space<vmem>>, vector<1x1x16xf32>,
      %parallel_loop3A_402 = vector.shape_cast %parallel_loop3A_401 : vector<1x1x16xf32> to vector<16xf32>
      %parallel_loop3A_403 = arith.constant 0 : i32
      %parallel_loop3A_404 = arith.index_cast %parallel_loop3A_403 : i32 to index
      %parallel_loop3A_405 = arith.index_cast %parallel_loop3A_322 : i32 to index
      %parallel_loop3A_406 = arith.constant 48 : index
      %parallel_loop3A_407 = tpu.vector_load %arg6[%parallel_loop3A_404, %parallel_loop3A_405, %parallel_loop3A_406] {strides = array<i32>} : memref<2x32x512xi32, #tpu.memory_space<vmem>>, vector<1x1x16xi32>,
      %parallel_loop3A_408 = vector.shape_cast %parallel_loop3A_407 : vector<1x1x16xi32> to vector<16xi32>
      %parallel_loop3A_409 = arith.constant 0.000000e+00 : f32
      %parallel_loop3A_410 = vector.broadcast %parallel_loop3A_409 : f32 to vector<16xf32>
      %parallel_loop3A_411 = arith.cmpf ogt, %parallel_loop3A_402, %parallel_loop3A_410 : vector<16xf32>
      %parallel_loop3A_412 = arith.constant 65536 : i32
      %parallel_loop3A_413 = vector.broadcast %parallel_loop3A_412 : i32 to vector<16xi32>
      %parallel_loop3A_414 = arith.addi %parallel_loop3A_408, %parallel_loop3A_413 : vector<16xi32>
      %parallel_loop3A_415 = arith.select %parallel_loop3A_411, %parallel_loop3A_414, %parallel_loop3A_408 : vector<16xi1>, vector<16xi32>
      %parallel_loop3A_416 = arith.addi %parallel_loop3A_392, %parallel_loop3A_415 : vector<16xi32>
      %parallel_loop3A_417 = arith.constant 0 : i32
      %parallel_loop3A_418 = vector.broadcast %parallel_loop3A_417 : i32 to vector<16xi32>
      %parallel_loop3A_419 = arith.select %parallel_loop3A_411, %parallel_loop3A_408, %parallel_loop3A_418 : vector<16xi1>, vector<16xi32>
      %parallel_loop3A_420 = arith.addi %parallel_loop3A_396, %parallel_loop3A_419 : vector<16xi32>
      %parallel_loop3A_421 = arith.constant 0 : i32
      %parallel_loop3A_422 = arith.index_cast %parallel_loop3A_421 : i32 to index
      %parallel_loop3A_423 = arith.index_cast %parallel_loop3A_322 : i32 to index
      %parallel_loop3A_424 = arith.constant 64 : index
      %parallel_loop3A_425 = tpu.vector_load %arg5[%parallel_loop3A_422, %parallel_loop3A_423, %parallel_loop3A_424] {strides = array<i32>} : memref<2x32x512xf32, #tpu.memory_space<vmem>>, vector<1x1x16xf32>,
      %parallel_loop3A_426 = vector.shape_cast %parallel_loop3A_425 : vector<1x1x16xf32> to vector<16xf32>
      %parallel_loop3A_427 = arith.constant 0 : i32
      %parallel_loop3A_428 = arith.index_cast %parallel_loop3A_427 : i32 to index
      %parallel_loop3A_429 = arith.index_cast %parallel_loop3A_322 : i32 to index
      %parallel_loop3A_430 = arith.constant 64 : index
      %parallel_loop3A_431 = tpu.vector_load %arg6[%parallel_loop3A_428, %parallel_loop3A_429, %parallel_loop3A_430] {strides = array<i32>} : memref<2x32x512xi32, #tpu.memory_space<vmem>>, vector<1x1x16xi32>,
      %parallel_loop3A_432 = vector.shape_cast %parallel_loop3A_431 : vector<1x1x16xi32> to vector<16xi32>
      %parallel_loop3A_433 = arith.constant 0.000000e+00 : f32
      %parallel_loop3A_434 = vector.broadcast %parallel_loop3A_433 : f32 to vector<16xf32>
      %parallel_loop3A_435 = arith.cmpf ogt, %parallel_loop3A_426, %parallel_loop3A_434 : vector<16xf32>
      %parallel_loop3A_436 = arith.constant 65536 : i32
      %parallel_loop3A_437 = vector.broadcast %parallel_loop3A_436 : i32 to vector<16xi32>
      %parallel_loop3A_438 = arith.addi %parallel_loop3A_432, %parallel_loop3A_437 : vector<16xi32>
      %parallel_loop3A_439 = arith.select %parallel_loop3A_435, %parallel_loop3A_438, %parallel_loop3A_432 : vector<16xi1>, vector<16xi32>
      %parallel_loop3A_440 = arith.addi %parallel_loop3A_416, %parallel_loop3A_439 : vector<16xi32>
      %parallel_loop3A_441 = arith.constant 0 : i32
      %parallel_loop3A_442 = vector.broadcast %parallel_loop3A_441 : i32 to vector<16xi32>
      %parallel_loop3A_443 = arith.select %parallel_loop3A_435, %parallel_loop3A_432, %parallel_loop3A_442 : vector<16xi1>, vector<16xi32>
      %parallel_loop3A_444 = arith.addi %parallel_loop3A_420, %parallel_loop3A_443 : vector<16xi32>
      %parallel_loop3A_445 = arith.constant 0 : i32
      %parallel_loop3A_446 = arith.index_cast %parallel_loop3A_445 : i32 to index
      %parallel_loop3A_447 = arith.index_cast %parallel_loop3A_322 : i32 to index
      %parallel_loop3A_448 = arith.constant 80 : index
      %parallel_loop3A_449 = tpu.vector_load %arg5[%parallel_loop3A_446, %parallel_loop3A_447, %parallel_loop3A_448] {strides = array<i32>} : memref<2x32x512xf32, #tpu.memory_space<vmem>>, vector<1x1x16xf32>,
      %parallel_loop3A_450 = vector.shape_cast %parallel_loop3A_449 : vector<1x1x16xf32> to vector<16xf32>
      %parallel_loop3A_451 = arith.constant 0 : i32
      %parallel_loop3A_452 = arith.index_cast %parallel_loop3A_451 : i32 to index
      %parallel_loop3A_453 = arith.index_cast %parallel_loop3A_322 : i32 to index
      %parallel_loop3A_454 = arith.constant 80 : index
      %parallel_loop3A_455 = tpu.vector_load %arg6[%parallel_loop3A_452, %parallel_loop3A_453, %parallel_loop3A_454] {strides = array<i32>} : memref<2x32x512xi32, #tpu.memory_space<vmem>>, vector<1x1x16xi32>,
      %parallel_loop3A_456 = vector.shape_cast %parallel_loop3A_455 : vector<1x1x16xi32> to vector<16xi32>
      %parallel_loop3A_457 = arith.constant 0.000000e+00 : f32
      %parallel_loop3A_458 = vector.broadcast %parallel_loop3A_457 : f32 to vector<16xf32>
      %parallel_loop3A_459 = arith.cmpf ogt, %parallel_loop3A_450, %parallel_loop3A_458 : vector<16xf32>
      %parallel_loop3A_460 = arith.constant 65536 : i32
      %parallel_loop3A_461 = vector.broadcast %parallel_loop3A_460 : i32 to vector<16xi32>
      %parallel_loop3A_462 = arith.addi %parallel_loop3A_456, %parallel_loop3A_461 : vector<16xi32>
      %parallel_loop3A_463 = arith.select %parallel_loop3A_459, %parallel_loop3A_462, %parallel_loop3A_456 : vector<16xi1>, vector<16xi32>
      %parallel_loop3A_464 = arith.addi %parallel_loop3A_440, %parallel_loop3A_463 : vector<16xi32>
      %parallel_loop3A_465 = arith.constant 0 : i32
      %parallel_loop3A_466 = vector.broadcast %parallel_loop3A_465 : i32 to vector<16xi32>
      %parallel_loop3A_467 = arith.select %parallel_loop3A_459, %parallel_loop3A_456, %parallel_loop3A_466 : vector<16xi1>, vector<16xi32>
      %parallel_loop3A_468 = arith.addi %parallel_loop3A_444, %parallel_loop3A_467 : vector<16xi32>
      %parallel_loop3A_469 = arith.constant 0 : i32
      %parallel_loop3A_470 = arith.index_cast %parallel_loop3A_469 : i32 to index
      %parallel_loop3A_471 = arith.index_cast %parallel_loop3A_322 : i32 to index
      %parallel_loop3A_472 = arith.constant 96 : index
      %parallel_loop3A_473 = tpu.vector_load %arg5[%parallel_loop3A_470, %parallel_loop3A_471, %parallel_loop3A_472] {strides = array<i32>} : memref<2x32x512xf32, #tpu.memory_space<vmem>>, vector<1x1x16xf32>,
      %parallel_loop3A_474 = vector.shape_cast %parallel_loop3A_473 : vector<1x1x16xf32> to vector<16xf32>
      %parallel_loop3A_475 = arith.constant 0 : i32
      %parallel_loop3A_476 = arith.index_cast %parallel_loop3A_475 : i32 to index
      %parallel_loop3A_477 = arith.index_cast %parallel_loop3A_322 : i32 to index
      %parallel_loop3A_478 = arith.constant 96 : index
      %parallel_loop3A_479 = tpu.vector_load %arg6[%parallel_loop3A_476, %parallel_loop3A_477, %parallel_loop3A_478] {strides = array<i32>} : memref<2x32x512xi32, #tpu.memory_space<vmem>>, vector<1x1x16xi32>,
      %parallel_loop3A_480 = vector.shape_cast %parallel_loop3A_479 : vector<1x1x16xi32> to vector<16xi32>
      %parallel_loop3A_481 = arith.constant 0.000000e+00 : f32
      %parallel_loop3A_482 = vector.broadcast %parallel_loop3A_481 : f32 to vector<16xf32>
      %parallel_loop3A_483 = arith.cmpf ogt, %parallel_loop3A_474, %parallel_loop3A_482 : vector<16xf32>
      %parallel_loop3A_484 = arith.constant 65536 : i32
      %parallel_loop3A_485 = vector.broadcast %parallel_loop3A_484 : i32 to vector<16xi32>
      %parallel_loop3A_486 = arith.addi %parallel_loop3A_480, %parallel_loop3A_485 : vector<16xi32>
      %parallel_loop3A_487 = arith.select %parallel_loop3A_483, %parallel_loop3A_486, %parallel_loop3A_480 : vector<16xi1>, vector<16xi32>
      %parallel_loop3A_488 = arith.addi %parallel_loop3A_464, %parallel_loop3A_487 : vector<16xi32>
      %parallel_loop3A_489 = arith.constant 0 : i32
      %parallel_loop3A_490 = vector.broadcast %parallel_loop3A_489 : i32 to vector<16xi32>
      %parallel_loop3A_491 = arith.select %parallel_loop3A_483, %parallel_loop3A_480, %parallel_loop3A_490 : vector<16xi1>, vector<16xi32>
      %parallel_loop3A_492 = arith.addi %parallel_loop3A_468, %parallel_loop3A_491 : vector<16xi32>
      %parallel_loop3A_493 = arith.constant 0 : i32
      %parallel_loop3A_494 = arith.index_cast %parallel_loop3A_493 : i32 to index
      %parallel_loop3A_495 = arith.index_cast %parallel_loop3A_322 : i32 to index
      %parallel_loop3A_496 = arith.constant 112 : index
      %parallel_loop3A_497 = tpu.vector_load %arg5[%parallel_loop3A_494, %parallel_loop3A_495, %parallel_loop3A_496] {strides = array<i32>} : memref<2x32x512xf32, #tpu.memory_space<vmem>>, vector<1x1x16xf32>,
      %parallel_loop3A_498 = vector.shape_cast %parallel_loop3A_497 : vector<1x1x16xf32> to vector<16xf32>
      %parallel_loop3A_499 = arith.constant 0 : i32
      %parallel_loop3A_500 = arith.index_cast %parallel_loop3A_499 : i32 to index
      %parallel_loop3A_501 = arith.index_cast %parallel_loop3A_322 : i32 to index
      %parallel_loop3A_502 = arith.constant 112 : index
      %parallel_loop3A_503 = tpu.vector_load %arg6[%parallel_loop3A_500, %parallel_loop3A_501, %parallel_loop3A_502] {strides = array<i32>} : memref<2x32x512xi32, #tpu.memory_space<vmem>>, vector<1x1x16xi32>,
      %parallel_loop3A_504 = vector.shape_cast %parallel_loop3A_503 : vector<1x1x16xi32> to vector<16xi32>
      %parallel_loop3A_505 = arith.constant 0.000000e+00 : f32
      %parallel_loop3A_506 = vector.broadcast %parallel_loop3A_505 : f32 to vector<16xf32>
      %parallel_loop3A_507 = arith.cmpf ogt, %parallel_loop3A_498, %parallel_loop3A_506 : vector<16xf32>
      %parallel_loop3A_508 = arith.constant 65536 : i32
      %parallel_loop3A_509 = vector.broadcast %parallel_loop3A_508 : i32 to vector<16xi32>
      %parallel_loop3A_510 = arith.addi %parallel_loop3A_504, %parallel_loop3A_509 : vector<16xi32>
      %parallel_loop3A_511 = arith.select %parallel_loop3A_507, %parallel_loop3A_510, %parallel_loop3A_504 : vector<16xi1>, vector<16xi32>
      %parallel_loop3A_512 = arith.addi %parallel_loop3A_488, %parallel_loop3A_511 : vector<16xi32>
      %parallel_loop3A_513 = arith.constant 0 : i32
      %parallel_loop3A_514 = vector.broadcast %parallel_loop3A_513 : i32 to vector<16xi32>
      %parallel_loop3A_515 = arith.select %parallel_loop3A_507, %parallel_loop3A_504, %parallel_loop3A_514 : vector<16xi1>, vector<16xi32>
      %parallel_loop3A_516 = arith.addi %parallel_loop3A_492, %parallel_loop3A_515 : vector<16xi32>
      %parallel_loop3A_517 = arith.constant 0 : i32
      %parallel_loop3A_518 = arith.index_cast %parallel_loop3A_517 : i32 to index
      %parallel_loop3A_519 = arith.index_cast %parallel_loop3A_322 : i32 to index
      %parallel_loop3A_520 = arith.constant 128 : index
      %parallel_loop3A_521 = tpu.vector_load %arg5[%parallel_loop3A_518, %parallel_loop3A_519, %parallel_loop3A_520] {strides = array<i32>} : memref<2x32x512xf32, #tpu.memory_space<vmem>>, vector<1x1x16xf32>,
      %parallel_loop3A_522 = vector.shape_cast %parallel_loop3A_521 : vector<1x1x16xf32> to vector<16xf32>
      %parallel_loop3A_523 = arith.constant 0 : i32
      %parallel_loop3A_524 = arith.index_cast %parallel_loop3A_523 : i32 to index
      %parallel_loop3A_525 = arith.index_cast %parallel_loop3A_322 : i32 to index
      %parallel_loop3A_526 = arith.constant 128 : index
      %parallel_loop3A_527 = tpu.vector_load %arg6[%parallel_loop3A_524, %parallel_loop3A_525, %parallel_loop3A_526] {strides = array<i32>} : memref<2x32x512xi32, #tpu.memory_space<vmem>>, vector<1x1x16xi32>,
      %parallel_loop3A_528 = vector.shape_cast %parallel_loop3A_527 : vector<1x1x16xi32> to vector<16xi32>
      %parallel_loop3A_529 = arith.constant 0.000000e+00 : f32
      %parallel_loop3A_530 = vector.broadcast %parallel_loop3A_529 : f32 to vector<16xf32>
      %parallel_loop3A_531 = arith.cmpf ogt, %parallel_loop3A_522, %parallel_loop3A_530 : vector<16xf32>
      %parallel_loop3A_532 = arith.constant 65536 : i32
      %parallel_loop3A_533 = vector.broadcast %parallel_loop3A_532 : i32 to vector<16xi32>
      %parallel_loop3A_534 = arith.addi %parallel_loop3A_528, %parallel_loop3A_533 : vector<16xi32>
      %parallel_loop3A_535 = arith.select %parallel_loop3A_531, %parallel_loop3A_534, %parallel_loop3A_528 : vector<16xi1>, vector<16xi32>
      %parallel_loop3A_536 = arith.addi %parallel_loop3A_512, %parallel_loop3A_535 : vector<16xi32>
      %parallel_loop3A_537 = arith.constant 0 : i32
      %parallel_loop3A_538 = vector.broadcast %parallel_loop3A_537 : i32 to vector<16xi32>
      %parallel_loop3A_539 = arith.select %parallel_loop3A_531, %parallel_loop3A_528, %parallel_loop3A_538 : vector<16xi1>, vector<16xi32>
      %parallel_loop3A_540 = arith.addi %parallel_loop3A_516, %parallel_loop3A_539 : vector<16xi32>
      %parallel_loop3A_541 = arith.constant 0 : i32
      %parallel_loop3A_542 = arith.index_cast %parallel_loop3A_541 : i32 to index
      %parallel_loop3A_543 = arith.index_cast %parallel_loop3A_322 : i32 to index
      %parallel_loop3A_544 = arith.constant 144 : index
      %parallel_loop3A_545 = tpu.vector_load %arg5[%parallel_loop3A_542, %parallel_loop3A_543, %parallel_loop3A_544] {strides = array<i32>} : memref<2x32x512xf32, #tpu.memory_space<vmem>>, vector<1x1x16xf32>,
      %parallel_loop3A_546 = vector.shape_cast %parallel_loop3A_545 : vector<1x1x16xf32> to vector<16xf32>
      %parallel_loop3A_547 = arith.constant 0 : i32
      %parallel_loop3A_548 = arith.index_cast %parallel_loop3A_547 : i32 to index
      %parallel_loop3A_549 = arith.index_cast %parallel_loop3A_322 : i32 to index
      %parallel_loop3A_550 = arith.constant 144 : index
      %parallel_loop3A_551 = tpu.vector_load %arg6[%parallel_loop3A_548, %parallel_loop3A_549, %parallel_loop3A_550] {strides = array<i32>} : memref<2x32x512xi32, #tpu.memory_space<vmem>>, vector<1x1x16xi32>,
      %parallel_loop3A_552 = vector.shape_cast %parallel_loop3A_551 : vector<1x1x16xi32> to vector<16xi32>
      %parallel_loop3A_553 = arith.constant 0.000000e+00 : f32
      %parallel_loop3A_554 = vector.broadcast %parallel_loop3A_553 : f32 to vector<16xf32>
      %parallel_loop3A_555 = arith.cmpf ogt, %parallel_loop3A_546, %parallel_loop3A_554 : vector<16xf32>
      %parallel_loop3A_556 = arith.constant 65536 : i32
      %parallel_loop3A_557 = vector.broadcast %parallel_loop3A_556 : i32 to vector<16xi32>
      %parallel_loop3A_558 = arith.addi %parallel_loop3A_552, %parallel_loop3A_557 : vector<16xi32>
      %parallel_loop3A_559 = arith.select %parallel_loop3A_555, %parallel_loop3A_558, %parallel_loop3A_552 : vector<16xi1>, vector<16xi32>
      %parallel_loop3A_560 = arith.addi %parallel_loop3A_536, %parallel_loop3A_559 : vector<16xi32>
      %parallel_loop3A_561 = arith.constant 0 : i32
      %parallel_loop3A_562 = vector.broadcast %parallel_loop3A_561 : i32 to vector<16xi32>
      %parallel_loop3A_563 = arith.select %parallel_loop3A_555, %parallel_loop3A_552, %parallel_loop3A_562 : vector<16xi1>, vector<16xi32>
      %parallel_loop3A_564 = arith.addi %parallel_loop3A_540, %parallel_loop3A_563 : vector<16xi32>
      %parallel_loop3A_565 = arith.constant 0 : i32
      %parallel_loop3A_566 = arith.index_cast %parallel_loop3A_565 : i32 to index
      %parallel_loop3A_567 = arith.index_cast %parallel_loop3A_322 : i32 to index
      %parallel_loop3A_568 = arith.constant 160 : index
      %parallel_loop3A_569 = tpu.vector_load %arg5[%parallel_loop3A_566, %parallel_loop3A_567, %parallel_loop3A_568] {strides = array<i32>} : memref<2x32x512xf32, #tpu.memory_space<vmem>>, vector<1x1x16xf32>,
      %parallel_loop3A_570 = vector.shape_cast %parallel_loop3A_569 : vector<1x1x16xf32> to vector<16xf32>
      %parallel_loop3A_571 = arith.constant 0 : i32
      %parallel_loop3A_572 = arith.index_cast %parallel_loop3A_571 : i32 to index
      %parallel_loop3A_573 = arith.index_cast %parallel_loop3A_322 : i32 to index
      %parallel_loop3A_574 = arith.constant 160 : index
      %parallel_loop3A_575 = tpu.vector_load %arg6[%parallel_loop3A_572, %parallel_loop3A_573, %parallel_loop3A_574] {strides = array<i32>} : memref<2x32x512xi32, #tpu.memory_space<vmem>>, vector<1x1x16xi32>,
      %parallel_loop3A_576 = vector.shape_cast %parallel_loop3A_575 : vector<1x1x16xi32> to vector<16xi32>
      %parallel_loop3A_577 = arith.constant 0.000000e+00 : f32
      %parallel_loop3A_578 = vector.broadcast %parallel_loop3A_577 : f32 to vector<16xf32>
      %parallel_loop3A_579 = arith.cmpf ogt, %parallel_loop3A_570, %parallel_loop3A_578 : vector<16xf32>
      %parallel_loop3A_580 = arith.constant 65536 : i32
      %parallel_loop3A_581 = vector.broadcast %parallel_loop3A_580 : i32 to vector<16xi32>
      %parallel_loop3A_582 = arith.addi %parallel_loop3A_576, %parallel_loop3A_581 : vector<16xi32>
      %parallel_loop3A_583 = arith.select %parallel_loop3A_579, %parallel_loop3A_582, %parallel_loop3A_576 : vector<16xi1>, vector<16xi32>
      %parallel_loop3A_584 = arith.addi %parallel_loop3A_560, %parallel_loop3A_583 : vector<16xi32>
      %parallel_loop3A_585 = arith.constant 0 : i32
      %parallel_loop3A_586 = vector.broadcast %parallel_loop3A_585 : i32 to vector<16xi32>
      %parallel_loop3A_587 = arith.select %parallel_loop3A_579, %parallel_loop3A_576, %parallel_loop3A_586 : vector<16xi1>, vector<16xi32>
      %parallel_loop3A_588 = arith.addi %parallel_loop3A_564, %parallel_loop3A_587 : vector<16xi32>
      %parallel_loop3A_589 = arith.constant 0 : i32
      %parallel_loop3A_590 = arith.index_cast %parallel_loop3A_589 : i32 to index
      %parallel_loop3A_591 = arith.index_cast %parallel_loop3A_322 : i32 to index
      %parallel_loop3A_592 = arith.constant 176 : index
      %parallel_loop3A_593 = tpu.vector_load %arg5[%parallel_loop3A_590, %parallel_loop3A_591, %parallel_loop3A_592] {strides = array<i32>} : memref<2x32x512xf32, #tpu.memory_space<vmem>>, vector<1x1x16xf32>,
      %parallel_loop3A_594 = vector.shape_cast %parallel_loop3A_593 : vector<1x1x16xf32> to vector<16xf32>
      %parallel_loop3A_595 = arith.constant 0 : i32
      %parallel_loop3A_596 = arith.index_cast %parallel_loop3A_595 : i32 to index
      %parallel_loop3A_597 = arith.index_cast %parallel_loop3A_322 : i32 to index
      %parallel_loop3A_598 = arith.constant 176 : index
      %parallel_loop3A_599 = tpu.vector_load %arg6[%parallel_loop3A_596, %parallel_loop3A_597, %parallel_loop3A_598] {strides = array<i32>} : memref<2x32x512xi32, #tpu.memory_space<vmem>>, vector<1x1x16xi32>,
      %parallel_loop3A_600 = vector.shape_cast %parallel_loop3A_599 : vector<1x1x16xi32> to vector<16xi32>
      %parallel_loop3A_601 = arith.constant 0.000000e+00 : f32
      %parallel_loop3A_602 = vector.broadcast %parallel_loop3A_601 : f32 to vector<16xf32>
      %parallel_loop3A_603 = arith.cmpf ogt, %parallel_loop3A_594, %parallel_loop3A_602 : vector<16xf32>
      %parallel_loop3A_604 = arith.constant 65536 : i32
      %parallel_loop3A_605 = vector.broadcast %parallel_loop3A_604 : i32 to vector<16xi32>
      %parallel_loop3A_606 = arith.addi %parallel_loop3A_600, %parallel_loop3A_605 : vector<16xi32>
      %parallel_loop3A_607 = arith.select %parallel_loop3A_603, %parallel_loop3A_606, %parallel_loop3A_600 : vector<16xi1>, vector<16xi32>
      %parallel_loop3A_608 = arith.addi %parallel_loop3A_584, %parallel_loop3A_607 : vector<16xi32>
      %parallel_loop3A_609 = arith.constant 0 : i32
      %parallel_loop3A_610 = vector.broadcast %parallel_loop3A_609 : i32 to vector<16xi32>
      %parallel_loop3A_611 = arith.select %parallel_loop3A_603, %parallel_loop3A_600, %parallel_loop3A_610 : vector<16xi1>, vector<16xi32>
      %parallel_loop3A_612 = arith.addi %parallel_loop3A_588, %parallel_loop3A_611 : vector<16xi32>
      %parallel_loop3A_613 = arith.constant 0 : i32
      %parallel_loop3A_614 = arith.index_cast %parallel_loop3A_613 : i32 to index
      %parallel_loop3A_615 = arith.index_cast %parallel_loop3A_322 : i32 to index
      %parallel_loop3A_616 = arith.constant 192 : index
      %parallel_loop3A_617 = tpu.vector_load %arg5[%parallel_loop3A_614, %parallel_loop3A_615, %parallel_loop3A_616] {strides = array<i32>} : memref<2x32x512xf32, #tpu.memory_space<vmem>>, vector<1x1x16xf32>,
      %parallel_loop3A_618 = vector.shape_cast %parallel_loop3A_617 : vector<1x1x16xf32> to vector<16xf32>
      %parallel_loop3A_619 = arith.constant 0 : i32
      %parallel_loop3A_620 = arith.index_cast %parallel_loop3A_619 : i32 to index
      %parallel_loop3A_621 = arith.index_cast %parallel_loop3A_322 : i32 to index
      %parallel_loop3A_622 = arith.constant 192 : index
      %parallel_loop3A_623 = tpu.vector_load %arg6[%parallel_loop3A_620, %parallel_loop3A_621, %parallel_loop3A_622] {strides = array<i32>} : memref<2x32x512xi32, #tpu.memory_space<vmem>>, vector<1x1x16xi32>,
      %parallel_loop3A_624 = vector.shape_cast %parallel_loop3A_623 : vector<1x1x16xi32> to vector<16xi32>
      %parallel_loop3A_625 = arith.constant 0.000000e+00 : f32
      %parallel_loop3A_626 = vector.broadcast %parallel_loop3A_625 : f32 to vector<16xf32>
      %parallel_loop3A_627 = arith.cmpf ogt, %parallel_loop3A_618, %parallel_loop3A_626 : vector<16xf32>
      %parallel_loop3A_628 = arith.constant 65536 : i32
      %parallel_loop3A_629 = vector.broadcast %parallel_loop3A_628 : i32 to vector<16xi32>
      %parallel_loop3A_630 = arith.addi %parallel_loop3A_624, %parallel_loop3A_629 : vector<16xi32>
      %parallel_loop3A_631 = arith.select %parallel_loop3A_627, %parallel_loop3A_630, %parallel_loop3A_624 : vector<16xi1>, vector<16xi32>
      %parallel_loop3A_632 = arith.addi %parallel_loop3A_608, %parallel_loop3A_631 : vector<16xi32>
      %parallel_loop3A_633 = arith.constant 0 : i32
      %parallel_loop3A_634 = vector.broadcast %parallel_loop3A_633 : i32 to vector<16xi32>
      %parallel_loop3A_635 = arith.select %parallel_loop3A_627, %parallel_loop3A_624, %parallel_loop3A_634 : vector<16xi1>, vector<16xi32>
      %parallel_loop3A_636 = arith.addi %parallel_loop3A_612, %parallel_loop3A_635 : vector<16xi32>
      %parallel_loop3A_637 = arith.constant 0 : i32
      %parallel_loop3A_638 = arith.index_cast %parallel_loop3A_637 : i32 to index
      %parallel_loop3A_639 = arith.index_cast %parallel_loop3A_322 : i32 to index
      %parallel_loop3A_640 = arith.constant 208 : index
      %parallel_loop3A_641 = tpu.vector_load %arg5[%parallel_loop3A_638, %parallel_loop3A_639, %parallel_loop3A_640] {strides = array<i32>} : memref<2x32x512xf32, #tpu.memory_space<vmem>>, vector<1x1x16xf32>,
      %parallel_loop3A_642 = vector.shape_cast %parallel_loop3A_641 : vector<1x1x16xf32> to vector<16xf32>
      %parallel_loop3A_643 = arith.constant 0 : i32
      %parallel_loop3A_644 = arith.index_cast %parallel_loop3A_643 : i32 to index
      %parallel_loop3A_645 = arith.index_cast %parallel_loop3A_322 : i32 to index
      %parallel_loop3A_646 = arith.constant 208 : index
      %parallel_loop3A_647 = tpu.vector_load %arg6[%parallel_loop3A_644, %parallel_loop3A_645, %parallel_loop3A_646] {strides = array<i32>} : memref<2x32x512xi32, #tpu.memory_space<vmem>>, vector<1x1x16xi32>,
      %parallel_loop3A_648 = vector.shape_cast %parallel_loop3A_647 : vector<1x1x16xi32> to vector<16xi32>
      %parallel_loop3A_649 = arith.constant 0.000000e+00 : f32
      %parallel_loop3A_650 = vector.broadcast %parallel_loop3A_649 : f32 to vector<16xf32>
      %parallel_loop3A_651 = arith.cmpf ogt, %parallel_loop3A_642, %parallel_loop3A_650 : vector<16xf32>
      %parallel_loop3A_652 = arith.constant 65536 : i32
      %parallel_loop3A_653 = vector.broadcast %parallel_loop3A_652 : i32 to vector<16xi32>
      %parallel_loop3A_654 = arith.addi %parallel_loop3A_648, %parallel_loop3A_653 : vector<16xi32>
      %parallel_loop3A_655 = arith.select %parallel_loop3A_651, %parallel_loop3A_654, %parallel_loop3A_648 : vector<16xi1>, vector<16xi32>
      %parallel_loop3A_656 = arith.addi %parallel_loop3A_632, %parallel_loop3A_655 : vector<16xi32>
      %parallel_loop3A_657 = arith.constant 0 : i32
      %parallel_loop3A_658 = vector.broadcast %parallel_loop3A_657 : i32 to vector<16xi32>
      %parallel_loop3A_659 = arith.select %parallel_loop3A_651, %parallel_loop3A_648, %parallel_loop3A_658 : vector<16xi1>, vector<16xi32>
      %parallel_loop3A_660 = arith.addi %parallel_loop3A_636, %parallel_loop3A_659 : vector<16xi32>
      %parallel_loop3A_661 = arith.constant 0 : i32
      %parallel_loop3A_662 = arith.index_cast %parallel_loop3A_661 : i32 to index
      %parallel_loop3A_663 = arith.index_cast %parallel_loop3A_322 : i32 to index
      %parallel_loop3A_664 = arith.constant 224 : index
      %parallel_loop3A_665 = tpu.vector_load %arg5[%parallel_loop3A_662, %parallel_loop3A_663, %parallel_loop3A_664] {strides = array<i32>} : memref<2x32x512xf32, #tpu.memory_space<vmem>>, vector<1x1x16xf32>,
      %parallel_loop3A_666 = vector.shape_cast %parallel_loop3A_665 : vector<1x1x16xf32> to vector<16xf32>
      %parallel_loop3A_667 = arith.constant 0 : i32
      %parallel_loop3A_668 = arith.index_cast %parallel_loop3A_667 : i32 to index
      %parallel_loop3A_669 = arith.index_cast %parallel_loop3A_322 : i32 to index
      %parallel_loop3A_670 = arith.constant 224 : index
      %parallel_loop3A_671 = tpu.vector_load %arg6[%parallel_loop3A_668, %parallel_loop3A_669, %parallel_loop3A_670] {strides = array<i32>} : memref<2x32x512xi32, #tpu.memory_space<vmem>>, vector<1x1x16xi32>,
      %parallel_loop3A_672 = vector.shape_cast %parallel_loop3A_671 : vector<1x1x16xi32> to vector<16xi32>
      %parallel_loop3A_673 = arith.constant 0.000000e+00 : f32
      %parallel_loop3A_674 = vector.broadcast %parallel_loop3A_673 : f32 to vector<16xf32>
      %parallel_loop3A_675 = arith.cmpf ogt, %parallel_loop3A_666, %parallel_loop3A_674 : vector<16xf32>
      %parallel_loop3A_676 = arith.constant 65536 : i32
      %parallel_loop3A_677 = vector.broadcast %parallel_loop3A_676 : i32 to vector<16xi32>
      %parallel_loop3A_678 = arith.addi %parallel_loop3A_672, %parallel_loop3A_677 : vector<16xi32>
      %parallel_loop3A_679 = arith.select %parallel_loop3A_675, %parallel_loop3A_678, %parallel_loop3A_672 : vector<16xi1>, vector<16xi32>
      %parallel_loop3A_680 = arith.addi %parallel_loop3A_656, %parallel_loop3A_679 : vector<16xi32>
      %parallel_loop3A_681 = arith.constant 0 : i32
      %parallel_loop3A_682 = vector.broadcast %parallel_loop3A_681 : i32 to vector<16xi32>
      %parallel_loop3A_683 = arith.select %parallel_loop3A_675, %parallel_loop3A_672, %parallel_loop3A_682 : vector<16xi1>, vector<16xi32>
      %parallel_loop3A_684 = arith.addi %parallel_loop3A_660, %parallel_loop3A_683 : vector<16xi32>
      %parallel_loop3A_685 = arith.constant 0 : i32
      %parallel_loop3A_686 = arith.index_cast %parallel_loop3A_685 : i32 to index
      %parallel_loop3A_687 = arith.index_cast %parallel_loop3A_322 : i32 to index
      %parallel_loop3A_688 = arith.constant 240 : index
      %parallel_loop3A_689 = tpu.vector_load %arg5[%parallel_loop3A_686, %parallel_loop3A_687, %parallel_loop3A_688] {strides = array<i32>} : memref<2x32x512xf32, #tpu.memory_space<vmem>>, vector<1x1x16xf32>,
      %parallel_loop3A_690 = vector.shape_cast %parallel_loop3A_689 : vector<1x1x16xf32> to vector<16xf32>
      %parallel_loop3A_691 = arith.constant 0 : i32
      %parallel_loop3A_692 = arith.index_cast %parallel_loop3A_691 : i32 to index
      %parallel_loop3A_693 = arith.index_cast %parallel_loop3A_322 : i32 to index
      %parallel_loop3A_694 = arith.constant 240 : index
      %parallel_loop3A_695 = tpu.vector_load %arg6[%parallel_loop3A_692, %parallel_loop3A_693, %parallel_loop3A_694] {strides = array<i32>} : memref<2x32x512xi32, #tpu.memory_space<vmem>>, vector<1x1x16xi32>,
      %parallel_loop3A_696 = vector.shape_cast %parallel_loop3A_695 : vector<1x1x16xi32> to vector<16xi32>
      %parallel_loop3A_697 = arith.constant 0.000000e+00 : f32
      %parallel_loop3A_698 = vector.broadcast %parallel_loop3A_697 : f32 to vector<16xf32>
      %parallel_loop3A_699 = arith.cmpf ogt, %parallel_loop3A_690, %parallel_loop3A_698 : vector<16xf32>
      %parallel_loop3A_700 = arith.constant 65536 : i32
      %parallel_loop3A_701 = vector.broadcast %parallel_loop3A_700 : i32 to vector<16xi32>
      %parallel_loop3A_702 = arith.addi %parallel_loop3A_696, %parallel_loop3A_701 : vector<16xi32>
      %parallel_loop3A_703 = arith.select %parallel_loop3A_699, %parallel_loop3A_702, %parallel_loop3A_696 : vector<16xi1>, vector<16xi32>
      %parallel_loop3A_704 = arith.addi %parallel_loop3A_680, %parallel_loop3A_703 : vector<16xi32>
      %parallel_loop3A_705 = arith.constant 0 : i32
      %parallel_loop3A_706 = vector.broadcast %parallel_loop3A_705 : i32 to vector<16xi32>
      %parallel_loop3A_707 = arith.select %parallel_loop3A_699, %parallel_loop3A_696, %parallel_loop3A_706 : vector<16xi1>, vector<16xi32>
      %parallel_loop3A_708 = arith.addi %parallel_loop3A_684, %parallel_loop3A_707 : vector<16xi32>
      %parallel_loop3A_709 = arith.constant 0 : i32
      %parallel_loop3A_710 = arith.index_cast %parallel_loop3A_709 : i32 to index
      %parallel_loop3A_711 = arith.index_cast %parallel_loop3A_322 : i32 to index
      %parallel_loop3A_712 = arith.constant 256 : index
      %parallel_loop3A_713 = tpu.vector_load %arg5[%parallel_loop3A_710, %parallel_loop3A_711, %parallel_loop3A_712] {strides = array<i32>} : memref<2x32x512xf32, #tpu.memory_space<vmem>>, vector<1x1x16xf32>,
      %parallel_loop3A_714 = vector.shape_cast %parallel_loop3A_713 : vector<1x1x16xf32> to vector<16xf32>
      %parallel_loop3A_715 = arith.constant 0 : i32
      %parallel_loop3A_716 = arith.index_cast %parallel_loop3A_715 : i32 to index
      %parallel_loop3A_717 = arith.index_cast %parallel_loop3A_322 : i32 to index
      %parallel_loop3A_718 = arith.constant 256 : index
      %parallel_loop3A_719 = tpu.vector_load %arg6[%parallel_loop3A_716, %parallel_loop3A_717, %parallel_loop3A_718] {strides = array<i32>} : memref<2x32x512xi32, #tpu.memory_space<vmem>>, vector<1x1x16xi32>,
      %parallel_loop3A_720 = vector.shape_cast %parallel_loop3A_719 : vector<1x1x16xi32> to vector<16xi32>
      %parallel_loop3A_721 = arith.constant 0.000000e+00 : f32
      %parallel_loop3A_722 = vector.broadcast %parallel_loop3A_721 : f32 to vector<16xf32>
      %parallel_loop3A_723 = arith.cmpf ogt, %parallel_loop3A_714, %parallel_loop3A_722 : vector<16xf32>
      %parallel_loop3A_724 = arith.constant 65536 : i32
      %parallel_loop3A_725 = vector.broadcast %parallel_loop3A_724 : i32 to vector<16xi32>
      %parallel_loop3A_726 = arith.addi %parallel_loop3A_720, %parallel_loop3A_725 : vector<16xi32>
      %parallel_loop3A_727 = arith.select %parallel_loop3A_723, %parallel_loop3A_726, %parallel_loop3A_720 : vector<16xi1>, vector<16xi32>
      %parallel_loop3A_728 = arith.addi %parallel_loop3A_704, %parallel_loop3A_727 : vector<16xi32>
      %parallel_loop3A_729 = arith.constant 0 : i32
      %parallel_loop3A_730 = vector.broadcast %parallel_loop3A_729 : i32 to vector<16xi32>
      %parallel_loop3A_731 = arith.select %parallel_loop3A_723, %parallel_loop3A_720, %parallel_loop3A_730 : vector<16xi1>, vector<16xi32>
      %parallel_loop3A_732 = arith.addi %parallel_loop3A_708, %parallel_loop3A_731 : vector<16xi32>
      %parallel_loop3A_733 = arith.constant 0 : i32
      %parallel_loop3A_734 = arith.index_cast %parallel_loop3A_733 : i32 to index
      %parallel_loop3A_735 = arith.index_cast %parallel_loop3A_322 : i32 to index
      %parallel_loop3A_736 = arith.constant 272 : index
      %parallel_loop3A_737 = tpu.vector_load %arg5[%parallel_loop3A_734, %parallel_loop3A_735, %parallel_loop3A_736] {strides = array<i32>} : memref<2x32x512xf32, #tpu.memory_space<vmem>>, vector<1x1x16xf32>,
      %parallel_loop3A_738 = vector.shape_cast %parallel_loop3A_737 : vector<1x1x16xf32> to vector<16xf32>
      %parallel_loop3A_739 = arith.constant 0 : i32
      %parallel_loop3A_740 = arith.index_cast %parallel_loop3A_739 : i32 to index
      %parallel_loop3A_741 = arith.index_cast %parallel_loop3A_322 : i32 to index
      %parallel_loop3A_742 = arith.constant 272 : index
      %parallel_loop3A_743 = tpu.vector_load %arg6[%parallel_loop3A_740, %parallel_loop3A_741, %parallel_loop3A_742] {strides = array<i32>} : memref<2x32x512xi32, #tpu.memory_space<vmem>>, vector<1x1x16xi32>,
      %parallel_loop3A_744 = vector.shape_cast %parallel_loop3A_743 : vector<1x1x16xi32> to vector<16xi32>
      %parallel_loop3A_745 = arith.constant 0.000000e+00 : f32
      %parallel_loop3A_746 = vector.broadcast %parallel_loop3A_745 : f32 to vector<16xf32>
      %parallel_loop3A_747 = arith.cmpf ogt, %parallel_loop3A_738, %parallel_loop3A_746 : vector<16xf32>
      %parallel_loop3A_748 = arith.constant 65536 : i32
      %parallel_loop3A_749 = vector.broadcast %parallel_loop3A_748 : i32 to vector<16xi32>
      %parallel_loop3A_750 = arith.addi %parallel_loop3A_744, %parallel_loop3A_749 : vector<16xi32>
      %parallel_loop3A_751 = arith.select %parallel_loop3A_747, %parallel_loop3A_750, %parallel_loop3A_744 : vector<16xi1>, vector<16xi32>
      %parallel_loop3A_752 = arith.addi %parallel_loop3A_728, %parallel_loop3A_751 : vector<16xi32>
      %parallel_loop3A_753 = arith.constant 0 : i32
      %parallel_loop3A_754 = vector.broadcast %parallel_loop3A_753 : i32 to vector<16xi32>
      %parallel_loop3A_755 = arith.select %parallel_loop3A_747, %parallel_loop3A_744, %parallel_loop3A_754 : vector<16xi1>, vector<16xi32>
      %parallel_loop3A_756 = arith.addi %parallel_loop3A_732, %parallel_loop3A_755 : vector<16xi32>
      %parallel_loop3A_757 = arith.constant 0 : i32
      %parallel_loop3A_758 = arith.index_cast %parallel_loop3A_757 : i32 to index
      %parallel_loop3A_759 = arith.index_cast %parallel_loop3A_322 : i32 to index
      %parallel_loop3A_760 = arith.constant 288 : index
      %parallel_loop3A_761 = tpu.vector_load %arg5[%parallel_loop3A_758, %parallel_loop3A_759, %parallel_loop3A_760] {strides = array<i32>} : memref<2x32x512xf32, #tpu.memory_space<vmem>>, vector<1x1x16xf32>,
      %parallel_loop3A_762 = vector.shape_cast %parallel_loop3A_761 : vector<1x1x16xf32> to vector<16xf32>
      %parallel_loop3A_763 = arith.constant 0 : i32
      %parallel_loop3A_764 = arith.index_cast %parallel_loop3A_763 : i32 to index
      %parallel_loop3A_765 = arith.index_cast %parallel_loop3A_322 : i32 to index
      %parallel_loop3A_766 = arith.constant 288 : index
      %parallel_loop3A_767 = tpu.vector_load %arg6[%parallel_loop3A_764, %parallel_loop3A_765, %parallel_loop3A_766] {strides = array<i32>} : memref<2x32x512xi32, #tpu.memory_space<vmem>>, vector<1x1x16xi32>,
      %parallel_loop3A_768 = vector.shape_cast %parallel_loop3A_767 : vector<1x1x16xi32> to vector<16xi32>
      %parallel_loop3A_769 = arith.constant 0.000000e+00 : f32
      %parallel_loop3A_770 = vector.broadcast %parallel_loop3A_769 : f32 to vector<16xf32>
      %parallel_loop3A_771 = arith.cmpf ogt, %parallel_loop3A_762, %parallel_loop3A_770 : vector<16xf32>
      %parallel_loop3A_772 = arith.constant 65536 : i32
      %parallel_loop3A_773 = vector.broadcast %parallel_loop3A_772 : i32 to vector<16xi32>
      %parallel_loop3A_774 = arith.addi %parallel_loop3A_768, %parallel_loop3A_773 : vector<16xi32>
      %parallel_loop3A_775 = arith.select %parallel_loop3A_771, %parallel_loop3A_774, %parallel_loop3A_768 : vector<16xi1>, vector<16xi32>
      %parallel_loop3A_776 = arith.addi %parallel_loop3A_752, %parallel_loop3A_775 : vector<16xi32>
      %parallel_loop3A_777 = arith.constant 0 : i32
      %parallel_loop3A_778 = vector.broadcast %parallel_loop3A_777 : i32 to vector<16xi32>
      %parallel_loop3A_779 = arith.select %parallel_loop3A_771, %parallel_loop3A_768, %parallel_loop3A_778 : vector<16xi1>, vector<16xi32>
      %parallel_loop3A_780 = arith.addi %parallel_loop3A_756, %parallel_loop3A_779 : vector<16xi32>
      %parallel_loop3A_781 = arith.constant 0 : i32
      %parallel_loop3A_782 = arith.index_cast %parallel_loop3A_781 : i32 to index
      %parallel_loop3A_783 = arith.index_cast %parallel_loop3A_322 : i32 to index
      %parallel_loop3A_784 = arith.constant 304 : index
      %parallel_loop3A_785 = tpu.vector_load %arg5[%parallel_loop3A_782, %parallel_loop3A_783, %parallel_loop3A_784] {strides = array<i32>} : memref<2x32x512xf32, #tpu.memory_space<vmem>>, vector<1x1x16xf32>,
      %parallel_loop3A_786 = vector.shape_cast %parallel_loop3A_785 : vector<1x1x16xf32> to vector<16xf32>
      %parallel_loop3A_787 = arith.constant 0 : i32
      %parallel_loop3A_788 = arith.index_cast %parallel_loop3A_787 : i32 to index
      %parallel_loop3A_789 = arith.index_cast %parallel_loop3A_322 : i32 to index
      %parallel_loop3A_790 = arith.constant 304 : index
      %parallel_loop3A_791 = tpu.vector_load %arg6[%parallel_loop3A_788, %parallel_loop3A_789, %parallel_loop3A_790] {strides = array<i32>} : memref<2x32x512xi32, #tpu.memory_space<vmem>>, vector<1x1x16xi32>,
      %parallel_loop3A_792 = vector.shape_cast %parallel_loop3A_791 : vector<1x1x16xi32> to vector<16xi32>
      %parallel_loop3A_793 = arith.constant 0.000000e+00 : f32
      %parallel_loop3A_794 = vector.broadcast %parallel_loop3A_793 : f32 to vector<16xf32>
      %parallel_loop3A_795 = arith.cmpf ogt, %parallel_loop3A_786, %parallel_loop3A_794 : vector<16xf32>
      %parallel_loop3A_796 = arith.constant 65536 : i32
      %parallel_loop3A_797 = vector.broadcast %parallel_loop3A_796 : i32 to vector<16xi32>
      %parallel_loop3A_798 = arith.addi %parallel_loop3A_792, %parallel_loop3A_797 : vector<16xi32>
      %parallel_loop3A_799 = arith.select %parallel_loop3A_795, %parallel_loop3A_798, %parallel_loop3A_792 : vector<16xi1>, vector<16xi32>
      %parallel_loop3A_800 = arith.addi %parallel_loop3A_776, %parallel_loop3A_799 : vector<16xi32>
      %parallel_loop3A_801 = arith.constant 0 : i32
      %parallel_loop3A_802 = vector.broadcast %parallel_loop3A_801 : i32 to vector<16xi32>
      %parallel_loop3A_803 = arith.select %parallel_loop3A_795, %parallel_loop3A_792, %parallel_loop3A_802 : vector<16xi1>, vector<16xi32>
      %parallel_loop3A_804 = arith.addi %parallel_loop3A_780, %parallel_loop3A_803 : vector<16xi32>
      %parallel_loop3A_805 = arith.constant 0 : i32
      %parallel_loop3A_806 = arith.index_cast %parallel_loop3A_805 : i32 to index
      %parallel_loop3A_807 = arith.index_cast %parallel_loop3A_322 : i32 to index
      %parallel_loop3A_808 = arith.constant 320 : index
      %parallel_loop3A_809 = tpu.vector_load %arg5[%parallel_loop3A_806, %parallel_loop3A_807, %parallel_loop3A_808] {strides = array<i32>} : memref<2x32x512xf32, #tpu.memory_space<vmem>>, vector<1x1x16xf32>,
      %parallel_loop3A_810 = vector.shape_cast %parallel_loop3A_809 : vector<1x1x16xf32> to vector<16xf32>
      %parallel_loop3A_811 = arith.constant 0 : i32
      %parallel_loop3A_812 = arith.index_cast %parallel_loop3A_811 : i32 to index
      %parallel_loop3A_813 = arith.index_cast %parallel_loop3A_322 : i32 to index
      %parallel_loop3A_814 = arith.constant 320 : index
      %parallel_loop3A_815 = tpu.vector_load %arg6[%parallel_loop3A_812, %parallel_loop3A_813, %parallel_loop3A_814] {strides = array<i32>} : memref<2x32x512xi32, #tpu.memory_space<vmem>>, vector<1x1x16xi32>,
      %parallel_loop3A_816 = vector.shape_cast %parallel_loop3A_815 : vector<1x1x16xi32> to vector<16xi32>
      %parallel_loop3A_817 = arith.constant 0.000000e+00 : f32
      %parallel_loop3A_818 = vector.broadcast %parallel_loop3A_817 : f32 to vector<16xf32>
      %parallel_loop3A_819 = arith.cmpf ogt, %parallel_loop3A_810, %parallel_loop3A_818 : vector<16xf32>
      %parallel_loop3A_820 = arith.constant 65536 : i32
      %parallel_loop3A_821 = vector.broadcast %parallel_loop3A_820 : i32 to vector<16xi32>
      %parallel_loop3A_822 = arith.addi %parallel_loop3A_816, %parallel_loop3A_821 : vector<16xi32>
      %parallel_loop3A_823 = arith.select %parallel_loop3A_819, %parallel_loop3A_822, %parallel_loop3A_816 : vector<16xi1>, vector<16xi32>
      %parallel_loop3A_824 = arith.addi %parallel_loop3A_800, %parallel_loop3A_823 : vector<16xi32>
      %parallel_loop3A_825 = arith.constant 0 : i32
      %parallel_loop3A_826 = vector.broadcast %parallel_loop3A_825 : i32 to vector<16xi32>
      %parallel_loop3A_827 = arith.select %parallel_loop3A_819, %parallel_loop3A_816, %parallel_loop3A_826 : vector<16xi1>, vector<16xi32>
      %parallel_loop3A_828 = arith.addi %parallel_loop3A_804, %parallel_loop3A_827 : vector<16xi32>
      %parallel_loop3A_829 = arith.constant 0 : i32
      %parallel_loop3A_830 = arith.index_cast %parallel_loop3A_829 : i32 to index
      %parallel_loop3A_831 = arith.index_cast %parallel_loop3A_322 : i32 to index
      %parallel_loop3A_832 = arith.constant 336 : index
      %parallel_loop3A_833 = tpu.vector_load %arg5[%parallel_loop3A_830, %parallel_loop3A_831, %parallel_loop3A_832] {strides = array<i32>} : memref<2x32x512xf32, #tpu.memory_space<vmem>>, vector<1x1x16xf32>,
      %parallel_loop3A_834 = vector.shape_cast %parallel_loop3A_833 : vector<1x1x16xf32> to vector<16xf32>
      %parallel_loop3A_835 = arith.constant 0 : i32
      %parallel_loop3A_836 = arith.index_cast %parallel_loop3A_835 : i32 to index
      %parallel_loop3A_837 = arith.index_cast %parallel_loop3A_322 : i32 to index
      %parallel_loop3A_838 = arith.constant 336 : index
      %parallel_loop3A_839 = tpu.vector_load %arg6[%parallel_loop3A_836, %parallel_loop3A_837, %parallel_loop3A_838] {strides = array<i32>} : memref<2x32x512xi32, #tpu.memory_space<vmem>>, vector<1x1x16xi32>,
      %parallel_loop3A_840 = vector.shape_cast %parallel_loop3A_839 : vector<1x1x16xi32> to vector<16xi32>
      %parallel_loop3A_841 = arith.constant 0.000000e+00 : f32
      %parallel_loop3A_842 = vector.broadcast %parallel_loop3A_841 : f32 to vector<16xf32>
      %parallel_loop3A_843 = arith.cmpf ogt, %parallel_loop3A_834, %parallel_loop3A_842 : vector<16xf32>
      %parallel_loop3A_844 = arith.constant 65536 : i32
      %parallel_loop3A_845 = vector.broadcast %parallel_loop3A_844 : i32 to vector<16xi32>
      %parallel_loop3A_846 = arith.addi %parallel_loop3A_840, %parallel_loop3A_845 : vector<16xi32>
      %parallel_loop3A_847 = arith.select %parallel_loop3A_843, %parallel_loop3A_846, %parallel_loop3A_840 : vector<16xi1>, vector<16xi32>
      %parallel_loop3A_848 = arith.addi %parallel_loop3A_824, %parallel_loop3A_847 : vector<16xi32>
      %parallel_loop3A_849 = arith.constant 0 : i32
      %parallel_loop3A_850 = vector.broadcast %parallel_loop3A_849 : i32 to vector<16xi32>
      %parallel_loop3A_851 = arith.select %parallel_loop3A_843, %parallel_loop3A_840, %parallel_loop3A_850 : vector<16xi1>, vector<16xi32>
      %parallel_loop3A_852 = arith.addi %parallel_loop3A_828, %parallel_loop3A_851 : vector<16xi32>
      %parallel_loop3A_853 = arith.constant 0 : i32
      %parallel_loop3A_854 = arith.index_cast %parallel_loop3A_853 : i32 to index
      %parallel_loop3A_855 = arith.index_cast %parallel_loop3A_322 : i32 to index
      %parallel_loop3A_856 = arith.constant 352 : index
      %parallel_loop3A_857 = tpu.vector_load %arg5[%parallel_loop3A_854, %parallel_loop3A_855, %parallel_loop3A_856] {strides = array<i32>} : memref<2x32x512xf32, #tpu.memory_space<vmem>>, vector<1x1x16xf32>,
      %parallel_loop3A_858 = vector.shape_cast %parallel_loop3A_857 : vector<1x1x16xf32> to vector<16xf32>
      %parallel_loop3A_859 = arith.constant 0 : i32
      %parallel_loop3A_860 = arith.index_cast %parallel_loop3A_859 : i32 to index
      %parallel_loop3A_861 = arith.index_cast %parallel_loop3A_322 : i32 to index
      %parallel_loop3A_862 = arith.constant 352 : index
      %parallel_loop3A_863 = tpu.vector_load %arg6[%parallel_loop3A_860, %parallel_loop3A_861, %parallel_loop3A_862] {strides = array<i32>} : memref<2x32x512xi32, #tpu.memory_space<vmem>>, vector<1x1x16xi32>,
      %parallel_loop3A_864 = vector.shape_cast %parallel_loop3A_863 : vector<1x1x16xi32> to vector<16xi32>
      %parallel_loop3A_865 = arith.constant 0.000000e+00 : f32
      %parallel_loop3A_866 = vector.broadcast %parallel_loop3A_865 : f32 to vector<16xf32>
      %parallel_loop3A_867 = arith.cmpf ogt, %parallel_loop3A_858, %parallel_loop3A_866 : vector<16xf32>
      %parallel_loop3A_868 = arith.constant 65536 : i32
      %parallel_loop3A_869 = vector.broadcast %parallel_loop3A_868 : i32 to vector<16xi32>
      %parallel_loop3A_870 = arith.addi %parallel_loop3A_864, %parallel_loop3A_869 : vector<16xi32>
      %parallel_loop3A_871 = arith.select %parallel_loop3A_867, %parallel_loop3A_870, %parallel_loop3A_864 : vector<16xi1>, vector<16xi32>
      %parallel_loop3A_872 = arith.addi %parallel_loop3A_848, %parallel_loop3A_871 : vector<16xi32>
      %parallel_loop3A_873 = arith.constant 0 : i32
      %parallel_loop3A_874 = vector.broadcast %parallel_loop3A_873 : i32 to vector<16xi32>
      %parallel_loop3A_875 = arith.select %parallel_loop3A_867, %parallel_loop3A_864, %parallel_loop3A_874 : vector<16xi1>, vector<16xi32>
      %parallel_loop3A_876 = arith.addi %parallel_loop3A_852, %parallel_loop3A_875 : vector<16xi32>
      %parallel_loop3A_877 = arith.constant 0 : i32
      %parallel_loop3A_878 = arith.index_cast %parallel_loop3A_877 : i32 to index
      %parallel_loop3A_879 = arith.index_cast %parallel_loop3A_322 : i32 to index
      %parallel_loop3A_880 = arith.constant 368 : index
      %parallel_loop3A_881 = tpu.vector_load %arg5[%parallel_loop3A_878, %parallel_loop3A_879, %parallel_loop3A_880] {strides = array<i32>} : memref<2x32x512xf32, #tpu.memory_space<vmem>>, vector<1x1x16xf32>,
      %parallel_loop3A_882 = vector.shape_cast %parallel_loop3A_881 : vector<1x1x16xf32> to vector<16xf32>
      %parallel_loop3A_883 = arith.constant 0 : i32
      %parallel_loop3A_884 = arith.index_cast %parallel_loop3A_883 : i32 to index
      %parallel_loop3A_885 = arith.index_cast %parallel_loop3A_322 : i32 to index
      %parallel_loop3A_886 = arith.constant 368 : index
      %parallel_loop3A_887 = tpu.vector_load %arg6[%parallel_loop3A_884, %parallel_loop3A_885, %parallel_loop3A_886] {strides = array<i32>} : memref<2x32x512xi32, #tpu.memory_space<vmem>>, vector<1x1x16xi32>,
      %parallel_loop3A_888 = vector.shape_cast %parallel_loop3A_887 : vector<1x1x16xi32> to vector<16xi32>
      %parallel_loop3A_889 = arith.constant 0.000000e+00 : f32
      %parallel_loop3A_890 = vector.broadcast %parallel_loop3A_889 : f32 to vector<16xf32>
      %parallel_loop3A_891 = arith.cmpf ogt, %parallel_loop3A_882, %parallel_loop3A_890 : vector<16xf32>
      %parallel_loop3A_892 = arith.constant 65536 : i32
      %parallel_loop3A_893 = vector.broadcast %parallel_loop3A_892 : i32 to vector<16xi32>
      %parallel_loop3A_894 = arith.addi %parallel_loop3A_888, %parallel_loop3A_893 : vector<16xi32>
      %parallel_loop3A_895 = arith.select %parallel_loop3A_891, %parallel_loop3A_894, %parallel_loop3A_888 : vector<16xi1>, vector<16xi32>
      %parallel_loop3A_896 = arith.addi %parallel_loop3A_872, %parallel_loop3A_895 : vector<16xi32>
      %parallel_loop3A_897 = arith.constant 0 : i32
      %parallel_loop3A_898 = vector.broadcast %parallel_loop3A_897 : i32 to vector<16xi32>
      %parallel_loop3A_899 = arith.select %parallel_loop3A_891, %parallel_loop3A_888, %parallel_loop3A_898 : vector<16xi1>, vector<16xi32>
      %parallel_loop3A_900 = arith.addi %parallel_loop3A_876, %parallel_loop3A_899 : vector<16xi32>
      %parallel_loop3A_901 = arith.constant 0 : i32
      %parallel_loop3A_902 = arith.index_cast %parallel_loop3A_901 : i32 to index
      %parallel_loop3A_903 = arith.index_cast %parallel_loop3A_322 : i32 to index
      %parallel_loop3A_904 = arith.constant 384 : index
      %parallel_loop3A_905 = tpu.vector_load %arg5[%parallel_loop3A_902, %parallel_loop3A_903, %parallel_loop3A_904] {strides = array<i32>} : memref<2x32x512xf32, #tpu.memory_space<vmem>>, vector<1x1x16xf32>,
      %parallel_loop3A_906 = vector.shape_cast %parallel_loop3A_905 : vector<1x1x16xf32> to vector<16xf32>
      %parallel_loop3A_907 = arith.constant 0 : i32
      %parallel_loop3A_908 = arith.index_cast %parallel_loop3A_907 : i32 to index
      %parallel_loop3A_909 = arith.index_cast %parallel_loop3A_322 : i32 to index
      %parallel_loop3A_910 = arith.constant 384 : index
      %parallel_loop3A_911 = tpu.vector_load %arg6[%parallel_loop3A_908, %parallel_loop3A_909, %parallel_loop3A_910] {strides = array<i32>} : memref<2x32x512xi32, #tpu.memory_space<vmem>>, vector<1x1x16xi32>,
      %parallel_loop3A_912 = vector.shape_cast %parallel_loop3A_911 : vector<1x1x16xi32> to vector<16xi32>
      %parallel_loop3A_913 = arith.constant 0.000000e+00 : f32
      %parallel_loop3A_914 = vector.broadcast %parallel_loop3A_913 : f32 to vector<16xf32>
      %parallel_loop3A_915 = arith.cmpf ogt, %parallel_loop3A_906, %parallel_loop3A_914 : vector<16xf32>
      %parallel_loop3A_916 = arith.constant 65536 : i32
      %parallel_loop3A_917 = vector.broadcast %parallel_loop3A_916 : i32 to vector<16xi32>
      %parallel_loop3A_918 = arith.addi %parallel_loop3A_912, %parallel_loop3A_917 : vector<16xi32>
      %parallel_loop3A_919 = arith.select %parallel_loop3A_915, %parallel_loop3A_918, %parallel_loop3A_912 : vector<16xi1>, vector<16xi32>
      %parallel_loop3A_920 = arith.addi %parallel_loop3A_896, %parallel_loop3A_919 : vector<16xi32>
      %parallel_loop3A_921 = arith.constant 0 : i32
      %parallel_loop3A_922 = vector.broadcast %parallel_loop3A_921 : i32 to vector<16xi32>
      %parallel_loop3A_923 = arith.select %parallel_loop3A_915, %parallel_loop3A_912, %parallel_loop3A_922 : vector<16xi1>, vector<16xi32>
      %parallel_loop3A_924 = arith.addi %parallel_loop3A_900, %parallel_loop3A_923 : vector<16xi32>
      %parallel_loop3A_925 = arith.constant 0 : i32
      %parallel_loop3A_926 = arith.index_cast %parallel_loop3A_925 : i32 to index
      %parallel_loop3A_927 = arith.index_cast %parallel_loop3A_322 : i32 to index
      %parallel_loop3A_928 = arith.constant 400 : index
      %parallel_loop3A_929 = tpu.vector_load %arg5[%parallel_loop3A_926, %parallel_loop3A_927, %parallel_loop3A_928] {strides = array<i32>} : memref<2x32x512xf32, #tpu.memory_space<vmem>>, vector<1x1x16xf32>,
      %parallel_loop3A_930 = vector.shape_cast %parallel_loop3A_929 : vector<1x1x16xf32> to vector<16xf32>
      %parallel_loop3A_931 = arith.constant 0 : i32
      %parallel_loop3A_932 = arith.index_cast %parallel_loop3A_931 : i32 to index
      %parallel_loop3A_933 = arith.index_cast %parallel_loop3A_322 : i32 to index
      %parallel_loop3A_934 = arith.constant 400 : index
      %parallel_loop3A_935 = tpu.vector_load %arg6[%parallel_loop3A_932, %parallel_loop3A_933, %parallel_loop3A_934] {strides = array<i32>} : memref<2x32x512xi32, #tpu.memory_space<vmem>>, vector<1x1x16xi32>,
      %parallel_loop3A_936 = vector.shape_cast %parallel_loop3A_935 : vector<1x1x16xi32> to vector<16xi32>
      %parallel_loop3A_937 = arith.constant 0.000000e+00 : f32
      %parallel_loop3A_938 = vector.broadcast %parallel_loop3A_937 : f32 to vector<16xf32>
      %parallel_loop3A_939 = arith.cmpf ogt, %parallel_loop3A_930, %parallel_loop3A_938 : vector<16xf32>
      %parallel_loop3A_940 = arith.constant 65536 : i32
      %parallel_loop3A_941 = vector.broadcast %parallel_loop3A_940 : i32 to vector<16xi32>
      %parallel_loop3A_942 = arith.addi %parallel_loop3A_936, %parallel_loop3A_941 : vector<16xi32>
      %parallel_loop3A_943 = arith.select %parallel_loop3A_939, %parallel_loop3A_942, %parallel_loop3A_936 : vector<16xi1>, vector<16xi32>
      %parallel_loop3A_944 = arith.addi %parallel_loop3A_920, %parallel_loop3A_943 : vector<16xi32>
      %parallel_loop3A_945 = arith.constant 0 : i32
      %parallel_loop3A_946 = vector.broadcast %parallel_loop3A_945 : i32 to vector<16xi32>
      %parallel_loop3A_947 = arith.select %parallel_loop3A_939, %parallel_loop3A_936, %parallel_loop3A_946 : vector<16xi1>, vector<16xi32>
      %parallel_loop3A_948 = arith.addi %parallel_loop3A_924, %parallel_loop3A_947 : vector<16xi32>
      %parallel_loop3A_949 = arith.constant 0 : i32
      %parallel_loop3A_950 = arith.index_cast %parallel_loop3A_949 : i32 to index
      %parallel_loop3A_951 = arith.index_cast %parallel_loop3A_322 : i32 to index
      %parallel_loop3A_952 = arith.constant 416 : index
      %parallel_loop3A_953 = tpu.vector_load %arg5[%parallel_loop3A_950, %parallel_loop3A_951, %parallel_loop3A_952] {strides = array<i32>} : memref<2x32x512xf32, #tpu.memory_space<vmem>>, vector<1x1x16xf32>,
      %parallel_loop3A_954 = vector.shape_cast %parallel_loop3A_953 : vector<1x1x16xf32> to vector<16xf32>
      %parallel_loop3A_955 = arith.constant 0 : i32
      %parallel_loop3A_956 = arith.index_cast %parallel_loop3A_955 : i32 to index
      %parallel_loop3A_957 = arith.index_cast %parallel_loop3A_322 : i32 to index
      %parallel_loop3A_958 = arith.constant 416 : index
      %parallel_loop3A_959 = tpu.vector_load %arg6[%parallel_loop3A_956, %parallel_loop3A_957, %parallel_loop3A_958] {strides = array<i32>} : memref<2x32x512xi32, #tpu.memory_space<vmem>>, vector<1x1x16xi32>,
      %parallel_loop3A_960 = vector.shape_cast %parallel_loop3A_959 : vector<1x1x16xi32> to vector<16xi32>
      %parallel_loop3A_961 = arith.constant 0.000000e+00 : f32
      %parallel_loop3A_962 = vector.broadcast %parallel_loop3A_961 : f32 to vector<16xf32>
      %parallel_loop3A_963 = arith.cmpf ogt, %parallel_loop3A_954, %parallel_loop3A_962 : vector<16xf32>
      %parallel_loop3A_964 = arith.constant 65536 : i32
      %parallel_loop3A_965 = vector.broadcast %parallel_loop3A_964 : i32 to vector<16xi32>
      %parallel_loop3A_966 = arith.addi %parallel_loop3A_960, %parallel_loop3A_965 : vector<16xi32>
      %parallel_loop3A_967 = arith.select %parallel_loop3A_963, %parallel_loop3A_966, %parallel_loop3A_960 : vector<16xi1>, vector<16xi32>
      %parallel_loop3A_968 = arith.addi %parallel_loop3A_944, %parallel_loop3A_967 : vector<16xi32>
      %parallel_loop3A_969 = arith.constant 0 : i32
      %parallel_loop3A_970 = vector.broadcast %parallel_loop3A_969 : i32 to vector<16xi32>
      %parallel_loop3A_971 = arith.select %parallel_loop3A_963, %parallel_loop3A_960, %parallel_loop3A_970 : vector<16xi1>, vector<16xi32>
      %parallel_loop3A_972 = arith.addi %parallel_loop3A_948, %parallel_loop3A_971 : vector<16xi32>
      %parallel_loop3A_973 = arith.constant 0 : i32
      %parallel_loop3A_974 = arith.index_cast %parallel_loop3A_973 : i32 to index
      %parallel_loop3A_975 = arith.index_cast %parallel_loop3A_322 : i32 to index
      %parallel_loop3A_976 = arith.constant 432 : index
      %parallel_loop3A_977 = tpu.vector_load %arg5[%parallel_loop3A_974, %parallel_loop3A_975, %parallel_loop3A_976] {strides = array<i32>} : memref<2x32x512xf32, #tpu.memory_space<vmem>>, vector<1x1x16xf32>,
      %parallel_loop3A_978 = vector.shape_cast %parallel_loop3A_977 : vector<1x1x16xf32> to vector<16xf32>
      %parallel_loop3A_979 = arith.constant 0 : i32
      %parallel_loop3A_980 = arith.index_cast %parallel_loop3A_979 : i32 to index
      %parallel_loop3A_981 = arith.index_cast %parallel_loop3A_322 : i32 to index
      %parallel_loop3A_982 = arith.constant 432 : index
      %parallel_loop3A_983 = tpu.vector_load %arg6[%parallel_loop3A_980, %parallel_loop3A_981, %parallel_loop3A_982] {strides = array<i32>} : memref<2x32x512xi32, #tpu.memory_space<vmem>>, vector<1x1x16xi32>,
      %parallel_loop3A_984 = vector.shape_cast %parallel_loop3A_983 : vector<1x1x16xi32> to vector<16xi32>
      %parallel_loop3A_985 = arith.constant 0.000000e+00 : f32
      %parallel_loop3A_986 = vector.broadcast %parallel_loop3A_985 : f32 to vector<16xf32>
      %parallel_loop3A_987 = arith.cmpf ogt, %parallel_loop3A_978, %parallel_loop3A_986 : vector<16xf32>
      %parallel_loop3A_988 = arith.constant 65536 : i32
      %parallel_loop3A_989 = vector.broadcast %parallel_loop3A_988 : i32 to vector<16xi32>
      %parallel_loop3A_990 = arith.addi %parallel_loop3A_984, %parallel_loop3A_989 : vector<16xi32>
      %parallel_loop3A_991 = arith.select %parallel_loop3A_987, %parallel_loop3A_990, %parallel_loop3A_984 : vector<16xi1>, vector<16xi32>
      %parallel_loop3A_992 = arith.addi %parallel_loop3A_968, %parallel_loop3A_991 : vector<16xi32>
      %parallel_loop3A_993 = arith.constant 0 : i32
      %parallel_loop3A_994 = vector.broadcast %parallel_loop3A_993 : i32 to vector<16xi32>
      %parallel_loop3A_995 = arith.select %parallel_loop3A_987, %parallel_loop3A_984, %parallel_loop3A_994 : vector<16xi1>, vector<16xi32>
      %parallel_loop3A_996 = arith.addi %parallel_loop3A_972, %parallel_loop3A_995 : vector<16xi32>
      %parallel_loop3A_997 = arith.constant 0 : i32
      %parallel_loop3A_998 = arith.index_cast %parallel_loop3A_997 : i32 to index
      %parallel_loop3A_999 = arith.index_cast %parallel_loop3A_322 : i32 to index
      %parallel_loop3A_1000 = arith.constant 448 : index
      %parallel_loop3A_1001 = tpu.vector_load %arg5[%parallel_loop3A_998, %parallel_loop3A_999, %parallel_loop3A_1000] {strides = array<i32>} : memref<2x32x512xf32, #tpu.memory_space<vmem>>, vector<1x1x16xf32>,
      %parallel_loop3A_1002 = vector.shape_cast %parallel_loop3A_1001 : vector<1x1x16xf32> to vector<16xf32>
      %parallel_loop3A_1003 = arith.constant 0 : i32
      %parallel_loop3A_1004 = arith.index_cast %parallel_loop3A_1003 : i32 to index
      %parallel_loop3A_1005 = arith.index_cast %parallel_loop3A_322 : i32 to index
      %parallel_loop3A_1006 = arith.constant 448 : index
      %parallel_loop3A_1007 = tpu.vector_load %arg6[%parallel_loop3A_1004, %parallel_loop3A_1005, %parallel_loop3A_1006] {strides = array<i32>} : memref<2x32x512xi32, #tpu.memory_space<vmem>>, vector<1x1x16xi32>,
      %parallel_loop3A_1008 = vector.shape_cast %parallel_loop3A_1007 : vector<1x1x16xi32> to vector<16xi32>
      %parallel_loop3A_1009 = arith.constant 0.000000e+00 : f32
      %parallel_loop3A_1010 = vector.broadcast %parallel_loop3A_1009 : f32 to vector<16xf32>
      %parallel_loop3A_1011 = arith.cmpf ogt, %parallel_loop3A_1002, %parallel_loop3A_1010 : vector<16xf32>
      %parallel_loop3A_1012 = arith.constant 65536 : i32
      %parallel_loop3A_1013 = vector.broadcast %parallel_loop3A_1012 : i32 to vector<16xi32>
      %parallel_loop3A_1014 = arith.addi %parallel_loop3A_1008, %parallel_loop3A_1013 : vector<16xi32>
      %parallel_loop3A_1015 = arith.select %parallel_loop3A_1011, %parallel_loop3A_1014, %parallel_loop3A_1008 : vector<16xi1>, vector<16xi32>
      %parallel_loop3A_1016 = arith.addi %parallel_loop3A_992, %parallel_loop3A_1015 : vector<16xi32>
      %parallel_loop3A_1017 = arith.constant 0 : i32
      %parallel_loop3A_1018 = vector.broadcast %parallel_loop3A_1017 : i32 to vector<16xi32>
      %parallel_loop3A_1019 = arith.select %parallel_loop3A_1011, %parallel_loop3A_1008, %parallel_loop3A_1018 : vector<16xi1>, vector<16xi32>
      %parallel_loop3A_1020 = arith.addi %parallel_loop3A_996, %parallel_loop3A_1019 : vector<16xi32>
      %parallel_loop3A_1021 = arith.constant 0 : i32
      %parallel_loop3A_1022 = arith.index_cast %parallel_loop3A_1021 : i32 to index
      %parallel_loop3A_1023 = arith.index_cast %parallel_loop3A_322 : i32 to index
      %parallel_loop3A_1024 = arith.constant 464 : index
      %parallel_loop3A_1025 = tpu.vector_load %arg5[%parallel_loop3A_1022, %parallel_loop3A_1023, %parallel_loop3A_1024] {strides = array<i32>} : memref<2x32x512xf32, #tpu.memory_space<vmem>>, vector<1x1x16xf32>,
      %parallel_loop3A_1026 = vector.shape_cast %parallel_loop3A_1025 : vector<1x1x16xf32> to vector<16xf32>
      %parallel_loop3A_1027 = arith.constant 0 : i32
      %parallel_loop3A_1028 = arith.index_cast %parallel_loop3A_1027 : i32 to index
      %parallel_loop3A_1029 = arith.index_cast %parallel_loop3A_322 : i32 to index
      %parallel_loop3A_1030 = arith.constant 464 : index
      %parallel_loop3A_1031 = tpu.vector_load %arg6[%parallel_loop3A_1028, %parallel_loop3A_1029, %parallel_loop3A_1030] {strides = array<i32>} : memref<2x32x512xi32, #tpu.memory_space<vmem>>, vector<1x1x16xi32>,
      %parallel_loop3A_1032 = vector.shape_cast %parallel_loop3A_1031 : vector<1x1x16xi32> to vector<16xi32>
      %parallel_loop3A_1033 = arith.constant 0.000000e+00 : f32
      %parallel_loop3A_1034 = vector.broadcast %parallel_loop3A_1033 : f32 to vector<16xf32>
      %parallel_loop3A_1035 = arith.cmpf ogt, %parallel_loop3A_1026, %parallel_loop3A_1034 : vector<16xf32>
      %parallel_loop3A_1036 = arith.constant 65536 : i32
      %parallel_loop3A_1037 = vector.broadcast %parallel_loop3A_1036 : i32 to vector<16xi32>
      %parallel_loop3A_1038 = arith.addi %parallel_loop3A_1032, %parallel_loop3A_1037 : vector<16xi32>
      %parallel_loop3A_1039 = arith.select %parallel_loop3A_1035, %parallel_loop3A_1038, %parallel_loop3A_1032 : vector<16xi1>, vector<16xi32>
      %parallel_loop3A_1040 = arith.addi %parallel_loop3A_1016, %parallel_loop3A_1039 : vector<16xi32>
      %parallel_loop3A_1041 = arith.constant 0 : i32
      %parallel_loop3A_1042 = vector.broadcast %parallel_loop3A_1041 : i32 to vector<16xi32>
      %parallel_loop3A_1043 = arith.select %parallel_loop3A_1035, %parallel_loop3A_1032, %parallel_loop3A_1042 : vector<16xi1>, vector<16xi32>
      %parallel_loop3A_1044 = arith.addi %parallel_loop3A_1020, %parallel_loop3A_1043 : vector<16xi32>
      %parallel_loop3A_1045 = arith.constant 0 : i32
      %parallel_loop3A_1046 = arith.index_cast %parallel_loop3A_1045 : i32 to index
      %parallel_loop3A_1047 = arith.index_cast %parallel_loop3A_322 : i32 to index
      %parallel_loop3A_1048 = arith.constant 480 : index
      %parallel_loop3A_1049 = tpu.vector_load %arg5[%parallel_loop3A_1046, %parallel_loop3A_1047, %parallel_loop3A_1048] {strides = array<i32>} : memref<2x32x512xf32, #tpu.memory_space<vmem>>, vector<1x1x16xf32>,
      %parallel_loop3A_1050 = vector.shape_cast %parallel_loop3A_1049 : vector<1x1x16xf32> to vector<16xf32>
      %parallel_loop3A_1051 = arith.constant 0 : i32
      %parallel_loop3A_1052 = arith.index_cast %parallel_loop3A_1051 : i32 to index
      %parallel_loop3A_1053 = arith.index_cast %parallel_loop3A_322 : i32 to index
      %parallel_loop3A_1054 = arith.constant 480 : index
      %parallel_loop3A_1055 = tpu.vector_load %arg6[%parallel_loop3A_1052, %parallel_loop3A_1053, %parallel_loop3A_1054] {strides = array<i32>} : memref<2x32x512xi32, #tpu.memory_space<vmem>>, vector<1x1x16xi32>,
      %parallel_loop3A_1056 = vector.shape_cast %parallel_loop3A_1055 : vector<1x1x16xi32> to vector<16xi32>
      %parallel_loop3A_1057 = arith.constant 0.000000e+00 : f32
      %parallel_loop3A_1058 = vector.broadcast %parallel_loop3A_1057 : f32 to vector<16xf32>
      %parallel_loop3A_1059 = arith.cmpf ogt, %parallel_loop3A_1050, %parallel_loop3A_1058 : vector<16xf32>
      %parallel_loop3A_1060 = arith.constant 65536 : i32
      %parallel_loop3A_1061 = vector.broadcast %parallel_loop3A_1060 : i32 to vector<16xi32>
      %parallel_loop3A_1062 = arith.addi %parallel_loop3A_1056, %parallel_loop3A_1061 : vector<16xi32>
      %parallel_loop3A_1063 = arith.select %parallel_loop3A_1059, %parallel_loop3A_1062, %parallel_loop3A_1056 : vector<16xi1>, vector<16xi32>
      %parallel_loop3A_1064 = arith.addi %parallel_loop3A_1040, %parallel_loop3A_1063 : vector<16xi32>
      %parallel_loop3A_1065 = arith.constant 0 : i32
      %parallel_loop3A_1066 = vector.broadcast %parallel_loop3A_1065 : i32 to vector<16xi32>
      %parallel_loop3A_1067 = arith.select %parallel_loop3A_1059, %parallel_loop3A_1056, %parallel_loop3A_1066 : vector<16xi1>, vector<16xi32>
      %parallel_loop3A_1068 = arith.addi %parallel_loop3A_1044, %parallel_loop3A_1067 : vector<16xi32>
      %parallel_loop3A_1069 = arith.constant 0 : i32
      %parallel_loop3A_1070 = arith.index_cast %parallel_loop3A_1069 : i32 to index
      %parallel_loop3A_1071 = arith.index_cast %parallel_loop3A_322 : i32 to index
      %parallel_loop3A_1072 = arith.constant 496 : index
      %parallel_loop3A_1073 = tpu.vector_load %arg5[%parallel_loop3A_1070, %parallel_loop3A_1071, %parallel_loop3A_1072] {strides = array<i32>} : memref<2x32x512xf32, #tpu.memory_space<vmem>>, vector<1x1x16xf32>,
      %parallel_loop3A_1074 = vector.shape_cast %parallel_loop3A_1073 : vector<1x1x16xf32> to vector<16xf32>
      %parallel_loop3A_1075 = arith.constant 0 : i32
      %parallel_loop3A_1076 = arith.index_cast %parallel_loop3A_1075 : i32 to index
      %parallel_loop3A_1077 = arith.index_cast %parallel_loop3A_322 : i32 to index
      %parallel_loop3A_1078 = arith.constant 496 : index
      %parallel_loop3A_1079 = tpu.vector_load %arg6[%parallel_loop3A_1076, %parallel_loop3A_1077, %parallel_loop3A_1078] {strides = array<i32>} : memref<2x32x512xi32, #tpu.memory_space<vmem>>, vector<1x1x16xi32>,
      %parallel_loop3A_1080 = vector.shape_cast %parallel_loop3A_1079 : vector<1x1x16xi32> to vector<16xi32>
      %parallel_loop3A_1081 = arith.constant 0.000000e+00 : f32
      %parallel_loop3A_1082 = vector.broadcast %parallel_loop3A_1081 : f32 to vector<16xf32>
      %parallel_loop3A_1083 = arith.cmpf ogt, %parallel_loop3A_1074, %parallel_loop3A_1082 : vector<16xf32>
      %parallel_loop3A_1084 = arith.constant 65536 : i32
      %parallel_loop3A_1085 = vector.broadcast %parallel_loop3A_1084 : i32 to vector<16xi32>
      %parallel_loop3A_1086 = arith.addi %parallel_loop3A_1080, %parallel_loop3A_1085 : vector<16xi32>
      %parallel_loop3A_1087 = arith.select %parallel_loop3A_1083, %parallel_loop3A_1086, %parallel_loop3A_1080 : vector<16xi1>, vector<16xi32>
      %parallel_loop3A_1088 = arith.addi %parallel_loop3A_1064, %parallel_loop3A_1087 : vector<16xi32>
      %parallel_loop3A_1089 = arith.constant 0 : i32
      %parallel_loop3A_1090 = vector.broadcast %parallel_loop3A_1089 : i32 to vector<16xi32>
      %parallel_loop3A_1091 = arith.select %parallel_loop3A_1083, %parallel_loop3A_1080, %parallel_loop3A_1090 : vector<16xi1>, vector<16xi32>
      %parallel_loop3A_1092 = arith.addi %parallel_loop3A_1068, %parallel_loop3A_1091 : vector<16xi32>
      scf.yield %parallel_loop3A_1088, %parallel_loop3A_1092 : vector<16xi32>, vector<16xi32>
    } {sc.loop_unroll_factor = 2 : i64, sc.parallel_access}
    %dma_wait3A_263 = arith.constant 1 : i32
    %dma_wait3A_264 = arith.constant 0 : i32
    %dma_wait3A_265 = arith.constant 0 : i32
    %dma_wait3A_266 = tpu.memref_slice %arg5[%dma_wait3A_263, %dma_wait3A_264, %dma_wait3A_265] : memref<2x32x512xf32, #tpu.memory_space<vmem>> -> memref<1x32x512xf32, #tpu.memory_space<vmem>>
    %dma_wait3A_267 = tpu.memref_squeeze %dma_wait3A_266 : memref<1x32x512xf32, #tpu.memory_space<vmem>> -> memref<32x512xf32, #tpu.memory_space<vmem>>
    %dma_wait3A_268 = arith.constant 0 : i32
    %dma_wait3A_269 = tpu.memref_slice %arg2[%select_n3A, %add3A_228, %dma_wait3A_268] : memref<16x512x512xf32, #tpu.memory_space<hbm>> -> memref<1x32x512xf32, #tpu.memory_space<hbm>>
    %dma_wait3A_270 = tpu.memref_squeeze %dma_wait3A_269 : memref<1x32x512xf32, #tpu.memory_space<hbm>> -> memref<32x512xf32, #tpu.memory_space<hbm>>
    %dma_wait3A_271 = arith.constant 0 : i32
    %dma_wait3A_272 = arith.constant 0 : i32
    %dma_wait3A_273 = tpu.memref_slice %arg5[%dma_wait3A_263, %dma_wait3A_271, %dma_wait3A_272] : memref<2x32x512xf32, #tpu.memory_space<vmem>> -> memref<1x32x512xf32, #tpu.memory_space<vmem>>
    %dma_wait3A_274 = tpu.memref_squeeze %dma_wait3A_273 : memref<1x32x512xf32, #tpu.memory_space<vmem>> -> memref<32x512xf32, #tpu.memory_space<vmem>>
    %dma_wait3A_275 = arith.constant 0 : i32
    %dma_wait3A_276 = tpu.memref_slice %arg2[%select_n3A, %add3A_228, %dma_wait3A_275] : memref<16x512x512xf32, #tpu.memory_space<hbm>> -> memref<1x32x512xf32, #tpu.memory_space<hbm>>
    %dma_wait3A_277 = tpu.memref_squeeze %dma_wait3A_276 : memref<1x32x512xf32, #tpu.memory_space<hbm>> -> memref<32x512xf32, #tpu.memory_space<hbm>>
    tpu.wait_dma2 semaphore(%arg10 : memref<!tpu.dma_semaphore, #tpu.memory_space<semaphore_mem>>) src(%dma_wait3A_277 : memref<32x512xf32, #tpu.memory_space<hbm>>) dst(%dma_wait3A_274 : memref<32x512xf32, #tpu.memory_space<vmem>>)
    %dma_wait3A_278 = arith.constant 1 : i32
    %dma_wait3A_279 = arith.constant 0 : i32
    %dma_wait3A_280 = arith.constant 0 : i32
    %dma_wait3A_281 = tpu.memref_slice %arg6[%dma_wait3A_278, %dma_wait3A_279, %dma_wait3A_280] : memref<2x32x512xi32, #tpu.memory_space<vmem>> -> memref<1x32x512xi32, #tpu.memory_space<vmem>>
    %dma_wait3A_282 = tpu.memref_squeeze %dma_wait3A_281 : memref<1x32x512xi32, #tpu.memory_space<vmem>> -> memref<32x512xi32, #tpu.memory_space<vmem>>
    %dma_wait3A_283 = arith.constant 0 : i32
    %dma_wait3A_284 = tpu.memref_slice %arg3[%select_n3A, %add3A_228, %dma_wait3A_283] : memref<16x512x512xi32, #tpu.memory_space<hbm>> -> memref<1x32x512xi32, #tpu.memory_space<hbm>>
    %dma_wait3A_285 = tpu.memref_squeeze %dma_wait3A_284 : memref<1x32x512xi32, #tpu.memory_space<hbm>> -> memref<32x512xi32, #tpu.memory_space<hbm>>
    %dma_wait3A_286 = arith.constant 0 : i32
    %dma_wait3A_287 = arith.constant 0 : i32
    %dma_wait3A_288 = tpu.memref_slice %arg6[%dma_wait3A_278, %dma_wait3A_286, %dma_wait3A_287] : memref<2x32x512xi32, #tpu.memory_space<vmem>> -> memref<1x32x512xi32, #tpu.memory_space<vmem>>
    %dma_wait3A_289 = tpu.memref_squeeze %dma_wait3A_288 : memref<1x32x512xi32, #tpu.memory_space<vmem>> -> memref<32x512xi32, #tpu.memory_space<vmem>>
    %dma_wait3A_290 = arith.constant 0 : i32
    %dma_wait3A_291 = tpu.memref_slice %arg3[%select_n3A, %add3A_228, %dma_wait3A_290] : memref<16x512x512xi32, #tpu.memory_space<hbm>> -> memref<1x32x512xi32, #tpu.memory_space<hbm>>
    %dma_wait3A_292 = tpu.memref_squeeze %dma_wait3A_291 : memref<1x32x512xi32, #tpu.memory_space<hbm>> -> memref<32x512xi32, #tpu.memory_space<hbm>>
    tpu.wait_dma2 semaphore(%arg10 : memref<!tpu.dma_semaphore, #tpu.memory_space<semaphore_mem>>) src(%dma_wait3A_292 : memref<32x512xi32, #tpu.memory_space<hbm>>) dst(%dma_wait3A_289 : memref<32x512xi32, #tpu.memory_space<vmem>>)
    %parallel_loop3A_293 = arith.constant 0 : i32
    %parallel_loop3A_294 = arith.constant 32 : i32
    %parallel_loop3A_295 = arith.constant 1 : i32
    %parallel_loop3A_296:2 = scf.for %parallel_loop3A_322 = %parallel_loop3A_293 to %parallel_loop3A_294 step %parallel_loop3A_295 iter_args(%parallel_loop3A_323 = %parallel_loop3A_262#0, %parallel_loop3A_324 = %parallel_loop3A_262#1) -> (vector<16xi32>, vector<16xi32>)  : i32 {
      %parallel_loop3A_325 = arith.constant 1 : i32
      %parallel_loop3A_326 = arith.index_cast %parallel_loop3A_325 : i32 to index
      %parallel_loop3A_327 = arith.index_cast %parallel_loop3A_322 : i32 to index
      %parallel_loop3A_328 = arith.constant 0 : index
      %parallel_loop3A_329 = tpu.vector_load %arg5[%parallel_loop3A_326, %parallel_loop3A_327, %parallel_loop3A_328] {strides = array<i32>} : memref<2x32x512xf32, #tpu.memory_space<vmem>>, vector<1x1x16xf32>,
      %parallel_loop3A_330 = vector.shape_cast %parallel_loop3A_329 : vector<1x1x16xf32> to vector<16xf32>
      %parallel_loop3A_331 = arith.constant 1 : i32
      %parallel_loop3A_332 = arith.index_cast %parallel_loop3A_331 : i32 to index
      %parallel_loop3A_333 = arith.index_cast %parallel_loop3A_322 : i32 to index
      %parallel_loop3A_334 = arith.constant 0 : index
      %parallel_loop3A_335 = tpu.vector_load %arg6[%parallel_loop3A_332, %parallel_loop3A_333, %parallel_loop3A_334] {strides = array<i32>} : memref<2x32x512xi32, #tpu.memory_space<vmem>>, vector<1x1x16xi32>,
      %parallel_loop3A_336 = vector.shape_cast %parallel_loop3A_335 : vector<1x1x16xi32> to vector<16xi32>
      %parallel_loop3A_337 = arith.constant 0.000000e+00 : f32
      %parallel_loop3A_338 = vector.broadcast %parallel_loop3A_337 : f32 to vector<16xf32>
      %parallel_loop3A_339 = arith.cmpf ogt, %parallel_loop3A_330, %parallel_loop3A_338 : vector<16xf32>
      %parallel_loop3A_340 = arith.constant 65536 : i32
      %parallel_loop3A_341 = vector.broadcast %parallel_loop3A_340 : i32 to vector<16xi32>
      %parallel_loop3A_342 = arith.addi %parallel_loop3A_336, %parallel_loop3A_341 : vector<16xi32>
      %parallel_loop3A_343 = arith.select %parallel_loop3A_339, %parallel_loop3A_342, %parallel_loop3A_336 : vector<16xi1>, vector<16xi32>
      %parallel_loop3A_344 = arith.addi %parallel_loop3A_323, %parallel_loop3A_343 : vector<16xi32>
      %parallel_loop3A_345 = arith.constant 0 : i32
      %parallel_loop3A_346 = vector.broadcast %parallel_loop3A_345 : i32 to vector<16xi32>
      %parallel_loop3A_347 = arith.select %parallel_loop3A_339, %parallel_loop3A_336, %parallel_loop3A_346 : vector<16xi1>, vector<16xi32>
      %parallel_loop3A_348 = arith.addi %parallel_loop3A_324, %parallel_loop3A_347 : vector<16xi32>
      %parallel_loop3A_349 = arith.constant 1 : i32
      %parallel_loop3A_350 = arith.index_cast %parallel_loop3A_349 : i32 to index
      %parallel_loop3A_351 = arith.index_cast %parallel_loop3A_322 : i32 to index
      %parallel_loop3A_352 = arith.constant 16 : index
      %parallel_loop3A_353 = tpu.vector_load %arg5[%parallel_loop3A_350, %parallel_loop3A_351, %parallel_loop3A_352] {strides = array<i32>} : memref<2x32x512xf32, #tpu.memory_space<vmem>>, vector<1x1x16xf32>,
      %parallel_loop3A_354 = vector.shape_cast %parallel_loop3A_353 : vector<1x1x16xf32> to vector<16xf32>
      %parallel_loop3A_355 = arith.constant 1 : i32
      %parallel_loop3A_356 = arith.index_cast %parallel_loop3A_355 : i32 to index
      %parallel_loop3A_357 = arith.index_cast %parallel_loop3A_322 : i32 to index
      %parallel_loop3A_358 = arith.constant 16 : index
      %parallel_loop3A_359 = tpu.vector_load %arg6[%parallel_loop3A_356, %parallel_loop3A_357, %parallel_loop3A_358] {strides = array<i32>} : memref<2x32x512xi32, #tpu.memory_space<vmem>>, vector<1x1x16xi32>,
      %parallel_loop3A_360 = vector.shape_cast %parallel_loop3A_359 : vector<1x1x16xi32> to vector<16xi32>
      %parallel_loop3A_361 = arith.constant 0.000000e+00 : f32
      %parallel_loop3A_362 = vector.broadcast %parallel_loop3A_361 : f32 to vector<16xf32>
      %parallel_loop3A_363 = arith.cmpf ogt, %parallel_loop3A_354, %parallel_loop3A_362 : vector<16xf32>
      %parallel_loop3A_364 = arith.constant 65536 : i32
      %parallel_loop3A_365 = vector.broadcast %parallel_loop3A_364 : i32 to vector<16xi32>
      %parallel_loop3A_366 = arith.addi %parallel_loop3A_360, %parallel_loop3A_365 : vector<16xi32>
      %parallel_loop3A_367 = arith.select %parallel_loop3A_363, %parallel_loop3A_366, %parallel_loop3A_360 : vector<16xi1>, vector<16xi32>
      %parallel_loop3A_368 = arith.addi %parallel_loop3A_344, %parallel_loop3A_367 : vector<16xi32>
      %parallel_loop3A_369 = arith.constant 0 : i32
      %parallel_loop3A_370 = vector.broadcast %parallel_loop3A_369 : i32 to vector<16xi32>
      %parallel_loop3A_371 = arith.select %parallel_loop3A_363, %parallel_loop3A_360, %parallel_loop3A_370 : vector<16xi1>, vector<16xi32>
      %parallel_loop3A_372 = arith.addi %parallel_loop3A_348, %parallel_loop3A_371 : vector<16xi32>
      %parallel_loop3A_373 = arith.constant 1 : i32
      %parallel_loop3A_374 = arith.index_cast %parallel_loop3A_373 : i32 to index
      %parallel_loop3A_375 = arith.index_cast %parallel_loop3A_322 : i32 to index
      %parallel_loop3A_376 = arith.constant 32 : index
      %parallel_loop3A_377 = tpu.vector_load %arg5[%parallel_loop3A_374, %parallel_loop3A_375, %parallel_loop3A_376] {strides = array<i32>} : memref<2x32x512xf32, #tpu.memory_space<vmem>>, vector<1x1x16xf32>,
      %parallel_loop3A_378 = vector.shape_cast %parallel_loop3A_377 : vector<1x1x16xf32> to vector<16xf32>
      %parallel_loop3A_379 = arith.constant 1 : i32
      %parallel_loop3A_380 = arith.index_cast %parallel_loop3A_379 : i32 to index
      %parallel_loop3A_381 = arith.index_cast %parallel_loop3A_322 : i32 to index
      %parallel_loop3A_382 = arith.constant 32 : index
      %parallel_loop3A_383 = tpu.vector_load %arg6[%parallel_loop3A_380, %parallel_loop3A_381, %parallel_loop3A_382] {strides = array<i32>} : memref<2x32x512xi32, #tpu.memory_space<vmem>>, vector<1x1x16xi32>,
      %parallel_loop3A_384 = vector.shape_cast %parallel_loop3A_383 : vector<1x1x16xi32> to vector<16xi32>
      %parallel_loop3A_385 = arith.constant 0.000000e+00 : f32
      %parallel_loop3A_386 = vector.broadcast %parallel_loop3A_385 : f32 to vector<16xf32>
      %parallel_loop3A_387 = arith.cmpf ogt, %parallel_loop3A_378, %parallel_loop3A_386 : vector<16xf32>
      %parallel_loop3A_388 = arith.constant 65536 : i32
      %parallel_loop3A_389 = vector.broadcast %parallel_loop3A_388 : i32 to vector<16xi32>
      %parallel_loop3A_390 = arith.addi %parallel_loop3A_384, %parallel_loop3A_389 : vector<16xi32>
      %parallel_loop3A_391 = arith.select %parallel_loop3A_387, %parallel_loop3A_390, %parallel_loop3A_384 : vector<16xi1>, vector<16xi32>
      %parallel_loop3A_392 = arith.addi %parallel_loop3A_368, %parallel_loop3A_391 : vector<16xi32>
      %parallel_loop3A_393 = arith.constant 0 : i32
      %parallel_loop3A_394 = vector.broadcast %parallel_loop3A_393 : i32 to vector<16xi32>
      %parallel_loop3A_395 = arith.select %parallel_loop3A_387, %parallel_loop3A_384, %parallel_loop3A_394 : vector<16xi1>, vector<16xi32>
      %parallel_loop3A_396 = arith.addi %parallel_loop3A_372, %parallel_loop3A_395 : vector<16xi32>
      %parallel_loop3A_397 = arith.constant 1 : i32
      %parallel_loop3A_398 = arith.index_cast %parallel_loop3A_397 : i32 to index
      %parallel_loop3A_399 = arith.index_cast %parallel_loop3A_322 : i32 to index
      %parallel_loop3A_400 = arith.constant 48 : index
      %parallel_loop3A_401 = tpu.vector_load %arg5[%parallel_loop3A_398, %parallel_loop3A_399, %parallel_loop3A_400] {strides = array<i32>} : memref<2x32x512xf32, #tpu.memory_space<vmem>>, vector<1x1x16xf32>,
      %parallel_loop3A_402 = vector.shape_cast %parallel_loop3A_401 : vector<1x1x16xf32> to vector<16xf32>
      %parallel_loop3A_403 = arith.constant 1 : i32
      %parallel_loop3A_404 = arith.index_cast %parallel_loop3A_403 : i32 to index
      %parallel_loop3A_405 = arith.index_cast %parallel_loop3A_322 : i32 to index
      %parallel_loop3A_406 = arith.constant 48 : index
      %parallel_loop3A_407 = tpu.vector_load %arg6[%parallel_loop3A_404, %parallel_loop3A_405, %parallel_loop3A_406] {strides = array<i32>} : memref<2x32x512xi32, #tpu.memory_space<vmem>>, vector<1x1x16xi32>,
      %parallel_loop3A_408 = vector.shape_cast %parallel_loop3A_407 : vector<1x1x16xi32> to vector<16xi32>
      %parallel_loop3A_409 = arith.constant 0.000000e+00 : f32
      %parallel_loop3A_410 = vector.broadcast %parallel_loop3A_409 : f32 to vector<16xf32>
      %parallel_loop3A_411 = arith.cmpf ogt, %parallel_loop3A_402, %parallel_loop3A_410 : vector<16xf32>
      %parallel_loop3A_412 = arith.constant 65536 : i32
      %parallel_loop3A_413 = vector.broadcast %parallel_loop3A_412 : i32 to vector<16xi32>
      %parallel_loop3A_414 = arith.addi %parallel_loop3A_408, %parallel_loop3A_413 : vector<16xi32>
      %parallel_loop3A_415 = arith.select %parallel_loop3A_411, %parallel_loop3A_414, %parallel_loop3A_408 : vector<16xi1>, vector<16xi32>
      %parallel_loop3A_416 = arith.addi %parallel_loop3A_392, %parallel_loop3A_415 : vector<16xi32>
      %parallel_loop3A_417 = arith.constant 0 : i32
      %parallel_loop3A_418 = vector.broadcast %parallel_loop3A_417 : i32 to vector<16xi32>
      %parallel_loop3A_419 = arith.select %parallel_loop3A_411, %parallel_loop3A_408, %parallel_loop3A_418 : vector<16xi1>, vector<16xi32>
      %parallel_loop3A_420 = arith.addi %parallel_loop3A_396, %parallel_loop3A_419 : vector<16xi32>
      %parallel_loop3A_421 = arith.constant 1 : i32
      %parallel_loop3A_422 = arith.index_cast %parallel_loop3A_421 : i32 to index
      %parallel_loop3A_423 = arith.index_cast %parallel_loop3A_322 : i32 to index
      %parallel_loop3A_424 = arith.constant 64 : index
      %parallel_loop3A_425 = tpu.vector_load %arg5[%parallel_loop3A_422, %parallel_loop3A_423, %parallel_loop3A_424] {strides = array<i32>} : memref<2x32x512xf32, #tpu.memory_space<vmem>>, vector<1x1x16xf32>,
      %parallel_loop3A_426 = vector.shape_cast %parallel_loop3A_425 : vector<1x1x16xf32> to vector<16xf32>
      %parallel_loop3A_427 = arith.constant 1 : i32
      %parallel_loop3A_428 = arith.index_cast %parallel_loop3A_427 : i32 to index
      %parallel_loop3A_429 = arith.index_cast %parallel_loop3A_322 : i32 to index
      %parallel_loop3A_430 = arith.constant 64 : index
      %parallel_loop3A_431 = tpu.vector_load %arg6[%parallel_loop3A_428, %parallel_loop3A_429, %parallel_loop3A_430] {strides = array<i32>} : memref<2x32x512xi32, #tpu.memory_space<vmem>>, vector<1x1x16xi32>,
      %parallel_loop3A_432 = vector.shape_cast %parallel_loop3A_431 : vector<1x1x16xi32> to vector<16xi32>
      %parallel_loop3A_433 = arith.constant 0.000000e+00 : f32
      %parallel_loop3A_434 = vector.broadcast %parallel_loop3A_433 : f32 to vector<16xf32>
      %parallel_loop3A_435 = arith.cmpf ogt, %parallel_loop3A_426, %parallel_loop3A_434 : vector<16xf32>
      %parallel_loop3A_436 = arith.constant 65536 : i32
      %parallel_loop3A_437 = vector.broadcast %parallel_loop3A_436 : i32 to vector<16xi32>
      %parallel_loop3A_438 = arith.addi %parallel_loop3A_432, %parallel_loop3A_437 : vector<16xi32>
      %parallel_loop3A_439 = arith.select %parallel_loop3A_435, %parallel_loop3A_438, %parallel_loop3A_432 : vector<16xi1>, vector<16xi32>
      %parallel_loop3A_440 = arith.addi %parallel_loop3A_416, %parallel_loop3A_439 : vector<16xi32>
      %parallel_loop3A_441 = arith.constant 0 : i32
      %parallel_loop3A_442 = vector.broadcast %parallel_loop3A_441 : i32 to vector<16xi32>
      %parallel_loop3A_443 = arith.select %parallel_loop3A_435, %parallel_loop3A_432, %parallel_loop3A_442 : vector<16xi1>, vector<16xi32>
      %parallel_loop3A_444 = arith.addi %parallel_loop3A_420, %parallel_loop3A_443 : vector<16xi32>
      %parallel_loop3A_445 = arith.constant 1 : i32
      %parallel_loop3A_446 = arith.index_cast %parallel_loop3A_445 : i32 to index
      %parallel_loop3A_447 = arith.index_cast %parallel_loop3A_322 : i32 to index
      %parallel_loop3A_448 = arith.constant 80 : index
      %parallel_loop3A_449 = tpu.vector_load %arg5[%parallel_loop3A_446, %parallel_loop3A_447, %parallel_loop3A_448] {strides = array<i32>} : memref<2x32x512xf32, #tpu.memory_space<vmem>>, vector<1x1x16xf32>,
      %parallel_loop3A_450 = vector.shape_cast %parallel_loop3A_449 : vector<1x1x16xf32> to vector<16xf32>
      %parallel_loop3A_451 = arith.constant 1 : i32
      %parallel_loop3A_452 = arith.index_cast %parallel_loop3A_451 : i32 to index
      %parallel_loop3A_453 = arith.index_cast %parallel_loop3A_322 : i32 to index
      %parallel_loop3A_454 = arith.constant 80 : index
      %parallel_loop3A_455 = tpu.vector_load %arg6[%parallel_loop3A_452, %parallel_loop3A_453, %parallel_loop3A_454] {strides = array<i32>} : memref<2x32x512xi32, #tpu.memory_space<vmem>>, vector<1x1x16xi32>,
      %parallel_loop3A_456 = vector.shape_cast %parallel_loop3A_455 : vector<1x1x16xi32> to vector<16xi32>
      %parallel_loop3A_457 = arith.constant 0.000000e+00 : f32
      %parallel_loop3A_458 = vector.broadcast %parallel_loop3A_457 : f32 to vector<16xf32>
      %parallel_loop3A_459 = arith.cmpf ogt, %parallel_loop3A_450, %parallel_loop3A_458 : vector<16xf32>
      %parallel_loop3A_460 = arith.constant 65536 : i32
      %parallel_loop3A_461 = vector.broadcast %parallel_loop3A_460 : i32 to vector<16xi32>
      %parallel_loop3A_462 = arith.addi %parallel_loop3A_456, %parallel_loop3A_461 : vector<16xi32>
      %parallel_loop3A_463 = arith.select %parallel_loop3A_459, %parallel_loop3A_462, %parallel_loop3A_456 : vector<16xi1>, vector<16xi32>
      %parallel_loop3A_464 = arith.addi %parallel_loop3A_440, %parallel_loop3A_463 : vector<16xi32>
      %parallel_loop3A_465 = arith.constant 0 : i32
      %parallel_loop3A_466 = vector.broadcast %parallel_loop3A_465 : i32 to vector<16xi32>
      %parallel_loop3A_467 = arith.select %parallel_loop3A_459, %parallel_loop3A_456, %parallel_loop3A_466 : vector<16xi1>, vector<16xi32>
      %parallel_loop3A_468 = arith.addi %parallel_loop3A_444, %parallel_loop3A_467 : vector<16xi32>
      %parallel_loop3A_469 = arith.constant 1 : i32
      %parallel_loop3A_470 = arith.index_cast %parallel_loop3A_469 : i32 to index
      %parallel_loop3A_471 = arith.index_cast %parallel_loop3A_322 : i32 to index
      %parallel_loop3A_472 = arith.constant 96 : index
      %parallel_loop3A_473 = tpu.vector_load %arg5[%parallel_loop3A_470, %parallel_loop3A_471, %parallel_loop3A_472] {strides = array<i32>} : memref<2x32x512xf32, #tpu.memory_space<vmem>>, vector<1x1x16xf32>,
      %parallel_loop3A_474 = vector.shape_cast %parallel_loop3A_473 : vector<1x1x16xf32> to vector<16xf32>
      %parallel_loop3A_475 = arith.constant 1 : i32
      %parallel_loop3A_476 = arith.index_cast %parallel_loop3A_475 : i32 to index
      %parallel_loop3A_477 = arith.index_cast %parallel_loop3A_322 : i32 to index
      %parallel_loop3A_478 = arith.constant 96 : index
      %parallel_loop3A_479 = tpu.vector_load %arg6[%parallel_loop3A_476, %parallel_loop3A_477, %parallel_loop3A_478] {strides = array<i32>} : memref<2x32x512xi32, #tpu.memory_space<vmem>>, vector<1x1x16xi32>,
      %parallel_loop3A_480 = vector.shape_cast %parallel_loop3A_479 : vector<1x1x16xi32> to vector<16xi32>
      %parallel_loop3A_481 = arith.constant 0.000000e+00 : f32
      %parallel_loop3A_482 = vector.broadcast %parallel_loop3A_481 : f32 to vector<16xf32>
      %parallel_loop3A_483 = arith.cmpf ogt, %parallel_loop3A_474, %parallel_loop3A_482 : vector<16xf32>
      %parallel_loop3A_484 = arith.constant 65536 : i32
      %parallel_loop3A_485 = vector.broadcast %parallel_loop3A_484 : i32 to vector<16xi32>
      %parallel_loop3A_486 = arith.addi %parallel_loop3A_480, %parallel_loop3A_485 : vector<16xi32>
      %parallel_loop3A_487 = arith.select %parallel_loop3A_483, %parallel_loop3A_486, %parallel_loop3A_480 : vector<16xi1>, vector<16xi32>
      %parallel_loop3A_488 = arith.addi %parallel_loop3A_464, %parallel_loop3A_487 : vector<16xi32>
      %parallel_loop3A_489 = arith.constant 0 : i32
      %parallel_loop3A_490 = vector.broadcast %parallel_loop3A_489 : i32 to vector<16xi32>
      %parallel_loop3A_491 = arith.select %parallel_loop3A_483, %parallel_loop3A_480, %parallel_loop3A_490 : vector<16xi1>, vector<16xi32>
      %parallel_loop3A_492 = arith.addi %parallel_loop3A_468, %parallel_loop3A_491 : vector<16xi32>
      %parallel_loop3A_493 = arith.constant 1 : i32
      %parallel_loop3A_494 = arith.index_cast %parallel_loop3A_493 : i32 to index
      %parallel_loop3A_495 = arith.index_cast %parallel_loop3A_322 : i32 to index
      %parallel_loop3A_496 = arith.constant 112 : index
      %parallel_loop3A_497 = tpu.vector_load %arg5[%parallel_loop3A_494, %parallel_loop3A_495, %parallel_loop3A_496] {strides = array<i32>} : memref<2x32x512xf32, #tpu.memory_space<vmem>>, vector<1x1x16xf32>,
      %parallel_loop3A_498 = vector.shape_cast %parallel_loop3A_497 : vector<1x1x16xf32> to vector<16xf32>
      %parallel_loop3A_499 = arith.constant 1 : i32
      %parallel_loop3A_500 = arith.index_cast %parallel_loop3A_499 : i32 to index
      %parallel_loop3A_501 = arith.index_cast %parallel_loop3A_322 : i32 to index
      %parallel_loop3A_502 = arith.constant 112 : index
      %parallel_loop3A_503 = tpu.vector_load %arg6[%parallel_loop3A_500, %parallel_loop3A_501, %parallel_loop3A_502] {strides = array<i32>} : memref<2x32x512xi32, #tpu.memory_space<vmem>>, vector<1x1x16xi32>,
      %parallel_loop3A_504 = vector.shape_cast %parallel_loop3A_503 : vector<1x1x16xi32> to vector<16xi32>
      %parallel_loop3A_505 = arith.constant 0.000000e+00 : f32
      %parallel_loop3A_506 = vector.broadcast %parallel_loop3A_505 : f32 to vector<16xf32>
      %parallel_loop3A_507 = arith.cmpf ogt, %parallel_loop3A_498, %parallel_loop3A_506 : vector<16xf32>
      %parallel_loop3A_508 = arith.constant 65536 : i32
      %parallel_loop3A_509 = vector.broadcast %parallel_loop3A_508 : i32 to vector<16xi32>
      %parallel_loop3A_510 = arith.addi %parallel_loop3A_504, %parallel_loop3A_509 : vector<16xi32>
      %parallel_loop3A_511 = arith.select %parallel_loop3A_507, %parallel_loop3A_510, %parallel_loop3A_504 : vector<16xi1>, vector<16xi32>
      %parallel_loop3A_512 = arith.addi %parallel_loop3A_488, %parallel_loop3A_511 : vector<16xi32>
      %parallel_loop3A_513 = arith.constant 0 : i32
      %parallel_loop3A_514 = vector.broadcast %parallel_loop3A_513 : i32 to vector<16xi32>
      %parallel_loop3A_515 = arith.select %parallel_loop3A_507, %parallel_loop3A_504, %parallel_loop3A_514 : vector<16xi1>, vector<16xi32>
      %parallel_loop3A_516 = arith.addi %parallel_loop3A_492, %parallel_loop3A_515 : vector<16xi32>
      %parallel_loop3A_517 = arith.constant 1 : i32
      %parallel_loop3A_518 = arith.index_cast %parallel_loop3A_517 : i32 to index
      %parallel_loop3A_519 = arith.index_cast %parallel_loop3A_322 : i32 to index
      %parallel_loop3A_520 = arith.constant 128 : index
      %parallel_loop3A_521 = tpu.vector_load %arg5[%parallel_loop3A_518, %parallel_loop3A_519, %parallel_loop3A_520] {strides = array<i32>} : memref<2x32x512xf32, #tpu.memory_space<vmem>>, vector<1x1x16xf32>,
      %parallel_loop3A_522 = vector.shape_cast %parallel_loop3A_521 : vector<1x1x16xf32> to vector<16xf32>
      %parallel_loop3A_523 = arith.constant 1 : i32
      %parallel_loop3A_524 = arith.index_cast %parallel_loop3A_523 : i32 to index
      %parallel_loop3A_525 = arith.index_cast %parallel_loop3A_322 : i32 to index
      %parallel_loop3A_526 = arith.constant 128 : index
      %parallel_loop3A_527 = tpu.vector_load %arg6[%parallel_loop3A_524, %parallel_loop3A_525, %parallel_loop3A_526] {strides = array<i32>} : memref<2x32x512xi32, #tpu.memory_space<vmem>>, vector<1x1x16xi32>,
      %parallel_loop3A_528 = vector.shape_cast %parallel_loop3A_527 : vector<1x1x16xi32> to vector<16xi32>
      %parallel_loop3A_529 = arith.constant 0.000000e+00 : f32
      %parallel_loop3A_530 = vector.broadcast %parallel_loop3A_529 : f32 to vector<16xf32>
      %parallel_loop3A_531 = arith.cmpf ogt, %parallel_loop3A_522, %parallel_loop3A_530 : vector<16xf32>
      %parallel_loop3A_532 = arith.constant 65536 : i32
      %parallel_loop3A_533 = vector.broadcast %parallel_loop3A_532 : i32 to vector<16xi32>
      %parallel_loop3A_534 = arith.addi %parallel_loop3A_528, %parallel_loop3A_533 : vector<16xi32>
      %parallel_loop3A_535 = arith.select %parallel_loop3A_531, %parallel_loop3A_534, %parallel_loop3A_528 : vector<16xi1>, vector<16xi32>
      %parallel_loop3A_536 = arith.addi %parallel_loop3A_512, %parallel_loop3A_535 : vector<16xi32>
      %parallel_loop3A_537 = arith.constant 0 : i32
      %parallel_loop3A_538 = vector.broadcast %parallel_loop3A_537 : i32 to vector<16xi32>
      %parallel_loop3A_539 = arith.select %parallel_loop3A_531, %parallel_loop3A_528, %parallel_loop3A_538 : vector<16xi1>, vector<16xi32>
      %parallel_loop3A_540 = arith.addi %parallel_loop3A_516, %parallel_loop3A_539 : vector<16xi32>
      %parallel_loop3A_541 = arith.constant 1 : i32
      %parallel_loop3A_542 = arith.index_cast %parallel_loop3A_541 : i32 to index
      %parallel_loop3A_543 = arith.index_cast %parallel_loop3A_322 : i32 to index
      %parallel_loop3A_544 = arith.constant 144 : index
      %parallel_loop3A_545 = tpu.vector_load %arg5[%parallel_loop3A_542, %parallel_loop3A_543, %parallel_loop3A_544] {strides = array<i32>} : memref<2x32x512xf32, #tpu.memory_space<vmem>>, vector<1x1x16xf32>,
      %parallel_loop3A_546 = vector.shape_cast %parallel_loop3A_545 : vector<1x1x16xf32> to vector<16xf32>
      %parallel_loop3A_547 = arith.constant 1 : i32
      %parallel_loop3A_548 = arith.index_cast %parallel_loop3A_547 : i32 to index
      %parallel_loop3A_549 = arith.index_cast %parallel_loop3A_322 : i32 to index
      %parallel_loop3A_550 = arith.constant 144 : index
      %parallel_loop3A_551 = tpu.vector_load %arg6[%parallel_loop3A_548, %parallel_loop3A_549, %parallel_loop3A_550] {strides = array<i32>} : memref<2x32x512xi32, #tpu.memory_space<vmem>>, vector<1x1x16xi32>,
      %parallel_loop3A_552 = vector.shape_cast %parallel_loop3A_551 : vector<1x1x16xi32> to vector<16xi32>
      %parallel_loop3A_553 = arith.constant 0.000000e+00 : f32
      %parallel_loop3A_554 = vector.broadcast %parallel_loop3A_553 : f32 to vector<16xf32>
      %parallel_loop3A_555 = arith.cmpf ogt, %parallel_loop3A_546, %parallel_loop3A_554 : vector<16xf32>
      %parallel_loop3A_556 = arith.constant 65536 : i32
      %parallel_loop3A_557 = vector.broadcast %parallel_loop3A_556 : i32 to vector<16xi32>
      %parallel_loop3A_558 = arith.addi %parallel_loop3A_552, %parallel_loop3A_557 : vector<16xi32>
      %parallel_loop3A_559 = arith.select %parallel_loop3A_555, %parallel_loop3A_558, %parallel_loop3A_552 : vector<16xi1>, vector<16xi32>
      %parallel_loop3A_560 = arith.addi %parallel_loop3A_536, %parallel_loop3A_559 : vector<16xi32>
      %parallel_loop3A_561 = arith.constant 0 : i32
      %parallel_loop3A_562 = vector.broadcast %parallel_loop3A_561 : i32 to vector<16xi32>
      %parallel_loop3A_563 = arith.select %parallel_loop3A_555, %parallel_loop3A_552, %parallel_loop3A_562 : vector<16xi1>, vector<16xi32>
      %parallel_loop3A_564 = arith.addi %parallel_loop3A_540, %parallel_loop3A_563 : vector<16xi32>
      %parallel_loop3A_565 = arith.constant 1 : i32
      %parallel_loop3A_566 = arith.index_cast %parallel_loop3A_565 : i32 to index
      %parallel_loop3A_567 = arith.index_cast %parallel_loop3A_322 : i32 to index
      %parallel_loop3A_568 = arith.constant 160 : index
      %parallel_loop3A_569 = tpu.vector_load %arg5[%parallel_loop3A_566, %parallel_loop3A_567, %parallel_loop3A_568] {strides = array<i32>} : memref<2x32x512xf32, #tpu.memory_space<vmem>>, vector<1x1x16xf32>,
      %parallel_loop3A_570 = vector.shape_cast %parallel_loop3A_569 : vector<1x1x16xf32> to vector<16xf32>
      %parallel_loop3A_571 = arith.constant 1 : i32
      %parallel_loop3A_572 = arith.index_cast %parallel_loop3A_571 : i32 to index
      %parallel_loop3A_573 = arith.index_cast %parallel_loop3A_322 : i32 to index
      %parallel_loop3A_574 = arith.constant 160 : index
      %parallel_loop3A_575 = tpu.vector_load %arg6[%parallel_loop3A_572, %parallel_loop3A_573, %parallel_loop3A_574] {strides = array<i32>} : memref<2x32x512xi32, #tpu.memory_space<vmem>>, vector<1x1x16xi32>,
      %parallel_loop3A_576 = vector.shape_cast %parallel_loop3A_575 : vector<1x1x16xi32> to vector<16xi32>
      %parallel_loop3A_577 = arith.constant 0.000000e+00 : f32
      %parallel_loop3A_578 = vector.broadcast %parallel_loop3A_577 : f32 to vector<16xf32>
      %parallel_loop3A_579 = arith.cmpf ogt, %parallel_loop3A_570, %parallel_loop3A_578 : vector<16xf32>
      %parallel_loop3A_580 = arith.constant 65536 : i32
      %parallel_loop3A_581 = vector.broadcast %parallel_loop3A_580 : i32 to vector<16xi32>
      %parallel_loop3A_582 = arith.addi %parallel_loop3A_576, %parallel_loop3A_581 : vector<16xi32>
      %parallel_loop3A_583 = arith.select %parallel_loop3A_579, %parallel_loop3A_582, %parallel_loop3A_576 : vector<16xi1>, vector<16xi32>
      %parallel_loop3A_584 = arith.addi %parallel_loop3A_560, %parallel_loop3A_583 : vector<16xi32>
      %parallel_loop3A_585 = arith.constant 0 : i32
      %parallel_loop3A_586 = vector.broadcast %parallel_loop3A_585 : i32 to vector<16xi32>
      %parallel_loop3A_587 = arith.select %parallel_loop3A_579, %parallel_loop3A_576, %parallel_loop3A_586 : vector<16xi1>, vector<16xi32>
      %parallel_loop3A_588 = arith.addi %parallel_loop3A_564, %parallel_loop3A_587 : vector<16xi32>
      %parallel_loop3A_589 = arith.constant 1 : i32
      %parallel_loop3A_590 = arith.index_cast %parallel_loop3A_589 : i32 to index
      %parallel_loop3A_591 = arith.index_cast %parallel_loop3A_322 : i32 to index
      %parallel_loop3A_592 = arith.constant 176 : index
      %parallel_loop3A_593 = tpu.vector_load %arg5[%parallel_loop3A_590, %parallel_loop3A_591, %parallel_loop3A_592] {strides = array<i32>} : memref<2x32x512xf32, #tpu.memory_space<vmem>>, vector<1x1x16xf32>,
      %parallel_loop3A_594 = vector.shape_cast %parallel_loop3A_593 : vector<1x1x16xf32> to vector<16xf32>
      %parallel_loop3A_595 = arith.constant 1 : i32
      %parallel_loop3A_596 = arith.index_cast %parallel_loop3A_595 : i32 to index
      %parallel_loop3A_597 = arith.index_cast %parallel_loop3A_322 : i32 to index
      %parallel_loop3A_598 = arith.constant 176 : index
      %parallel_loop3A_599 = tpu.vector_load %arg6[%parallel_loop3A_596, %parallel_loop3A_597, %parallel_loop3A_598] {strides = array<i32>} : memref<2x32x512xi32, #tpu.memory_space<vmem>>, vector<1x1x16xi32>,
      %parallel_loop3A_600 = vector.shape_cast %parallel_loop3A_599 : vector<1x1x16xi32> to vector<16xi32>
      %parallel_loop3A_601 = arith.constant 0.000000e+00 : f32
      %parallel_loop3A_602 = vector.broadcast %parallel_loop3A_601 : f32 to vector<16xf32>
      %parallel_loop3A_603 = arith.cmpf ogt, %parallel_loop3A_594, %parallel_loop3A_602 : vector<16xf32>
      %parallel_loop3A_604 = arith.constant 65536 : i32
      %parallel_loop3A_605 = vector.broadcast %parallel_loop3A_604 : i32 to vector<16xi32>
      %parallel_loop3A_606 = arith.addi %parallel_loop3A_600, %parallel_loop3A_605 : vector<16xi32>
      %parallel_loop3A_607 = arith.select %parallel_loop3A_603, %parallel_loop3A_606, %parallel_loop3A_600 : vector<16xi1>, vector<16xi32>
      %parallel_loop3A_608 = arith.addi %parallel_loop3A_584, %parallel_loop3A_607 : vector<16xi32>
      %parallel_loop3A_609 = arith.constant 0 : i32
      %parallel_loop3A_610 = vector.broadcast %parallel_loop3A_609 : i32 to vector<16xi32>
      %parallel_loop3A_611 = arith.select %parallel_loop3A_603, %parallel_loop3A_600, %parallel_loop3A_610 : vector<16xi1>, vector<16xi32>
      %parallel_loop3A_612 = arith.addi %parallel_loop3A_588, %parallel_loop3A_611 : vector<16xi32>
      %parallel_loop3A_613 = arith.constant 1 : i32
      %parallel_loop3A_614 = arith.index_cast %parallel_loop3A_613 : i32 to index
      %parallel_loop3A_615 = arith.index_cast %parallel_loop3A_322 : i32 to index
      %parallel_loop3A_616 = arith.constant 192 : index
      %parallel_loop3A_617 = tpu.vector_load %arg5[%parallel_loop3A_614, %parallel_loop3A_615, %parallel_loop3A_616] {strides = array<i32>} : memref<2x32x512xf32, #tpu.memory_space<vmem>>, vector<1x1x16xf32>,
      %parallel_loop3A_618 = vector.shape_cast %parallel_loop3A_617 : vector<1x1x16xf32> to vector<16xf32>
      %parallel_loop3A_619 = arith.constant 1 : i32
      %parallel_loop3A_620 = arith.index_cast %parallel_loop3A_619 : i32 to index
      %parallel_loop3A_621 = arith.index_cast %parallel_loop3A_322 : i32 to index
      %parallel_loop3A_622 = arith.constant 192 : index
      %parallel_loop3A_623 = tpu.vector_load %arg6[%parallel_loop3A_620, %parallel_loop3A_621, %parallel_loop3A_622] {strides = array<i32>} : memref<2x32x512xi32, #tpu.memory_space<vmem>>, vector<1x1x16xi32>,
      %parallel_loop3A_624 = vector.shape_cast %parallel_loop3A_623 : vector<1x1x16xi32> to vector<16xi32>
      %parallel_loop3A_625 = arith.constant 0.000000e+00 : f32
      %parallel_loop3A_626 = vector.broadcast %parallel_loop3A_625 : f32 to vector<16xf32>
      %parallel_loop3A_627 = arith.cmpf ogt, %parallel_loop3A_618, %parallel_loop3A_626 : vector<16xf32>
      %parallel_loop3A_628 = arith.constant 65536 : i32
      %parallel_loop3A_629 = vector.broadcast %parallel_loop3A_628 : i32 to vector<16xi32>
      %parallel_loop3A_630 = arith.addi %parallel_loop3A_624, %parallel_loop3A_629 : vector<16xi32>
      %parallel_loop3A_631 = arith.select %parallel_loop3A_627, %parallel_loop3A_630, %parallel_loop3A_624 : vector<16xi1>, vector<16xi32>
      %parallel_loop3A_632 = arith.addi %parallel_loop3A_608, %parallel_loop3A_631 : vector<16xi32>
      %parallel_loop3A_633 = arith.constant 0 : i32
      %parallel_loop3A_634 = vector.broadcast %parallel_loop3A_633 : i32 to vector<16xi32>
      %parallel_loop3A_635 = arith.select %parallel_loop3A_627, %parallel_loop3A_624, %parallel_loop3A_634 : vector<16xi1>, vector<16xi32>
      %parallel_loop3A_636 = arith.addi %parallel_loop3A_612, %parallel_loop3A_635 : vector<16xi32>
      %parallel_loop3A_637 = arith.constant 1 : i32
      %parallel_loop3A_638 = arith.index_cast %parallel_loop3A_637 : i32 to index
      %parallel_loop3A_639 = arith.index_cast %parallel_loop3A_322 : i32 to index
      %parallel_loop3A_640 = arith.constant 208 : index
      %parallel_loop3A_641 = tpu.vector_load %arg5[%parallel_loop3A_638, %parallel_loop3A_639, %parallel_loop3A_640] {strides = array<i32>} : memref<2x32x512xf32, #tpu.memory_space<vmem>>, vector<1x1x16xf32>,
      %parallel_loop3A_642 = vector.shape_cast %parallel_loop3A_641 : vector<1x1x16xf32> to vector<16xf32>
      %parallel_loop3A_643 = arith.constant 1 : i32
      %parallel_loop3A_644 = arith.index_cast %parallel_loop3A_643 : i32 to index
      %parallel_loop3A_645 = arith.index_cast %parallel_loop3A_322 : i32 to index
      %parallel_loop3A_646 = arith.constant 208 : index
      %parallel_loop3A_647 = tpu.vector_load %arg6[%parallel_loop3A_644, %parallel_loop3A_645, %parallel_loop3A_646] {strides = array<i32>} : memref<2x32x512xi32, #tpu.memory_space<vmem>>, vector<1x1x16xi32>,
      %parallel_loop3A_648 = vector.shape_cast %parallel_loop3A_647 : vector<1x1x16xi32> to vector<16xi32>
      %parallel_loop3A_649 = arith.constant 0.000000e+00 : f32
      %parallel_loop3A_650 = vector.broadcast %parallel_loop3A_649 : f32 to vector<16xf32>
      %parallel_loop3A_651 = arith.cmpf ogt, %parallel_loop3A_642, %parallel_loop3A_650 : vector<16xf32>
      %parallel_loop3A_652 = arith.constant 65536 : i32
      %parallel_loop3A_653 = vector.broadcast %parallel_loop3A_652 : i32 to vector<16xi32>
      %parallel_loop3A_654 = arith.addi %parallel_loop3A_648, %parallel_loop3A_653 : vector<16xi32>
      %parallel_loop3A_655 = arith.select %parallel_loop3A_651, %parallel_loop3A_654, %parallel_loop3A_648 : vector<16xi1>, vector<16xi32>
      %parallel_loop3A_656 = arith.addi %parallel_loop3A_632, %parallel_loop3A_655 : vector<16xi32>
      %parallel_loop3A_657 = arith.constant 0 : i32
      %parallel_loop3A_658 = vector.broadcast %parallel_loop3A_657 : i32 to vector<16xi32>
      %parallel_loop3A_659 = arith.select %parallel_loop3A_651, %parallel_loop3A_648, %parallel_loop3A_658 : vector<16xi1>, vector<16xi32>
      %parallel_loop3A_660 = arith.addi %parallel_loop3A_636, %parallel_loop3A_659 : vector<16xi32>
      %parallel_loop3A_661 = arith.constant 1 : i32
      %parallel_loop3A_662 = arith.index_cast %parallel_loop3A_661 : i32 to index
      %parallel_loop3A_663 = arith.index_cast %parallel_loop3A_322 : i32 to index
      %parallel_loop3A_664 = arith.constant 224 : index
      %parallel_loop3A_665 = tpu.vector_load %arg5[%parallel_loop3A_662, %parallel_loop3A_663, %parallel_loop3A_664] {strides = array<i32>} : memref<2x32x512xf32, #tpu.memory_space<vmem>>, vector<1x1x16xf32>,
      %parallel_loop3A_666 = vector.shape_cast %parallel_loop3A_665 : vector<1x1x16xf32> to vector<16xf32>
      %parallel_loop3A_667 = arith.constant 1 : i32
      %parallel_loop3A_668 = arith.index_cast %parallel_loop3A_667 : i32 to index
      %parallel_loop3A_669 = arith.index_cast %parallel_loop3A_322 : i32 to index
      %parallel_loop3A_670 = arith.constant 224 : index
      %parallel_loop3A_671 = tpu.vector_load %arg6[%parallel_loop3A_668, %parallel_loop3A_669, %parallel_loop3A_670] {strides = array<i32>} : memref<2x32x512xi32, #tpu.memory_space<vmem>>, vector<1x1x16xi32>,
      %parallel_loop3A_672 = vector.shape_cast %parallel_loop3A_671 : vector<1x1x16xi32> to vector<16xi32>
      %parallel_loop3A_673 = arith.constant 0.000000e+00 : f32
      %parallel_loop3A_674 = vector.broadcast %parallel_loop3A_673 : f32 to vector<16xf32>
      %parallel_loop3A_675 = arith.cmpf ogt, %parallel_loop3A_666, %parallel_loop3A_674 : vector<16xf32>
      %parallel_loop3A_676 = arith.constant 65536 : i32
      %parallel_loop3A_677 = vector.broadcast %parallel_loop3A_676 : i32 to vector<16xi32>
      %parallel_loop3A_678 = arith.addi %parallel_loop3A_672, %parallel_loop3A_677 : vector<16xi32>
      %parallel_loop3A_679 = arith.select %parallel_loop3A_675, %parallel_loop3A_678, %parallel_loop3A_672 : vector<16xi1>, vector<16xi32>
      %parallel_loop3A_680 = arith.addi %parallel_loop3A_656, %parallel_loop3A_679 : vector<16xi32>
      %parallel_loop3A_681 = arith.constant 0 : i32
      %parallel_loop3A_682 = vector.broadcast %parallel_loop3A_681 : i32 to vector<16xi32>
      %parallel_loop3A_683 = arith.select %parallel_loop3A_675, %parallel_loop3A_672, %parallel_loop3A_682 : vector<16xi1>, vector<16xi32>
      %parallel_loop3A_684 = arith.addi %parallel_loop3A_660, %parallel_loop3A_683 : vector<16xi32>
      %parallel_loop3A_685 = arith.constant 1 : i32
      %parallel_loop3A_686 = arith.index_cast %parallel_loop3A_685 : i32 to index
      %parallel_loop3A_687 = arith.index_cast %parallel_loop3A_322 : i32 to index
      %parallel_loop3A_688 = arith.constant 240 : index
      %parallel_loop3A_689 = tpu.vector_load %arg5[%parallel_loop3A_686, %parallel_loop3A_687, %parallel_loop3A_688] {strides = array<i32>} : memref<2x32x512xf32, #tpu.memory_space<vmem>>, vector<1x1x16xf32>,
      %parallel_loop3A_690 = vector.shape_cast %parallel_loop3A_689 : vector<1x1x16xf32> to vector<16xf32>
      %parallel_loop3A_691 = arith.constant 1 : i32
      %parallel_loop3A_692 = arith.index_cast %parallel_loop3A_691 : i32 to index
      %parallel_loop3A_693 = arith.index_cast %parallel_loop3A_322 : i32 to index
      %parallel_loop3A_694 = arith.constant 240 : index
      %parallel_loop3A_695 = tpu.vector_load %arg6[%parallel_loop3A_692, %parallel_loop3A_693, %parallel_loop3A_694] {strides = array<i32>} : memref<2x32x512xi32, #tpu.memory_space<vmem>>, vector<1x1x16xi32>,
      %parallel_loop3A_696 = vector.shape_cast %parallel_loop3A_695 : vector<1x1x16xi32> to vector<16xi32>
      %parallel_loop3A_697 = arith.constant 0.000000e+00 : f32
      %parallel_loop3A_698 = vector.broadcast %parallel_loop3A_697 : f32 to vector<16xf32>
      %parallel_loop3A_699 = arith.cmpf ogt, %parallel_loop3A_690, %parallel_loop3A_698 : vector<16xf32>
      %parallel_loop3A_700 = arith.constant 65536 : i32
      %parallel_loop3A_701 = vector.broadcast %parallel_loop3A_700 : i32 to vector<16xi32>
      %parallel_loop3A_702 = arith.addi %parallel_loop3A_696, %parallel_loop3A_701 : vector<16xi32>
      %parallel_loop3A_703 = arith.select %parallel_loop3A_699, %parallel_loop3A_702, %parallel_loop3A_696 : vector<16xi1>, vector<16xi32>
      %parallel_loop3A_704 = arith.addi %parallel_loop3A_680, %parallel_loop3A_703 : vector<16xi32>
      %parallel_loop3A_705 = arith.constant 0 : i32
      %parallel_loop3A_706 = vector.broadcast %parallel_loop3A_705 : i32 to vector<16xi32>
      %parallel_loop3A_707 = arith.select %parallel_loop3A_699, %parallel_loop3A_696, %parallel_loop3A_706 : vector<16xi1>, vector<16xi32>
      %parallel_loop3A_708 = arith.addi %parallel_loop3A_684, %parallel_loop3A_707 : vector<16xi32>
      %parallel_loop3A_709 = arith.constant 1 : i32
      %parallel_loop3A_710 = arith.index_cast %parallel_loop3A_709 : i32 to index
      %parallel_loop3A_711 = arith.index_cast %parallel_loop3A_322 : i32 to index
      %parallel_loop3A_712 = arith.constant 256 : index
      %parallel_loop3A_713 = tpu.vector_load %arg5[%parallel_loop3A_710, %parallel_loop3A_711, %parallel_loop3A_712] {strides = array<i32>} : memref<2x32x512xf32, #tpu.memory_space<vmem>>, vector<1x1x16xf32>,
      %parallel_loop3A_714 = vector.shape_cast %parallel_loop3A_713 : vector<1x1x16xf32> to vector<16xf32>
      %parallel_loop3A_715 = arith.constant 1 : i32
      %parallel_loop3A_716 = arith.index_cast %parallel_loop3A_715 : i32 to index
      %parallel_loop3A_717 = arith.index_cast %parallel_loop3A_322 : i32 to index
      %parallel_loop3A_718 = arith.constant 256 : index
      %parallel_loop3A_719 = tpu.vector_load %arg6[%parallel_loop3A_716, %parallel_loop3A_717, %parallel_loop3A_718] {strides = array<i32>} : memref<2x32x512xi32, #tpu.memory_space<vmem>>, vector<1x1x16xi32>,
      %parallel_loop3A_720 = vector.shape_cast %parallel_loop3A_719 : vector<1x1x16xi32> to vector<16xi32>
      %parallel_loop3A_721 = arith.constant 0.000000e+00 : f32
      %parallel_loop3A_722 = vector.broadcast %parallel_loop3A_721 : f32 to vector<16xf32>
      %parallel_loop3A_723 = arith.cmpf ogt, %parallel_loop3A_714, %parallel_loop3A_722 : vector<16xf32>
      %parallel_loop3A_724 = arith.constant 65536 : i32
      %parallel_loop3A_725 = vector.broadcast %parallel_loop3A_724 : i32 to vector<16xi32>
      %parallel_loop3A_726 = arith.addi %parallel_loop3A_720, %parallel_loop3A_725 : vector<16xi32>
      %parallel_loop3A_727 = arith.select %parallel_loop3A_723, %parallel_loop3A_726, %parallel_loop3A_720 : vector<16xi1>, vector<16xi32>
      %parallel_loop3A_728 = arith.addi %parallel_loop3A_704, %parallel_loop3A_727 : vector<16xi32>
      %parallel_loop3A_729 = arith.constant 0 : i32
      %parallel_loop3A_730 = vector.broadcast %parallel_loop3A_729 : i32 to vector<16xi32>
      %parallel_loop3A_731 = arith.select %parallel_loop3A_723, %parallel_loop3A_720, %parallel_loop3A_730 : vector<16xi1>, vector<16xi32>
      %parallel_loop3A_732 = arith.addi %parallel_loop3A_708, %parallel_loop3A_731 : vector<16xi32>
      %parallel_loop3A_733 = arith.constant 1 : i32
      %parallel_loop3A_734 = arith.index_cast %parallel_loop3A_733 : i32 to index
      %parallel_loop3A_735 = arith.index_cast %parallel_loop3A_322 : i32 to index
      %parallel_loop3A_736 = arith.constant 272 : index
      %parallel_loop3A_737 = tpu.vector_load %arg5[%parallel_loop3A_734, %parallel_loop3A_735, %parallel_loop3A_736] {strides = array<i32>} : memref<2x32x512xf32, #tpu.memory_space<vmem>>, vector<1x1x16xf32>,
      %parallel_loop3A_738 = vector.shape_cast %parallel_loop3A_737 : vector<1x1x16xf32> to vector<16xf32>
      %parallel_loop3A_739 = arith.constant 1 : i32
      %parallel_loop3A_740 = arith.index_cast %parallel_loop3A_739 : i32 to index
      %parallel_loop3A_741 = arith.index_cast %parallel_loop3A_322 : i32 to index
      %parallel_loop3A_742 = arith.constant 272 : index
      %parallel_loop3A_743 = tpu.vector_load %arg6[%parallel_loop3A_740, %parallel_loop3A_741, %parallel_loop3A_742] {strides = array<i32>} : memref<2x32x512xi32, #tpu.memory_space<vmem>>, vector<1x1x16xi32>,
      %parallel_loop3A_744 = vector.shape_cast %parallel_loop3A_743 : vector<1x1x16xi32> to vector<16xi32>
      %parallel_loop3A_745 = arith.constant 0.000000e+00 : f32
      %parallel_loop3A_746 = vector.broadcast %parallel_loop3A_745 : f32 to vector<16xf32>
      %parallel_loop3A_747 = arith.cmpf ogt, %parallel_loop3A_738, %parallel_loop3A_746 : vector<16xf32>
      %parallel_loop3A_748 = arith.constant 65536 : i32
      %parallel_loop3A_749 = vector.broadcast %parallel_loop3A_748 : i32 to vector<16xi32>
      %parallel_loop3A_750 = arith.addi %parallel_loop3A_744, %parallel_loop3A_749 : vector<16xi32>
      %parallel_loop3A_751 = arith.select %parallel_loop3A_747, %parallel_loop3A_750, %parallel_loop3A_744 : vector<16xi1>, vector<16xi32>
      %parallel_loop3A_752 = arith.addi %parallel_loop3A_728, %parallel_loop3A_751 : vector<16xi32>
      %parallel_loop3A_753 = arith.constant 0 : i32
      %parallel_loop3A_754 = vector.broadcast %parallel_loop3A_753 : i32 to vector<16xi32>
      %parallel_loop3A_755 = arith.select %parallel_loop3A_747, %parallel_loop3A_744, %parallel_loop3A_754 : vector<16xi1>, vector<16xi32>
      %parallel_loop3A_756 = arith.addi %parallel_loop3A_732, %parallel_loop3A_755 : vector<16xi32>
      %parallel_loop3A_757 = arith.constant 1 : i32
      %parallel_loop3A_758 = arith.index_cast %parallel_loop3A_757 : i32 to index
      %parallel_loop3A_759 = arith.index_cast %parallel_loop3A_322 : i32 to index
      %parallel_loop3A_760 = arith.constant 288 : index
      %parallel_loop3A_761 = tpu.vector_load %arg5[%parallel_loop3A_758, %parallel_loop3A_759, %parallel_loop3A_760] {strides = array<i32>} : memref<2x32x512xf32, #tpu.memory_space<vmem>>, vector<1x1x16xf32>,
      %parallel_loop3A_762 = vector.shape_cast %parallel_loop3A_761 : vector<1x1x16xf32> to vector<16xf32>
      %parallel_loop3A_763 = arith.constant 1 : i32
      %parallel_loop3A_764 = arith.index_cast %parallel_loop3A_763 : i32 to index
      %parallel_loop3A_765 = arith.index_cast %parallel_loop3A_322 : i32 to index
      %parallel_loop3A_766 = arith.constant 288 : index
      %parallel_loop3A_767 = tpu.vector_load %arg6[%parallel_loop3A_764, %parallel_loop3A_765, %parallel_loop3A_766] {strides = array<i32>} : memref<2x32x512xi32, #tpu.memory_space<vmem>>, vector<1x1x16xi32>,
      %parallel_loop3A_768 = vector.shape_cast %parallel_loop3A_767 : vector<1x1x16xi32> to vector<16xi32>
      %parallel_loop3A_769 = arith.constant 0.000000e+00 : f32
      %parallel_loop3A_770 = vector.broadcast %parallel_loop3A_769 : f32 to vector<16xf32>
      %parallel_loop3A_771 = arith.cmpf ogt, %parallel_loop3A_762, %parallel_loop3A_770 : vector<16xf32>
      %parallel_loop3A_772 = arith.constant 65536 : i32
      %parallel_loop3A_773 = vector.broadcast %parallel_loop3A_772 : i32 to vector<16xi32>
      %parallel_loop3A_774 = arith.addi %parallel_loop3A_768, %parallel_loop3A_773 : vector<16xi32>
      %parallel_loop3A_775 = arith.select %parallel_loop3A_771, %parallel_loop3A_774, %parallel_loop3A_768 : vector<16xi1>, vector<16xi32>
      %parallel_loop3A_776 = arith.addi %parallel_loop3A_752, %parallel_loop3A_775 : vector<16xi32>
      %parallel_loop3A_777 = arith.constant 0 : i32
      %parallel_loop3A_778 = vector.broadcast %parallel_loop3A_777 : i32 to vector<16xi32>
      %parallel_loop3A_779 = arith.select %parallel_loop3A_771, %parallel_loop3A_768, %parallel_loop3A_778 : vector<16xi1>, vector<16xi32>
      %parallel_loop3A_780 = arith.addi %parallel_loop3A_756, %parallel_loop3A_779 : vector<16xi32>
      %parallel_loop3A_781 = arith.constant 1 : i32
      %parallel_loop3A_782 = arith.index_cast %parallel_loop3A_781 : i32 to index
      %parallel_loop3A_783 = arith.index_cast %parallel_loop3A_322 : i32 to index
      %parallel_loop3A_784 = arith.constant 304 : index
      %parallel_loop3A_785 = tpu.vector_load %arg5[%parallel_loop3A_782, %parallel_loop3A_783, %parallel_loop3A_784] {strides = array<i32>} : memref<2x32x512xf32, #tpu.memory_space<vmem>>, vector<1x1x16xf32>,
      %parallel_loop3A_786 = vector.shape_cast %parallel_loop3A_785 : vector<1x1x16xf32> to vector<16xf32>
      %parallel_loop3A_787 = arith.constant 1 : i32
      %parallel_loop3A_788 = arith.index_cast %parallel_loop3A_787 : i32 to index
      %parallel_loop3A_789 = arith.index_cast %parallel_loop3A_322 : i32 to index
      %parallel_loop3A_790 = arith.constant 304 : index
      %parallel_loop3A_791 = tpu.vector_load %arg6[%parallel_loop3A_788, %parallel_loop3A_789, %parallel_loop3A_790] {strides = array<i32>} : memref<2x32x512xi32, #tpu.memory_space<vmem>>, vector<1x1x16xi32>,
      %parallel_loop3A_792 = vector.shape_cast %parallel_loop3A_791 : vector<1x1x16xi32> to vector<16xi32>
      %parallel_loop3A_793 = arith.constant 0.000000e+00 : f32
      %parallel_loop3A_794 = vector.broadcast %parallel_loop3A_793 : f32 to vector<16xf32>
      %parallel_loop3A_795 = arith.cmpf ogt, %parallel_loop3A_786, %parallel_loop3A_794 : vector<16xf32>
      %parallel_loop3A_796 = arith.constant 65536 : i32
      %parallel_loop3A_797 = vector.broadcast %parallel_loop3A_796 : i32 to vector<16xi32>
      %parallel_loop3A_798 = arith.addi %parallel_loop3A_792, %parallel_loop3A_797 : vector<16xi32>
      %parallel_loop3A_799 = arith.select %parallel_loop3A_795, %parallel_loop3A_798, %parallel_loop3A_792 : vector<16xi1>, vector<16xi32>
      %parallel_loop3A_800 = arith.addi %parallel_loop3A_776, %parallel_loop3A_799 : vector<16xi32>
      %parallel_loop3A_801 = arith.constant 0 : i32
      %parallel_loop3A_802 = vector.broadcast %parallel_loop3A_801 : i32 to vector<16xi32>
      %parallel_loop3A_803 = arith.select %parallel_loop3A_795, %parallel_loop3A_792, %parallel_loop3A_802 : vector<16xi1>, vector<16xi32>
      %parallel_loop3A_804 = arith.addi %parallel_loop3A_780, %parallel_loop3A_803 : vector<16xi32>
      %parallel_loop3A_805 = arith.constant 1 : i32
      %parallel_loop3A_806 = arith.index_cast %parallel_loop3A_805 : i32 to index
      %parallel_loop3A_807 = arith.index_cast %parallel_loop3A_322 : i32 to index
      %parallel_loop3A_808 = arith.constant 320 : index
      %parallel_loop3A_809 = tpu.vector_load %arg5[%parallel_loop3A_806, %parallel_loop3A_807, %parallel_loop3A_808] {strides = array<i32>} : memref<2x32x512xf32, #tpu.memory_space<vmem>>, vector<1x1x16xf32>,
      %parallel_loop3A_810 = vector.shape_cast %parallel_loop3A_809 : vector<1x1x16xf32> to vector<16xf32>
      %parallel_loop3A_811 = arith.constant 1 : i32
      %parallel_loop3A_812 = arith.index_cast %parallel_loop3A_811 : i32 to index
      %parallel_loop3A_813 = arith.index_cast %parallel_loop3A_322 : i32 to index
      %parallel_loop3A_814 = arith.constant 320 : index
      %parallel_loop3A_815 = tpu.vector_load %arg6[%parallel_loop3A_812, %parallel_loop3A_813, %parallel_loop3A_814] {strides = array<i32>} : memref<2x32x512xi32, #tpu.memory_space<vmem>>, vector<1x1x16xi32>,
      %parallel_loop3A_816 = vector.shape_cast %parallel_loop3A_815 : vector<1x1x16xi32> to vector<16xi32>
      %parallel_loop3A_817 = arith.constant 0.000000e+00 : f32
      %parallel_loop3A_818 = vector.broadcast %parallel_loop3A_817 : f32 to vector<16xf32>
      %parallel_loop3A_819 = arith.cmpf ogt, %parallel_loop3A_810, %parallel_loop3A_818 : vector<16xf32>
      %parallel_loop3A_820 = arith.constant 65536 : i32
      %parallel_loop3A_821 = vector.broadcast %parallel_loop3A_820 : i32 to vector<16xi32>
      %parallel_loop3A_822 = arith.addi %parallel_loop3A_816, %parallel_loop3A_821 : vector<16xi32>
      %parallel_loop3A_823 = arith.select %parallel_loop3A_819, %parallel_loop3A_822, %parallel_loop3A_816 : vector<16xi1>, vector<16xi32>
      %parallel_loop3A_824 = arith.addi %parallel_loop3A_800, %parallel_loop3A_823 : vector<16xi32>
      %parallel_loop3A_825 = arith.constant 0 : i32
      %parallel_loop3A_826 = vector.broadcast %parallel_loop3A_825 : i32 to vector<16xi32>
      %parallel_loop3A_827 = arith.select %parallel_loop3A_819, %parallel_loop3A_816, %parallel_loop3A_826 : vector<16xi1>, vector<16xi32>
      %parallel_loop3A_828 = arith.addi %parallel_loop3A_804, %parallel_loop3A_827 : vector<16xi32>
      %parallel_loop3A_829 = arith.constant 1 : i32
      %parallel_loop3A_830 = arith.index_cast %parallel_loop3A_829 : i32 to index
      %parallel_loop3A_831 = arith.index_cast %parallel_loop3A_322 : i32 to index
      %parallel_loop3A_832 = arith.constant 336 : index
      %parallel_loop3A_833 = tpu.vector_load %arg5[%parallel_loop3A_830, %parallel_loop3A_831, %parallel_loop3A_832] {strides = array<i32>} : memref<2x32x512xf32, #tpu.memory_space<vmem>>, vector<1x1x16xf32>,
      %parallel_loop3A_834 = vector.shape_cast %parallel_loop3A_833 : vector<1x1x16xf32> to vector<16xf32>
      %parallel_loop3A_835 = arith.constant 1 : i32
      %parallel_loop3A_836 = arith.index_cast %parallel_loop3A_835 : i32 to index
      %parallel_loop3A_837 = arith.index_cast %parallel_loop3A_322 : i32 to index
      %parallel_loop3A_838 = arith.constant 336 : index
      %parallel_loop3A_839 = tpu.vector_load %arg6[%parallel_loop3A_836, %parallel_loop3A_837, %parallel_loop3A_838] {strides = array<i32>} : memref<2x32x512xi32, #tpu.memory_space<vmem>>, vector<1x1x16xi32>,
      %parallel_loop3A_840 = vector.shape_cast %parallel_loop3A_839 : vector<1x1x16xi32> to vector<16xi32>
      %parallel_loop3A_841 = arith.constant 0.000000e+00 : f32
      %parallel_loop3A_842 = vector.broadcast %parallel_loop3A_841 : f32 to vector<16xf32>
      %parallel_loop3A_843 = arith.cmpf ogt, %parallel_loop3A_834, %parallel_loop3A_842 : vector<16xf32>
      %parallel_loop3A_844 = arith.constant 65536 : i32
      %parallel_loop3A_845 = vector.broadcast %parallel_loop3A_844 : i32 to vector<16xi32>
      %parallel_loop3A_846 = arith.addi %parallel_loop3A_840, %parallel_loop3A_845 : vector<16xi32>
      %parallel_loop3A_847 = arith.select %parallel_loop3A_843, %parallel_loop3A_846, %parallel_loop3A_840 : vector<16xi1>, vector<16xi32>
      %parallel_loop3A_848 = arith.addi %parallel_loop3A_824, %parallel_loop3A_847 : vector<16xi32>
      %parallel_loop3A_849 = arith.constant 0 : i32
      %parallel_loop3A_850 = vector.broadcast %parallel_loop3A_849 : i32 to vector<16xi32>
      %parallel_loop3A_851 = arith.select %parallel_loop3A_843, %parallel_loop3A_840, %parallel_loop3A_850 : vector<16xi1>, vector<16xi32>
      %parallel_loop3A_852 = arith.addi %parallel_loop3A_828, %parallel_loop3A_851 : vector<16xi32>
      %parallel_loop3A_853 = arith.constant 1 : i32
      %parallel_loop3A_854 = arith.index_cast %parallel_loop3A_853 : i32 to index
      %parallel_loop3A_855 = arith.index_cast %parallel_loop3A_322 : i32 to index
      %parallel_loop3A_856 = arith.constant 352 : index
      %parallel_loop3A_857 = tpu.vector_load %arg5[%parallel_loop3A_854, %parallel_loop3A_855, %parallel_loop3A_856] {strides = array<i32>} : memref<2x32x512xf32, #tpu.memory_space<vmem>>, vector<1x1x16xf32>,
      %parallel_loop3A_858 = vector.shape_cast %parallel_loop3A_857 : vector<1x1x16xf32> to vector<16xf32>
      %parallel_loop3A_859 = arith.constant 1 : i32
      %parallel_loop3A_860 = arith.index_cast %parallel_loop3A_859 : i32 to index
      %parallel_loop3A_861 = arith.index_cast %parallel_loop3A_322 : i32 to index
      %parallel_loop3A_862 = arith.constant 352 : index
      %parallel_loop3A_863 = tpu.vector_load %arg6[%parallel_loop3A_860, %parallel_loop3A_861, %parallel_loop3A_862] {strides = array<i32>} : memref<2x32x512xi32, #tpu.memory_space<vmem>>, vector<1x1x16xi32>,
      %parallel_loop3A_864 = vector.shape_cast %parallel_loop3A_863 : vector<1x1x16xi32> to vector<16xi32>
      %parallel_loop3A_865 = arith.constant 0.000000e+00 : f32
      %parallel_loop3A_866 = vector.broadcast %parallel_loop3A_865 : f32 to vector<16xf32>
      %parallel_loop3A_867 = arith.cmpf ogt, %parallel_loop3A_858, %parallel_loop3A_866 : vector<16xf32>
      %parallel_loop3A_868 = arith.constant 65536 : i32
      %parallel_loop3A_869 = vector.broadcast %parallel_loop3A_868 : i32 to vector<16xi32>
      %parallel_loop3A_870 = arith.addi %parallel_loop3A_864, %parallel_loop3A_869 : vector<16xi32>
      %parallel_loop3A_871 = arith.select %parallel_loop3A_867, %parallel_loop3A_870, %parallel_loop3A_864 : vector<16xi1>, vector<16xi32>
      %parallel_loop3A_872 = arith.addi %parallel_loop3A_848, %parallel_loop3A_871 : vector<16xi32>
      %parallel_loop3A_873 = arith.constant 0 : i32
      %parallel_loop3A_874 = vector.broadcast %parallel_loop3A_873 : i32 to vector<16xi32>
      %parallel_loop3A_875 = arith.select %parallel_loop3A_867, %parallel_loop3A_864, %parallel_loop3A_874 : vector<16xi1>, vector<16xi32>
      %parallel_loop3A_876 = arith.addi %parallel_loop3A_852, %parallel_loop3A_875 : vector<16xi32>
      %parallel_loop3A_877 = arith.constant 1 : i32
      %parallel_loop3A_878 = arith.index_cast %parallel_loop3A_877 : i32 to index
      %parallel_loop3A_879 = arith.index_cast %parallel_loop3A_322 : i32 to index
      %parallel_loop3A_880 = arith.constant 368 : index
      %parallel_loop3A_881 = tpu.vector_load %arg5[%parallel_loop3A_878, %parallel_loop3A_879, %parallel_loop3A_880] {strides = array<i32>} : memref<2x32x512xf32, #tpu.memory_space<vmem>>, vector<1x1x16xf32>,
      %parallel_loop3A_882 = vector.shape_cast %parallel_loop3A_881 : vector<1x1x16xf32> to vector<16xf32>
      %parallel_loop3A_883 = arith.constant 1 : i32
      %parallel_loop3A_884 = arith.index_cast %parallel_loop3A_883 : i32 to index
      %parallel_loop3A_885 = arith.index_cast %parallel_loop3A_322 : i32 to index
      %parallel_loop3A_886 = arith.constant 368 : index
      %parallel_loop3A_887 = tpu.vector_load %arg6[%parallel_loop3A_884, %parallel_loop3A_885, %parallel_loop3A_886] {strides = array<i32>} : memref<2x32x512xi32, #tpu.memory_space<vmem>>, vector<1x1x16xi32>,
      %parallel_loop3A_888 = vector.shape_cast %parallel_loop3A_887 : vector<1x1x16xi32> to vector<16xi32>
      %parallel_loop3A_889 = arith.constant 0.000000e+00 : f32
      %parallel_loop3A_890 = vector.broadcast %parallel_loop3A_889 : f32 to vector<16xf32>
      %parallel_loop3A_891 = arith.cmpf ogt, %parallel_loop3A_882, %parallel_loop3A_890 : vector<16xf32>
      %parallel_loop3A_892 = arith.constant 65536 : i32
      %parallel_loop3A_893 = vector.broadcast %parallel_loop3A_892 : i32 to vector<16xi32>
      %parallel_loop3A_894 = arith.addi %parallel_loop3A_888, %parallel_loop3A_893 : vector<16xi32>
      %parallel_loop3A_895 = arith.select %parallel_loop3A_891, %parallel_loop3A_894, %parallel_loop3A_888 : vector<16xi1>, vector<16xi32>
      %parallel_loop3A_896 = arith.addi %parallel_loop3A_872, %parallel_loop3A_895 : vector<16xi32>
      %parallel_loop3A_897 = arith.constant 0 : i32
      %parallel_loop3A_898 = vector.broadcast %parallel_loop3A_897 : i32 to vector<16xi32>
      %parallel_loop3A_899 = arith.select %parallel_loop3A_891, %parallel_loop3A_888, %parallel_loop3A_898 : vector<16xi1>, vector<16xi32>
      %parallel_loop3A_900 = arith.addi %parallel_loop3A_876, %parallel_loop3A_899 : vector<16xi32>
      %parallel_loop3A_901 = arith.constant 1 : i32
      %parallel_loop3A_902 = arith.index_cast %parallel_loop3A_901 : i32 to index
      %parallel_loop3A_903 = arith.index_cast %parallel_loop3A_322 : i32 to index
      %parallel_loop3A_904 = arith.constant 384 : index
      %parallel_loop3A_905 = tpu.vector_load %arg5[%parallel_loop3A_902, %parallel_loop3A_903, %parallel_loop3A_904] {strides = array<i32>} : memref<2x32x512xf32, #tpu.memory_space<vmem>>, vector<1x1x16xf32>,
      %parallel_loop3A_906 = vector.shape_cast %parallel_loop3A_905 : vector<1x1x16xf32> to vector<16xf32>
      %parallel_loop3A_907 = arith.constant 1 : i32
      %parallel_loop3A_908 = arith.index_cast %parallel_loop3A_907 : i32 to index
      %parallel_loop3A_909 = arith.index_cast %parallel_loop3A_322 : i32 to index
      %parallel_loop3A_910 = arith.constant 384 : index
      %parallel_loop3A_911 = tpu.vector_load %arg6[%parallel_loop3A_908, %parallel_loop3A_909, %parallel_loop3A_910] {strides = array<i32>} : memref<2x32x512xi32, #tpu.memory_space<vmem>>, vector<1x1x16xi32>,
      %parallel_loop3A_912 = vector.shape_cast %parallel_loop3A_911 : vector<1x1x16xi32> to vector<16xi32>
      %parallel_loop3A_913 = arith.constant 0.000000e+00 : f32
      %parallel_loop3A_914 = vector.broadcast %parallel_loop3A_913 : f32 to vector<16xf32>
      %parallel_loop3A_915 = arith.cmpf ogt, %parallel_loop3A_906, %parallel_loop3A_914 : vector<16xf32>
      %parallel_loop3A_916 = arith.constant 65536 : i32
      %parallel_loop3A_917 = vector.broadcast %parallel_loop3A_916 : i32 to vector<16xi32>
      %parallel_loop3A_918 = arith.addi %parallel_loop3A_912, %parallel_loop3A_917 : vector<16xi32>
      %parallel_loop3A_919 = arith.select %parallel_loop3A_915, %parallel_loop3A_918, %parallel_loop3A_912 : vector<16xi1>, vector<16xi32>
      %parallel_loop3A_920 = arith.addi %parallel_loop3A_896, %parallel_loop3A_919 : vector<16xi32>
      %parallel_loop3A_921 = arith.constant 0 : i32
      %parallel_loop3A_922 = vector.broadcast %parallel_loop3A_921 : i32 to vector<16xi32>
      %parallel_loop3A_923 = arith.select %parallel_loop3A_915, %parallel_loop3A_912, %parallel_loop3A_922 : vector<16xi1>, vector<16xi32>
      %parallel_loop3A_924 = arith.addi %parallel_loop3A_900, %parallel_loop3A_923 : vector<16xi32>
      %parallel_loop3A_925 = arith.constant 1 : i32
      %parallel_loop3A_926 = arith.index_cast %parallel_loop3A_925 : i32 to index
      %parallel_loop3A_927 = arith.index_cast %parallel_loop3A_322 : i32 to index
      %parallel_loop3A_928 = arith.constant 400 : index
      %parallel_loop3A_929 = tpu.vector_load %arg5[%parallel_loop3A_926, %parallel_loop3A_927, %parallel_loop3A_928] {strides = array<i32>} : memref<2x32x512xf32, #tpu.memory_space<vmem>>, vector<1x1x16xf32>,
      %parallel_loop3A_930 = vector.shape_cast %parallel_loop3A_929 : vector<1x1x16xf32> to vector<16xf32>
      %parallel_loop3A_931 = arith.constant 1 : i32
      %parallel_loop3A_932 = arith.index_cast %parallel_loop3A_931 : i32 to index
      %parallel_loop3A_933 = arith.index_cast %parallel_loop3A_322 : i32 to index
      %parallel_loop3A_934 = arith.constant 400 : index
      %parallel_loop3A_935 = tpu.vector_load %arg6[%parallel_loop3A_932, %parallel_loop3A_933, %parallel_loop3A_934] {strides = array<i32>} : memref<2x32x512xi32, #tpu.memory_space<vmem>>, vector<1x1x16xi32>,
      %parallel_loop3A_936 = vector.shape_cast %parallel_loop3A_935 : vector<1x1x16xi32> to vector<16xi32>
      %parallel_loop3A_937 = arith.constant 0.000000e+00 : f32
      %parallel_loop3A_938 = vector.broadcast %parallel_loop3A_937 : f32 to vector<16xf32>
      %parallel_loop3A_939 = arith.cmpf ogt, %parallel_loop3A_930, %parallel_loop3A_938 : vector<16xf32>
      %parallel_loop3A_940 = arith.constant 65536 : i32
      %parallel_loop3A_941 = vector.broadcast %parallel_loop3A_940 : i32 to vector<16xi32>
      %parallel_loop3A_942 = arith.addi %parallel_loop3A_936, %parallel_loop3A_941 : vector<16xi32>
      %parallel_loop3A_943 = arith.select %parallel_loop3A_939, %parallel_loop3A_942, %parallel_loop3A_936 : vector<16xi1>, vector<16xi32>
      %parallel_loop3A_944 = arith.addi %parallel_loop3A_920, %parallel_loop3A_943 : vector<16xi32>
      %parallel_loop3A_945 = arith.constant 0 : i32
      %parallel_loop3A_946 = vector.broadcast %parallel_loop3A_945 : i32 to vector<16xi32>
      %parallel_loop3A_947 = arith.select %parallel_loop3A_939, %parallel_loop3A_936, %parallel_loop3A_946 : vector<16xi1>, vector<16xi32>
      %parallel_loop3A_948 = arith.addi %parallel_loop3A_924, %parallel_loop3A_947 : vector<16xi32>
      %parallel_loop3A_949 = arith.constant 1 : i32
      %parallel_loop3A_950 = arith.index_cast %parallel_loop3A_949 : i32 to index
      %parallel_loop3A_951 = arith.index_cast %parallel_loop3A_322 : i32 to index
      %parallel_loop3A_952 = arith.constant 416 : index
      %parallel_loop3A_953 = tpu.vector_load %arg5[%parallel_loop3A_950, %parallel_loop3A_951, %parallel_loop3A_952] {strides = array<i32>} : memref<2x32x512xf32, #tpu.memory_space<vmem>>, vector<1x1x16xf32>,
      %parallel_loop3A_954 = vector.shape_cast %parallel_loop3A_953 : vector<1x1x16xf32> to vector<16xf32>
      %parallel_loop3A_955 = arith.constant 1 : i32
      %parallel_loop3A_956 = arith.index_cast %parallel_loop3A_955 : i32 to index
      %parallel_loop3A_957 = arith.index_cast %parallel_loop3A_322 : i32 to index
      %parallel_loop3A_958 = arith.constant 416 : index
      %parallel_loop3A_959 = tpu.vector_load %arg6[%parallel_loop3A_956, %parallel_loop3A_957, %parallel_loop3A_958] {strides = array<i32>} : memref<2x32x512xi32, #tpu.memory_space<vmem>>, vector<1x1x16xi32>,
      %parallel_loop3A_960 = vector.shape_cast %parallel_loop3A_959 : vector<1x1x16xi32> to vector<16xi32>
      %parallel_loop3A_961 = arith.constant 0.000000e+00 : f32
      %parallel_loop3A_962 = vector.broadcast %parallel_loop3A_961 : f32 to vector<16xf32>
      %parallel_loop3A_963 = arith.cmpf ogt, %parallel_loop3A_954, %parallel_loop3A_962 : vector<16xf32>
      %parallel_loop3A_964 = arith.constant 65536 : i32
      %parallel_loop3A_965 = vector.broadcast %parallel_loop3A_964 : i32 to vector<16xi32>
      %parallel_loop3A_966 = arith.addi %parallel_loop3A_960, %parallel_loop3A_965 : vector<16xi32>
      %parallel_loop3A_967 = arith.select %parallel_loop3A_963, %parallel_loop3A_966, %parallel_loop3A_960 : vector<16xi1>, vector<16xi32>
      %parallel_loop3A_968 = arith.addi %parallel_loop3A_944, %parallel_loop3A_967 : vector<16xi32>
      %parallel_loop3A_969 = arith.constant 0 : i32
      %parallel_loop3A_970 = vector.broadcast %parallel_loop3A_969 : i32 to vector<16xi32>
      %parallel_loop3A_971 = arith.select %parallel_loop3A_963, %parallel_loop3A_960, %parallel_loop3A_970 : vector<16xi1>, vector<16xi32>
      %parallel_loop3A_972 = arith.addi %parallel_loop3A_948, %parallel_loop3A_971 : vector<16xi32>
      %parallel_loop3A_973 = arith.constant 1 : i32
      %parallel_loop3A_974 = arith.index_cast %parallel_loop3A_973 : i32 to index
      %parallel_loop3A_975 = arith.index_cast %parallel_loop3A_322 : i32 to index
      %parallel_loop3A_976 = arith.constant 432 : index
      %parallel_loop3A_977 = tpu.vector_load %arg5[%parallel_loop3A_974, %parallel_loop3A_975, %parallel_loop3A_976] {strides = array<i32>} : memref<2x32x512xf32, #tpu.memory_space<vmem>>, vector<1x1x16xf32>,
      %parallel_loop3A_978 = vector.shape_cast %parallel_loop3A_977 : vector<1x1x16xf32> to vector<16xf32>
      %parallel_loop3A_979 = arith.constant 1 : i32
      %parallel_loop3A_980 = arith.index_cast %parallel_loop3A_979 : i32 to index
      %parallel_loop3A_981 = arith.index_cast %parallel_loop3A_322 : i32 to index
      %parallel_loop3A_982 = arith.constant 432 : index
      %parallel_loop3A_983 = tpu.vector_load %arg6[%parallel_loop3A_980, %parallel_loop3A_981, %parallel_loop3A_982] {strides = array<i32>} : memref<2x32x512xi32, #tpu.memory_space<vmem>>, vector<1x1x16xi32>,
      %parallel_loop3A_984 = vector.shape_cast %parallel_loop3A_983 : vector<1x1x16xi32> to vector<16xi32>
      %parallel_loop3A_985 = arith.constant 0.000000e+00 : f32
      %parallel_loop3A_986 = vector.broadcast %parallel_loop3A_985 : f32 to vector<16xf32>
      %parallel_loop3A_987 = arith.cmpf ogt, %parallel_loop3A_978, %parallel_loop3A_986 : vector<16xf32>
      %parallel_loop3A_988 = arith.constant 65536 : i32
      %parallel_loop3A_989 = vector.broadcast %parallel_loop3A_988 : i32 to vector<16xi32>
      %parallel_loop3A_990 = arith.addi %parallel_loop3A_984, %parallel_loop3A_989 : vector<16xi32>
      %parallel_loop3A_991 = arith.select %parallel_loop3A_987, %parallel_loop3A_990, %parallel_loop3A_984 : vector<16xi1>, vector<16xi32>
      %parallel_loop3A_992 = arith.addi %parallel_loop3A_968, %parallel_loop3A_991 : vector<16xi32>
      %parallel_loop3A_993 = arith.constant 0 : i32
      %parallel_loop3A_994 = vector.broadcast %parallel_loop3A_993 : i32 to vector<16xi32>
      %parallel_loop3A_995 = arith.select %parallel_loop3A_987, %parallel_loop3A_984, %parallel_loop3A_994 : vector<16xi1>, vector<16xi32>
      %parallel_loop3A_996 = arith.addi %parallel_loop3A_972, %parallel_loop3A_995 : vector<16xi32>
      %parallel_loop3A_997 = arith.constant 1 : i32
      %parallel_loop3A_998 = arith.index_cast %parallel_loop3A_997 : i32 to index
      %parallel_loop3A_999 = arith.index_cast %parallel_loop3A_322 : i32 to index
      %parallel_loop3A_1000 = arith.constant 448 : index
      %parallel_loop3A_1001 = tpu.vector_load %arg5[%parallel_loop3A_998, %parallel_loop3A_999, %parallel_loop3A_1000] {strides = array<i32>} : memref<2x32x512xf32, #tpu.memory_space<vmem>>, vector<1x1x16xf32>,
      %parallel_loop3A_1002 = vector.shape_cast %parallel_loop3A_1001 : vector<1x1x16xf32> to vector<16xf32>
      %parallel_loop3A_1003 = arith.constant 1 : i32
      %parallel_loop3A_1004 = arith.index_cast %parallel_loop3A_1003 : i32 to index
      %parallel_loop3A_1005 = arith.index_cast %parallel_loop3A_322 : i32 to index
      %parallel_loop3A_1006 = arith.constant 448 : index
      %parallel_loop3A_1007 = tpu.vector_load %arg6[%parallel_loop3A_1004, %parallel_loop3A_1005, %parallel_loop3A_1006] {strides = array<i32>} : memref<2x32x512xi32, #tpu.memory_space<vmem>>, vector<1x1x16xi32>,
      %parallel_loop3A_1008 = vector.shape_cast %parallel_loop3A_1007 : vector<1x1x16xi32> to vector<16xi32>
      %parallel_loop3A_1009 = arith.constant 0.000000e+00 : f32
      %parallel_loop3A_1010 = vector.broadcast %parallel_loop3A_1009 : f32 to vector<16xf32>
      %parallel_loop3A_1011 = arith.cmpf ogt, %parallel_loop3A_1002, %parallel_loop3A_1010 : vector<16xf32>
      %parallel_loop3A_1012 = arith.constant 65536 : i32
      %parallel_loop3A_1013 = vector.broadcast %parallel_loop3A_1012 : i32 to vector<16xi32>
      %parallel_loop3A_1014 = arith.addi %parallel_loop3A_1008, %parallel_loop3A_1013 : vector<16xi32>
      %parallel_loop3A_1015 = arith.select %parallel_loop3A_1011, %parallel_loop3A_1014, %parallel_loop3A_1008 : vector<16xi1>, vector<16xi32>
      %parallel_loop3A_1016 = arith.addi %parallel_loop3A_992, %parallel_loop3A_1015 : vector<16xi32>
      %parallel_loop3A_1017 = arith.constant 0 : i32
      %parallel_loop3A_1018 = vector.broadcast %parallel_loop3A_1017 : i32 to vector<16xi32>
      %parallel_loop3A_1019 = arith.select %parallel_loop3A_1011, %parallel_loop3A_1008, %parallel_loop3A_1018 : vector<16xi1>, vector<16xi32>
      %parallel_loop3A_1020 = arith.addi %parallel_loop3A_996, %parallel_loop3A_1019 : vector<16xi32>
      %parallel_loop3A_1021 = arith.constant 1 : i32
      %parallel_loop3A_1022 = arith.index_cast %parallel_loop3A_1021 : i32 to index
      %parallel_loop3A_1023 = arith.index_cast %parallel_loop3A_322 : i32 to index
      %parallel_loop3A_1024 = arith.constant 464 : index
      %parallel_loop3A_1025 = tpu.vector_load %arg5[%parallel_loop3A_1022, %parallel_loop3A_1023, %parallel_loop3A_1024] {strides = array<i32>} : memref<2x32x512xf32, #tpu.memory_space<vmem>>, vector<1x1x16xf32>,
      %parallel_loop3A_1026 = vector.shape_cast %parallel_loop3A_1025 : vector<1x1x16xf32> to vector<16xf32>
      %parallel_loop3A_1027 = arith.constant 1 : i32
      %parallel_loop3A_1028 = arith.index_cast %parallel_loop3A_1027 : i32 to index
      %parallel_loop3A_1029 = arith.index_cast %parallel_loop3A_322 : i32 to index
      %parallel_loop3A_1030 = arith.constant 464 : index
      %parallel_loop3A_1031 = tpu.vector_load %arg6[%parallel_loop3A_1028, %parallel_loop3A_1029, %parallel_loop3A_1030] {strides = array<i32>} : memref<2x32x512xi32, #tpu.memory_space<vmem>>, vector<1x1x16xi32>,
      %parallel_loop3A_1032 = vector.shape_cast %parallel_loop3A_1031 : vector<1x1x16xi32> to vector<16xi32>
      %parallel_loop3A_1033 = arith.constant 0.000000e+00 : f32
      %parallel_loop3A_1034 = vector.broadcast %parallel_loop3A_1033 : f32 to vector<16xf32>
      %parallel_loop3A_1035 = arith.cmpf ogt, %parallel_loop3A_1026, %parallel_loop3A_1034 : vector<16xf32>
      %parallel_loop3A_1036 = arith.constant 65536 : i32
      %parallel_loop3A_1037 = vector.broadcast %parallel_loop3A_1036 : i32 to vector<16xi32>
      %parallel_loop3A_1038 = arith.addi %parallel_loop3A_1032, %parallel_loop3A_1037 : vector<16xi32>
      %parallel_loop3A_1039 = arith.select %parallel_loop3A_1035, %parallel_loop3A_1038, %parallel_loop3A_1032 : vector<16xi1>, vector<16xi32>
      %parallel_loop3A_1040 = arith.addi %parallel_loop3A_1016, %parallel_loop3A_1039 : vector<16xi32>
      %parallel_loop3A_1041 = arith.constant 0 : i32
      %parallel_loop3A_1042 = vector.broadcast %parallel_loop3A_1041 : i32 to vector<16xi32>
      %parallel_loop3A_1043 = arith.select %parallel_loop3A_1035, %parallel_loop3A_1032, %parallel_loop3A_1042 : vector<16xi1>, vector<16xi32>
      %parallel_loop3A_1044 = arith.addi %parallel_loop3A_1020, %parallel_loop3A_1043 : vector<16xi32>
      %parallel_loop3A_1045 = arith.constant 1 : i32
      %parallel_loop3A_1046 = arith.index_cast %parallel_loop3A_1045 : i32 to index
      %parallel_loop3A_1047 = arith.index_cast %parallel_loop3A_322 : i32 to index
      %parallel_loop3A_1048 = arith.constant 480 : index
      %parallel_loop3A_1049 = tpu.vector_load %arg5[%parallel_loop3A_1046, %parallel_loop3A_1047, %parallel_loop3A_1048] {strides = array<i32>} : memref<2x32x512xf32, #tpu.memory_space<vmem>>, vector<1x1x16xf32>,
      %parallel_loop3A_1050 = vector.shape_cast %parallel_loop3A_1049 : vector<1x1x16xf32> to vector<16xf32>
      %parallel_loop3A_1051 = arith.constant 1 : i32
      %parallel_loop3A_1052 = arith.index_cast %parallel_loop3A_1051 : i32 to index
      %parallel_loop3A_1053 = arith.index_cast %parallel_loop3A_322 : i32 to index
      %parallel_loop3A_1054 = arith.constant 480 : index
      %parallel_loop3A_1055 = tpu.vector_load %arg6[%parallel_loop3A_1052, %parallel_loop3A_1053, %parallel_loop3A_1054] {strides = array<i32>} : memref<2x32x512xi32, #tpu.memory_space<vmem>>, vector<1x1x16xi32>,
      %parallel_loop3A_1056 = vector.shape_cast %parallel_loop3A_1055 : vector<1x1x16xi32> to vector<16xi32>
      %parallel_loop3A_1057 = arith.constant 0.000000e+00 : f32
      %parallel_loop3A_1058 = vector.broadcast %parallel_loop3A_1057 : f32 to vector<16xf32>
      %parallel_loop3A_1059 = arith.cmpf ogt, %parallel_loop3A_1050, %parallel_loop3A_1058 : vector<16xf32>
      %parallel_loop3A_1060 = arith.constant 65536 : i32
      %parallel_loop3A_1061 = vector.broadcast %parallel_loop3A_1060 : i32 to vector<16xi32>
      %parallel_loop3A_1062 = arith.addi %parallel_loop3A_1056, %parallel_loop3A_1061 : vector<16xi32>
      %parallel_loop3A_1063 = arith.select %parallel_loop3A_1059, %parallel_loop3A_1062, %parallel_loop3A_1056 : vector<16xi1>, vector<16xi32>
      %parallel_loop3A_1064 = arith.addi %parallel_loop3A_1040, %parallel_loop3A_1063 : vector<16xi32>
      %parallel_loop3A_1065 = arith.constant 0 : i32
      %parallel_loop3A_1066 = vector.broadcast %parallel_loop3A_1065 : i32 to vector<16xi32>
      %parallel_loop3A_1067 = arith.select %parallel_loop3A_1059, %parallel_loop3A_1056, %parallel_loop3A_1066 : vector<16xi1>, vector<16xi32>
      %parallel_loop3A_1068 = arith.addi %parallel_loop3A_1044, %parallel_loop3A_1067 : vector<16xi32>
      %parallel_loop3A_1069 = arith.constant 1 : i32
      %parallel_loop3A_1070 = arith.index_cast %parallel_loop3A_1069 : i32 to index
      %parallel_loop3A_1071 = arith.index_cast %parallel_loop3A_322 : i32 to index
      %parallel_loop3A_1072 = arith.constant 496 : index
      %parallel_loop3A_1073 = tpu.vector_load %arg5[%parallel_loop3A_1070, %parallel_loop3A_1071, %parallel_loop3A_1072] {strides = array<i32>} : memref<2x32x512xf32, #tpu.memory_space<vmem>>, vector<1x1x16xf32>,
      %parallel_loop3A_1074 = vector.shape_cast %parallel_loop3A_1073 : vector<1x1x16xf32> to vector<16xf32>
      %parallel_loop3A_1075 = arith.constant 1 : i32
      %parallel_loop3A_1076 = arith.index_cast %parallel_loop3A_1075 : i32 to index
      %parallel_loop3A_1077 = arith.index_cast %parallel_loop3A_322 : i32 to index
      %parallel_loop3A_1078 = arith.constant 496 : index
      %parallel_loop3A_1079 = tpu.vector_load %arg6[%parallel_loop3A_1076, %parallel_loop3A_1077, %parallel_loop3A_1078] {strides = array<i32>} : memref<2x32x512xi32, #tpu.memory_space<vmem>>, vector<1x1x16xi32>,
      %parallel_loop3A_1080 = vector.shape_cast %parallel_loop3A_1079 : vector<1x1x16xi32> to vector<16xi32>
      %parallel_loop3A_1081 = arith.constant 0.000000e+00 : f32
      %parallel_loop3A_1082 = vector.broadcast %parallel_loop3A_1081 : f32 to vector<16xf32>
      %parallel_loop3A_1083 = arith.cmpf ogt, %parallel_loop3A_1074, %parallel_loop3A_1082 : vector<16xf32>
      %parallel_loop3A_1084 = arith.constant 65536 : i32
      %parallel_loop3A_1085 = vector.broadcast %parallel_loop3A_1084 : i32 to vector<16xi32>
      %parallel_loop3A_1086 = arith.addi %parallel_loop3A_1080, %parallel_loop3A_1085 : vector<16xi32>
      %parallel_loop3A_1087 = arith.select %parallel_loop3A_1083, %parallel_loop3A_1086, %parallel_loop3A_1080 : vector<16xi1>, vector<16xi32>
      %parallel_loop3A_1088 = arith.addi %parallel_loop3A_1064, %parallel_loop3A_1087 : vector<16xi32>
      %parallel_loop3A_1089 = arith.constant 0 : i32
      %parallel_loop3A_1090 = vector.broadcast %parallel_loop3A_1089 : i32 to vector<16xi32>
      %parallel_loop3A_1091 = arith.select %parallel_loop3A_1083, %parallel_loop3A_1080, %parallel_loop3A_1090 : vector<16xi1>, vector<16xi32>
      %parallel_loop3A_1092 = arith.addi %parallel_loop3A_1068, %parallel_loop3A_1091 : vector<16xi32>
      scf.yield %parallel_loop3A_1088, %parallel_loop3A_1092 : vector<16xi32>, vector<16xi32>
    } {sc.loop_unroll_factor = 2 : i64, sc.parallel_access}
    %and3A_297 = arith.constant 65535 : i32
    %and3A_298 = vector.broadcast %and3A_297 : i32 to vector<16xi32>
    %and3A_299 = arith.andi %parallel_loop3A_296#0, %and3A_298 : vector<16xi32>
    %swap3A = arith.constant 0 : i32
    %swap3A_300 = arith.index_cast %swap3A : i32 to index
    %swap3A_301 = arith.constant 0 : index
    %swap3A_302 = tpu.vector_load %arg7[%swap3A_300, %swap3A_301] {strides = array<i32>} : memref<3x16xi32, #tpu.memory_space<vmem>>, vector<1x16xi32>,
    %swap3A_303 = vector.shape_cast %swap3A_302 : vector<1x16xi32> to vector<16xi32>
    %swap3A_304 = vector.shape_cast %and3A_299 : vector<16xi32> to vector<1x16xi32>
    tpu.vector_store %arg7[%swap3A_300, %swap3A_301], %swap3A_304 {strides = array<i32>} : memref<3x16xi32, #tpu.memory_space<vmem>>, vector<1x16xi32>,
    %shift_right_logical3A = arith.constant 16 : i32
    %shift_right_logical3A_305 = vector.broadcast %shift_right_logical3A : i32 to vector<16xi32>
    %shift_right_logical3A_306 = arith.shrui %parallel_loop3A_296#0, %shift_right_logical3A_305 : vector<16xi32>
    %swap3A_307 = arith.constant 1 : i32
    %swap3A_308 = arith.index_cast %swap3A_307 : i32 to index
    %swap3A_309 = arith.constant 0 : index
    %swap3A_310 = tpu.vector_load %arg7[%swap3A_308, %swap3A_309] {strides = array<i32>} : memref<3x16xi32, #tpu.memory_space<vmem>>, vector<1x16xi32>,
    %swap3A_311 = vector.shape_cast %swap3A_310 : vector<1x16xi32> to vector<16xi32>
    %swap3A_312 = vector.shape_cast %shift_right_logical3A_306 : vector<16xi32> to vector<1x16xi32>
    tpu.vector_store %arg7[%swap3A_308, %swap3A_309], %swap3A_312 {strides = array<i32>} : memref<3x16xi32, #tpu.memory_space<vmem>>, vector<1x16xi32>,
    %swap3A_313 = arith.constant 2 : i32
    %swap3A_314 = arith.index_cast %swap3A_313 : i32 to index
    %swap3A_315 = arith.constant 0 : index
    %swap3A_316 = tpu.vector_load %arg7[%swap3A_314, %swap3A_315] {strides = array<i32>} : memref<3x16xi32, #tpu.memory_space<vmem>>, vector<1x16xi32>,
    %swap3A_317 = vector.shape_cast %swap3A_316 : vector<1x16xi32> to vector<16xi32>
    %swap3A_318 = vector.shape_cast %parallel_loop3A_296#1 : vector<16xi32> to vector<1x16xi32>
    tpu.vector_store %arg7[%swap3A_314, %swap3A_315], %swap3A_318 {strides = array<i32>} : memref<3x16xi32, #tpu.memory_space<vmem>>, vector<1x16xi32>,
    "tpu.region"() ({
      %run_scoped3A = tpu.sem_alloc : memref<!tpu.dma_semaphore, #tpu.memory_space<semaphore_mem>>
      %dma_start3A_322 = arith.constant 0 : i32
      %dma_start3A_323 = arith.constant 0 : i32
      %dma_start3A_324 = tpu.memref_slice %arg4[%arg0, %arg1, %dma_start3A_322, %dma_start3A_323] : memref<2x16x3x16xi32, #tpu.memory_space<hbm>> -> memref<1x1x3x16xi32, #tpu.memory_space<hbm>>
      %dma_start3A_325 = tpu.memref_squeeze %dma_start3A_324 : memref<1x1x3x16xi32, #tpu.memory_space<hbm>> -> memref<3x16xi32, #tpu.memory_space<hbm>>
      %dma_start3A_326 = arith.constant 0 : i32
      %dma_start3A_327 = arith.constant 0 : i32
      %dma_start3A_328 = tpu.memref_slice %arg4[%arg0, %arg1, %dma_start3A_326, %dma_start3A_327] : memref<2x16x3x16xi32, #tpu.memory_space<hbm>> -> memref<1x1x3x16xi32, #tpu.memory_space<hbm>>
      %dma_start3A_329 = tpu.memref_squeeze %dma_start3A_328 : memref<1x1x3x16xi32, #tpu.memory_space<hbm>> -> memref<3x16xi32, #tpu.memory_space<hbm>>
      tpu.enqueue_dma source(%arg7 : memref<3x16xi32, #tpu.memory_space<vmem>>) target(%dma_start3A_329 : memref<3x16xi32, #tpu.memory_space<hbm>>) target_semaphore(%run_scoped3A : memref<!tpu.dma_semaphore, #tpu.memory_space<semaphore_mem>>)
      %dma_wait3A_330 = arith.constant 0 : i32
      %dma_wait3A_331 = arith.constant 0 : i32
      %dma_wait3A_332 = tpu.memref_slice %arg4[%arg0, %arg1, %dma_wait3A_330, %dma_wait3A_331] : memref<2x16x3x16xi32, #tpu.memory_space<hbm>> -> memref<1x1x3x16xi32, #tpu.memory_space<hbm>>
      %dma_wait3A_333 = tpu.memref_squeeze %dma_wait3A_332 : memref<1x1x3x16xi32, #tpu.memory_space<hbm>> -> memref<3x16xi32, #tpu.memory_space<hbm>>
      %dma_wait3A_334 = arith.constant 0 : i32
      %dma_wait3A_335 = arith.constant 0 : i32
      %dma_wait3A_336 = tpu.memref_slice %arg4[%arg0, %arg1, %dma_wait3A_334, %dma_wait3A_335] : memref<2x16x3x16xi32, #tpu.memory_space<hbm>> -> memref<1x1x3x16xi32, #tpu.memory_space<hbm>>
      %dma_wait3A_337 = tpu.memref_squeeze %dma_wait3A_336 : memref<1x1x3x16xi32, #tpu.memory_space<hbm>> -> memref<3x16xi32, #tpu.memory_space<hbm>>
      tpu.wait_dma2 semaphore(%run_scoped3A : memref<!tpu.dma_semaphore, #tpu.memory_space<semaphore_mem>>) src(%arg7 : memref<3x16xi32, #tpu.memory_space<vmem>>) dst(%dma_wait3A_337 : memref<3x16xi32, #tpu.memory_space<hbm>>)
      tpu.yield
    }) : () -> ()
    %barrier3A = arith.constant 0 : index
    tpu.barrier barrier_id(%barrier3A)
    %eq3A_319 = arith.constant 0 : i32
    %eq3A_320 = arith.cmpi eq, %arg1, %eq3A_319 : i32
    %convert_element_type3A = arith.extui %eq3A_320 : i1 to i32
    %cond3A = arith.constant 0 : i32
    %cond3A_321 = arith.cmpi ne, %convert_element_type3A, %cond3A : i32
    scf.if %cond3A_321 {
      "tpu.region"() ({
        %run_scoped3A_729 = tpu.sem_alloc : memref<!tpu.dma_semaphore, #tpu.memory_space<semaphore_mem>>
        %dma_start3A_730 = arith.constant 0 : i32
        %dma_start3A_731 = arith.constant 0 : i32
        %dma_start3A_732 = arith.constant 0 : i32
        %dma_start3A_733 = tpu.memref_slice %arg4[%arg0, %dma_start3A_730, %dma_start3A_731, %dma_start3A_732] : memref<2x16x3x16xi32, #tpu.memory_space<hbm>> -> memref<1x16x3x16xi32, #tpu.memory_space<hbm>>
        %dma_start3A_734 = tpu.memref_squeeze %dma_start3A_733 : memref<1x16x3x16xi32, #tpu.memory_space<hbm>> -> memref<16x3x16xi32, #tpu.memory_space<hbm>>
        %dma_start3A_735 = arith.constant 0 : i32
        %dma_start3A_736 = arith.constant 0 : i32
        %dma_start3A_737 = arith.constant 0 : i32
        %dma_start3A_738 = tpu.memref_slice %arg4[%arg0, %dma_start3A_735, %dma_start3A_736, %dma_start3A_737] : memref<2x16x3x16xi32, #tpu.memory_space<hbm>> -> memref<1x16x3x16xi32, #tpu.memory_space<hbm>>
        %dma_start3A_739 = tpu.memref_squeeze %dma_start3A_738 : memref<1x16x3x16xi32, #tpu.memory_space<hbm>> -> memref<16x3x16xi32, #tpu.memory_space<hbm>>
        tpu.enqueue_dma source(%dma_start3A_739 : memref<16x3x16xi32, #tpu.memory_space<hbm>>) target(%arg8 : memref<16x3x16xi32, #tpu.memory_space<vmem>>) target_semaphore(%run_scoped3A_729 : memref<!tpu.dma_semaphore, #tpu.memory_space<semaphore_mem>>)
        %dma_wait3A_740 = arith.constant 0 : i32
        %dma_wait3A_741 = arith.constant 0 : i32
        %dma_wait3A_742 = arith.constant 0 : i32
        %dma_wait3A_743 = tpu.memref_slice %arg4[%arg0, %dma_wait3A_740, %dma_wait3A_741, %dma_wait3A_742] : memref<2x16x3x16xi32, #tpu.memory_space<hbm>> -> memref<1x16x3x16xi32, #tpu.memory_space<hbm>>
        %dma_wait3A_744 = tpu.memref_squeeze %dma_wait3A_743 : memref<1x16x3x16xi32, #tpu.memory_space<hbm>> -> memref<16x3x16xi32, #tpu.memory_space<hbm>>
        %dma_wait3A_745 = arith.constant 0 : i32
        %dma_wait3A_746 = arith.constant 0 : i32
        %dma_wait3A_747 = arith.constant 0 : i32
        %dma_wait3A_748 = tpu.memref_slice %arg4[%arg0, %dma_wait3A_745, %dma_wait3A_746, %dma_wait3A_747] : memref<2x16x3x16xi32, #tpu.memory_space<hbm>> -> memref<1x16x3x16xi32, #tpu.memory_space<hbm>>
        %dma_wait3A_749 = tpu.memref_squeeze %dma_wait3A_748 : memref<1x16x3x16xi32, #tpu.memory_space<hbm>> -> memref<16x3x16xi32, #tpu.memory_space<hbm>>
        tpu.wait_dma2 semaphore(%run_scoped3A_729 : memref<!tpu.dma_semaphore, #tpu.memory_space<semaphore_mem>>) src(%dma_wait3A_749 : memref<16x3x16xi32, #tpu.memory_space<hbm>>) dst(%arg8 : memref<16x3x16xi32, #tpu.memory_space<vmem>>)
        tpu.yield
      }) : () -> ()
      %broadcast_in_dim3A_322 = arith.constant 0 : i32
      %broadcast_in_dim3A_323 = vector.broadcast %broadcast_in_dim3A_322 : i32 to vector<16xi32>
      %broadcast_in_dim3A_324 = arith.constant 0 : i32
      %broadcast_in_dim3A_325 = vector.broadcast %broadcast_in_dim3A_324 : i32 to vector<16xi32>
      %broadcast_in_dim3A_326 = arith.constant 0 : i32
      %broadcast_in_dim3A_327 = vector.broadcast %broadcast_in_dim3A_326 : i32 to vector<16xi32>
      %get3A = arith.constant 0 : i32
      %get3A_328 = arith.constant 0 : i32
      %get3A_329 = arith.index_cast %get3A : i32 to index
      %get3A_330 = arith.index_cast %get3A_328 : i32 to index
      %get3A_331 = arith.constant 0 : index
      %get3A_332 = tpu.vector_load %arg8[%get3A_329, %get3A_330, %get3A_331] {strides = array<i32>} : memref<16x3x16xi32, #tpu.memory_space<vmem>>, vector<1x1x16xi32>,
      %get3A_333 = vector.shape_cast %get3A_332 : vector<1x1x16xi32> to vector<16xi32>
      %add3A_334 = arith.addi %broadcast_in_dim3A_323, %get3A_333 : vector<16xi32>
      %get3A_335 = arith.constant 0 : i32
      %get3A_336 = arith.constant 1 : i32
      %get3A_337 = arith.index_cast %get3A_335 : i32 to index
      %get3A_338 = arith.index_cast %get3A_336 : i32 to index
      %get3A_339 = arith.constant 0 : index
      %get3A_340 = tpu.vector_load %arg8[%get3A_337, %get3A_338, %get3A_339] {strides = array<i32>} : memref<16x3x16xi32, #tpu.memory_space<vmem>>, vector<1x1x16xi32>,
      %get3A_341 = vector.shape_cast %get3A_340 : vector<1x1x16xi32> to vector<16xi32>
      %add3A_342 = arith.addi %broadcast_in_dim3A_325, %get3A_341 : vector<16xi32>
      %get3A_343 = arith.constant 0 : i32
      %get3A_344 = arith.constant 2 : i32
      %get3A_345 = arith.index_cast %get3A_343 : i32 to index
      %get3A_346 = arith.index_cast %get3A_344 : i32 to index
      %get3A_347 = arith.constant 0 : index
      %get3A_348 = tpu.vector_load %arg8[%get3A_345, %get3A_346, %get3A_347] {strides = array<i32>} : memref<16x3x16xi32, #tpu.memory_space<vmem>>, vector<1x1x16xi32>,
      %get3A_349 = vector.shape_cast %get3A_348 : vector<1x1x16xi32> to vector<16xi32>
      %add3A_350 = arith.addi %broadcast_in_dim3A_327, %get3A_349 : vector<16xi32>
      %get3A_351 = arith.constant 1 : i32
      %get3A_352 = arith.constant 0 : i32
      %get3A_353 = arith.index_cast %get3A_351 : i32 to index
      %get3A_354 = arith.index_cast %get3A_352 : i32 to index
      %get3A_355 = arith.constant 0 : index
      %get3A_356 = tpu.vector_load %arg8[%get3A_353, %get3A_354, %get3A_355] {strides = array<i32>} : memref<16x3x16xi32, #tpu.memory_space<vmem>>, vector<1x1x16xi32>,
      %get3A_357 = vector.shape_cast %get3A_356 : vector<1x1x16xi32> to vector<16xi32>
      %add3A_358 = arith.addi %add3A_334, %get3A_357 : vector<16xi32>
      %get3A_359 = arith.constant 1 : i32
      %get3A_360 = arith.constant 1 : i32
      %get3A_361 = arith.index_cast %get3A_359 : i32 to index
      %get3A_362 = arith.index_cast %get3A_360 : i32 to index
      %get3A_363 = arith.constant 0 : index
      %get3A_364 = tpu.vector_load %arg8[%get3A_361, %get3A_362, %get3A_363] {strides = array<i32>} : memref<16x3x16xi32, #tpu.memory_space<vmem>>, vector<1x1x16xi32>,
      %get3A_365 = vector.shape_cast %get3A_364 : vector<1x1x16xi32> to vector<16xi32>
      %add3A_366 = arith.addi %add3A_342, %get3A_365 : vector<16xi32>
      %get3A_367 = arith.constant 1 : i32
      %get3A_368 = arith.constant 2 : i32
      %get3A_369 = arith.index_cast %get3A_367 : i32 to index
      %get3A_370 = arith.index_cast %get3A_368 : i32 to index
      %get3A_371 = arith.constant 0 : index
      %get3A_372 = tpu.vector_load %arg8[%get3A_369, %get3A_370, %get3A_371] {strides = array<i32>} : memref<16x3x16xi32, #tpu.memory_space<vmem>>, vector<1x1x16xi32>,
      %get3A_373 = vector.shape_cast %get3A_372 : vector<1x1x16xi32> to vector<16xi32>
      %add3A_374 = arith.addi %add3A_350, %get3A_373 : vector<16xi32>
      %get3A_375 = arith.constant 2 : i32
      %get3A_376 = arith.constant 0 : i32
      %get3A_377 = arith.index_cast %get3A_375 : i32 to index
      %get3A_378 = arith.index_cast %get3A_376 : i32 to index
      %get3A_379 = arith.constant 0 : index
      %get3A_380 = tpu.vector_load %arg8[%get3A_377, %get3A_378, %get3A_379] {strides = array<i32>} : memref<16x3x16xi32, #tpu.memory_space<vmem>>, vector<1x1x16xi32>,
      %get3A_381 = vector.shape_cast %get3A_380 : vector<1x1x16xi32> to vector<16xi32>
      %add3A_382 = arith.addi %add3A_358, %get3A_381 : vector<16xi32>
      %get3A_383 = arith.constant 2 : i32
      %get3A_384 = arith.constant 1 : i32
      %get3A_385 = arith.index_cast %get3A_383 : i32 to index
      %get3A_386 = arith.index_cast %get3A_384 : i32 to index
      %get3A_387 = arith.constant 0 : index
      %get3A_388 = tpu.vector_load %arg8[%get3A_385, %get3A_386, %get3A_387] {strides = array<i32>} : memref<16x3x16xi32, #tpu.memory_space<vmem>>, vector<1x1x16xi32>,
      %get3A_389 = vector.shape_cast %get3A_388 : vector<1x1x16xi32> to vector<16xi32>
      %add3A_390 = arith.addi %add3A_366, %get3A_389 : vector<16xi32>
      %get3A_391 = arith.constant 2 : i32
      %get3A_392 = arith.constant 2 : i32
      %get3A_393 = arith.index_cast %get3A_391 : i32 to index
      %get3A_394 = arith.index_cast %get3A_392 : i32 to index
      %get3A_395 = arith.constant 0 : index
      %get3A_396 = tpu.vector_load %arg8[%get3A_393, %get3A_394, %get3A_395] {strides = array<i32>} : memref<16x3x16xi32, #tpu.memory_space<vmem>>, vector<1x1x16xi32>,
      %get3A_397 = vector.shape_cast %get3A_396 : vector<1x1x16xi32> to vector<16xi32>
      %add3A_398 = arith.addi %add3A_374, %get3A_397 : vector<16xi32>
      %get3A_399 = arith.constant 3 : i32
      %get3A_400 = arith.constant 0 : i32
      %get3A_401 = arith.index_cast %get3A_399 : i32 to index
      %get3A_402 = arith.index_cast %get3A_400 : i32 to index
      %get3A_403 = arith.constant 0 : index
      %get3A_404 = tpu.vector_load %arg8[%get3A_401, %get3A_402, %get3A_403] {strides = array<i32>} : memref<16x3x16xi32, #tpu.memory_space<vmem>>, vector<1x1x16xi32>,
      %get3A_405 = vector.shape_cast %get3A_404 : vector<1x1x16xi32> to vector<16xi32>
      %add3A_406 = arith.addi %add3A_382, %get3A_405 : vector<16xi32>
      %get3A_407 = arith.constant 3 : i32
      %get3A_408 = arith.constant 1 : i32
      %get3A_409 = arith.index_cast %get3A_407 : i32 to index
      %get3A_410 = arith.index_cast %get3A_408 : i32 to index
      %get3A_411 = arith.constant 0 : index
      %get3A_412 = tpu.vector_load %arg8[%get3A_409, %get3A_410, %get3A_411] {strides = array<i32>} : memref<16x3x16xi32, #tpu.memory_space<vmem>>, vector<1x1x16xi32>,
      %get3A_413 = vector.shape_cast %get3A_412 : vector<1x1x16xi32> to vector<16xi32>
      %add3A_414 = arith.addi %add3A_390, %get3A_413 : vector<16xi32>
      %get3A_415 = arith.constant 3 : i32
      %get3A_416 = arith.constant 2 : i32
      %get3A_417 = arith.index_cast %get3A_415 : i32 to index
      %get3A_418 = arith.index_cast %get3A_416 : i32 to index
      %get3A_419 = arith.constant 0 : index
      %get3A_420 = tpu.vector_load %arg8[%get3A_417, %get3A_418, %get3A_419] {strides = array<i32>} : memref<16x3x16xi32, #tpu.memory_space<vmem>>, vector<1x1x16xi32>,
      %get3A_421 = vector.shape_cast %get3A_420 : vector<1x1x16xi32> to vector<16xi32>
      %add3A_422 = arith.addi %add3A_398, %get3A_421 : vector<16xi32>
      %get3A_423 = arith.constant 4 : i32
      %get3A_424 = arith.constant 0 : i32
      %get3A_425 = arith.index_cast %get3A_423 : i32 to index
      %get3A_426 = arith.index_cast %get3A_424 : i32 to index
      %get3A_427 = arith.constant 0 : index
      %get3A_428 = tpu.vector_load %arg8[%get3A_425, %get3A_426, %get3A_427] {strides = array<i32>} : memref<16x3x16xi32, #tpu.memory_space<vmem>>, vector<1x1x16xi32>,
      %get3A_429 = vector.shape_cast %get3A_428 : vector<1x1x16xi32> to vector<16xi32>
      %add3A_430 = arith.addi %add3A_406, %get3A_429 : vector<16xi32>
      %get3A_431 = arith.constant 4 : i32
      %get3A_432 = arith.constant 1 : i32
      %get3A_433 = arith.index_cast %get3A_431 : i32 to index
      %get3A_434 = arith.index_cast %get3A_432 : i32 to index
      %get3A_435 = arith.constant 0 : index
      %get3A_436 = tpu.vector_load %arg8[%get3A_433, %get3A_434, %get3A_435] {strides = array<i32>} : memref<16x3x16xi32, #tpu.memory_space<vmem>>, vector<1x1x16xi32>,
      %get3A_437 = vector.shape_cast %get3A_436 : vector<1x1x16xi32> to vector<16xi32>
      %add3A_438 = arith.addi %add3A_414, %get3A_437 : vector<16xi32>
      %get3A_439 = arith.constant 4 : i32
      %get3A_440 = arith.constant 2 : i32
      %get3A_441 = arith.index_cast %get3A_439 : i32 to index
      %get3A_442 = arith.index_cast %get3A_440 : i32 to index
      %get3A_443 = arith.constant 0 : index
      %get3A_444 = tpu.vector_load %arg8[%get3A_441, %get3A_442, %get3A_443] {strides = array<i32>} : memref<16x3x16xi32, #tpu.memory_space<vmem>>, vector<1x1x16xi32>,
      %get3A_445 = vector.shape_cast %get3A_444 : vector<1x1x16xi32> to vector<16xi32>
      %add3A_446 = arith.addi %add3A_422, %get3A_445 : vector<16xi32>
      %get3A_447 = arith.constant 5 : i32
      %get3A_448 = arith.constant 0 : i32
      %get3A_449 = arith.index_cast %get3A_447 : i32 to index
      %get3A_450 = arith.index_cast %get3A_448 : i32 to index
      %get3A_451 = arith.constant 0 : index
      %get3A_452 = tpu.vector_load %arg8[%get3A_449, %get3A_450, %get3A_451] {strides = array<i32>} : memref<16x3x16xi32, #tpu.memory_space<vmem>>, vector<1x1x16xi32>,
      %get3A_453 = vector.shape_cast %get3A_452 : vector<1x1x16xi32> to vector<16xi32>
      %add3A_454 = arith.addi %add3A_430, %get3A_453 : vector<16xi32>
      %get3A_455 = arith.constant 5 : i32
      %get3A_456 = arith.constant 1 : i32
      %get3A_457 = arith.index_cast %get3A_455 : i32 to index
      %get3A_458 = arith.index_cast %get3A_456 : i32 to index
      %get3A_459 = arith.constant 0 : index
      %get3A_460 = tpu.vector_load %arg8[%get3A_457, %get3A_458, %get3A_459] {strides = array<i32>} : memref<16x3x16xi32, #tpu.memory_space<vmem>>, vector<1x1x16xi32>,
      %get3A_461 = vector.shape_cast %get3A_460 : vector<1x1x16xi32> to vector<16xi32>
      %add3A_462 = arith.addi %add3A_438, %get3A_461 : vector<16xi32>
      %get3A_463 = arith.constant 5 : i32
      %get3A_464 = arith.constant 2 : i32
      %get3A_465 = arith.index_cast %get3A_463 : i32 to index
      %get3A_466 = arith.index_cast %get3A_464 : i32 to index
      %get3A_467 = arith.constant 0 : index
      %get3A_468 = tpu.vector_load %arg8[%get3A_465, %get3A_466, %get3A_467] {strides = array<i32>} : memref<16x3x16xi32, #tpu.memory_space<vmem>>, vector<1x1x16xi32>,
      %get3A_469 = vector.shape_cast %get3A_468 : vector<1x1x16xi32> to vector<16xi32>
      %add3A_470 = arith.addi %add3A_446, %get3A_469 : vector<16xi32>
      %get3A_471 = arith.constant 6 : i32
      %get3A_472 = arith.constant 0 : i32
      %get3A_473 = arith.index_cast %get3A_471 : i32 to index
      %get3A_474 = arith.index_cast %get3A_472 : i32 to index
      %get3A_475 = arith.constant 0 : index
      %get3A_476 = tpu.vector_load %arg8[%get3A_473, %get3A_474, %get3A_475] {strides = array<i32>} : memref<16x3x16xi32, #tpu.memory_space<vmem>>, vector<1x1x16xi32>,
      %get3A_477 = vector.shape_cast %get3A_476 : vector<1x1x16xi32> to vector<16xi32>
      %add3A_478 = arith.addi %add3A_454, %get3A_477 : vector<16xi32>
      %get3A_479 = arith.constant 6 : i32
      %get3A_480 = arith.constant 1 : i32
      %get3A_481 = arith.index_cast %get3A_479 : i32 to index
      %get3A_482 = arith.index_cast %get3A_480 : i32 to index
      %get3A_483 = arith.constant 0 : index
      %get3A_484 = tpu.vector_load %arg8[%get3A_481, %get3A_482, %get3A_483] {strides = array<i32>} : memref<16x3x16xi32, #tpu.memory_space<vmem>>, vector<1x1x16xi32>,
      %get3A_485 = vector.shape_cast %get3A_484 : vector<1x1x16xi32> to vector<16xi32>
      %add3A_486 = arith.addi %add3A_462, %get3A_485 : vector<16xi32>
      %get3A_487 = arith.constant 6 : i32
      %get3A_488 = arith.constant 2 : i32
      %get3A_489 = arith.index_cast %get3A_487 : i32 to index
      %get3A_490 = arith.index_cast %get3A_488 : i32 to index
      %get3A_491 = arith.constant 0 : index
      %get3A_492 = tpu.vector_load %arg8[%get3A_489, %get3A_490, %get3A_491] {strides = array<i32>} : memref<16x3x16xi32, #tpu.memory_space<vmem>>, vector<1x1x16xi32>,
      %get3A_493 = vector.shape_cast %get3A_492 : vector<1x1x16xi32> to vector<16xi32>
      %add3A_494 = arith.addi %add3A_470, %get3A_493 : vector<16xi32>
      %get3A_495 = arith.constant 7 : i32
      %get3A_496 = arith.constant 0 : i32
      %get3A_497 = arith.index_cast %get3A_495 : i32 to index
      %get3A_498 = arith.index_cast %get3A_496 : i32 to index
      %get3A_499 = arith.constant 0 : index
      %get3A_500 = tpu.vector_load %arg8[%get3A_497, %get3A_498, %get3A_499] {strides = array<i32>} : memref<16x3x16xi32, #tpu.memory_space<vmem>>, vector<1x1x16xi32>,
      %get3A_501 = vector.shape_cast %get3A_500 : vector<1x1x16xi32> to vector<16xi32>
      %add3A_502 = arith.addi %add3A_478, %get3A_501 : vector<16xi32>
      %get3A_503 = arith.constant 7 : i32
      %get3A_504 = arith.constant 1 : i32
      %get3A_505 = arith.index_cast %get3A_503 : i32 to index
      %get3A_506 = arith.index_cast %get3A_504 : i32 to index
      %get3A_507 = arith.constant 0 : index
      %get3A_508 = tpu.vector_load %arg8[%get3A_505, %get3A_506, %get3A_507] {strides = array<i32>} : memref<16x3x16xi32, #tpu.memory_space<vmem>>, vector<1x1x16xi32>,
      %get3A_509 = vector.shape_cast %get3A_508 : vector<1x1x16xi32> to vector<16xi32>
      %add3A_510 = arith.addi %add3A_486, %get3A_509 : vector<16xi32>
      %get3A_511 = arith.constant 7 : i32
      %get3A_512 = arith.constant 2 : i32
      %get3A_513 = arith.index_cast %get3A_511 : i32 to index
      %get3A_514 = arith.index_cast %get3A_512 : i32 to index
      %get3A_515 = arith.constant 0 : index
      %get3A_516 = tpu.vector_load %arg8[%get3A_513, %get3A_514, %get3A_515] {strides = array<i32>} : memref<16x3x16xi32, #tpu.memory_space<vmem>>, vector<1x1x16xi32>,
      %get3A_517 = vector.shape_cast %get3A_516 : vector<1x1x16xi32> to vector<16xi32>
      %add3A_518 = arith.addi %add3A_494, %get3A_517 : vector<16xi32>
      %get3A_519 = arith.constant 8 : i32
      %get3A_520 = arith.constant 0 : i32
      %get3A_521 = arith.index_cast %get3A_519 : i32 to index
      %get3A_522 = arith.index_cast %get3A_520 : i32 to index
      %get3A_523 = arith.constant 0 : index
      %get3A_524 = tpu.vector_load %arg8[%get3A_521, %get3A_522, %get3A_523] {strides = array<i32>} : memref<16x3x16xi32, #tpu.memory_space<vmem>>, vector<1x1x16xi32>,
      %get3A_525 = vector.shape_cast %get3A_524 : vector<1x1x16xi32> to vector<16xi32>
      %add3A_526 = arith.addi %add3A_502, %get3A_525 : vector<16xi32>
      %get3A_527 = arith.constant 8 : i32
      %get3A_528 = arith.constant 1 : i32
      %get3A_529 = arith.index_cast %get3A_527 : i32 to index
      %get3A_530 = arith.index_cast %get3A_528 : i32 to index
      %get3A_531 = arith.constant 0 : index
      %get3A_532 = tpu.vector_load %arg8[%get3A_529, %get3A_530, %get3A_531] {strides = array<i32>} : memref<16x3x16xi32, #tpu.memory_space<vmem>>, vector<1x1x16xi32>,
      %get3A_533 = vector.shape_cast %get3A_532 : vector<1x1x16xi32> to vector<16xi32>
      %add3A_534 = arith.addi %add3A_510, %get3A_533 : vector<16xi32>
      %get3A_535 = arith.constant 8 : i32
      %get3A_536 = arith.constant 2 : i32
      %get3A_537 = arith.index_cast %get3A_535 : i32 to index
      %get3A_538 = arith.index_cast %get3A_536 : i32 to index
      %get3A_539 = arith.constant 0 : index
      %get3A_540 = tpu.vector_load %arg8[%get3A_537, %get3A_538, %get3A_539] {strides = array<i32>} : memref<16x3x16xi32, #tpu.memory_space<vmem>>, vector<1x1x16xi32>,
      %get3A_541 = vector.shape_cast %get3A_540 : vector<1x1x16xi32> to vector<16xi32>
      %add3A_542 = arith.addi %add3A_518, %get3A_541 : vector<16xi32>
      %get3A_543 = arith.constant 9 : i32
      %get3A_544 = arith.constant 0 : i32
      %get3A_545 = arith.index_cast %get3A_543 : i32 to index
      %get3A_546 = arith.index_cast %get3A_544 : i32 to index
      %get3A_547 = arith.constant 0 : index
      %get3A_548 = tpu.vector_load %arg8[%get3A_545, %get3A_546, %get3A_547] {strides = array<i32>} : memref<16x3x16xi32, #tpu.memory_space<vmem>>, vector<1x1x16xi32>,
      %get3A_549 = vector.shape_cast %get3A_548 : vector<1x1x16xi32> to vector<16xi32>
      %add3A_550 = arith.addi %add3A_526, %get3A_549 : vector<16xi32>
      %get3A_551 = arith.constant 9 : i32
      %get3A_552 = arith.constant 1 : i32
      %get3A_553 = arith.index_cast %get3A_551 : i32 to index
      %get3A_554 = arith.index_cast %get3A_552 : i32 to index
      %get3A_555 = arith.constant 0 : index
      %get3A_556 = tpu.vector_load %arg8[%get3A_553, %get3A_554, %get3A_555] {strides = array<i32>} : memref<16x3x16xi32, #tpu.memory_space<vmem>>, vector<1x1x16xi32>,
      %get3A_557 = vector.shape_cast %get3A_556 : vector<1x1x16xi32> to vector<16xi32>
      %add3A_558 = arith.addi %add3A_534, %get3A_557 : vector<16xi32>
      %get3A_559 = arith.constant 9 : i32
      %get3A_560 = arith.constant 2 : i32
      %get3A_561 = arith.index_cast %get3A_559 : i32 to index
      %get3A_562 = arith.index_cast %get3A_560 : i32 to index
      %get3A_563 = arith.constant 0 : index
      %get3A_564 = tpu.vector_load %arg8[%get3A_561, %get3A_562, %get3A_563] {strides = array<i32>} : memref<16x3x16xi32, #tpu.memory_space<vmem>>, vector<1x1x16xi32>,
      %get3A_565 = vector.shape_cast %get3A_564 : vector<1x1x16xi32> to vector<16xi32>
      %add3A_566 = arith.addi %add3A_542, %get3A_565 : vector<16xi32>
      %get3A_567 = arith.constant 10 : i32
      %get3A_568 = arith.constant 0 : i32
      %get3A_569 = arith.index_cast %get3A_567 : i32 to index
      %get3A_570 = arith.index_cast %get3A_568 : i32 to index
      %get3A_571 = arith.constant 0 : index
      %get3A_572 = tpu.vector_load %arg8[%get3A_569, %get3A_570, %get3A_571] {strides = array<i32>} : memref<16x3x16xi32, #tpu.memory_space<vmem>>, vector<1x1x16xi32>,
      %get3A_573 = vector.shape_cast %get3A_572 : vector<1x1x16xi32> to vector<16xi32>
      %add3A_574 = arith.addi %add3A_550, %get3A_573 : vector<16xi32>
      %get3A_575 = arith.constant 10 : i32
      %get3A_576 = arith.constant 1 : i32
      %get3A_577 = arith.index_cast %get3A_575 : i32 to index
      %get3A_578 = arith.index_cast %get3A_576 : i32 to index
      %get3A_579 = arith.constant 0 : index
      %get3A_580 = tpu.vector_load %arg8[%get3A_577, %get3A_578, %get3A_579] {strides = array<i32>} : memref<16x3x16xi32, #tpu.memory_space<vmem>>, vector<1x1x16xi32>,
      %get3A_581 = vector.shape_cast %get3A_580 : vector<1x1x16xi32> to vector<16xi32>
      %add3A_582 = arith.addi %add3A_558, %get3A_581 : vector<16xi32>
      %get3A_583 = arith.constant 10 : i32
      %get3A_584 = arith.constant 2 : i32
      %get3A_585 = arith.index_cast %get3A_583 : i32 to index
      %get3A_586 = arith.index_cast %get3A_584 : i32 to index
      %get3A_587 = arith.constant 0 : index
      %get3A_588 = tpu.vector_load %arg8[%get3A_585, %get3A_586, %get3A_587] {strides = array<i32>} : memref<16x3x16xi32, #tpu.memory_space<vmem>>, vector<1x1x16xi32>,
      %get3A_589 = vector.shape_cast %get3A_588 : vector<1x1x16xi32> to vector<16xi32>
      %add3A_590 = arith.addi %add3A_566, %get3A_589 : vector<16xi32>
      %get3A_591 = arith.constant 11 : i32
      %get3A_592 = arith.constant 0 : i32
      %get3A_593 = arith.index_cast %get3A_591 : i32 to index
      %get3A_594 = arith.index_cast %get3A_592 : i32 to index
      %get3A_595 = arith.constant 0 : index
      %get3A_596 = tpu.vector_load %arg8[%get3A_593, %get3A_594, %get3A_595] {strides = array<i32>} : memref<16x3x16xi32, #tpu.memory_space<vmem>>, vector<1x1x16xi32>,
      %get3A_597 = vector.shape_cast %get3A_596 : vector<1x1x16xi32> to vector<16xi32>
      %add3A_598 = arith.addi %add3A_574, %get3A_597 : vector<16xi32>
      %get3A_599 = arith.constant 11 : i32
      %get3A_600 = arith.constant 1 : i32
      %get3A_601 = arith.index_cast %get3A_599 : i32 to index
      %get3A_602 = arith.index_cast %get3A_600 : i32 to index
      %get3A_603 = arith.constant 0 : index
      %get3A_604 = tpu.vector_load %arg8[%get3A_601, %get3A_602, %get3A_603] {strides = array<i32>} : memref<16x3x16xi32, #tpu.memory_space<vmem>>, vector<1x1x16xi32>,
      %get3A_605 = vector.shape_cast %get3A_604 : vector<1x1x16xi32> to vector<16xi32>
      %add3A_606 = arith.addi %add3A_582, %get3A_605 : vector<16xi32>
      %get3A_607 = arith.constant 11 : i32
      %get3A_608 = arith.constant 2 : i32
      %get3A_609 = arith.index_cast %get3A_607 : i32 to index
      %get3A_610 = arith.index_cast %get3A_608 : i32 to index
      %get3A_611 = arith.constant 0 : index
      %get3A_612 = tpu.vector_load %arg8[%get3A_609, %get3A_610, %get3A_611] {strides = array<i32>} : memref<16x3x16xi32, #tpu.memory_space<vmem>>, vector<1x1x16xi32>,
      %get3A_613 = vector.shape_cast %get3A_612 : vector<1x1x16xi32> to vector<16xi32>
      %add3A_614 = arith.addi %add3A_590, %get3A_613 : vector<16xi32>
      %get3A_615 = arith.constant 12 : i32
      %get3A_616 = arith.constant 0 : i32
      %get3A_617 = arith.index_cast %get3A_615 : i32 to index
      %get3A_618 = arith.index_cast %get3A_616 : i32 to index
      %get3A_619 = arith.constant 0 : index
      %get3A_620 = tpu.vector_load %arg8[%get3A_617, %get3A_618, %get3A_619] {strides = array<i32>} : memref<16x3x16xi32, #tpu.memory_space<vmem>>, vector<1x1x16xi32>,
      %get3A_621 = vector.shape_cast %get3A_620 : vector<1x1x16xi32> to vector<16xi32>
      %add3A_622 = arith.addi %add3A_598, %get3A_621 : vector<16xi32>
      %get3A_623 = arith.constant 12 : i32
      %get3A_624 = arith.constant 1 : i32
      %get3A_625 = arith.index_cast %get3A_623 : i32 to index
      %get3A_626 = arith.index_cast %get3A_624 : i32 to index
      %get3A_627 = arith.constant 0 : index
      %get3A_628 = tpu.vector_load %arg8[%get3A_625, %get3A_626, %get3A_627] {strides = array<i32>} : memref<16x3x16xi32, #tpu.memory_space<vmem>>, vector<1x1x16xi32>,
      %get3A_629 = vector.shape_cast %get3A_628 : vector<1x1x16xi32> to vector<16xi32>
      %add3A_630 = arith.addi %add3A_606, %get3A_629 : vector<16xi32>
      %get3A_631 = arith.constant 12 : i32
      %get3A_632 = arith.constant 2 : i32
      %get3A_633 = arith.index_cast %get3A_631 : i32 to index
      %get3A_634 = arith.index_cast %get3A_632 : i32 to index
      %get3A_635 = arith.constant 0 : index
      %get3A_636 = tpu.vector_load %arg8[%get3A_633, %get3A_634, %get3A_635] {strides = array<i32>} : memref<16x3x16xi32, #tpu.memory_space<vmem>>, vector<1x1x16xi32>,
      %get3A_637 = vector.shape_cast %get3A_636 : vector<1x1x16xi32> to vector<16xi32>
      %add3A_638 = arith.addi %add3A_614, %get3A_637 : vector<16xi32>
      %get3A_639 = arith.constant 13 : i32
      %get3A_640 = arith.constant 0 : i32
      %get3A_641 = arith.index_cast %get3A_639 : i32 to index
      %get3A_642 = arith.index_cast %get3A_640 : i32 to index
      %get3A_643 = arith.constant 0 : index
      %get3A_644 = tpu.vector_load %arg8[%get3A_641, %get3A_642, %get3A_643] {strides = array<i32>} : memref<16x3x16xi32, #tpu.memory_space<vmem>>, vector<1x1x16xi32>,
      %get3A_645 = vector.shape_cast %get3A_644 : vector<1x1x16xi32> to vector<16xi32>
      %add3A_646 = arith.addi %add3A_622, %get3A_645 : vector<16xi32>
      %get3A_647 = arith.constant 13 : i32
      %get3A_648 = arith.constant 1 : i32
      %get3A_649 = arith.index_cast %get3A_647 : i32 to index
      %get3A_650 = arith.index_cast %get3A_648 : i32 to index
      %get3A_651 = arith.constant 0 : index
      %get3A_652 = tpu.vector_load %arg8[%get3A_649, %get3A_650, %get3A_651] {strides = array<i32>} : memref<16x3x16xi32, #tpu.memory_space<vmem>>, vector<1x1x16xi32>,
      %get3A_653 = vector.shape_cast %get3A_652 : vector<1x1x16xi32> to vector<16xi32>
      %add3A_654 = arith.addi %add3A_630, %get3A_653 : vector<16xi32>
      %get3A_655 = arith.constant 13 : i32
      %get3A_656 = arith.constant 2 : i32
      %get3A_657 = arith.index_cast %get3A_655 : i32 to index
      %get3A_658 = arith.index_cast %get3A_656 : i32 to index
      %get3A_659 = arith.constant 0 : index
      %get3A_660 = tpu.vector_load %arg8[%get3A_657, %get3A_658, %get3A_659] {strides = array<i32>} : memref<16x3x16xi32, #tpu.memory_space<vmem>>, vector<1x1x16xi32>,
      %get3A_661 = vector.shape_cast %get3A_660 : vector<1x1x16xi32> to vector<16xi32>
      %add3A_662 = arith.addi %add3A_638, %get3A_661 : vector<16xi32>
      %get3A_663 = arith.constant 14 : i32
      %get3A_664 = arith.constant 0 : i32
      %get3A_665 = arith.index_cast %get3A_663 : i32 to index
      %get3A_666 = arith.index_cast %get3A_664 : i32 to index
      %get3A_667 = arith.constant 0 : index
      %get3A_668 = tpu.vector_load %arg8[%get3A_665, %get3A_666, %get3A_667] {strides = array<i32>} : memref<16x3x16xi32, #tpu.memory_space<vmem>>, vector<1x1x16xi32>,
      %get3A_669 = vector.shape_cast %get3A_668 : vector<1x1x16xi32> to vector<16xi32>
      %add3A_670 = arith.addi %add3A_646, %get3A_669 : vector<16xi32>
      %get3A_671 = arith.constant 14 : i32
      %get3A_672 = arith.constant 1 : i32
      %get3A_673 = arith.index_cast %get3A_671 : i32 to index
      %get3A_674 = arith.index_cast %get3A_672 : i32 to index
      %get3A_675 = arith.constant 0 : index
      %get3A_676 = tpu.vector_load %arg8[%get3A_673, %get3A_674, %get3A_675] {strides = array<i32>} : memref<16x3x16xi32, #tpu.memory_space<vmem>>, vector<1x1x16xi32>,
      %get3A_677 = vector.shape_cast %get3A_676 : vector<1x1x16xi32> to vector<16xi32>
      %add3A_678 = arith.addi %add3A_654, %get3A_677 : vector<16xi32>
      %get3A_679 = arith.constant 14 : i32
      %get3A_680 = arith.constant 2 : i32
      %get3A_681 = arith.index_cast %get3A_679 : i32 to index
      %get3A_682 = arith.index_cast %get3A_680 : i32 to index
      %get3A_683 = arith.constant 0 : index
      %get3A_684 = tpu.vector_load %arg8[%get3A_681, %get3A_682, %get3A_683] {strides = array<i32>} : memref<16x3x16xi32, #tpu.memory_space<vmem>>, vector<1x1x16xi32>,
      %get3A_685 = vector.shape_cast %get3A_684 : vector<1x1x16xi32> to vector<16xi32>
      %add3A_686 = arith.addi %add3A_662, %get3A_685 : vector<16xi32>
      %get3A_687 = arith.constant 15 : i32
      %get3A_688 = arith.constant 0 : i32
      %get3A_689 = arith.index_cast %get3A_687 : i32 to index
      %get3A_690 = arith.index_cast %get3A_688 : i32 to index
      %get3A_691 = arith.constant 0 : index
      %get3A_692 = tpu.vector_load %arg8[%get3A_689, %get3A_690, %get3A_691] {strides = array<i32>} : memref<16x3x16xi32, #tpu.memory_space<vmem>>, vector<1x1x16xi32>,
      %get3A_693 = vector.shape_cast %get3A_692 : vector<1x1x16xi32> to vector<16xi32>
      %add3A_694 = arith.addi %add3A_670, %get3A_693 : vector<16xi32>
      %get3A_695 = arith.constant 15 : i32
      %get3A_696 = arith.constant 1 : i32
      %get3A_697 = arith.index_cast %get3A_695 : i32 to index
      %get3A_698 = arith.index_cast %get3A_696 : i32 to index
      %get3A_699 = arith.constant 0 : index
      %get3A_700 = tpu.vector_load %arg8[%get3A_697, %get3A_698, %get3A_699] {strides = array<i32>} : memref<16x3x16xi32, #tpu.memory_space<vmem>>, vector<1x1x16xi32>,
      %get3A_701 = vector.shape_cast %get3A_700 : vector<1x1x16xi32> to vector<16xi32>
      %add3A_702 = arith.addi %add3A_678, %get3A_701 : vector<16xi32>
      %get3A_703 = arith.constant 15 : i32
      %get3A_704 = arith.constant 2 : i32
      %get3A_705 = arith.index_cast %get3A_703 : i32 to index
      %get3A_706 = arith.index_cast %get3A_704 : i32 to index
      %get3A_707 = arith.constant 0 : index
      %get3A_708 = tpu.vector_load %arg8[%get3A_705, %get3A_706, %get3A_707] {strides = array<i32>} : memref<16x3x16xi32, #tpu.memory_space<vmem>>, vector<1x1x16xi32>,
      %get3A_709 = vector.shape_cast %get3A_708 : vector<1x1x16xi32> to vector<16xi32>
      %add3A_710 = arith.addi %add3A_686, %get3A_709 : vector<16xi32>
      %swap3A_711 = arith.constant 0 : i32
      %swap3A_712 = arith.index_cast %swap3A_711 : i32 to index
      %swap3A_713 = arith.constant 0 : index
      %swap3A_714 = tpu.vector_load %arg7[%swap3A_712, %swap3A_713] {strides = array<i32>} : memref<3x16xi32, #tpu.memory_space<vmem>>, vector<1x16xi32>,
      %swap3A_715 = vector.shape_cast %swap3A_714 : vector<1x16xi32> to vector<16xi32>
      %swap3A_716 = vector.shape_cast %add3A_694 : vector<16xi32> to vector<1x16xi32>
      tpu.vector_store %arg7[%swap3A_712, %swap3A_713], %swap3A_716 {strides = array<i32>} : memref<3x16xi32, #tpu.memory_space<vmem>>, vector<1x16xi32>,
      %swap3A_717 = arith.constant 1 : i32
      %swap3A_718 = arith.index_cast %swap3A_717 : i32 to index
      %swap3A_719 = arith.constant 0 : index
      %swap3A_720 = tpu.vector_load %arg7[%swap3A_718, %swap3A_719] {strides = array<i32>} : memref<3x16xi32, #tpu.memory_space<vmem>>, vector<1x16xi32>,
      %swap3A_721 = vector.shape_cast %swap3A_720 : vector<1x16xi32> to vector<16xi32>
      %swap3A_722 = vector.shape_cast %add3A_702 : vector<16xi32> to vector<1x16xi32>
      tpu.vector_store %arg7[%swap3A_718, %swap3A_719], %swap3A_722 {strides = array<i32>} : memref<3x16xi32, #tpu.memory_space<vmem>>, vector<1x16xi32>,
      %swap3A_723 = arith.constant 2 : i32
      %swap3A_724 = arith.index_cast %swap3A_723 : i32 to index
      %swap3A_725 = arith.constant 0 : index
      %swap3A_726 = tpu.vector_load %arg7[%swap3A_724, %swap3A_725] {strides = array<i32>} : memref<3x16xi32, #tpu.memory_space<vmem>>, vector<1x16xi32>,
      %swap3A_727 = vector.shape_cast %swap3A_726 : vector<1x16xi32> to vector<16xi32>
      %swap3A_728 = vector.shape_cast %add3A_710 : vector<16xi32> to vector<1x16xi32>
      tpu.vector_store %arg7[%swap3A_724, %swap3A_725], %swap3A_728 {strides = array<i32>} : memref<3x16xi32, #tpu.memory_space<vmem>>, vector<1x16xi32>,
      %run_scoped3A = arith.constant 0 : i32
      "tpu.region"() ({
        %run_scoped3A_729 = tpu.sem_alloc : memref<!tpu.dma_semaphore, #tpu.memory_space<semaphore_mem>>
        %dma_start3A_730 = arith.constant 0 : i32
        %dma_start3A_731 = arith.constant 0 : i32
        %dma_start3A_732 = tpu.memref_slice %arg4[%arg0, %run_scoped3A, %dma_start3A_730, %dma_start3A_731] : memref<2x16x3x16xi32, #tpu.memory_space<hbm>> -> memref<1x1x3x16xi32, #tpu.memory_space<hbm>>
        %dma_start3A_733 = tpu.memref_squeeze %dma_start3A_732 : memref<1x1x3x16xi32, #tpu.memory_space<hbm>> -> memref<3x16xi32, #tpu.memory_space<hbm>>
        %dma_start3A_734 = arith.constant 0 : i32
        %dma_start3A_735 = arith.constant 0 : i32
        %dma_start3A_736 = tpu.memref_slice %arg4[%arg0, %run_scoped3A, %dma_start3A_734, %dma_start3A_735] : memref<2x16x3x16xi32, #tpu.memory_space<hbm>> -> memref<1x1x3x16xi32, #tpu.memory_space<hbm>>
        %dma_start3A_737 = tpu.memref_squeeze %dma_start3A_736 : memref<1x1x3x16xi32, #tpu.memory_space<hbm>> -> memref<3x16xi32, #tpu.memory_space<hbm>>
        tpu.enqueue_dma source(%arg7 : memref<3x16xi32, #tpu.memory_space<vmem>>) target(%dma_start3A_737 : memref<3x16xi32, #tpu.memory_space<hbm>>) target_semaphore(%run_scoped3A_729 : memref<!tpu.dma_semaphore, #tpu.memory_space<semaphore_mem>>)
        %dma_wait3A_738 = arith.constant 0 : i32
        %dma_wait3A_739 = arith.constant 0 : i32
        %dma_wait3A_740 = tpu.memref_slice %arg4[%arg0, %run_scoped3A, %dma_wait3A_738, %dma_wait3A_739] : memref<2x16x3x16xi32, #tpu.memory_space<hbm>> -> memref<1x1x3x16xi32, #tpu.memory_space<hbm>>
        %dma_wait3A_741 = tpu.memref_squeeze %dma_wait3A_740 : memref<1x1x3x16xi32, #tpu.memory_space<hbm>> -> memref<3x16xi32, #tpu.memory_space<hbm>>
        %dma_wait3A_742 = arith.constant 0 : i32
        %dma_wait3A_743 = arith.constant 0 : i32
        %dma_wait3A_744 = tpu.memref_slice %arg4[%arg0, %run_scoped3A, %dma_wait3A_742, %dma_wait3A_743] : memref<2x16x3x16xi32, #tpu.memory_space<hbm>> -> memref<1x1x3x16xi32, #tpu.memory_space<hbm>>
        %dma_wait3A_745 = tpu.memref_squeeze %dma_wait3A_744 : memref<1x1x3x16xi32, #tpu.memory_space<hbm>> -> memref<3x16xi32, #tpu.memory_space<hbm>>
        tpu.wait_dma2 semaphore(%run_scoped3A_729 : memref<!tpu.dma_semaphore, #tpu.memory_space<semaphore_mem>>) src(%arg7 : memref<3x16xi32, #tpu.memory_space<vmem>>) dst(%dma_wait3A_745 : memref<3x16xi32, #tpu.memory_space<hbm>>)
        tpu.yield
      }) : () -> ()
    } else {
    }
    return
  }
}

module attributes {stable_mosaic.version = 14 : i64} {
  func.func @_tc_body(%arg0: i32, %arg1: memref<1x512x512xf32, #tpu.memory_space<vmem>>, %arg2: memref<1x512x512xi32, #tpu.memory_space<vmem>>, %arg3: memref<3xi32, #tpu.memory_space<smem>>, %arg4: memref<3x8x512xf32, #tpu.memory_space<vmem>>) attributes {dimension_semantics = [#tpu.dimension_semantics<arbitrary>], iteration_bounds = array<i64: 8>, scalar_prefetch = 0 : i64, scratch_operands = 1 : i64, tpu.core_type = #tpu.core_type<tc>, window_params = [{transform_indices = @transform_0, window_bounds = array<i64: 1, 512, 512>}, {transform_indices = @transform_1, window_bounds = array<i64: 1, 512, 512>}, {transform_indices = @transform_2, window_bounds = array<i64: 3>}]} {
    %eq3A = arith.constant 0 : i32
    %eq3A_0 = arith.cmpi eq, %arg0, %eq3A : i32
    %convert_element_type3A = arith.extui %eq3A_0 : i1 to i32
    %cond3A = arith.constant 0 : i32
    %cond3A_1 = arith.cmpi ne, %convert_element_type3A, %cond3A : i32
    scf.if %cond3A_1 {
      %broadcast_in_dim3A_65 = arith.constant 0.000000e+00 : f32
      %broadcast_in_dim3A_66 = vector.broadcast %broadcast_in_dim3A_65 : f32 to vector<3x8x512xf32>
      %swap3A_67 = arith.constant 0 : index
      %swap3A_68 = arith.constant 0 : index
      %swap3A_69 = arith.constant 0 : index
      %swap3A_70 = vector.load %arg4[%swap3A_67, %swap3A_68, %swap3A_69] : memref<3x8x512xf32, #tpu.memory_space<vmem>>, vector<3x8x512xf32>
      tpu.vector_store %arg4[%swap3A_67, %swap3A_68, %swap3A_69], %broadcast_in_dim3A_66 {strides = array<i32>} : memref<3x8x512xf32, #tpu.memory_space<vmem>>, vector<3x8x512xf32>,
    } else {
    }
    %get3A = arith.constant 0 : index
    %get3A_2 = arith.constant 0 : index
    %get3A_3 = arith.constant 0 : index
    %get3A_4 = vector.load %arg1[%get3A, %get3A_2, %get3A_3] : memref<1x512x512xf32, #tpu.memory_space<vmem>>, vector<1x512x512xf32>
    %get3A_5 = vector.shape_cast %get3A_4 : vector<1x512x512xf32> to vector<512x512xf32>
    %get3A_6 = arith.constant 0 : index
    %get3A_7 = arith.constant 0 : index
    %get3A_8 = arith.constant 0 : index
    %get3A_9 = vector.load %arg2[%get3A_6, %get3A_7, %get3A_8] : memref<1x512x512xi32, #tpu.memory_space<vmem>>, vector<1x512x512xi32>
    %get3A_10 = vector.shape_cast %get3A_9 : vector<1x512x512xi32> to vector<512x512xi32>
    %gt3A = arith.constant 0.000000e+00 : f32
    %gt3A_11 = vector.broadcast %gt3A : f32 to vector<512x512xf32>
    %gt3A_12 = arith.cmpf ogt, %get3A_5, %gt3A_11 : vector<512x512xf32>
    %convert_element_type3A_13 = arith.sitofp %get3A_10 : vector<512x512xi32> to vector<512x512xf32>
    %jit3A = arith.constant 1.000000e+00 : f32
    %jit3A_14 = arith.constant 0.000000e+00 : f32
    %broadcast_in_dim3A = vector.broadcast %jit3A : f32 to vector<512x512xf32>
    %broadcast_in_dim3A_15 = vector.broadcast %jit3A_14 : f32 to vector<512x512xf32>
    %select_n3A = arith.select %gt3A_12, %broadcast_in_dim3A, %broadcast_in_dim3A_15 : vector<512x512xi1>, vector<512x512xf32>
    %jit3A_16 = arith.constant 0.000000e+00 : f32
    %broadcast_in_dim3A_17 = vector.broadcast %jit3A_16 : f32 to vector<512x512xf32>
    %select_n3A_18 = arith.select %gt3A_12, %convert_element_type3A_13, %broadcast_in_dim3A_17 : vector<512x512xi1>, vector<512x512xf32>
    %broadcast_in_dim3A_19 = arith.constant 1.000000e+00 : f32
    %broadcast_in_dim3A_20 = vector.broadcast %broadcast_in_dim3A_19 : f32 to vector<8x512xf32>
    %get3A_21 = arith.constant 0 : index
    %get3A_22 = arith.constant 0 : index
    %get3A_23 = arith.constant 0 : index
    %get3A_24 = vector.load %arg4[%get3A_21, %get3A_22, %get3A_23] : memref<3x8x512xf32, #tpu.memory_space<vmem>>, vector<1x8x512xf32>
    %get3A_25 = vector.shape_cast %get3A_24 : vector<1x8x512xf32> to vector<8x512xf32>
    %dot_general3A = arith.constant dense<0.000000e+00> : vector<8x512xf32>
    %dot_general3A_26 = tpu.matmul %broadcast_in_dim3A_20, %convert_element_type3A_13, %dot_general3A {dimension_numbers = #tpu.dot_dimension_numbers<[1], [0], [0], [1], [0, 0, 1, 1], [], []>, transpose_lhs_hint = false} : vector<8x512xf32>, vector<512x512xf32>, vector<8x512xf32> -> vector<8x512xf32>
    %add3A = arith.addf %get3A_25, %dot_general3A_26 : vector<8x512xf32>
    %swap3A = arith.constant 0 : index
    %swap3A_27 = arith.constant 0 : index
    %swap3A_28 = arith.constant 0 : index
    %swap3A_29 = vector.load %arg4[%swap3A, %swap3A_27, %swap3A_28] : memref<3x8x512xf32, #tpu.memory_space<vmem>>, vector<1x8x512xf32>
    %swap3A_30 = vector.shape_cast %swap3A_29 : vector<1x8x512xf32> to vector<8x512xf32>
    %swap3A_31 = vector.shape_cast %add3A : vector<8x512xf32> to vector<1x8x512xf32>
    tpu.vector_store %arg4[%swap3A, %swap3A_27, %swap3A_28], %swap3A_31 {strides = array<i32>} : memref<3x8x512xf32, #tpu.memory_space<vmem>>, vector<1x8x512xf32>,
    %get3A_32 = arith.constant 1 : index
    %get3A_33 = arith.constant 0 : index
    %get3A_34 = arith.constant 0 : index
    %get3A_35 = vector.load %arg4[%get3A_32, %get3A_33, %get3A_34] : memref<3x8x512xf32, #tpu.memory_space<vmem>>, vector<1x8x512xf32>
    %get3A_36 = vector.shape_cast %get3A_35 : vector<1x8x512xf32> to vector<8x512xf32>
    %dot_general3A_37 = arith.constant dense<0.000000e+00> : vector<8x512xf32>
    %dot_general3A_38 = tpu.matmul %broadcast_in_dim3A_20, %select_n3A, %dot_general3A_37 {dimension_numbers = #tpu.dot_dimension_numbers<[1], [0], [0], [1], [0, 0, 1, 1], [], []>, transpose_lhs_hint = false} : vector<8x512xf32>, vector<512x512xf32>, vector<8x512xf32> -> vector<8x512xf32>
    %add3A_39 = arith.addf %get3A_36, %dot_general3A_38 : vector<8x512xf32>
    %swap3A_40 = arith.constant 1 : index
    %swap3A_41 = arith.constant 0 : index
    %swap3A_42 = arith.constant 0 : index
    %swap3A_43 = vector.load %arg4[%swap3A_40, %swap3A_41, %swap3A_42] : memref<3x8x512xf32, #tpu.memory_space<vmem>>, vector<1x8x512xf32>
    %swap3A_44 = vector.shape_cast %swap3A_43 : vector<1x8x512xf32> to vector<8x512xf32>
    %swap3A_45 = vector.shape_cast %add3A_39 : vector<8x512xf32> to vector<1x8x512xf32>
    tpu.vector_store %arg4[%swap3A_40, %swap3A_41, %swap3A_42], %swap3A_45 {strides = array<i32>} : memref<3x8x512xf32, #tpu.memory_space<vmem>>, vector<1x8x512xf32>,
    %get3A_46 = arith.constant 2 : index
    %get3A_47 = arith.constant 0 : index
    %get3A_48 = arith.constant 0 : index
    %get3A_49 = vector.load %arg4[%get3A_46, %get3A_47, %get3A_48] : memref<3x8x512xf32, #tpu.memory_space<vmem>>, vector<1x8x512xf32>
    %get3A_50 = vector.shape_cast %get3A_49 : vector<1x8x512xf32> to vector<8x512xf32>
    %dot_general3A_51 = arith.constant dense<0.000000e+00> : vector<8x512xf32>
    %dot_general3A_52 = tpu.matmul %broadcast_in_dim3A_20, %select_n3A_18, %dot_general3A_51 {dimension_numbers = #tpu.dot_dimension_numbers<[1], [0], [0], [1], [0, 0, 1, 1], [], []>, transpose_lhs_hint = false} : vector<8x512xf32>, vector<512x512xf32>, vector<8x512xf32> -> vector<8x512xf32>
    %add3A_53 = arith.addf %get3A_50, %dot_general3A_52 : vector<8x512xf32>
    %swap3A_54 = arith.constant 2 : index
    %swap3A_55 = arith.constant 0 : index
    %swap3A_56 = arith.constant 0 : index
    %swap3A_57 = vector.load %arg4[%swap3A_54, %swap3A_55, %swap3A_56] : memref<3x8x512xf32, #tpu.memory_space<vmem>>, vector<1x8x512xf32>
    %swap3A_58 = vector.shape_cast %swap3A_57 : vector<1x8x512xf32> to vector<8x512xf32>
    %swap3A_59 = vector.shape_cast %add3A_53 : vector<8x512xf32> to vector<1x8x512xf32>
    tpu.vector_store %arg4[%swap3A_54, %swap3A_55, %swap3A_56], %swap3A_59 {strides = array<i32>} : memref<3x8x512xf32, #tpu.memory_space<vmem>>, vector<1x8x512xf32>,
    %eq3A_60 = arith.constant 7 : i32
    %eq3A_61 = arith.cmpi eq, %arg0, %eq3A_60 : i32
    %convert_element_type3A_62 = arith.extui %eq3A_61 : i1 to i32
    %cond3A_63 = arith.constant 0 : i32
    %cond3A_64 = arith.cmpi ne, %convert_element_type3A_62, %cond3A_63 : i32
    scf.if %cond3A_64 {
      %get3A_65 = arith.constant 0 : index
      %get3A_66 = arith.constant 0 : index
      %get3A_67 = arith.constant 0 : index
      %get3A_68 = vector.load %arg4[%get3A_65, %get3A_66, %get3A_67] : memref<3x8x512xf32, #tpu.memory_space<vmem>>, vector<1x1x512xf32>
      %get3A_69 = vector.shape_cast %get3A_68 : vector<1x1x512xf32> to vector<1x512xf32>
      %reduce_sum3A = vector.shape_cast %get3A_69 : vector<1x512xf32> to vector<1x1x512xf32>
      %reduce_sum3A_70 = arith.constant dense<0.000000e+00> : vector<1xf32>
      %reduce_sum3A_71 = vector.multi_reduction <add>, %reduce_sum3A, %reduce_sum3A_70 [1, 2] : vector<1x1x512xf32> to vector<1xf32>
      %reduce_sum3A_72 = vector.shape_cast %reduce_sum3A_71 : vector<1xf32> to vector<1x1x1xf32>
      %reduce_sum3A_73 = vector.extract %reduce_sum3A_72[0, 0, 0] : f32 from vector<1x1x1xf32>
      %convert_element_type3A_74 = arith.fptosi %reduce_sum3A_73 : f32 to i32
      %swap3A_75 = arith.constant 0 : index
      %swap3A_76 = memref.load %arg3[%swap3A_75] : memref<3xi32, #tpu.memory_space<smem>>
      memref.store %convert_element_type3A_74, %arg3[%swap3A_75] : memref<3xi32, #tpu.memory_space<smem>>
      %get3A_77 = arith.constant 1 : index
      %get3A_78 = arith.constant 0 : index
      %get3A_79 = arith.constant 0 : index
      %get3A_80 = vector.load %arg4[%get3A_77, %get3A_78, %get3A_79] : memref<3x8x512xf32, #tpu.memory_space<vmem>>, vector<1x1x512xf32>
      %get3A_81 = vector.shape_cast %get3A_80 : vector<1x1x512xf32> to vector<1x512xf32>
      %reduce_sum3A_82 = vector.shape_cast %get3A_81 : vector<1x512xf32> to vector<1x1x512xf32>
      %reduce_sum3A_83 = arith.constant dense<0.000000e+00> : vector<1xf32>
      %reduce_sum3A_84 = vector.multi_reduction <add>, %reduce_sum3A_82, %reduce_sum3A_83 [1, 2] : vector<1x1x512xf32> to vector<1xf32>
      %reduce_sum3A_85 = vector.shape_cast %reduce_sum3A_84 : vector<1xf32> to vector<1x1x1xf32>
      %reduce_sum3A_86 = vector.extract %reduce_sum3A_85[0, 0, 0] : f32 from vector<1x1x1xf32>
      %convert_element_type3A_87 = arith.fptosi %reduce_sum3A_86 : f32 to i32
      %swap3A_88 = arith.constant 1 : index
      %swap3A_89 = memref.load %arg3[%swap3A_88] : memref<3xi32, #tpu.memory_space<smem>>
      memref.store %convert_element_type3A_87, %arg3[%swap3A_88] : memref<3xi32, #tpu.memory_space<smem>>
      %get3A_90 = arith.constant 2 : index
      %get3A_91 = arith.constant 0 : index
      %get3A_92 = arith.constant 0 : index
      %get3A_93 = vector.load %arg4[%get3A_90, %get3A_91, %get3A_92] : memref<3x8x512xf32, #tpu.memory_space<vmem>>, vector<1x1x512xf32>
      %get3A_94 = vector.shape_cast %get3A_93 : vector<1x1x512xf32> to vector<1x512xf32>
      %reduce_sum3A_95 = vector.shape_cast %get3A_94 : vector<1x512xf32> to vector<1x1x512xf32>
      %reduce_sum3A_96 = arith.constant dense<0.000000e+00> : vector<1xf32>
      %reduce_sum3A_97 = vector.multi_reduction <add>, %reduce_sum3A_95, %reduce_sum3A_96 [1, 2] : vector<1x1x512xf32> to vector<1xf32>
      %reduce_sum3A_98 = vector.shape_cast %reduce_sum3A_97 : vector<1xf32> to vector<1x1x1xf32>
      %reduce_sum3A_99 = vector.extract %reduce_sum3A_98[0, 0, 0] : f32 from vector<1x1x1xf32>
      %convert_element_type3A_100 = arith.fptosi %reduce_sum3A_99 : f32 to i32
      %swap3A_101 = arith.constant 2 : index
      %swap3A_102 = memref.load %arg3[%swap3A_101] : memref<3xi32, #tpu.memory_space<smem>>
      memref.store %convert_element_type3A_100, %arg3[%swap3A_101] : memref<3xi32, #tpu.memory_space<smem>>
    } else {
    }
    return
  }
  func.func @transform_0(%arg0: i32) -> (i32, i32, i32) {
    %add3A = arith.constant 8 : i32
    %add3A_0 = arith.addi %add3A, %arg0 : i32
    %c0_i32 = arith.constant 0 : i32
    %c0_i32_1 = arith.constant 0 : i32
    %c0_i32_2 = arith.constant 0 : i32
    return %add3A_0, %c0_i32, %c0_i32_1 : i32, i32, i32
  }
  func.func @transform_1(%arg0: i32) -> (i32, i32, i32) {
    %add3A = arith.constant 8 : i32
    %add3A_0 = arith.addi %add3A, %arg0 : i32
    %c0_i32 = arith.constant 0 : i32
    %c0_i32_1 = arith.constant 0 : i32
    %c0_i32_2 = arith.constant 0 : i32
    return %add3A_0, %c0_i32, %c0_i32_1 : i32, i32, i32
  }
  func.func @transform_2(%arg0: i32) -> i32 {
    %c0_i32 = arith.constant 0 : i32
    %c0_i32_0 = arith.constant 0 : i32
    return %c0_i32 : i32
  }
}

</mosaic_0001>

<sc_bundles>
// kernel: kernel.4.cloned.1.call-start
scs
__scs_entry_jumppad:
0x0: {  	(pc) =	sbr.rel $0x88, $3  }
0x1: {  	(tag) =	ssettag $0x0;
	lr =	simm.s32 $0x1  }
0x2: {  	[smem:$0x3F9F] =	sst lr;
	_ =	strace $0xD0000000  }
0x3: {  	_ = 	snop  }
0x4: {  	_ = 	snop  }
0x5: {  	_ = 	snop  }
0x6: {  	_ = 	snop  }
0x7: {  	_ = 	snop  }
__scs_overlays_trampoline_lowered:
0x8: {  	[smem:$0x3FAE] =	sst s0  }
0x9: {  	[smem:$0x3FAF] =	sst s1  }
0xa: {  	[smem:$0x3FB0] =	sst s2  }
0xb: {  	[smem:$0x3FB1] =	sst s3  }
0xc: {  	[smem:$0x3FB2] =	sst s4  }
0xd: {  	[smem:$0x3FB3] =	sst s5  }
0xe: {  	[smem:$0x3FB4] =	sst s6  }
0xf: {  	[smem:$0x3FB5] =	sst s7  }
0x10: {  	[smem:$0x3FB6] =	sst s8  }
0x11: {  	[smem:$0x3FB7] =	sst s9;
	s0 =	simm.s32 @!p0 $0x0  }
0x12: {  	s1 =	sld [smem:$0x3F9D];
	s0 =	simm.s32 @p0 $0x1  }
0x13: {  	[smem:$0x3FB8] =	sst s0;
	s0 =	simm.s32 @!p1 $0x0  }
0x14: {  	s2 =	sld [smem:$0x3F9C];
	s0 =	simm.s32 @p1 $0x1  }
0x15: {  	[smem:$0x3FB9] =	sst s0;
	s0 =	simm.s32 @!p2 $0x0  }
0x16: {  	s3 =	sld [smem:$0x3FDB];
	s0 =	simm.s32 @p2 $0x1  }
0x17: {  	s4 =	simm.s32 $0x1BF5;
	[smem:$0x3FBB] =	sst s0  }
0x18: {  	s0 =	sld [smem:$0x3F9E];
	_ =	swait.ge [sflag:s4], $0x0  }
0x19: {  	s7 =	sld [smem:$0x3F9F]  }
0x1a: {  	s8 =	sadd.s32 $0xFFFFE003, lr  }
0x1b: {  	s9 =	sadd.s32 $0xFFFFFEF7, lr;
	s5 =	simm.s32 $0xFFFFFFFF;
	p2 =	slt.u32 s8, $0xFFFFF086  }
0x1c: {  	p1 =	slt.u32 s9, $0xF7A;
	s5 =	simm.s32 @!p2 $0x0  }
0x1d: {  	s5 =	simm.s32 @p1 $0x1;
	p0 =	seq.s32 s7, s2  }
0x1e: {  	s7 =	smul.u32 @!p0 $0xF7A, s2;
	p2 =	seq.s32 @!p0 s5, $0x0  }
0x1f: {  	s9 =	smul.u32 $0xF7A, s1;
	s8 =	simm.s32 @!p0 $0x1BF5;
	p2 =	por !p2, p0  }
0x20: {  	[sflag:s8] =	ssyncset.s32 @!p0 $0xFFFFF086;
	s6 =	sadd.s32 @!p0 s3, s7;
	s7 =	simm.s32 @!p0 $0x108  }
0x21: {  	s3 =	sadd.s32 s3, s9;
	s6 =	sadd.s32 @!p0 $0x88, s6;
	s7 =	simm.s32 @p2 $0x1082  }
0x22: {  	[simem:s7], [sflag:s8] =	dma.local @!p0 [hbm:s6], $0xF7A  }
0x23: {  	s9 =	sor.u32 $0xD0000000, s2;
	s6 =	simm.s32 $0x108;
	_ =	swait.ge @!p0 [sflag:s8], $0x0  }
0x24: {  	s3 =	sadd.s32 $0x88, s3;
	s6 =	simm.s32 @!p1 $0x1082;
	[sflag:s4] =	ssyncset.s32 $0xFFFFF086  }
0x25: {  	[simem:s6], [sflag:s4] =	dma.local [hbm:s3], $0xF7A  }
0x26: {  	[smem:$0x3F9F] =	sst s1;
	(tag) =	ssettag s2;
	_ =	strace s9  }
0x27: {  	s1 =	sld [smem:$0x3FAF]  }
0x28: {  	s2 =	sld [smem:$0x3FB0]  }
0x29: {  	s4 =	sld [smem:$0x3FB2]  }
0x2a: {  	p0 =	seq.s32 s5, $0x0;
	s5 =	sld [smem:$0x3FB3]  }
0x2b: {  	s6 =	sld [smem:$0x3FB4]  }
0x2c: {  	s7 =	sld [smem:$0x3FB5]  }
0x2d: {  	s3 =	simm.s32 $0x108;
	s8 =	sld [smem:$0x3FB6]  }
0x2e: {  	s3 =	simm.s32 @!p0 $0x1082;
	s9 =	sld [smem:$0x3FB7]  }
0x2f: {  	lr =	sadd.s32 s0, s3;
	s0 =	sld [smem:$0x3FAE]  }
0x30: {  	s3 =	sld [smem:$0x3FB1]  }
0x31: {  	[smem:$0x3FBA] =	sst s10  }
0x32: {  	s10 =	sld [smem:$0x3FB8];
	_ =	sdelay $0x3  }
0x33: {  	p0 =	seq.s32 s10, $0x1;
	s10 =	sld [smem:$0x3FBA];
	_ =	sdelay $0x3  }
0x34: {  	[smem:$0x3FBA] =	sst s10  }
0x35: {  	s10 =	sld [smem:$0x3FB9];
	_ =	sdelay $0x3  }
0x36: {  	p1 =	seq.s32 s10, $0x1;
	s10 =	sld [smem:$0x3FBA];
	_ =	sdelay $0x3  }
0x37: {  	[smem:$0x3FBA] =	sst s10  }
0x38: {  	s10 =	sld [smem:$0x3FBB]  }
0x39: {  	_ = 	snop;
	(pc) =	sbr.ind lr, $3  }
0x3a: {  	_ = 	snop  }
0x3b: {  	_ = 	snop  }
0x3c: {  	p2 =	seq.s32 s10, $0x1;
	s10 =	sld [smem:$0x3FBA]  }
0x3d: {  	_ =	shalt  }
0x3e: {  	_ =	shalt  }
0x3f: {  	_ =	shalt  }
0x40: {  	_ =	shalt  }
0x41: {  	_ =	shalt  }
0x42: {  	_ =	shalt  }
0x43: {  	_ =	shalt  }
0x44: {  	_ =	shalt  }
0x45: {  	_ =	shalt  }
0x46: {  	_ =	shalt  }
0x47: {  	_ =	shalt  }
0x48: {  	_ =	shalt  }
0x49: {  	_ =	shalt  }
0x4a: {  	_ =	shalt  }
0x4b: {  	_ =	shalt  }
0x4c: {  	_ =	shalt  }
0x4d: {  	_ =	shalt  }
0x4e: {  	_ =	shalt  }
0x4f: {  	_ =	shalt  }
0x50: {  	_ =	shalt  }
0x51: {  	_ =	shalt  }
0x52: {  	_ =	shalt  }
0x53: {  	_ =	shalt  }
0x54: {  	_ =	shalt  }
0x55: {  	_ =	shalt  }
0x56: {  	_ =	shalt  }
0x57: {  	_ =	shalt  }
0x58: {  	_ =	shalt  }
0x59: {  	_ =	shalt  }
0x5a: {  	_ =	shalt  }
0x5b: {  	_ =	shalt  }
0x5c: {  	_ =	shalt  }
0x5d: {  	_ =	shalt  }
0x5e: {  	_ =	shalt  }
0x5f: {  	_ =	shalt  }
0x60: {  	_ =	shalt  }
0x61: {  	_ =	shalt  }
0x62: {  	_ =	shalt  }
0x63: {  	_ =	shalt  }
0x64: {  	_ =	shalt  }
0x65: {  	_ =	shalt  }
0x66: {  	_ =	shalt  }
0x67: {  	_ =	shalt  }
0x68: {  	_ =	shalt  }
0x69: {  	_ =	shalt  }
0x6a: {  	_ =	shalt  }
0x6b: {  	_ =	shalt  }
0x6c: {  	_ =	shalt  }
0x6d: {  	_ =	shalt  }
0x6e: {  	_ =	shalt  }
0x6f: {  	_ =	shalt  }
0x70: {  	_ =	shalt  }
0x71: {  	_ =	shalt  }
0x72: {  	_ =	shalt  }
0x73: {  	_ =	shalt  }
0x74: {  	_ =	shalt  }
0x75: {  	_ =	shalt  }
0x76: {  	_ =	shalt  }
0x77: {  	_ =	shalt  }
0x78: {  	_ =	shalt  }
0x79: {  	_ =	shalt  }
0x7a: {  	_ =	shalt  }
0x7b: {  	_ =	shalt  }
0x7c: {  	_ =	shalt  }
0x7d: {  	_ =	shalt  }
0x7e: {  	_ =	shalt  }
0x7f: {  	_ =	shalt  }
0x80: {  	_ =	shalt  }
0x81: {  	_ =	shalt  }
0x82: {  	_ =	shalt  }
0x83: {  	_ =	shalt  }
0x84: {  	_ =	shalt  }
0x85: {  	_ =	shalt  }
0x86: {  	_ =	shalt  }
0x87: {  	_ =	shalt  }
.Lfunc_end0:
.L_simem_size_0:
called_computation_lowered:
.L_overlay_start_0:
0x88: {  	s2 =	sld [smem:$0x3FD9]  }
0x89: {  	s3 =	sld [smem:$0x3FFE];
	_ =	sdelay $0x1  }
0x8a: {  	s1 =	srdreg.scid  }
0x8b: {  	s0 =	sand.u32 $0x1, s1  }
0x8c: {  	s17 =	sshll.u32 s0, $0xA;
	s2 =	sadd.s32 s3, s2  }
0x8d: {  	s2 =	sadd.s32 s2, s17  }
0x8e: {  	[smem:$0x3FC6] =	sst s2  }
0x8f: {  	_ = 	snop  }
0x90: {  	s2 =	sld [smem:$0x3FC9]  }
0x91: {  	s18 =	sld [smem:$0x3FC8];
	(tm) =	ssettm $0x1  }
0x92: {  	s4 =	sld [smem:$0x3FFB];
	_ =	sdelay $0x3  }
0x93: {  	_ =	strace s4  }
0x94: {  	s4 =	sld [smem:$0x3FFC];
	_ =	sdelay $0x3  }
0x95: {  	_ =	strace s4  }
0x96: {  	s4 =	sld [smem:$0x3FFD];
	_ =	sdelay $0x3  }
0x97: {  	_ =	strace s4  }
0x98: {  	_ =	strace $0x8FFFFFFF  }
0x99: {  	s19 =	sld [smem:$0x3FDB];
	_ =	sdelay $0x1  }
0x9a: {  	s5 =	simm.s32 $_scs_section_size  }
0x9b: {  	s6 =	simm.s32 $_size__tile_overlayer_lowered;
	s7 =	simm.s32 $_tile_overlayer_lowered  }
0x9c: {  	s22 =	simm.s32 $0x1BFF;
	s21 =	sshll.u32 s7, $0x1;
	s4 =	sadd.s32 s5, s19  }
0x9d: {  	s8 =	simm.s32 $0x0;
	s20 =	sshll.u32 s6, $0x1;
	s6 =	sadd.s32 s21, s4  }
0x9e: {  	[timem:s8], [sflag:s22] =	dma.local [hbm:s6], s20  }
0x9f: {  	_ =	swait.ge [sflag:s22], s20  }
0xa0: {  	s5 =	ssub.s32 $0x0, s20;
	[sflag:s22] =	ssyncset.done $0x0  }
0xa1: {  	[sflag:s22] =	ssyncadd.s32 s5;
	_ =	sdelay $0x1  }
0xa2: {  	s23 =	simm.s32 $0x1B8B  }
0xa3: {  	_ =	swait.ge [sflag:s23], $0x1  }
0xa4: {  	[sflag:s23] =	ssyncset.done $0x0  }
0xa5: {  	s25 =	simm.s32 $0x1B8E;
	s24 =	sld [smem:$0x3FFE];
	[sflag:s23] =	ssyncadd.s32 $0xFFFFFFFF  }
0xa6: {  	s26 =	simm.s32 $execute0_lowered;
	[smem:$0x3FD2] =	sst s25  }
0xa7: {  	s6 =	sshll.u32 s26, $0x1;
	_ =	strace $0x80000046;
	[dreg:$0x1] =	wrdreg $0xFFFFFFFF  }
0xa8: {  	s28 =	simm.s32 $_size_execute0_lowered;
	s4 =	sadd.s32 s4, s6;
	[dreg:$0x0] =	wrdreg $0x0  }
0xa9: {  	s6 =	sshll.u32 s28, $0x1;
	[dreg:$0x2] =	wrdreg s4  }
0xaa: {  	[dreg:$0x3] =	wrdreg s6  }
0xab: {  	[dreg:$0x4] =	wrdreg $0xC0  }
0xac: {  	_ =	task [dreg:s8], $0x5FFFF  }
0xad: {  	[dreg:$0x1] =	wrdreg $0xFFFFFFFF  }
0xae: {  	[dreg:$0x0] =	wrdreg $0x60  }
0xaf: {  	[dreg:$0x2] =	wrdreg s2  }
0xb0: {  	[dreg:$0x3] =	wrdreg s18  }
0xb1: {  	[dreg:$0x4] =	wrdreg s24  }
0xb2: {  	[dreg:$0x5] =	wrdreg $0x9  }
0xb3: {  	_ =	task.clear_ibuf [dreg:s8], $0x6FFFF;
	_ =	strace $0x90000046  }
0xb4: {  	s29 =	simm.s32 $0x9;
	_ =	strace $0x80000048  }
0xb5: {  	_ =	swait.ge [sflag:s29], $0x1  }
0xb6: {  	[sflag:s29] =	ssyncadd.s32 $0xFFFFFFFF  }
0xb7: {  	_ =	strace $0x90000048  }
0xb8: {  	_ =	sfence  }
0xb9: {  	s30 =	sld [smem:$0x0];
	_ =	sdelay $0x2  }
0xba: {  	s31 =	sshll.u32 s1, $0xD;
	s1 =	sshrl.u32 s1, $0x2  }
0xbb: {  	s3 =	sand.u32 $0x4000, s31;
	s1 =	sadd.s32 s1, s30  }
0xbc: {  	s0 =	sor.u32 s3, s0;
	s1 =	sshll.u32 s1, $0x11  }
0xbd: {  	s0 =	sor.u32 s1, s0  }
0xbe: {  	s0 =	sadd.s32 $0x8F2B, s0  }
0xbf: {  	[sflag:s0] =	ssyncadd.remote.s32 $0x1  }
0xc0: {  	_ =	sfence.sel $0xFFFF  }
0xc1: {  	[dreg:$0x0] =	wrdreg $0xFFFFFFFF;
	(pc) =	sbr.abs _section_cstart, $3  }
0xc2: {  	[dreg:$0x1] =	wrdreg $0xFFFFFFFF  }
0xc3: {  	_ =	task.clear_ibuf [dreg:s8], $0x2FFFF;
	_ =	strace $0x9FFFFFFF  }
0xc4: {  	(tm) =	ssettm $0x7FFFFFFF  }
0xc5: {  	_ =	shalt  }
tec
execute0_lowered:
.L_overlay_start_1:
0x0: {  	(tag) =	ssettag $0x1  }
0x1: {  	s0 =	rddreg [dreg:$0x0]  }
0x2: {  	s9 =	rddreg [dreg:$0x1]  }
0x3: {  	s2 =	rddreg [dreg:$0x2];
	s1 =	simm.s32 $0x0;
	s18 =	stileid.u32  }
0x4: {  	s3 =	srdreg.scid;
	s15 =	simm.s32 $0x4000;
	s16 =	simm.s32 $0xC000  }
0x5: {  	s17 =	simm.s32 $0x2;
	s19 =	simm.s32 $0x3;
	s21 =	simm.s32 $0x11C00  }
0x6: {  	s22 =	simm.s32 $0x11E00;
	s23 =	simm.s32 $0x12000;
	s24 =	simm.s32 $0x0  }
0x7: {  	[smem:$0x7FF] =	sst s1;
	s4 =	sshll.u32 s18, $0x1;
	s8 =	sand.u32 $0x1, s3  }
0x8: {  	s5 =	sshll.u32 s18, $0xE;
	s11 =	sadd.s32 $0x600, s2;
	s13 =	sshll.u32 s18, $0x6  }
0x9: {  	p0 =	sne.s32 s18, $0x0;
	s18 =	simm.s32 $0x10000;
	_ =	strace $0x80000047  }
0xa: {  	s30 =	sand.u32 $0x2, s4;
	s31 =	ssub.s32 $0x2, s8;
	s5 =	sand.u32 $0x38000, s5  }
0xb: {  	s14 =	sshll.u32 s8, $0xA;
	s3 =	sor.u32 s8, s30;
	s6 =	sshrl.u32 s31, $0x1  }
0xc: {  	s13 =	sadd.s32 s11, s13;
	s3 =	sshll.u32 s3, $0xD;
	s12 =	ssub.s32 s31, s6  }
0xd: {  	s11 =	sadd.s32 s11, s14;
	s10 =	sor.u32 s5, s3;
	s12 =	smax.u32 s12, $0x1  }
.Ltmp0:
0xe: {  	s2 =	sadd.s32 s0, s10;
	s3 =	sadd.s32 s9, s10;
	(pc) =	sbr.rel .LBB2_1-.Ltmp0, $4  }
0xf: {  	s5 =	sor.u32 $0x800, s10;
	s7 =	sor.u32 $0x1000, s10;
	s10 =	sor.u32 $0x1800, s10  }
0x10: {  	s4 =	sadd.s32 s0, s5;
	s5 =	sadd.s32 s9, s5;
	s6 =	sadd.s32 s0, s7  }
0x11: {  	s7 =	sadd.s32 s9, s7;
	s8 =	sadd.s32 s0, s10;
	s9 =	sadd.s32 s9, s10  }
0x12: {  	s10 =	sadd.s32 s14, s13;
	s13 =	simm.s32 $0x8000;
	s14 =	simm.s32 $0x1  }
.LBB2_11:
0x13: {  	s24 =	sadd.s32 $0x1, s24  }
0x14: {  	p1 =	sne.s32 s24, s12  }
.Ltmp1:
0x15: {  	_ = 	snop;
	(pc) =	sbr.rel @!p1 .LBB2_12-.Ltmp1, $1  }
0x16: {  	_ =	sdelay $0x3  }
.LBB2_1:
0x17: {  	[tilespmem:s1], [sflag:$0x1] =	stream.linear.gather [hbm4b:s2+s1], $0x4000, $0x38;
	[tilespmem:$0x12200] =	vst v63  }
0x18: {  	_ = 	snop  }
0x19: {  	[tilespmem:s13], [sflag:$0x1] =	stream.linear.gather [hbm4b:s3+s1], $0x4000, $0x38;
	[tilespmem:$0x12200] =	vst v63  }
0x1a: {  	_ =	swait.ge [sflag:s14], $0x4000  }
0x1b: {  	[sflag:s14] =	ssyncset.done $0x0  }
0x1c: {  	[sflag:s14] =	ssyncadd.s32 $0xFFFFC000  }
0x1d: {  	_ =	swait.ge [sflag:s14], $0x4000  }
0x1e: {  	[sflag:s14] =	ssyncset.done $0x0  }
0x1f: {  	s25 =	sand.u32 $0x3000, s1;
	s26 =	sand.u32 $0x380, s1;
	[sflag:s14] =	ssyncadd.s32 $0xFFFFC000  }
0x20: {  	[tilespmem:s15], [sflag:$0x2] =	stream.linear.gather [hbm4b:s4+s1], $0x4000, $0x38;
	[tilespmem:$0x12200] =	vst v63  }
0x21: {  	s25 =	sor.u32 s26, s25  }
0x22: {  	[tilespmem:s16], [sflag:$0x2] =	stream.linear.gather [hbm4b:s5+s1], $0x4000, $0x38;
	[tilespmem:$0x12200] =	vst v63  }
0x23: {  	v2 =	vld [tilespmem:s25+$0x8800]  }
0x24: {  	v1 =	vld [tilespmem:s25+$0x420]  }
0x25: {  	v3 =	vld [tilespmem:s25+$0x800]  }
0x26: {  	v4 =	vld [tilespmem:s25+$0x8400]  }
0x27: {  	v0 =	vld [tilespmem:s25+$0x8810]  }
0x28: {  	v5 =	vld [tilespmem:s25+$0x810]  }
0x29: {  	v6 =	vld [tilespmem:s25+$0x8410]  }
0x2a: {  	v7 =	vld [tilespmem:s25+$0x8030]  }
0x2b: {  	v8 =	vld [tilespmem:s25+$0x400]  }
0x2c: {  	v10 =	vld [tilespmem:s25+$0x410]  }
0x2d: {  	v11 =	vld [tilespmem:s25+$0x8010]  }
0x2e: {  	v12 =	vld [tilespmem:s25+$0x8000]  }
0x2f: {  	v13 =	vld [tilespmem:s25+$0x10]  }
0x30: {  	v14 =	vld [tilespmem:s25+$0x40]  }
0x31: {  	v18 =	vld [tilespmem:s25+$0x30]  }
0x32: {  	v15 =	vimm.s32 $0x0;
	v9 =	vld [tilespmem:s25+$0x60]  }
0x33: {  	v16 =	vld [tilespmem:s25+$0x8040];
	v17 =	vadd.s32 $0x10000, v7;
	vm0 =	vgt.f32 v10, $0.0e+00;
	v10 =	vadd.s32 $0x10000, v6  }
0x34: {  	v19 =	vld [tilespmem:s25+$0x8020];
	v20 =	vadd.s32 $0x10000, v11;
	v21 =	vadd.s32 $0x10000, v0;
	vm2 =	vgt.f32 v13, $0.0e+00  }
0x35: {  	v25 =	vld [tilespmem:s25+$0x8420];
	vm4 =	vgt.f32 v14, $0.0e+00;
	vm5 =	vgt.f32 v8, $0.0e+00;
	v23 =	vadd.s32 $0x10000, v12  }
0x36: {  	v28 =	vld [tilespmem:s25+$0x450];
	vm1 =	vgt.f32 v18, $0.0e+00;
	vm3 =	vgt.f32 v3, $0.0e+00;
	v32 =	vadd.s32 $0x10000, v2  }
0x37: {  	v8 =	vld [tilespmem:s25+$0x20];
	v10 =	vsel vm0, v10, v6;
	v6 =	vnsel vm0, $0x0, v6;
	vm0 =	vgt.f32 v5, $0.0e+00  }
0x38: {  	v5 =	vld [tilespmem:s25+$0x0];
	v14 =	vnsel vm4, $0x0, v16;
	v27 =	vnsel vm2, $0x0, v11;
	v17 =	vsel vm1, v17, v7  }
0x39: {  	v22 =	vld [tilespmem:s25+$0x8050];
	v11 =	vsel vm2, v20, v11;
	v7 =	vnsel vm1, $0x0, v7;
	v21 =	vsel vm0, v21, v0  }
0x3a: {  	v13 =	vld [tilespmem:s25+$0x50];
	v0 =	vnsel vm0, $0x0, v0;
	vm0 =	vgt.f32 v1, $0.0e+00;
	v1 =	vadd.s32 $0x10000, v4  }
0x3b: {  	v26 =	vld [tilespmem:s25+$0x70];
	v32 =	vsel vm3, v32, v2;
	vm2 =	vgt.f32 v28, $0.0e+00;
	v24 =	vsel vm5, v1, v4  }
0x3c: {  	v18 =	vld [tilespmem:s25+$0x8060];
	v1 =	vnsel vm3, $0x0, v2;
	v4 =	vnsel vm5, $0x0, v4;
	v29 =	vnsel vm0, $0x0, v25  }
0x3d: {  	v30 =	vld [tilespmem:s25+$0x8450];
	vm5 =	vgt.f32 v8, $0.0e+00;
	vm6 =	vgt.f32 v5, $0.0e+00;
	v5 =	vadd.s32 $0x10000, v16  }
0x3e: {  	v31 =	vld [tilespmem:s25+$0x8460];
	v20 =	vnsel vm5, $0x0, v19;
	v3 =	vnsel vm6, $0x0, v12;
	v5 =	vsel vm4, v5, v16  }
0x3f: {  	v33 =	vld [tilespmem:s25+$0x8070];
	vm4 =	vgt.f32 v13, $0.0e+00;
	v13 =	vadd.s32 $0x10000, v22;
	v12 =	vsel vm6, v23, v12  }
0x40: {  	v35 =	vld [tilespmem:s25+$0x440];
	v3 =	vadd.s32 v15, v3;
	v13 =	vsel vm4, v13, v22;
	v8 =	vnsel vm4, $0x0, v22  }
0x41: {  	v23 =	vld [tilespmem:s25+$0x8440];
	v22 =	vadd.s32 $0x10000, v18;
	v12 =	vadd.s32 v15, v12;
	vm4 =	vgt.f32 v9, $0.0e+00  }
0x42: {  	v9 =	vadd.s32 $0x10000, v25;
	v15 =	vld [tilespmem:s25+$0x460];
	v11 =	vadd.s32 v11, v12;
	v12 =	vadd.s32 $0x10000, v19  }
0x43: {  	v60 =	vld [tilespmem:s25+$0x8820];
	v9 =	vsel vm0, v9, v25;
	vm0 =	vgt.f32 v26, $0.0e+00;
	v3 =	vadd.s32 v27, v3  }
0x44: {  	v61 =	vld [tilespmem:s25+$0x8850];
	v2 =	vsel vm5, v12, v19;
	v12 =	vnsel vm4, $0x0, v18;
	v3 =	vadd.s32 v20, v3  }
0x45: {  	v16 =	vld [tilespmem:s25+$0x430];
	v2 =	vadd.s32 v2, v11;
	v11 =	vadd.s32 $0x10000, v30;
	v3 =	vadd.s32 v7, v3  }
0x46: {  	v19 =	vld [tilespmem:s25+$0x470];
	v34 =	vadd.s32 $0x10000, v23;
	v2 =	vadd.s32 v17, v2;
	v17 =	vsel vm4, v22, v18  }
0x47: {  	v18 =	vld [tilespmem:s25+$0x8470];
	vm4 =	vgt.f32 v35, $0.0e+00;
	v3 =	vadd.s32 v14, v3;
	vm3 =	vgt.f32 v15, $0.0e+00  }
0x48: {  	v22 =	vld [tilespmem:s25+$0x8430];
	v5 =	vadd.s32 v5, v2;
	v7 =	vsel vm4, v34, v23;
	v3 =	vadd.s32 v8, v3  }
0x49: {  	v15 =	vld [tilespmem:s25+$0x820];
	v2 =	vnsel vm3, $0x0, v31;
	v5 =	vadd.s32 v13, v5;
	v13 =	vnsel vm0, $0x0, v33  }
0x4a: {  	v62 =	vld [tilespmem:s25+$0x870];
	v3 =	vadd.s32 v12, v3;
	v5 =	vadd.s32 v17, v5;
	v17 =	vadd.s32 $0x10000, v33  }
0x4b: {  	v63 =	vld [tilespmem:s25+$0xC60];
	vm5 =	vgt.f32 v19, $0.0e+00;
	v3 =	vadd.s32 v13, v3;
	v17 =	vsel vm0, v17, v33  }
0x4c: {  	v20 =	vld [tilespmem:s25+$0x830];
	vm0 =	vgt.f32 v16, $0.0e+00;
	v3 =	vadd.s32 v4, v3;
	v5 =	vadd.s32 v17, v5  }
0x4d: {  	v19 =	vld [tilespmem:s25+$0x8830];
	v14 =	vnsel vm0, $0x0, v22;
	v8 =	vadd.s32 $0x10000, v22;
	v12 =	vadd.s32 $0x10000, v18  }
0x4e: {  	v16 =	vld [tilespmem:s25+$0x850];
	v3 =	vadd.s32 v6, v3;
	vm1 =	vgt.f32 v15, $0.0e+00;
	v5 =	vadd.s32 v24, v5  }
0x4f: {  	v13 =	vld [tilespmem:s25+$0xC10];
	v8 =	vsel vm0, v8, v22;
	v3 =	vadd.s32 v29, v3;
	v5 =	vadd.s32 v10, v5  }
0x50: {  	v22 =	vnsel vm4, $0x0, v23;
	v10 =	vld [tilespmem:s25+$0x860];
	v14 =	vadd.s32 v14, v3;
	v5 =	vadd.s32 v9, v5  }
0x51: {  	v15 =	vld [tilespmem:s25+$0x840];
	v9 =	vnsel vm2, $0x0, v30;
	v22 =	vadd.s32 v22, v14;
	v5 =	vadd.s32 v8, v5  }
0x52: {  	v8 =	vsel vm2, v11, v30;
	v11 =	vadd.s32 $0x10000, v31;
	v5 =	vadd.s32 v7, v5;
	v7 =	vld [tilespmem:s25+$0xC00]  }
0x53: {  	v6 =	vld [tilespmem:s25+$0x8840];
	v14 =	vadd.s32 $0x10000, v61;
	vm0 =	vgt.f32 v16, $0.0e+00;
	v11 =	vsel vm3, v11, v31  }
0x54: {  	vm3 =	vgt.f32 v13, $0.0e+00;
	v13 =	vadd.s32 $0x10000, v19;
	v8 =	vadd.s32 v8, v5;
	v5 =	vld [tilespmem:s25+$0x8C00]  }
0x55: {  	vm4 =	vgt.f32 v10, $0.0e+00;
	v4 =	vadd.s32 v11, v8;
	v10 =	vsel vm5, v12, v18;
	v11 =	vld [tilespmem:s25+$0xC20]  }
0x56: {  	v3 =	vld [tilespmem:s25+$0x8C50];
	vm6 =	vgt.f32 v15, $0.0e+00;
	v12 =	vnsel vm5, $0x0, v18;
	v4 =	vadd.s32 v10, v4  }
0x57: {  	v15 =	vld [tilespmem:s25+$0xC40];
	v10 =	vadd.s32 $0x10000, v60;
	v4 =	vadd.s32 v32, v4;
	vm5 =	vgt.f32 v7, $0.0e+00  }
0x58: {  	v16 =	vld [tilespmem:s25+$0x8860];
	v4 =	vadd.s32 v21, v4;
	v7 =	vsel vm1, v10, v60;
	v10 =	vnsel vm1, $0x0, v60  }
0x59: {  	v18 =	vld [tilespmem:s25+$0xC50];
	vm1 =	vgt.f32 v20, $0.0e+00;
	v17 =	vadd.s32 $0x10000, v5;
	v7 =	vadd.s32 v7, v4  }
0x5a: {  	v4 =	vld [tilespmem:s25+$0x8C40];
	v13 =	vsel vm1, v13, v19;
	vm2 =	vgt.f32 v11, $0.0e+00;
	v11 =	vnsel vm1, $0x0, v19  }
0x5b: {  	v8 =	vld [tilespmem:s25+$0x8870];
	v19 =	vadd.s32 v13, v7;
	v7 =	vadd.s32 $0x10000, v6;
	v13 =	vnsel vm6, $0x0, v6  }
0x5c: {  	vm1 =	vgt.f32 v15, $0.0e+00;
	v15 =	vnsel vm0, $0x0, v61;
	v20 =	vsel vm6, v7, v6;
	v7 =	vld [tilespmem:s25+$0xC30]  }
0x5d: {  	vm6 =	vgt.f32 v62, $0.0e+00;
	v6 =	vadd.s32 v20, v19;
	v19 =	vld [tilespmem:s25+$0xC70];
	v20 =	vsel vm0, v14, v61  }
0x5e: {  	vm0 =	vgt.f32 v18, $0.0e+00;
	v21 =	vadd.s32 v20, v6;
	v6 =	vadd.s32 $0x10000, v16;
	v20 =	vld [tilespmem:s25+$0x8C10]  }
0x5f: {  	v18 =	vadd.s32 $0x10000, v3;
	v14 =	vadd.s32 $0x10000, v4;
	v23 =	vsel vm4, v6, v16;
	v6 =	vld [tilespmem:s25+$0x8C70]  }
0x60: {  	s29 =	simm.s32 $0x200;
	s26 =	simm.s32 $0x80;
	v16 =	vnsel vm4, $0x0, v16;
	vm4 =	vgt.f32 v63, $0.0e+00;
	v23 =	vadd.s32 v23, v21;
	v21 =	vld [tilespmem:s25+$0x8C20]  }
.LBB2_2:
0x61: {  	s28 =	smov.u32 s29  }
0x62: {  	s30 =	sand.u32 $0x3000, s29;
	s31 =	sand.u32 $0x380, s26;
	v9 =	vadd.s32 v9, v22;
	v22 =	vadd.s32 $0x10000, v8;
	v24 =	vnsel vm6, $0x0, v8;
	v25 =	vld [tilespmem:s25+$0x8C60];
	s28 =	sadd.s32 $0x200, s29  }
0x63: {  	p1 =	sne.s32 s29, $0x3E00;
	v17 =	vsel vm5, v17, v5;
	v9 =	vadd.s32 v2, v9;
	v8 =	vsel vm6, v22, v8;
	v22 =	vld [tilespmem:s25+$0x8C30];
	s25 =	sor.u32 s31, s30  }
0x64: {  	v5 =	vnsel vm5, $0x0, v5;
	v9 =	vadd.s32 v12, v9;
	v8 =	vadd.s32 v8, v23;
	v2 =	vld [tilespmem:s25+$0x8800]  }
0x65: {  	vm5 =	vgt.f32 v19, $0.0e+00;
	v8 =	vadd.s32 v17, v8;
	v17 =	vadd.s32 $0x10000, v20;
	v12 =	vld [tilespmem:s25+$0x420]  }
0x66: {  	v1 =	vadd.s32 v1, v9;
	v9 =	vsel vm3, v17, v20;
	v17 =	vnsel vm3, $0x0, v20;
	v19 =	vld [tilespmem:s25+$0x800]  }
0x67: {  	v0 =	vadd.s32 v0, v1;
	v1 =	vadd.s32 v9, v8;
	v8 =	vadd.s32 $0x10000, v21;
	v20 =	vld [tilespmem:s25+$0x8400]  }
0x68: {  	v0 =	vadd.s32 v10, v0;
	v10 =	vnsel vm2, $0x0, v21;
	v8 =	vsel vm2, v8, v21;
	v9 =	vld [tilespmem:s25+$0x8810]  }
0x69: {  	v23 =	vadd.s32 $0x10000, v6;
	v1 =	vadd.s32 v8, v1;
	v8 =	vadd.s32 $0x10000, v22;
	v21 =	vld [tilespmem:s25+$0x810]  }
0x6a: {  	v0 =	vadd.s32 v11, v0;
	vm2 =	vgt.f32 v7, $0.0e+00;
	v7 =	vsel vm0, v18, v3;
	v26 =	vld [tilespmem:s25+$0x8410]  }
0x6b: {  	v0 =	vadd.s32 v13, v0;
	v13 =	vsel vm1, v14, v4;
	v8 =	vsel vm2, v8, v22;
	v11 =	vld [tilespmem:s25+$0x8030]  }
0x6c: {  	v4 =	vnsel vm1, $0x0, v4;
	v0 =	vadd.s32 v15, v0;
	v15 =	vnsel vm2, $0x0, v22;
	v14 =	vld [tilespmem:s25+$0x400]  }
0x6d: {  	v0 =	vadd.s32 v16, v0;
	v1 =	vadd.s32 v8, v1;
	v8 =	vnsel vm4, $0x0, v25;
	v18 =	vld [tilespmem:s25+$0x60]  }
0x6e: {  	v0 =	vadd.s32 v24, v0;
	v1 =	vadd.s32 v13, v1;
	v13 =	vadd.s32 $0x10000, v25;
	v16 =	vld [tilespmem:s25+$0x410]  }
0x6f: {  	v0 =	vadd.s32 v5, v0;
	v1 =	vadd.s32 v7, v1;
	v5 =	vsel vm4, v13, v25;
	v22 =	vld [tilespmem:s25+$0x8010]  }
0x70: {  	v0 =	vadd.s32 v17, v0;
	v17 =	vnsel vm0, $0x0, v3;
	v7 =	vld [tilespmem:s25+$0x8000];
	v13 =	vadd.s32 $0x10000, v11  }
0x71: {  	v1 =	vadd.s32 v5, v1;
	v3 =	vsel vm5, v23, v6;
	v0 =	vadd.s32 v10, v0;
	v24 =	vld [tilespmem:s25+$0x10]  }
0x72: {  	v10 =	vadd.s32 v3, v1;
	v1 =	vnsel vm5, $0x0, v6;
	v0 =	vadd.s32 v15, v0;
	v5 =	vld [tilespmem:s25+$0x8040]  }
0x73: {  	v3 =	vadd.s32 $0x10000, v26;
	v0 =	vadd.s32 v4, v0;
	v6 =	vld [tilespmem:s25+$0x40];
	vm0 =	vgt.f32 v16, $0.0e+00  }
0x74: {  	v0 =	vadd.s32 v17, v0;
	v15 =	vld [tilespmem:s25+$0x30];
	v16 =	vsel vm0, v3, v26;
	v3 =	vnsel vm0, $0x0, v26  }
0x75: {  	v0 =	vadd.s32 v8, v0;
	vm0 =	vgt.f32 v21, $0.0e+00;
	v17 =	vld [tilespmem:s25+$0x8020]  }
0x76: {  	v4 =	vadd.s32 $0x10000, v9;
	v23 =	vadd.s32 v1, v0;
	v21 =	vadd.s32 $0x10000, v22;
	v8 =	vld [tilespmem:s25+$0x0]  }
0x77: {  	v4 =	vsel vm0, v4, v9;
	vm2 =	vgt.f32 v24, $0.0e+00;
	v24 =	vld [tilespmem:s25+$0x50]  }
0x78: {  	v0 =	vnsel vm0, $0x0, v9;
	v25 =	vld [tilespmem:s25+$0x20];
	vm4 =	vgt.f32 v6, $0.0e+00  }
0x79: {  	vm1 =	vgt.f32 v12, $0.0e+00;
	vm5 =	vgt.f32 v14, $0.0e+00;
	v6 =	vnsel vm4, $0x0, v5;
	v9 =	vld [tilespmem:s25+$0x8050]  }
0x7a: {  	v1 =	vadd.s32 $0x10000, v20;
	v12 =	vadd.s32 $0x10000, v7;
	vm0 =	vgt.f32 v15, $0.0e+00;
	v14 =	vld [tilespmem:s25+$0x8060]  }
0x7b: {  	vm3 =	vgt.f32 v19, $0.0e+00;
	vm6 =	vgt.f32 v8, $0.0e+00;
	v8 =	vadd.s32 $0x10000, v5;
	v15 =	vld [tilespmem:s25+$0x70]  }
0x7c: {  	v26 =	vsel vm5, v1, v20;
	v1 =	vnsel vm3, $0x0, v2;
	v19 =	vnsel vm6, $0x0, v7;
	v27 =	vld [tilespmem:s25+$0x8420]  }
0x7d: {  	v28 =	vnsel vm2, $0x0, v22;
	v13 =	vsel vm0, v13, v11;
	v5 =	vsel vm4, v8, v5;
	v8 =	vld [tilespmem:s25+$0x430]  }
0x7e: {  	v20 =	vnsel vm5, $0x0, v20;
	vm4 =	vgt.f32 v24, $0.0e+00;
	v24 =	vadd.s32 $0x10000, v9;
	v29 =	vld [tilespmem:s25+$0x440]  }
0x7f: {  	v7 =	vsel vm6, v12, v7;
	v12 =	vadd.s32 v23, v19;
	v19 =	vsel vm4, v24, v9;
	v23 =	vld [tilespmem:s25+$0x8440]  }
0x80: {  	vm5 =	vgt.f32 v25, $0.0e+00;
	v9 =	vnsel vm4, $0x0, v9;
	v24 =	vadd.s32 $0x10000, v14;
	v25 =	vld [tilespmem:s25+$0x450]  }
0x81: {  	v21 =	vsel vm2, v21, v22;
	v22 =	vnsel vm5, $0x0, v17;
	v30 =	vnsel vm1, $0x0, v27;
	v31 =	vld [tilespmem:s25+$0x8450]  }
0x82: {  	vm2 =	vgt.f32 v18, $0.0e+00;
	v7 =	vadd.s32 v10, v7;
	v10 =	vadd.s32 $0x10000, v27;
	v18 =	vld [tilespmem:s25+$0x460]  }
0x83: {  	v33 =	vadd.s32 $0x10000, v2;
	v7 =	vadd.s32 v21, v7;
	v21 =	vadd.s32 $0x10000, v17;
	v32 =	vld [tilespmem:s25+$0x8460]  }
0x84: {  	v33 =	vsel vm3, v33, v2;
	v11 =	vnsel vm0, $0x0, v11;
	v34 =	vld [tilespmem:s25+$0x8070];
	v35 =	vadd.s32 $0x10000, v23  }
0x85: {  	v2 =	vsel vm5, v21, v17;
	v17 =	vnsel vm2, $0x0, v14;
	vm0 =	vgt.f32 v25, $0.0e+00;
	v21 =	vld [tilespmem:s25+$0x470]  }
0x86: {  	v2 =	vadd.s32 v2, v7;
	v7 =	vsel vm1, v10, v27;
	v10 =	vadd.s32 $0x10000, v31;
	v25 =	vld [tilespmem:s25+$0x8470]  }
0x87: {  	v2 =	vadd.s32 v13, v2;
	v13 =	vsel vm2, v24, v14;
	vm2 =	vgt.f32 v18, $0.0e+00;
	v14 =	vld [tilespmem:s25+$0x820]  }
0x88: {  	v5 =	vadd.s32 v5, v2;
	vm1 =	vgt.f32 v15, $0.0e+00;
	v15 =	vld [tilespmem:s25+$0x8430];
	v2 =	vnsel vm2, $0x0, v32  }
0x89: {  	v12 =	vadd.s32 v28, v12;
	v5 =	vadd.s32 v19, v5;
	v18 =	vnsel vm1, $0x0, v34;
	v19 =	vld [tilespmem:s25+$0x8820]  }
0x8a: {  	v12 =	vadd.s32 v22, v12;
	v5 =	vadd.s32 v13, v5;
	v13 =	vadd.s32 $0x10000, v34;
	v22 =	vld [tilespmem:s25+$0x830]  }
0x8b: {  	vm4 =	vgt.f32 v8, $0.0e+00;
	v13 =	vsel vm1, v13, v34;
	vm3 =	vgt.f32 v21, $0.0e+00;
	v21 =	vld [tilespmem:s25+$0x8830]  }
0x8c: {  	vm5 =	vgt.f32 v29, $0.0e+00;
	v5 =	vadd.s32 v13, v5;
	vm1 =	vgt.f32 v14, $0.0e+00;
	v8 =	vld [tilespmem:s25+$0x840]  }
0x8d: {  	v11 =	vadd.s32 v11, v12;
	v12 =	vsel vm5, v35, v23;
	v5 =	vadd.s32 v26, v5;
	v13 =	vld [tilespmem:s25+$0x850]  }
0x8e: {  	v6 =	vadd.s32 v6, v11;
	v5 =	vadd.s32 v16, v5;
	v14 =	vnsel vm4, $0x0, v15;
	v16 =	vld [tilespmem:s25+$0x8850]  }
0x8f: {  	v6 =	vadd.s32 v9, v6;
	v5 =	vadd.s32 v7, v5;
	v7 =	vadd.s32 $0x10000, v15;
	v11 =	vld [tilespmem:s25+$0x860]  }
0x90: {  	v6 =	vadd.s32 v17, v6;
	v7 =	vsel vm4, v7, v15;
	v15 =	vnsel vm5, $0x0, v23;
	v24 =	vld [tilespmem:s25+$0x870]  }
0x91: {  	v5 =	vadd.s32 v7, v5;
	v7 =	vsel vm0, v10, v31;
	vm6 =	vgt.f32 v8, $0.0e+00;
	v8 =	vld [tilespmem:s25+$0x8870]  }
0x92: {  	v9 =	vnsel vm0, $0x0, v31;
	v5 =	vadd.s32 v12, v5;
	vm0 =	vgt.f32 v13, $0.0e+00;
	v10 =	vld [tilespmem:s25+$0xC00]  }
0x93: {  	v6 =	vadd.s32 v18, v6;
	v12 =	vadd.s32 $0x10000, v32;
	v7 =	vadd.s32 v7, v5;
	v5 =	vld [tilespmem:s25+$0x8C00]  }
0x94: {  	v12 =	vsel vm2, v12, v32;
	v13 =	vadd.s32 $0x10000, v25;
	vm4 =	vgt.f32 v11, $0.0e+00;
	v11 =	vld [tilespmem:s25+$0xC10]  }
0x95: {  	v6 =	vadd.s32 v20, v6;
	v7 =	vadd.s32 v12, v7;
	v12 =	vsel vm3, v13, v25;
	v13 =	vld [tilespmem:s25+$0xC20]  }
0x96: {  	v3 =	vadd.s32 v3, v6;
	v6 =	vadd.s32 v12, v7;
	v12 =	vnsel vm3, $0x0, v25;
	v18 =	vld [tilespmem:s25+$0x8840]  }
0x97: {  	v17 =	vadd.s32 $0x10000, v19;
	v6 =	vadd.s32 v33, v6;
	vm5 =	vgt.f32 v10, $0.0e+00;
	v7 =	vld [tilespmem:s25+$0xC30]  }
0x98: {  	v4 =	vadd.s32 v4, v6;
	v6 =	vsel vm1, v17, v19;
	v17 =	vadd.s32 $0x10000, v5;
	v20 =	vld [tilespmem:s25+$0xC40]  }
0x99: {  	v6 =	vadd.s32 v6, v4;
	v10 =	vnsel vm1, $0x0, v19;
	vm3 =	vgt.f32 v11, $0.0e+00;
	v4 =	vld [tilespmem:s25+$0x8C40]  }
0x9a: {  	vm1 =	vgt.f32 v22, $0.0e+00;
	v11 =	vadd.s32 $0x10000, v21;
	v23 =	vld [tilespmem:s25+$0x8860];
	vm2 =	vgt.f32 v13, $0.0e+00  }
0x9b: {  	v3 =	vadd.s32 v30, v3;
	v13 =	vsel vm1, v11, v21;
	v11 =	vnsel vm1, $0x0, v21;
	v21 =	vld [tilespmem:s25+$0xC50]  }
0x9c: {  	v14 =	vadd.s32 v14, v3;
	v6 =	vadd.s32 v13, v6;
	v13 =	vadd.s32 $0x10000, v18;
	v3 =	vld [tilespmem:s25+$0x8C50]  }
0x9d: {  	v19 =	vsel vm6, v13, v18;
	v13 =	vnsel vm6, $0x0, v18;
	vm1 =	vgt.f32 v20, $0.0e+00;
	v25 =	vld [tilespmem:s25+$0xC60]  }
.Ltmp2:
0x9e: {  	v22 =	vadd.s32 v15, v14;
	v14 =	vadd.s32 $0x10000, v16;
	v6 =	vadd.s32 v19, v6;
	v19 =	vld [tilespmem:s25+$0xC70];
	(pc) =	sbr.rel @p1 .LBB2_2-.Ltmp2, $4  }
0x9f: {  	v15 =	vnsel vm0, $0x0, v16;
	v18 =	vsel vm0, v14, v16;
	v14 =	vadd.s32 $0x10000, v4  }
0xa0: {  	v26 =	vadd.s32 v18, v6;
	v6 =	vadd.s32 $0x10000, v23;
	v20 =	vld [tilespmem:s25+$0x8C10];
	vm0 =	vgt.f32 v21, $0.0e+00  }
0xa1: {  	v16 =	vnsel vm4, $0x0, v23;
	v21 =	vsel vm4, v6, v23;
	v18 =	vadd.s32 $0x10000, v3;
	v6 =	vld [tilespmem:s25+$0x8C70]  }
0xa2: {  	s26 =	sadd.s32 $0x80, s26;
	s29 =	smov.u32 s28;
	vm6 =	vgt.f32 v24, $0.0e+00;
	v23 =	vadd.s32 v21, v26;
	v21 =	vld [tilespmem:s25+$0x8C20];
	vm4 =	vgt.f32 v25, $0.0e+00  }
0xa3: {  	v24 =	vld [tilespmem:s25+$0x8C60]  }
0xa4: {  	v25 =	vld [tilespmem:s25+$0x8C30];
	_ =	swait.ge [sflag:s17], $0x4000  }
0xa5: {  	[sflag:s17] =	ssyncset.done $0x0  }
0xa6: {  	[sflag:s17] =	ssyncadd.s32 $0xFFFFC000  }
0xa7: {  	_ =	swait.ge [sflag:s17], $0x4000  }
0xa8: {  	s0 =	simm.s32 $0x0;
	[sflag:s17] =	ssyncset.done $0x0  }
0xa9: {  	v9 =	vadd.s32 v9, v22;
	s26 =	sand.u32 $0x3000, s0;
	s28 =	sand.u32 $0x380, s0;
	[sflag:s17] =	ssyncadd.s32 $0xFFFFC000  }
0xaa: {  	v22 =	vadd.s32 $0x10000, v8;
	v2 =	vadd.s32 v2, v9;
	[tilespmem:s0], [sflag:$0x1] =	stream.linear.gather [hbm4b:s6+s0], $0x4000, $0x38;
	[tilespmem:$0x12200] =	vst v63  }
0xab: {  	v26 =	vnsel vm6, $0x0, v8;
	vm12 =	vgt.f32 v19, $0.0e+00;
	v2 =	vadd.s32 v12, v2;
	s26 =	sor.u32 s28, s26  }
0xac: {  	v14 =	vsel vm1, v14, v4;
	v4 =	vnsel vm1, $0x0, v4;
	v1 =	vadd.s32 v1, v2;
	[tilespmem:s13], [sflag:$0x1] =	stream.linear.gather [hbm4b:s7+s0], $0x4000, $0x38;
	[tilespmem:$0x12200] =	vst v63  }
0xad: {  	v8 =	vsel vm6, v22, v8;
	v9 =	vsel vm5, v17, v5;
	v0 =	vadd.s32 v0, v1;
	v2 =	vld [tilespmem:s26+$0xC400]  }
0xae: {  	v5 =	vnsel vm5, $0x0, v5;
	v8 =	vadd.s32 v8, v23;
	v0 =	vadd.s32 v10, v0;
	v1 =	vld [tilespmem:s26+$0xC060]  }
0xaf: {  	v12 =	vnsel vm3, $0x0, v20;
	v8 =	vadd.s32 v9, v8;
	v0 =	vadd.s32 v11, v0;
	v10 =	vld [tilespmem:s26+$0xC410]  }
0xb0: {  	v9 =	vadd.s32 $0x10000, v20;
	v19 =	vadd.s32 $0x10000, v6;
	v0 =	vadd.s32 v13, v0;
	v11 =	vld [tilespmem:s26+$0x4810]  }
0xb1: {  	v9 =	vsel vm3, v9, v20;
	v17 =	vadd.s32 $0x10000, v21;
	v0 =	vadd.s32 v15, v0;
	v15 =	vld [tilespmem:s26+$0x4060]  }
0xb2: {  	v8 =	vadd.s32 v9, v8;
	v9 =	vsel vm2, v17, v21;
	v0 =	vadd.s32 v16, v0;
	v16 =	vld [tilespmem:s26+$0x4410]  }
0xb3: {  	v17 =	vnsel vm2, $0x0, v21;
	vm2 =	vgt.f32 v7, $0.0e+00;
	v7 =	vsel vm0, v18, v3;
	v18 =	vld [tilespmem:s26+$0xC010]  }
0xb4: {  	v3 =	vnsel vm0, $0x0, v3;
	v8 =	vadd.s32 v9, v8;
	v13 =	vadd.s32 $0x10000, v25;
	v21 =	vld [tilespmem:s26+$0xC050]  }
0xb5: {  	v20 =	vnsel vm2, $0x0, v25;
	v13 =	vsel vm2, v13, v25;
	v22 =	vld [tilespmem:s26+$0x4000];
	v0 =	vadd.s32 v26, v0  }
0xb6: {  	v25 =	vld [tilespmem:s26+$0xC070];
	v0 =	vadd.s32 v5, v0;
	v5 =	vadd.s32 v13, v8;
	v8 =	vnsel vm4, $0x0, v24  }
0xb7: {  	v27 =	vld [tilespmem:s26+$0x4450];
	v13 =	vadd.s32 $0x10000, v24;
	v0 =	vadd.s32 v12, v0;
	v5 =	vadd.s32 v14, v5  }
0xb8: {  	v12 =	vld [tilespmem:s26+$0x4030];
	v0 =	vadd.s32 v17, v0;
	v5 =	vadd.s32 v7, v5;
	v7 =	vsel vm4, v13, v24  }
0xb9: {  	v14 =	vld [tilespmem:s26+$0xC030];
	v0 =	vadd.s32 v20, v0;
	v5 =	vadd.s32 v7, v5;
	v7 =	vsel vm12, v19, v6  }
0xba: {  	v13 =	vld [tilespmem:s26+$0xC040];
	v6 =	vnsel vm12, $0x0, v6;
	vm0 =	vgt.f32 v15, $0.0e+00;
	v19 =	vadd.s32 $0x10000, v21  }
0xbb: {  	v17 =	vld [tilespmem:s26+$0x4020];
	v23 =	vadd.s32 $0x10000, v18;
	vm1 =	vgt.f32 v16, $0.0e+00;
	vm7 =	vgt.f32 v22, $0.0e+00  }
0xbc: {  	v15 =	vld [tilespmem:s26+$0x4040];
	v26 =	vadd.s32 $0x10000, v25;
	vm12 =	vgt.f32 v27, $0.0e+00;
	v0 =	vadd.s32 v4, v0  }
0xbd: {  	v16 =	vld [tilespmem:s26+$0x4010];
	v7 =	vadd.s32 v7, v5;
	v5 =	vadd.s32 $0x10000, v10;
	v0 =	vadd.s32 v3, v0  }
0xbe: {  	v4 =	vld [tilespmem:s26+$0x4400];
	v5 =	vsel vm1, v5, v10;
	v0 =	vadd.s32 v8, v0;
	v8 =	vadd.s32 $0x10000, v1  }
0xbf: {  	v9 =	vld [tilespmem:s26+$0xC000];
	v20 =	vadd.s32 $0x10000, v14;
	vm3 =	vgt.f32 v12, $0.0e+00;
	v0 =	vadd.s32 v6, v0  }
0xc0: {  	v28 =	vld [tilespmem:s26+$0x4860];
	v6 =	vsel vm0, v8, v1;
	v1 =	vnsel vm0, $0x0, v1;
	vm0 =	vgt.f32 v11, $0.0e+00  }
0xc1: {  	v3 =	vld [tilespmem:s26+$0x4050];
	v20 =	vsel vm3, v20, v14;
	v24 =	vadd.s32 $0x10000, v13;
	vm13 =	vgt.f32 v17, $0.0e+00  }
0xc2: {  	v12 =	vld [tilespmem:s26+$0x4070];
	v14 =	vnsel vm3, $0x0, v14;
	vm14 =	vgt.f32 v15, $0.0e+00;
	vm8 =	vgt.f32 v16, $0.0e+00  }
0xc3: {  	v11 =	vld [tilespmem:s26+$0xC020];
	vm2 =	vgt.f32 v4, $0.0e+00;
	v4 =	vadd.s32 $0x10000, v2;
	v17 =	vnsel vm14, $0x0, v13  }
0xc4: {  	v22 =	vld [tilespmem:s26+$0xC420];
	v13 =	vsel vm14, v24, v13;
	v24 =	vnsel vm8, $0x0, v18;
	v18 =	vsel vm8, v23, v18  }
0xc5: {  	v16 =	vld [tilespmem:s26+$0x4430];
	vm14 =	vgt.f32 v28, $0.0e+00;
	v8 =	vsel vm2, v4, v2;
	v4 =	vadd.s32 $0x10000, v9  }
0xc6: {  	v23 =	vld [tilespmem:s26+$0x4460];
	vm15 =	vgt.f32 v3, $0.0e+00;
	v2 =	vnsel vm2, $0x0, v2;
	v4 =	vsel vm7, v4, v9  }
0xc7: {  	v3 =	vld [tilespmem:s26+$0x4420];
	v9 =	vnsel vm7, $0x0, v9;
	vm3 =	vgt.f32 v12, $0.0e+00;
	v19 =	vsel vm15, v19, v21  }
0xc8: {  	v12 =	vld [tilespmem:s26+$0x4440];
	v15 =	vadd.s32 $0x10000, v11;
	v4 =	vadd.s32 v7, v4;
	v7 =	vnsel vm1, $0x0, v10  }
0xc9: {  	v10 =	vld [tilespmem:s26+$0xC440];
	v0 =	vadd.s32 v0, v9;
	v9 =	vnsel vm15, $0x0, v21;
	v21 =	vnsel vm13, $0x0, v11  }
0xca: {  	v0 =	vadd.s32 v24, v0;
	v11 =	vsel vm13, v15, v11;
	v4 =	vadd.s32 v18, v4;
	v18 =	vld [tilespmem:s26+$0xC470]  }
0xcb: {  	v15 =	vadd.s32 $0x10000, v22;
	vm2 =	vgt.f32 v16, $0.0e+00;
	v0 =	vadd.s32 v21, v0;
	v21 =	vld [tilespmem:s26+$0x4470]  }
0xcc: {  	v4 =	vadd.s32 v11, v4;
	v11 =	vnsel vm3, $0x0, v25;
	vm1 =	vgt.f32 v3, $0.0e+00;
	v3 =	vld [tilespmem:s26+$0xC450]  }
0xcd: {  	v0 =	vadd.s32 v14, v0;
	v14 =	vsel vm3, v26, v25;
	vm3 =	vgt.f32 v23, $0.0e+00;
	v23 =	vld [tilespmem:s26+$0x4800]  }
0xce: {  	v4 =	vadd.s32 v20, v4;
	v20 =	vld [tilespmem:s26+$0x4830];
	v0 =	vadd.s32 v17, v0;
	v26 =	vsel vm1, v15, v22  }
0xcf: {  	v17 =	vld [tilespmem:s26+$0xC460];
	vm10 =	vgt.f32 v12, $0.0e+00;
	v4 =	vadd.s32 v13, v4;
	v0 =	vadd.s32 v9, v0  }
0xd0: {  	v9 =	vld [tilespmem:s26+$0xC430];
	v24 =	vadd.s32 $0x10000, v10;
	v16 =	vnsel vm10, $0x0, v10;
	v4 =	vadd.s32 v19, v4  }
0xd1: {  	v12 =	vld [tilespmem:s26+$0xC810];
	v0 =	vadd.s32 v1, v0;
	v1 =	vnsel vm1, $0x0, v22;
	v29 =	vadd.s32 v6, v4  }
0xd2: {  	v13 =	vld [tilespmem:s26+$0xC820];
	v0 =	vadd.s32 v11, v0;
	vm1 =	vgt.f32 v21, $0.0e+00;
	v14 =	vadd.s32 v14, v29  }
0xd3: {  	s25 =	sand.u32 $0xFFFFF000, s0;
	v25 =	vadd.s32 $0x10000, v3;
	v0 =	vadd.s32 v2, v0;
	v15 =	vnsel vm1, $0x0, v18;
	v2 =	vld [tilespmem:s26+$0x4820]  }
0xd4: {  	s25 =	sadd.s32 $0x0, s25;
	v22 =	vld [tilespmem:s26+$0xC830];
	vm11 =	vgt.f32 v23, $0.0e+00;
	v0 =	vadd.s32 v7, v0;
	v7 =	vadd.s32 $0x10000, v17  }
0xd5: {  	s20 =	sor.u32 $0x4C00, s25;
	v11 =	vld [tilespmem:s26+$0xC800];
	v0 =	vadd.s32 v1, v0;
	v1 =	vadd.s32 $0x10000, v9;
	v21 =	vnsel vm2, $0x0, v9  }
0xd6: {  	v6 =	vsel vm3, v7, v17;
	v7 =	vsel vm10, v24, v10;
	v24 =	vld [tilespmem:s20+$0x0];
	v0 =	vadd.s32 v21, v0  }
0xd7: {  	v29 =	vadd.s32 v8, v14;
	v1 =	vsel vm2, v1, v9;
	v21 =	vld [tilespmem:s26+$0x4840];
	v0 =	vadd.s32 v16, v0  }
0xd8: {  	v16 =	vld [tilespmem:s26+$0x4850];
	vm2 =	vgt.f32 v2, $0.0e+00;
	v2 =	vsel vm12, v25, v3;
	v3 =	vnsel vm12, $0x0, v3  }
0xd9: {  	v19 =	vnsel vm3, $0x0, v17;
	v23 =	vnsel vm0, $0x0, v12;
	v25 =	vld [tilespmem:s26+$0xC850];
	v0 =	vadd.s32 v3, v0  }
0xda: {  	v27 =	vadd.s32 $0x10000, v22;
	v3 =	vadd.s32 $0x10000, v12;
	v4 =	vadd.s32 v19, v0;
	v19 =	vld [tilespmem:s26+$0xC860]  }
0xdb: {  	v9 =	vnsel vm11, $0x0, v11;
	v0 =	vsel vm0, v3, v12;
	v12 =	vld [tilespmem:s26+$0x4870];
	vm0 =	vgt.f32 v20, $0.0e+00  }
0xdc: {  	v3 =	vadd.s32 v15, v4;
	v15 =	vld [tilespmem:s26+$0xC840];
	vm13 =	vgt.f32 v21, $0.0e+00;
	v21 =	vnsel vm0, $0x0, v22  }
0xdd: {  	s30 =	sor.u32 $0x4C40, s25;
	v4 =	vld [tilespmem:s26+$0xC870];
	v14 =	vsel vm0, v27, v22;
	vm3 =	vgt.f32 v16, $0.0e+00;
	v3 =	vadd.s32 v9, v3  }
0xde: {  	s28 =	sor.u32 $0x4C10, s25;
	v22 =	vld [tilespmem:s30+$0x0];
	v9 =	vnsel vm2, $0x0, v13;
	v16 =	vadd.s32 $0x10000, v18;
	v3 =	vadd.s32 v23, v3  }
0xdf: {  	v5 =	vadd.s32 v5, v29;
	v17 =	vadd.s32 v9, v3;
	v9 =	vsel vm1, v16, v18;
	v18 =	vld [tilespmem:s28+$0x0]  }
0xe0: {  	v26 =	vadd.s32 v26, v5;
	v20 =	vadd.s32 $0x10000, v11;
	v3 =	vld [tilespmem:s28+$0x8000];
	s28 =	sor.u32 $0x4C20, s25;
	vm1 =	vgt.f32 v12, $0.0e+00  }
0xe1: {  	v12 =	vsel vm11, v20, v11;
	v11 =	vadd.s32 v21, v17;
	v20 =	vld [tilespmem:s28+$0x0];
	v23 =	vnsel vm13, $0x0, v15  }
0xe2: {  	v10 =	vnsel vm3, $0x0, v25;
	v21 =	vadd.s32 $0x10000, v13;
	v8 =	vadd.s32 v23, v11;
	v11 =	vld [tilespmem:s20+$0x8000]  }
0xe3: {  	s29 =	sor.u32 $0x4C30, s25;
	v16 =	vnsel vm14, $0x0, v19;
	v63 =	vld [tilespmem:s28+$0x8000];
	v17 =	vnsel vm1, $0x0, v4;
	v13 =	vsel vm2, v21, v13  }
0xe4: {  	s28 =	sor.u32 $0x4C60, s25;
	v21 =	vld [tilespmem:s29+$0x8000];
	vm2 =	vgt.f32 v24, $0.0e+00;
	v8 =	vadd.s32 v10, v8;
	v10 =	vadd.s32 $0x10000, v19  }
0xe5: {  	s31 =	sor.u32 $0x4C50, s25;
	s25 =	sor.u32 $0x4C70, s25;
	v24 =	vld [tilespmem:s28+$0x0];
	vm0 =	vgt.f32 v18, $0.0e+00;
	v8 =	vadd.s32 v16, v8;
	v16 =	vadd.s32 $0x10000, v15  }
0xe6: {  	v5 =	vld [tilespmem:s25+$0x8000];
	v18 =	vnsel vm0, $0x0, v3;
	v27 =	vadd.s32 v17, v8;
	vm15 =	vgt.f32 v20, $0.0e+00  }
0xe7: {  	v23 =	vld [tilespmem:s29+$0x0];
	v17 =	vsel vm13, v16, v15;
	v15 =	vsel vm14, v10, v19;
	v19 =	vnsel vm2, $0x0, v11  }
0xe8: {  	v8 =	vadd.s32 $0x10000, v63;
	v16 =	vld [tilespmem:s31+$0x0];
	v20 =	vadd.s32 $0x10000, v25;
	v27 =	vadd.s32 v19, v27  }
0xe9: {  	v10 =	vld [tilespmem:s31+$0x8000];
	v8 =	vsel vm15, v8, v63;
	v28 =	vnsel vm15, $0x0, v63;
	v18 =	vadd.s32 v18, v27  }
0xea: {  	s26 =	simm.s32 $0x200;
	v19 =	vsel vm3, v20, v25;
	v25 =	vld [tilespmem:s25+$0x0];
	v20 =	vadd.s32 $0x10000, v3;
	s25 =	simm.s32 $0x80;
	v18 =	vadd.s32 v28, v18  }
.LBB2_4:
0xeb: {  	s0 =	sand.u32 $0x3000, s26  }
0xec: {  	s20 =	sand.u32 $0x380, s25;
	v1 =	vadd.s32 v1, v26;
	vm3 =	vgt.f32 v23, $0.0e+00;
	v23 =	vadd.s32 $0x10000, v21;
	v26 =	vld [tilespmem:s28+$0x8000];
	s29 =	smov.u32 s26;
	s31 =	sadd.s32 $0x200, s26  }
0xed: {  	p1 =	sne.s32 s26, $0x3E00;
	s28 =	sor.u32 s20, s0;
	v1 =	vadd.s32 v7, v1;
	v7 =	vsel vm3, v23, v21;
	v21 =	vnsel vm3, $0x0, v21;
	v23 =	vld [tilespmem:s30+$0x8000]  }
0xee: {  	vm4 =	vgt.f32 v22, $0.0e+00;
	v27 =	vld [tilespmem:s28+$0xC400];
	v1 =	vadd.s32 v2, v1;
	v2 =	vadd.s32 $0x10000, v10  }
0xef: {  	vm3 =	vgt.f32 v24, $0.0e+00;
	v22 =	vld [tilespmem:s28+$0xC060];
	v1 =	vadd.s32 v6, v1;
	v6 =	vadd.s32 $0x10000, v4  }
0xf0: {  	v24 =	vld [tilespmem:s28+$0xC410];
	v1 =	vadd.s32 v9, v1;
	v4 =	vsel vm1, v6, v4;
	vm1 =	vgt.f32 v25, $0.0e+00  }
0xf1: {  	v9 =	vadd.s32 $0x10000, v11;
	v6 =	vld [tilespmem:s28+$0x4810];
	v1 =	vadd.s32 v12, v1;
	v12 =	vnsel vm3, $0x0, v26  }
0xf2: {  	v25 =	vld [tilespmem:s28+$0xC000];
	v0 =	vadd.s32 v0, v1;
	v1 =	vsel vm2, v9, v11;
	v9 =	vadd.s32 $0x10000, v5  }
0xf3: {  	v28 =	vnsel vm4, $0x0, v23;
	v11 =	vld [tilespmem:s28+$0x4060];
	v0 =	vadd.s32 v13, v0;
	v13 =	vadd.s32 $0x10000, v23  }
0xf4: {  	vm2 =	vgt.f32 v16, $0.0e+00;
	v29 =	vld [tilespmem:s28+$0x4410];
	v0 =	vadd.s32 v14, v0;
	v14 =	vadd.s32 $0x10000, v26  }
0xf5: {  	v3 =	vsel vm0, v20, v3;
	v16 =	vld [tilespmem:s28+$0xC010];
	v0 =	vadd.s32 v17, v0;
	v17 =	vnsel vm1, $0x0, v5  }
0xf6: {  	v18 =	vadd.s32 v21, v18;
	v13 =	vsel vm4, v13, v23;
	v20 =	vld [tilespmem:s28+$0xC050];
	v0 =	vadd.s32 v19, v0  }
0xf7: {  	v19 =	vld [tilespmem:s28+$0x4030];
	v0 =	vadd.s32 v15, v0;
	v15 =	vadd.s32 v28, v18;
	v18 =	vnsel vm2, $0x0, v10  }
0xf8: {  	v2 =	vsel vm2, v2, v10;
	v21 =	vld [tilespmem:s28+$0xC030];
	v0 =	vadd.s32 v4, v0;
	v4 =	vadd.s32 v18, v15  }
0xf9: {  	v10 =	vld [tilespmem:s28+$0xC040];
	v0 =	vadd.s32 v1, v0;
	v1 =	vsel vm3, v14, v26;
	v4 =	vadd.s32 v12, v4  }
0xfa: {  	vm0 =	vgt.f32 v11, $0.0e+00;
	v11 =	vadd.s32 $0x10000, v22;
	v12 =	vld [tilespmem:s28+$0x4400];
	v3 =	vadd.s32 v3, v0  }
0xfb: {  	v0 =	vsel vm0, v11, v22;
	v11 =	vnsel vm0, $0x0, v22;
	v14 =	vld [tilespmem:s28+$0x4050];
	v3 =	vadd.s32 v8, v3  }
0xfc: {  	v4 =	vadd.s32 v17, v4;
	v18 =	vadd.s32 $0x10000, v20;
	v15 =	vld [tilespmem:s28+$0x4040];
	v3 =	vadd.s32 v7, v3  }
0xfd: {  	v9 =	vsel vm1, v9, v5;
	v7 =	vld [tilespmem:s28+$0x4020];
	v17 =	vadd.s32 $0x10000, v21;
	v3 =	vadd.s32 v13, v3  }
0xfe: {  	v22 =	vadd.s32 $0x10000, v16;
	vm0 =	vgt.f32 v6, $0.0e+00;
	v13 =	vld [tilespmem:s28+$0x4000];
	v2 =	vadd.s32 v2, v3  }
0xff: {  	v5 =	vadd.s32 $0x10000, v24;
	vm1 =	vgt.f32 v29, $0.0e+00;
	v3 =	vld [tilespmem:s28+$0xC020];
	v1 =	vadd.s32 v1, v2  }
0x100: {  	v6 =	vadd.s32 $0x10000, v27;
	v5 =	vsel vm1, v5, v24;
	vm4 =	vgt.f32 v12, $0.0e+00;
	v2 =	vld [tilespmem:s28+$0x4010]  }
0x101: {  	vm3 =	vgt.f32 v19, $0.0e+00;
	v8 =	vsel vm4, v6, v27;
	v1 =	vadd.s32 v9, v1;
	v12 =	vld [tilespmem:s28+$0x4070]  }
0x102: {  	v6 =	vadd.s32 $0x10000, v25;
	v9 =	vsel vm3, v17, v21;
	v17 =	vadd.s32 $0x10000, v10;
	v19 =	vld [tilespmem:s28+$0xC070]  }
0x103: {  	vm6 =	vgt.f32 v14, $0.0e+00;
	vm5 =	vgt.f32 v15, $0.0e+00;
	vm2 =	vgt.f32 v7, $0.0e+00;
	v7 =	vld [tilespmem:s28+$0x4420]  }
0x104: {  	v14 =	vnsel vm5, $0x0, v10;
	vm7 =	vgt.f32 v13, $0.0e+00;
	v13 =	vadd.s32 $0x10000, v3;
	v15 =	vld [tilespmem:s28+$0xC420]  }
0x105: {  	v6 =	vsel vm7, v6, v25;
	vm8 =	vgt.f32 v2, $0.0e+00;
	v2 =	vsel vm5, v17, v10;
	v10 =	vld [tilespmem:s28+$0x4430]  }
0x106: {  	v21 =	vnsel vm3, $0x0, v21;
	v17 =	vnsel vm7, $0x0, v25;
	vm3 =	vgt.f32 v12, $0.0e+00;
	v12 =	vld [tilespmem:s28+$0x4440]  }
0x107: {  	v23 =	vnsel vm1, $0x0, v24;
	v1 =	vadd.s32 v1, v6;
	v6 =	vnsel vm4, $0x0, v27;
	v24 =	vld [tilespmem:s28+$0xC440]  }
0x108: {  	v26 =	vsel vm6, v18, v20;
	v25 =	vnsel vm8, $0x0, v16;
	v18 =	vadd.s32 $0x10000, v19;
	v27 =	vld [tilespmem:s28+$0x4450]  }
0x109: {  	v4 =	vadd.s32 v4, v17;
	v17 =	vnsel vm6, $0x0, v20;
	vm1 =	vgt.f32 v7, $0.0e+00;
	v7 =	vld [tilespmem:s28+$0xC450]  }
0x10a: {  	v16 =	vsel vm8, v22, v16;
	v20 =	vnsel vm2, $0x0, v3;
	v4 =	vadd.s32 v25, v4;
	v22 =	vld [tilespmem:s28+$0x4460]  }
0x10b: {  	v3 =	vsel vm2, v13, v3;
	v4 =	vadd.s32 v20, v4;
	v13 =	vadd.s32 $0x10000, v15;
	v20 =	vld [tilespmem:s28+$0x4470]  }
0x10c: {  	v1 =	vadd.s32 v16, v1;
	v16 =	vsel vm3, v18, v19;
	v4 =	vadd.s32 v21, v4;
	v21 =	vld [tilespmem:s28+$0xC470]  }
0x10d: {  	v1 =	vadd.s32 v3, v1;
	v3 =	vadd.s32 v14, v4;
	v4 =	vnsel vm3, $0x0, v19;
	v14 =	vld [tilespmem:s28+$0xC460]  }
0x10e: {  	v3 =	vadd.s32 v17, v3;
	v19 =	vadd.s32 $0x10000, v24;
	v17 =	vld [tilespmem:s28+$0xC430];
	v25 =	vadd.s32 $0x10000, v7  }
0x10f: {  	v3 =	vadd.s32 v11, v3;
	v11 =	vnsel vm1, $0x0, v15;
	vm3 =	vgt.f32 v22, $0.0e+00;
	v22 =	vld [tilespmem:s28+$0x4800]  }
0x110: {  	v18 =	vsel vm1, v13, v15;
	v3 =	vadd.s32 v4, v3;
	vm1 =	vgt.f32 v20, $0.0e+00;
	v13 =	vld [tilespmem:s28+$0xC800]  }
0x111: {  	vm2 =	vgt.f32 v10, $0.0e+00;
	v3 =	vadd.s32 v6, v3;
	v4 =	vnsel vm1, $0x0, v21;
	v6 =	vld [tilespmem:s28+$0x4820]  }
0x112: {  	vm5 =	vgt.f32 v12, $0.0e+00;
	v3 =	vadd.s32 v23, v3;
	v10 =	vadd.s32 $0x10000, v14;
	v12 =	vld [tilespmem:s28+$0xC810]  }
0x113: {  	v9 =	vadd.s32 v9, v1;
	v3 =	vadd.s32 v11, v3;
	v11 =	vnsel vm5, $0x0, v24;
	v15 =	vld [tilespmem:s28+$0x4830]  }
0x114: {  	v1 =	vadd.s32 $0x10000, v17;
	v20 =	vnsel vm2, $0x0, v17;
	vm4 =	vgt.f32 v22, $0.0e+00;
	v22 =	vld [tilespmem:s28+$0xC830]  }
0x115: {  	v1 =	vsel vm2, v1, v17;
	v3 =	vadd.s32 v20, v3;
	v17 =	vnsel vm4, $0x0, v13;
	v20 =	vld [tilespmem:s28+$0x4840]  }
0x116: {  	vm6 =	vgt.f32 v27, $0.0e+00;
	v3 =	vadd.s32 v11, v3;
	vm2 =	vgt.f32 v6, $0.0e+00;
	v11 =	vld [tilespmem:s28+$0x4850]  }
0x117: {  	v6 =	vadd.s32 v2, v9;
	v2 =	vsel vm6, v25, v7;
	v7 =	vnsel vm6, $0x0, v7;
	v25 =	vld [tilespmem:s28+$0xC850]  }
0x118: {  	v6 =	vadd.s32 v26, v6;
	v3 =	vadd.s32 v7, v3;
	v7 =	vadd.s32 $0x10000, v12;
	v23 =	vld [tilespmem:s28+$0xC820]  }
0x119: {  	v9 =	vnsel vm3, $0x0, v14;
	v26 =	vnsel vm0, $0x0, v12;
	v27 =	vadd.s32 $0x10000, v22;
	v28 =	vld [tilespmem:s28+$0x4860]  }
0x11a: {  	v29 =	vadd.s32 v0, v6;
	v3 =	vadd.s32 v9, v3;
	v0 =	vsel vm0, v7, v12;
	v30 =	vld [tilespmem:s28+$0xC860]  }
0x11b: {  	s0 =	sand.u32 $0xFFFFF000, s29;
	v6 =	vsel vm3, v10, v14;
	v3 =	vadd.s32 v4, v3;
	vm3 =	vgt.f32 v11, $0.0e+00;
	v10 =	vld [tilespmem:s28+$0x4870]  }
0x11c: {  	s29 =	sadd.s32 s0, s25;
	v7 =	vsel vm5, v19, v24;
	v3 =	vadd.s32 v17, v3;
	v17 =	vnsel vm3, $0x0, v25;
	v4 =	vld [tilespmem:s28+$0xC870]  }
0x11d: {  	s0 =	sor.u32 $0x4C00, s29;
	vm5 =	vgt.f32 v20, $0.0e+00;
	v3 =	vadd.s32 v26, v3;
	v9 =	vnsel vm2, $0x0, v23;
	v19 =	vld [tilespmem:s28+$0xC840]  }
0x11e: {  	s20 =	sor.u32 $0x4C10, s29;
	v11 =	vadd.s32 $0x10000, v21;
	v14 =	vadd.s32 v9, v3;
	vm6 =	vgt.f32 v28, $0.0e+00;
	v20 =	vld [tilespmem:s0+$0x0]  }
0x11f: {  	vm0 =	vgt.f32 v15, $0.0e+00;
	v9 =	vsel vm1, v11, v21;
	v15 =	vnsel vm6, $0x0, v30;
	v21 =	vld [tilespmem:s20+$0x0]  }
0x120: {  	v24 =	vnsel vm0, $0x0, v22;
	v11 =	vadd.s32 $0x10000, v13;
	vm1 =	vgt.f32 v10, $0.0e+00;
	v3 =	vld [tilespmem:s20+$0x8000];
	s20 =	sor.u32 $0x4C20, s29  }
0x121: {  	v12 =	vsel vm4, v11, v13;
	v10 =	vadd.s32 v24, v14;
	v24 =	vnsel vm1, $0x0, v4;
	v26 =	vld [tilespmem:s20+$0x0]  }
0x122: {  	v11 =	vadd.s32 v16, v29;
	v13 =	vadd.s32 $0x10000, v23;
	v14 =	vnsel vm5, $0x0, v19;
	v28 =	vld [tilespmem:s20+$0x8000]  }
0x123: {  	v29 =	vadd.s32 v8, v11;
	v13 =	vsel vm2, v13, v23;
	v8 =	vadd.s32 v14, v10;
	v11 =	vld [tilespmem:s0+$0x8000];
	s0 =	sor.u32 $0x4C30, s29  }
0x124: {  	v14 =	vsel vm0, v27, v22;
	v8 =	vadd.s32 v17, v8;
	vm0 =	vgt.f32 v21, $0.0e+00;
	v23 =	vld [tilespmem:s0+$0x0]  }
0x125: {  	s30 =	sor.u32 $0x4C40, s29;
	v10 =	vadd.s32 $0x10000, v30;
	v8 =	vadd.s32 v15, v8;
	v27 =	vnsel vm0, $0x0, v3;
	v21 =	vld [tilespmem:s0+$0x8000]  }
0x126: {  	v15 =	vadd.s32 $0x10000, v19;
	s0 =	sor.u32 $0x4C50, s29;
	v24 =	vadd.s32 v24, v8;
	vm4 =	vgt.f32 v26, $0.0e+00;
	v22 =	vld [tilespmem:s30+$0x0]  }
.Ltmp3:
0x127: {  	vm2 =	vgt.f32 v20, $0.0e+00;
	v17 =	vsel vm5, v15, v19;
	v8 =	vadd.s32 $0x10000, v28;
	v16 =	vld [tilespmem:s0+$0x0];
	(pc) =	sbr.rel @p1 .LBB2_4-.Ltmp3, $4  }
0x128: {  	s28 =	sor.u32 $0x4C60, s29;
	v15 =	vsel vm6, v10, v30;
	v19 =	vnsel vm2, $0x0, v11;
	v8 =	vsel vm4, v8, v28;
	v10 =	vld [tilespmem:s0+$0x8000]  }
0x129: {  	v20 =	vadd.s32 $0x10000, v25;
	v28 =	vnsel vm4, $0x0, v28;
	s0 =	sor.u32 $0x4C70, s29;
	v26 =	vadd.s32 v19, v24;
	v24 =	vld [tilespmem:s28+$0x0]  }
0x12a: {  	v5 =	vadd.s32 v5, v29;
	v19 =	vsel vm3, v20, v25;
	v27 =	vadd.s32 v27, v26;
	v25 =	vld [tilespmem:s0+$0x0]  }
0x12b: {  	s26 =	smov.u32 s31;
	s25 =	sadd.s32 $0x80, s25;
	v20 =	vadd.s32 $0x10000, v3;
	v26 =	vadd.s32 v18, v5;
	v18 =	vadd.s32 v28, v27;
	v5 =	vld [tilespmem:s0+$0x8000]  }
0x12c: {  	v27 =	vld [tilespmem:s28+$0x8000]  }
0x12d: {  	v28 =	vld [tilespmem:s30+$0x8000];
	_ =	swait.ge [sflag:s14], $0x4000  }
0x12e: {  	[sflag:s14] =	ssyncset.done $0x0  }
0x12f: {  	[sflag:s14] =	ssyncadd.s32 $0xFFFFC000  }
0x130: {  	_ =	swait.ge [sflag:s14], $0x4000  }
0x131: {  	[sflag:s14] =	ssyncset.done $0x0  }
0x132: {  	s0 =	simm.s32 $0x0;
	[sflag:s14] =	ssyncadd.s32 $0xFFFFC000  }
0x133: {  	v1 =	vadd.s32 v1, v26;
	[tilespmem:s15], [sflag:$0x2] =	stream.linear.gather [hbm4b:s8+s0], $0x4000, $0x38;
	[tilespmem:$0x12200] =	vst v63  }
0x134: {  	v1 =	vadd.s32 v7, v1  }
0x135: {  	vm3 =	vgt.f32 v23, $0.0e+00;
	v1 =	vadd.s32 v2, v1;
	[tilespmem:s16], [sflag:$0x2] =	stream.linear.gather [hbm4b:s9+s0], $0x4000, $0x38;
	[tilespmem:$0x12200] =	vst v63  }
0x136: {  	vm4 =	vgt.f32 v22, $0.0e+00;
	v3 =	vsel vm0, v20, v3;
	s20 =	sand.u32 $0x3000, s0;
	v1 =	vadd.s32 v6, v1;
	s0 =	sand.u32 $0x380, s0  }
0x137: {  	vm0 =	vgt.f32 v16, $0.0e+00;
	v7 =	vnsel vm3, $0x0, v21;
	v1 =	vadd.s32 v9, v1;
	s25 =	sor.u32 s0, s20  }
0x138: {  	v2 =	vadd.s32 $0x10000, v21;
	v7 =	vadd.s32 v7, v18;
	v1 =	vadd.s32 v12, v1;
	v6 =	vld [tilespmem:s25+$0x8800]  }
0x139: {  	v2 =	vsel vm3, v2, v21;
	vm3 =	vgt.f32 v24, $0.0e+00;
	v0 =	vadd.s32 v0, v1;
	v1 =	vld [tilespmem:s25+$0x420]  }
0x13a: {  	v12 =	vadd.s32 $0x10000, v10;
	v22 =	vadd.s32 $0x10000, v28;
	v0 =	vadd.s32 v13, v0;
	v9 =	vld [tilespmem:s25+$0x800]  }
0x13b: {  	v23 =	vnsel vm4, $0x0, v28;
	v13 =	vadd.s32 $0x10000, v4;
	v0 =	vadd.s32 v14, v0;
	v14 =	vld [tilespmem:s25+$0x8400]  }
0x13c: {  	v18 =	vsel vm4, v22, v28;
	v4 =	vsel vm1, v13, v4;
	v0 =	vadd.s32 v17, v0;
	v13 =	vld [tilespmem:s25+$0x8810]  }
0x13d: {  	v7 =	vadd.s32 v23, v7;
	v22 =	vnsel vm0, $0x0, v10;
	v0 =	vadd.s32 v19, v0;
	v19 =	vld [tilespmem:s25+$0x810]  }
0x13e: {  	v21 =	vnsel vm3, $0x0, v27;
	v10 =	vsel vm0, v12, v10;
	v7 =	vadd.s32 v22, v7;
	v12 =	vld [tilespmem:s25+$0x8000]  }
0x13f: {  	v7 =	vadd.s32 v21, v7;
	v21 =	vld [tilespmem:s25+$0x8020]  }
0x140: {  	v17 =	vadd.s32 $0x10000, v11;
	v56 =	vld [tilespmem:s25+$0x8420];
	v0 =	vadd.s32 v15, v0  }
0x141: {  	v11 =	vsel vm2, v17, v11;
	v57 =	vld [tilespmem:s25+$0x70];
	v0 =	vadd.s32 v4, v0  }
0x142: {  	v15 =	vld [tilespmem:s25+$0x8410];
	v0 =	vadd.s32 v11, v0  }
0x143: {  	v16 =	vadd.s32 $0x10000, v27;
	v11 =	vld [tilespmem:s25+$0x400];
	v0 =	vadd.s32 v3, v0  }
0x144: {  	v16 =	vsel vm3, v16, v27;
	vm1 =	vgt.f32 v25, $0.0e+00;
	v0 =	vadd.s32 v8, v0;
	v8 =	vld [tilespmem:s25+$0x410]  }
0x145: {  	v20 =	vnsel vm1, $0x0, v5;
	v17 =	vadd.s32 $0x10000, v5;
	v4 =	vld [tilespmem:s25+$0x8030];
	v0 =	vadd.s32 v2, v0  }
0x146: {  	v7 =	vadd.s32 v20, v7;
	v59 =	vld [tilespmem:s25+$0x450];
	v5 =	vsel vm1, v17, v5;
	v0 =	vadd.s32 v18, v0  }
0x147: {  	v54 =	vadd.s32 $0x10000, v12;
	vm3 =	vgt.f32 v9, $0.0e+00;
	v2 =	vld [tilespmem:s25+$0x8010];
	v0 =	vadd.s32 v10, v0  }
0x148: {  	v32 =	vadd.s32 $0x10000, v6;
	v10 =	vld [tilespmem:s25+$0x10];
	vm5 =	vgt.f32 v11, $0.0e+00;
	v0 =	vadd.s32 v16, v0  }
0x149: {  	v11 =	vld [tilespmem:s25+$0x20];
	v5 =	vadd.s32 v5, v0;
	vm0 =	vgt.f32 v8, $0.0e+00;
	v0 =	vadd.s32 $0x10000, v15  }
0x14a: {  	v32 =	vsel vm3, v32, v6;
	v18 =	vadd.s32 $0x10000, v4;
	v16 =	vld [tilespmem:s25+$0x40];
	v20 =	vsel vm0, v0, v15  }
0x14b: {  	v17 =	vld [tilespmem:s25+$0x8040];
	v15 =	vnsel vm0, $0x0, v15;
	vm0 =	vgt.f32 v19, $0.0e+00;
	v0 =	vadd.s32 $0x10000, v13  }
0x14c: {  	v8 =	vld [tilespmem:s25+$0x30];
	v22 =	vadd.s32 $0x10000, v2;
	v23 =	vsel vm0, v0, v13;
	v0 =	vnsel vm0, $0x0, v13  }
0x14d: {  	v19 =	vld [tilespmem:s25+$0x0];
	vm0 =	vgt.f32 v1, $0.0e+00;
	v1 =	vadd.s32 $0x10000, v14;
	vm2 =	vgt.f32 v10, $0.0e+00  }
0x14e: {  	v30 =	vld [tilespmem:s25+$0x8450];
	v55 =	vsel vm5, v1, v14;
	v1 =	vnsel vm3, $0x0, v6;
	v14 =	vnsel vm5, $0x0, v14  }
0x14f: {  	v10 =	vld [tilespmem:s25+$0x50];
	vm5 =	vgt.f32 v11, $0.0e+00;
	v29 =	vnsel vm0, $0x0, v56;
	vm4 =	vgt.f32 v16, $0.0e+00  }
0x150: {  	v16 =	vld [tilespmem:s25+$0x8050];
	v58 =	vnsel vm2, $0x0, v2;
	v2 =	vsel vm2, v22, v2;
	v22 =	vnsel vm5, $0x0, v21  }
0x151: {  	v3 =	vld [tilespmem:s25+$0x60];
	vm2 =	vgt.f32 v59, $0.0e+00;
	v13 =	vnsel vm4, $0x0, v17;
	vm1 =	vgt.f32 v8, $0.0e+00  }
0x152: {  	v8 =	vld [tilespmem:s25+$0x8060];
	vm6 =	vgt.f32 v19, $0.0e+00;
	v19 =	vadd.s32 $0x10000, v17;
	v18 =	vsel vm1, v18, v4  }
0x153: {  	v31 =	vld [tilespmem:s25+$0x8460];
	v4 =	vnsel vm1, $0x0, v4;
	v9 =	vnsel vm6, $0x0, v12;
	v17 =	vsel vm4, v19, v17  }
0x154: {  	v60 =	vld [tilespmem:s25+$0x470];
	v12 =	vsel vm6, v54, v12;
	vm4 =	vgt.f32 v10, $0.0e+00;
	v7 =	vadd.s32 v7, v9  }
0x155: {  	v33 =	vld [tilespmem:s25+$0x8070];
	v5 =	vadd.s32 v5, v12;
	v10 =	vadd.s32 $0x10000, v16;
	v11 =	vnsel vm4, $0x0, v16  }
0x156: {  	v6 =	vld [tilespmem:s25+$0x440];
	v2 =	vadd.s32 v2, v5;
	v5 =	vadd.s32 $0x10000, v21;
	v7 =	vadd.s32 v58, v7  }
0x157: {  	v61 =	vld [tilespmem:s25+$0x8820];
	v9 =	vsel vm4, v10, v16;
	v16 =	vadd.s32 $0x10000, v8;
	vm4 =	vgt.f32 v3, $0.0e+00  }
0x158: {  	v12 =	vld [tilespmem:s25+$0x460];
	v3 =	vadd.s32 $0x10000, v56;
	v5 =	vsel vm5, v5, v21;
	v7 =	vadd.s32 v22, v7  }
0x159: {  	v62 =	vld [tilespmem:s25+$0xC60];
	vm5 =	vgt.f32 v60, $0.0e+00;
	v21 =	vnsel vm4, $0x0, v8;
	v2 =	vadd.s32 v5, v2  }
0x15a: {  	v19 =	vld [tilespmem:s25+$0x430];
	v3 =	vsel vm0, v3, v56;
	v5 =	vadd.s32 $0x10000, v30;
	v8 =	vsel vm4, v16, v8  }
0x15b: {  	v10 =	vld [tilespmem:s25+$0x8440];
	vm0 =	vgt.f32 v57, $0.0e+00;
	vm4 =	vgt.f32 v6, $0.0e+00;
	v4 =	vadd.s32 v4, v7  }
0x15c: {  	v6 =	vld [tilespmem:s25+$0x840];
	v2 =	vadd.s32 v18, v2;
	v4 =	vadd.s32 v13, v4;
	v5 =	vsel vm2, v5, v30  }
0x15d: {  	v18 =	vld [tilespmem:s25+$0x8430];
	vm3 =	vgt.f32 v12, $0.0e+00;
	v17 =	vadd.s32 v17, v2;
	v4 =	vadd.s32 v11, v4  }
0x15e: {  	v22 =	vld [tilespmem:s25+$0x830];
	v2 =	vnsel vm3, $0x0, v31;
	v9 =	vadd.s32 v9, v17;
	v17 =	vnsel vm0, $0x0, v33  }
0x15f: {  	v16 =	vld [tilespmem:s25+$0x8470];
	v4 =	vadd.s32 v21, v4;
	v8 =	vadd.s32 v8, v9;
	v9 =	vadd.s32 $0x10000, v33  }
0x160: {  	v12 =	vld [tilespmem:s25+$0x820];
	v34 =	vadd.s32 $0x10000, v10;
	v4 =	vadd.s32 v17, v4;
	v9 =	vsel vm0, v9, v33  }
0x161: {  	v11 =	vld [tilespmem:s25+$0x860];
	vm0 =	vgt.f32 v19, $0.0e+00;
	vm6 =	vgt.f32 v6, $0.0e+00;
	v8 =	vadd.s32 v9, v8  }
0x162: {  	v6 =	vld [tilespmem:s25+$0x8C00];
	v4 =	vadd.s32 v14, v4;
	v13 =	vnsel vm0, $0x0, v18;
	v7 =	vadd.s32 v55, v8  }
0x163: {  	v21 =	vld [tilespmem:s25+$0x870];
	v9 =	vnsel vm2, $0x0, v30;
	v15 =	vadd.s32 v15, v4;
	v7 =	vadd.s32 v20, v7  }
0x164: {  	v14 =	vld [tilespmem:s25+$0xC20];
	v4 =	vadd.s32 $0x10000, v61;
	v3 =	vadd.s32 v3, v7;
	v7 =	vadd.s32 $0x10000, v18  }
0x165: {  	v19 =	vld [tilespmem:s25+$0x8830];
	vm1 =	vgt.f32 v12, $0.0e+00;
	v8 =	vsel vm4, v34, v10;
	v7 =	vsel vm0, v7, v18  }
0x166: {  	v12 =	vld [tilespmem:s25+$0x850];
	v4 =	vsel vm1, v4, v61;
	v18 =	vnsel vm4, $0x0, v10;
	v3 =	vadd.s32 v7, v3  }
0x167: {  	vm4 =	vgt.f32 v11, $0.0e+00;
	v17 =	vadd.s32 $0x10000, v6;
	v7 =	vld [tilespmem:s25+$0xC00];
	v3 =	vadd.s32 v8, v3  }
0x168: {  	v20 =	vld [tilespmem:s25+$0x8850];
	v10 =	vnsel vm1, $0x0, v61;
	v3 =	vadd.s32 v5, v3;
	v5 =	vadd.s32 $0x10000, v31  }
0x169: {  	v11 =	vld [tilespmem:s25+$0xC10];
	vm2 =	vgt.f32 v14, $0.0e+00;
	v8 =	vadd.s32 $0x10000, v16;
	v5 =	vsel vm3, v5, v31  }
0x16a: {  	v14 =	vadd.s32 v29, v15;
	v3 =	vadd.s32 v5, v3;
	v5 =	vsel vm5, v8, v16;
	v8 =	vld [tilespmem:s25+$0x8870]  }
0x16b: {  	vm1 =	vgt.f32 v22, $0.0e+00;
	v14 =	vadd.s32 v13, v14;
	v3 =	vadd.s32 v5, v3;
	v5 =	vld [tilespmem:s25+$0x8840]  }
0x16c: {  	vm0 =	vgt.f32 v12, $0.0e+00;
	v12 =	vnsel vm5, $0x0, v16;
	vm5 =	vgt.f32 v7, $0.0e+00;
	v7 =	vld [tilespmem:s25+$0xC40]  }
0x16d: {  	v22 =	vadd.s32 v18, v14;
	v14 =	vadd.s32 $0x10000, v20;
	v16 =	vld [tilespmem:s25+$0x8860];
	v3 =	vadd.s32 v32, v3  }
0x16e: {  	vm3 =	vgt.f32 v11, $0.0e+00;
	v11 =	vadd.s32 $0x10000, v19;
	v3 =	vadd.s32 v23, v3;
	v23 =	vld [tilespmem:s25+$0xC50]  }
0x16f: {  	v18 =	vsel vm0, v14, v20;
	v15 =	vsel vm1, v11, v19;
	v3 =	vadd.s32 v4, v3;
	v4 =	vld [tilespmem:s25+$0x8C40]  }
0x170: {  	v11 =	vnsel vm1, $0x0, v19;
	v15 =	vadd.s32 v15, v3;
	v3 =	vld [tilespmem:s25+$0x8C50];
	v13 =	vadd.s32 $0x10000, v5  }
0x171: {  	vm1 =	vgt.f32 v7, $0.0e+00;
	v7 =	vld [tilespmem:s25+$0xC30];
	v19 =	vsel vm6, v13, v5;
	v13 =	vnsel vm6, $0x0, v5  }
0x172: {  	vm6 =	vgt.f32 v21, $0.0e+00;
	v21 =	vld [tilespmem:s25+$0x8C20];
	v5 =	vadd.s32 v19, v15;
	v15 =	vnsel vm0, $0x0, v20  }
0x173: {  	v19 =	vld [tilespmem:s25+$0xC70];
	vm0 =	vgt.f32 v23, $0.0e+00;
	v63 =	vadd.s32 v18, v5;
	v5 =	vadd.s32 $0x10000, v16  }
0x174: {  	v20 =	vld [tilespmem:s25+$0x8C10];
	v14 =	vadd.s32 $0x10000, v4;
	v23 =	vsel vm4, v5, v16;
	v16 =	vnsel vm4, $0x0, v16  }
0x175: {  	s29 =	simm.s32 $0x200;
	s26 =	simm.s32 $0x80;
	v18 =	vadd.s32 $0x10000, v3;
	v5 =	vld [tilespmem:s25+$0x8C70];
	vm4 =	vgt.f32 v62, $0.0e+00;
	v23 =	vadd.s32 v23, v63  }
.LBB2_6:
0x176: {  	s28 =	smov.u32 s29  }
0x177: {  	s0 =	sand.u32 $0x3000, s29;
	s20 =	sand.u32 $0x380, s26;
	v9 =	vadd.s32 v9, v22;
	v22 =	vadd.s32 $0x10000, v8;
	v24 =	vnsel vm6, $0x0, v8;
	v25 =	vld [tilespmem:s25+$0x8C60];
	s28 =	sadd.s32 $0x200, s29  }
0x178: {  	p1 =	sne.s32 s29, $0x3E00;
	v17 =	vsel vm5, v17, v6;
	v9 =	vadd.s32 v2, v9;
	v8 =	vsel vm6, v22, v8;
	v22 =	vld [tilespmem:s25+$0x8C30];
	s25 =	sor.u32 s20, s0  }
0x179: {  	v6 =	vnsel vm5, $0x0, v6;
	v9 =	vadd.s32 v12, v9;
	v8 =	vadd.s32 v8, v23;
	v2 =	vld [tilespmem:s25+$0x8800]  }
0x17a: {  	vm5 =	vgt.f32 v19, $0.0e+00;
	v8 =	vadd.s32 v17, v8;
	v17 =	vadd.s32 $0x10000, v20;
	v12 =	vld [tilespmem:s25+$0x420]  }
0x17b: {  	v1 =	vadd.s32 v1, v9;
	v9 =	vsel vm3, v17, v20;
	v17 =	vnsel vm3, $0x0, v20;
	v19 =	vld [tilespmem:s25+$0x800]  }
0x17c: {  	v0 =	vadd.s32 v0, v1;
	v1 =	vadd.s32 v9, v8;
	v8 =	vadd.s32 $0x10000, v21;
	v20 =	vld [tilespmem:s25+$0x8400]  }
0x17d: {  	v0 =	vadd.s32 v10, v0;
	v10 =	vnsel vm2, $0x0, v21;
	v8 =	vsel vm2, v8, v21;
	v9 =	vld [tilespmem:s25+$0x8810]  }
0x17e: {  	v23 =	vadd.s32 $0x10000, v5;
	v1 =	vadd.s32 v8, v1;
	v8 =	vadd.s32 $0x10000, v22;
	v21 =	vld [tilespmem:s25+$0x810]  }
0x17f: {  	v0 =	vadd.s32 v11, v0;
	vm2 =	vgt.f32 v7, $0.0e+00;
	v7 =	vsel vm0, v18, v3;
	v26 =	vld [tilespmem:s25+$0x8410]  }
0x180: {  	v0 =	vadd.s32 v13, v0;
	v13 =	vsel vm1, v14, v4;
	v8 =	vsel vm2, v8, v22;
	v11 =	vld [tilespmem:s25+$0x8030]  }
0x181: {  	v4 =	vnsel vm1, $0x0, v4;
	v0 =	vadd.s32 v15, v0;
	v15 =	vnsel vm2, $0x0, v22;
	v14 =	vld [tilespmem:s25+$0x400]  }
0x182: {  	v0 =	vadd.s32 v16, v0;
	v1 =	vadd.s32 v8, v1;
	v8 =	vnsel vm4, $0x0, v25;
	v18 =	vld [tilespmem:s25+$0x60]  }
0x183: {  	v0 =	vadd.s32 v24, v0;
	v1 =	vadd.s32 v13, v1;
	v13 =	vadd.s32 $0x10000, v25;
	v16 =	vld [tilespmem:s25+$0x410]  }
0x184: {  	v0 =	vadd.s32 v6, v0;
	v1 =	vadd.s32 v7, v1;
	v6 =	vsel vm4, v13, v25;
	v22 =	vld [tilespmem:s25+$0x8010]  }
0x185: {  	v0 =	vadd.s32 v17, v0;
	v17 =	vnsel vm0, $0x0, v3;
	v7 =	vld [tilespmem:s25+$0x8000];
	v13 =	vadd.s32 $0x10000, v11  }
0x186: {  	v1 =	vadd.s32 v6, v1;
	v3 =	vsel vm5, v23, v5;
	v0 =	vadd.s32 v10, v0;
	v24 =	vld [tilespmem:s25+$0x10]  }
0x187: {  	v10 =	vadd.s32 v3, v1;
	v1 =	vnsel vm5, $0x0, v5;
	v0 =	vadd.s32 v15, v0;
	v6 =	vld [tilespmem:s25+$0x8040]  }
0x188: {  	v3 =	vadd.s32 $0x10000, v26;
	v0 =	vadd.s32 v4, v0;
	v5 =	vld [tilespmem:s25+$0x40];
	vm0 =	vgt.f32 v16, $0.0e+00  }
0x189: {  	v0 =	vadd.s32 v17, v0;
	v15 =	vld [tilespmem:s25+$0x30];
	v16 =	vsel vm0, v3, v26;
	v3 =	vnsel vm0, $0x0, v26  }
0x18a: {  	v0 =	vadd.s32 v8, v0;
	vm0 =	vgt.f32 v21, $0.0e+00;
	v17 =	vld [tilespmem:s25+$0x8020]  }
0x18b: {  	v4 =	vadd.s32 $0x10000, v9;
	v23 =	vadd.s32 v1, v0;
	v21 =	vadd.s32 $0x10000, v22;
	v8 =	vld [tilespmem:s25+$0x0]  }
0x18c: {  	v4 =	vsel vm0, v4, v9;
	vm2 =	vgt.f32 v24, $0.0e+00;
	v24 =	vld [tilespmem:s25+$0x50]  }
0x18d: {  	v0 =	vnsel vm0, $0x0, v9;
	v25 =	vld [tilespmem:s25+$0x20];
	vm4 =	vgt.f32 v5, $0.0e+00  }
0x18e: {  	vm1 =	vgt.f32 v12, $0.0e+00;
	vm5 =	vgt.f32 v14, $0.0e+00;
	v5 =	vnsel vm4, $0x0, v6;
	v9 =	vld [tilespmem:s25+$0x8050]  }
0x18f: {  	v1 =	vadd.s32 $0x10000, v20;
	v12 =	vadd.s32 $0x10000, v7;
	vm0 =	vgt.f32 v15, $0.0e+00;
	v14 =	vld [tilespmem:s25+$0x8060]  }
0x190: {  	vm3 =	vgt.f32 v19, $0.0e+00;
	vm6 =	vgt.f32 v8, $0.0e+00;
	v8 =	vadd.s32 $0x10000, v6;
	v15 =	vld [tilespmem:s25+$0x70]  }
0x191: {  	v26 =	vsel vm5, v1, v20;
	v1 =	vnsel vm3, $0x0, v2;
	v19 =	vnsel vm6, $0x0, v7;
	v27 =	vld [tilespmem:s25+$0x8420]  }
0x192: {  	v28 =	vnsel vm2, $0x0, v22;
	v13 =	vsel vm0, v13, v11;
	v6 =	vsel vm4, v8, v6;
	v8 =	vld [tilespmem:s25+$0x430]  }
0x193: {  	v20 =	vnsel vm5, $0x0, v20;
	vm4 =	vgt.f32 v24, $0.0e+00;
	v24 =	vadd.s32 $0x10000, v9;
	v29 =	vld [tilespmem:s25+$0x440]  }
0x194: {  	v7 =	vsel vm6, v12, v7;
	v12 =	vadd.s32 v23, v19;
	v19 =	vsel vm4, v24, v9;
	v23 =	vld [tilespmem:s25+$0x8440]  }
0x195: {  	vm5 =	vgt.f32 v25, $0.0e+00;
	v9 =	vnsel vm4, $0x0, v9;
	v24 =	vadd.s32 $0x10000, v14;
	v25 =	vld [tilespmem:s25+$0x450]  }
0x196: {  	v21 =	vsel vm2, v21, v22;
	v22 =	vnsel vm5, $0x0, v17;
	v30 =	vnsel vm1, $0x0, v27;
	v31 =	vld [tilespmem:s25+$0x8450]  }
0x197: {  	vm2 =	vgt.f32 v18, $0.0e+00;
	v7 =	vadd.s32 v10, v7;
	v10 =	vadd.s32 $0x10000, v27;
	v18 =	vld [tilespmem:s25+$0x460]  }
0x198: {  	v33 =	vadd.s32 $0x10000, v2;
	v7 =	vadd.s32 v21, v7;
	v21 =	vadd.s32 $0x10000, v17;
	v32 =	vld [tilespmem:s25+$0x8460]  }
0x199: {  	v33 =	vsel vm3, v33, v2;
	v11 =	vnsel vm0, $0x0, v11;
	v34 =	vld [tilespmem:s25+$0x8070];
	v35 =	vadd.s32 $0x10000, v23  }
0x19a: {  	v2 =	vsel vm5, v21, v17;
	v17 =	vnsel vm2, $0x0, v14;
	vm0 =	vgt.f32 v25, $0.0e+00;
	v21 =	vld [tilespmem:s25+$0x470]  }
0x19b: {  	v2 =	vadd.s32 v2, v7;
	v7 =	vsel vm1, v10, v27;
	v10 =	vadd.s32 $0x10000, v31;
	v25 =	vld [tilespmem:s25+$0x8470]  }
0x19c: {  	v2 =	vadd.s32 v13, v2;
	v13 =	vsel vm2, v24, v14;
	vm2 =	vgt.f32 v18, $0.0e+00;
	v14 =	vld [tilespmem:s25+$0x820]  }
0x19d: {  	v6 =	vadd.s32 v6, v2;
	vm1 =	vgt.f32 v15, $0.0e+00;
	v15 =	vld [tilespmem:s25+$0x8430];
	v2 =	vnsel vm2, $0x0, v32  }
0x19e: {  	v12 =	vadd.s32 v28, v12;
	v6 =	vadd.s32 v19, v6;
	v18 =	vnsel vm1, $0x0, v34;
	v19 =	vld [tilespmem:s25+$0x8820]  }
0x19f: {  	v12 =	vadd.s32 v22, v12;
	v6 =	vadd.s32 v13, v6;
	v13 =	vadd.s32 $0x10000, v34;
	v22 =	vld [tilespmem:s25+$0x830]  }
0x1a0: {  	vm4 =	vgt.f32 v8, $0.0e+00;
	v13 =	vsel vm1, v13, v34;
	vm3 =	vgt.f32 v21, $0.0e+00;
	v21 =	vld [tilespmem:s25+$0x8830]  }
0x1a1: {  	vm5 =	vgt.f32 v29, $0.0e+00;
	v6 =	vadd.s32 v13, v6;
	vm1 =	vgt.f32 v14, $0.0e+00;
	v8 =	vld [tilespmem:s25+$0x840]  }
0x1a2: {  	v11 =	vadd.s32 v11, v12;
	v12 =	vsel vm5, v35, v23;
	v6 =	vadd.s32 v26, v6;
	v13 =	vld [tilespmem:s25+$0x850]  }
0x1a3: {  	v5 =	vadd.s32 v5, v11;
	v6 =	vadd.s32 v16, v6;
	v14 =	vnsel vm4, $0x0, v15;
	v16 =	vld [tilespmem:s25+$0x8850]  }
0x1a4: {  	v5 =	vadd.s32 v9, v5;
	v6 =	vadd.s32 v7, v6;
	v7 =	vadd.s32 $0x10000, v15;
	v11 =	vld [tilespmem:s25+$0x860]  }
0x1a5: {  	v5 =	vadd.s32 v17, v5;
	v7 =	vsel vm4, v7, v15;
	v15 =	vnsel vm5, $0x0, v23;
	v24 =	vld [tilespmem:s25+$0x870]  }
0x1a6: {  	v6 =	vadd.s32 v7, v6;
	v7 =	vsel vm0, v10, v31;
	vm6 =	vgt.f32 v8, $0.0e+00;
	v8 =	vld [tilespmem:s25+$0x8870]  }
0x1a7: {  	v9 =	vnsel vm0, $0x0, v31;
	v6 =	vadd.s32 v12, v6;
	vm0 =	vgt.f32 v13, $0.0e+00;
	v10 =	vld [tilespmem:s25+$0xC00]  }
0x1a8: {  	v5 =	vadd.s32 v18, v5;
	v12 =	vadd.s32 $0x10000, v32;
	v7 =	vadd.s32 v7, v6;
	v6 =	vld [tilespmem:s25+$0x8C00]  }
0x1a9: {  	v12 =	vsel vm2, v12, v32;
	v13 =	vadd.s32 $0x10000, v25;
	vm4 =	vgt.f32 v11, $0.0e+00;
	v11 =	vld [tilespmem:s25+$0xC10]  }
0x1aa: {  	v5 =	vadd.s32 v20, v5;
	v7 =	vadd.s32 v12, v7;
	v12 =	vsel vm3, v13, v25;
	v13 =	vld [tilespmem:s25+$0xC20]  }
0x1ab: {  	v3 =	vadd.s32 v3, v5;
	v5 =	vadd.s32 v12, v7;
	v12 =	vnsel vm3, $0x0, v25;
	v18 =	vld [tilespmem:s25+$0x8840]  }
0x1ac: {  	v17 =	vadd.s32 $0x10000, v19;
	v5 =	vadd.s32 v33, v5;
	vm5 =	vgt.f32 v10, $0.0e+00;
	v7 =	vld [tilespmem:s25+$0xC30]  }
0x1ad: {  	v4 =	vadd.s32 v4, v5;
	v5 =	vsel vm1, v17, v19;
	v17 =	vadd.s32 $0x10000, v6;
	v20 =	vld [tilespmem:s25+$0xC40]  }
0x1ae: {  	v5 =	vadd.s32 v5, v4;
	v10 =	vnsel vm1, $0x0, v19;
	vm3 =	vgt.f32 v11, $0.0e+00;
	v4 =	vld [tilespmem:s25+$0x8C40]  }
0x1af: {  	vm1 =	vgt.f32 v22, $0.0e+00;
	v11 =	vadd.s32 $0x10000, v21;
	v23 =	vld [tilespmem:s25+$0x8860];
	vm2 =	vgt.f32 v13, $0.0e+00  }
0x1b0: {  	v3 =	vadd.s32 v30, v3;
	v13 =	vsel vm1, v11, v21;
	v11 =	vnsel vm1, $0x0, v21;
	v21 =	vld [tilespmem:s25+$0xC50]  }
0x1b1: {  	v14 =	vadd.s32 v14, v3;
	v5 =	vadd.s32 v13, v5;
	v13 =	vadd.s32 $0x10000, v18;
	v3 =	vld [tilespmem:s25+$0x8C50]  }
0x1b2: {  	v19 =	vsel vm6, v13, v18;
	v13 =	vnsel vm6, $0x0, v18;
	vm1 =	vgt.f32 v20, $0.0e+00;
	v25 =	vld [tilespmem:s25+$0xC60]  }
.Ltmp4:
0x1b3: {  	v22 =	vadd.s32 v15, v14;
	v14 =	vadd.s32 $0x10000, v16;
	v5 =	vadd.s32 v19, v5;
	v19 =	vld [tilespmem:s25+$0xC70];
	(pc) =	sbr.rel @p1 .LBB2_6-.Ltmp4, $4  }
0x1b4: {  	v15 =	vnsel vm0, $0x0, v16;
	v18 =	vsel vm0, v14, v16;
	v14 =	vadd.s32 $0x10000, v4  }
0x1b5: {  	v26 =	vadd.s32 v18, v5;
	v5 =	vadd.s32 $0x10000, v23;
	v20 =	vld [tilespmem:s25+$0x8C10];
	vm0 =	vgt.f32 v21, $0.0e+00  }
0x1b6: {  	v16 =	vnsel vm4, $0x0, v23;
	v21 =	vsel vm4, v5, v23;
	v18 =	vadd.s32 $0x10000, v3;
	v5 =	vld [tilespmem:s25+$0x8C70]  }
0x1b7: {  	s26 =	sadd.s32 $0x80, s26;
	s29 =	smov.u32 s28;
	vm6 =	vgt.f32 v24, $0.0e+00;
	v23 =	vadd.s32 v21, v26;
	v21 =	vld [tilespmem:s25+$0x8C20];
	vm4 =	vgt.f32 v25, $0.0e+00  }
0x1b8: {  	v24 =	vld [tilespmem:s25+$0x8C60]  }
0x1b9: {  	v25 =	vld [tilespmem:s25+$0x8C30];
	_ =	swait.ge [sflag:s17], $0x4000  }
0x1ba: {  	[sflag:s17] =	ssyncset.done $0x0  }
0x1bb: {  	[sflag:s17] =	ssyncadd.s32 $0xFFFFC000  }
0x1bc: {  	v9 =	vadd.s32 v9, v22;
	s26 =	simm.s32 $0x0;
	_ =	swait.ge [sflag:s17], $0x4000  }
0x1bd: {  	v22 =	vadd.s32 $0x10000, v8;
	v2 =	vadd.s32 v2, v9;
	s0 =	sand.u32 $0x3000, s26;
	s20 =	sand.u32 $0x380, s26;
	[sflag:s17] =	ssyncset.done $0x0  }
0x1be: {  	v26 =	vnsel vm6, $0x0, v8;
	v8 =	vsel vm6, v22, v8;
	v2 =	vadd.s32 v12, v2;
	s29 =	sor.u32 s20, s0;
	[sflag:s17] =	ssyncadd.s32 $0xFFFFC000  }
0x1bf: {  	v9 =	vsel vm5, v17, v6;
	v8 =	vadd.s32 v8, v23;
	v1 =	vadd.s32 v1, v2;
	v2 =	vld [tilespmem:s29+$0xC400]  }
0x1c0: {  	v8 =	vadd.s32 v9, v8;
	v9 =	vadd.s32 $0x10000, v20;
	v0 =	vadd.s32 v0, v1;
	v1 =	vld [tilespmem:s29+$0xC060]  }
0x1c1: {  	v9 =	vsel vm3, v9, v20;
	v17 =	vadd.s32 $0x10000, v21;
	v0 =	vadd.s32 v10, v0;
	v10 =	vld [tilespmem:s29+$0xC410]  }
0x1c2: {  	v8 =	vadd.s32 v9, v8;
	v9 =	vsel vm2, v17, v21;
	v0 =	vadd.s32 v11, v0;
	v11 =	vld [tilespmem:s29+$0x4810]  }
0x1c3: {  	vm12 =	vgt.f32 v19, $0.0e+00;
	v14 =	vsel vm1, v14, v4;
	v8 =	vadd.s32 v9, v8;
	v9 =	vld [tilespmem:s29+$0xC000]  }
0x1c4: {  	v17 =	vnsel vm2, $0x0, v21;
	vm2 =	vgt.f32 v7, $0.0e+00;
	v7 =	vsel vm0, v18, v3;
	v18 =	vld [tilespmem:s29+$0xC010]  }
0x1c5: {  	v4 =	vnsel vm1, $0x0, v4;
	v6 =	vnsel vm5, $0x0, v6;
	v12 =	vnsel vm3, $0x0, v20;
	v22 =	vld [tilespmem:s29+$0x4000]  }
0x1c6: {  	v19 =	vadd.s32 $0x10000, v5;
	v27 =	vld [tilespmem:s29+$0x4450];
	v0 =	vadd.s32 v13, v0;
	v13 =	vadd.s32 $0x10000, v25  }
0x1c7: {  	v3 =	vnsel vm0, $0x0, v3;
	v0 =	vadd.s32 v15, v0;
	v15 =	vld [tilespmem:s29+$0x4060];
	v13 =	vsel vm2, v13, v25  }
0x1c8: {  	v20 =	vnsel vm2, $0x0, v25;
	v25 =	vld [tilespmem:s29+$0xC070];
	v0 =	vadd.s32 v16, v0;
	v8 =	vadd.s32 v13, v8  }
0x1c9: {  	v16 =	vld [tilespmem:s29+$0x4410];
	v13 =	vnsel vm4, $0x0, v24;
	v0 =	vadd.s32 v26, v0;
	v8 =	vadd.s32 v14, v8  }
0x1ca: {  	v14 =	vadd.s32 $0x10000, v24;
	v0 =	vadd.s32 v6, v0;
	v6 =	vld [tilespmem:s29+$0xC050];
	v7 =	vadd.s32 v7, v8  }
0x1cb: {  	v8 =	vsel vm4, v14, v24;
	v14 =	vld [tilespmem:s29+$0xC040];
	v23 =	vadd.s32 $0x10000, v18;
	vm7 =	vgt.f32 v22, $0.0e+00  }
0x1cc: {  	v0 =	vadd.s32 v12, v0;
	v12 =	vld [tilespmem:s29+$0x4030];
	v7 =	vadd.s32 v8, v7;
	v8 =	vsel vm12, v19, v5  }
0x1cd: {  	v5 =	vnsel vm12, $0x0, v5;
	v19 =	vld [tilespmem:s29+$0x4050];
	vm12 =	vgt.f32 v27, $0.0e+00;
	v0 =	vadd.s32 v17, v0  }
0x1ce: {  	v17 =	vld [tilespmem:s29+$0xC030];
	vm0 =	vgt.f32 v15, $0.0e+00;
	v7 =	vadd.s32 v8, v7;
	v0 =	vadd.s32 v20, v0  }
0x1cf: {  	v15 =	vld [tilespmem:s29+$0x4020];
	v26 =	vadd.s32 $0x10000, v25;
	vm1 =	vgt.f32 v16, $0.0e+00;
	v0 =	vadd.s32 v4, v0  }
0x1d0: {  	v16 =	vld [tilespmem:s29+$0x4010];
	v0 =	vadd.s32 v3, v0;
	v3 =	vadd.s32 $0x10000, v1;
	v20 =	vadd.s32 $0x10000, v6  }
0x1d1: {  	v4 =	vld [tilespmem:s29+$0x4400];
	v24 =	vadd.s32 $0x10000, v14;
	v0 =	vadd.s32 v13, v0;
	vm3 =	vgt.f32 v12, $0.0e+00  }
0x1d2: {  	v13 =	vld [tilespmem:s29+$0x4040];
	vm15 =	vgt.f32 v19, $0.0e+00;
	v0 =	vadd.s32 v5, v0;
	v5 =	vsel vm0, v3, v1  }
0x1d3: {  	v12 =	vld [tilespmem:s29+$0x4070];
	v1 =	vnsel vm0, $0x0, v1;
	v21 =	vadd.s32 $0x10000, v17;
	vm0 =	vgt.f32 v11, $0.0e+00  }
0x1d4: {  	v11 =	vld [tilespmem:s29+$0xC020];
	v3 =	vadd.s32 $0x10000, v10;
	vm13 =	vgt.f32 v15, $0.0e+00;
	v20 =	vsel vm15, v20, v6  }
0x1d5: {  	v6 =	vnsel vm15, $0x0, v6;
	v3 =	vsel vm1, v3, v10;
	v21 =	vsel vm3, v21, v17  }
0x1d6: {  	v28 =	vld [tilespmem:s29+$0x4860];
	vm8 =	vgt.f32 v16, $0.0e+00;
	vm2 =	vgt.f32 v4, $0.0e+00;
	v4 =	vadd.s32 $0x10000, v2  }
0x1d7: {  	v16 =	vld [tilespmem:s29+$0x4430];
	v17 =	vnsel vm3, $0x0, v17;
	v8 =	vsel vm2, v4, v2;
	v4 =	vadd.s32 $0x10000, v9  }
0x1d8: {  	v2 =	vnsel vm2, $0x0, v2;
	vm14 =	vgt.f32 v13, $0.0e+00;
	v13 =	vld [tilespmem:s29+$0x4420];
	v4 =	vsel vm7, v4, v9  }
0x1d9: {  	v22 =	vld [tilespmem:s29+$0xC420];
	v9 =	vnsel vm7, $0x0, v9;
	vm3 =	vgt.f32 v12, $0.0e+00;
	v15 =	vadd.s32 $0x10000, v11  }
0x1da: {  	v12 =	vld [tilespmem:s29+$0x4440];
	v19 =	vnsel vm14, $0x0, v14;
	v14 =	vsel vm14, v24, v14;
	v4 =	vadd.s32 v7, v4  }
0x1db: {  	v7 =	vnsel vm1, $0x0, v10;
	v10 =	vld [tilespmem:s29+$0xC440];
	v24 =	vnsel vm8, $0x0, v18;
	v0 =	vadd.s32 v0, v9  }
0x1dc: {  	v9 =	vld [tilespmem:s29+$0xC450];
	vm14 =	vgt.f32 v28, $0.0e+00;
	v0 =	vadd.s32 v24, v0;
	vm2 =	vgt.f32 v16, $0.0e+00  }
0x1dd: {  	vm1 =	vgt.f32 v13, $0.0e+00;
	v13 =	vsel vm8, v23, v18;
	v18 =	vnsel vm13, $0x0, v11;
	v23 =	vld [tilespmem:s29+$0x4460]  }
0x1de: {  	v11 =	vsel vm13, v15, v11;
	v15 =	vadd.s32 $0x10000, v22;
	v0 =	vadd.s32 v18, v0;
	v18 =	vld [tilespmem:s29+$0x4470]  }
0x1df: {  	vm10 =	vgt.f32 v12, $0.0e+00;
	v4 =	vadd.s32 v13, v4;
	v0 =	vadd.s32 v17, v0;
	v17 =	vld [tilespmem:s29+$0xC470]  }
0x1e0: {  	v13 =	vsel vm3, v26, v25;
	v24 =	vadd.s32 $0x10000, v10;
	v0 =	vadd.s32 v19, v0;
	v19 =	vld [tilespmem:s29+$0xC460]  }
0x1e1: {  	v15 =	vsel vm1, v15, v22;
	v4 =	vadd.s32 v11, v4;
	v0 =	vadd.s32 v6, v0;
	v6 =	vld [tilespmem:s29+$0xC430]  }
0x1e2: {  	v11 =	vnsel vm3, $0x0, v25;
	v0 =	vadd.s32 v1, v0;
	vm3 =	vgt.f32 v23, $0.0e+00;
	v23 =	vld [tilespmem:s29+$0x4800]  }
0x1e3: {  	v25 =	vadd.s32 $0x10000, v9;
	v4 =	vadd.s32 v21, v4;
	v0 =	vadd.s32 v11, v0;
	v11 =	vld [tilespmem:s29+$0xC800]  }
0x1e4: {  	v1 =	vnsel vm1, $0x0, v22;
	vm1 =	vgt.f32 v18, $0.0e+00;
	v0 =	vadd.s32 v2, v0;
	v2 =	vld [tilespmem:s29+$0x4820]  }
0x1e5: {  	v12 =	vld [tilespmem:s29+$0xC810];
	v18 =	vnsel vm10, $0x0, v10;
	v16 =	vnsel vm1, $0x0, v17;
	v0 =	vadd.s32 v7, v0  }
0x1e6: {  	v30 =	vld [tilespmem:s29+$0xC860];
	v7 =	vadd.s32 $0x10000, v19;
	v1 =	vadd.s32 v1, v0;
	v22 =	vnsel vm2, $0x0, v6  }
0x1e7: {  	v26 =	vld [tilespmem:s29+$0x4850];
	v0 =	vadd.s32 $0x10000, v6;
	vm11 =	vgt.f32 v23, $0.0e+00;
	v1 =	vadd.s32 v22, v1  }
0x1e8: {  	v21 =	vld [tilespmem:s29+$0x4830];
	v0 =	vsel vm2, v0, v6;
	v6 =	vnsel vm11, $0x0, v11;
	v18 =	vadd.s32 v18, v1  }
0x1e9: {  	v23 =	vld [tilespmem:s29+$0xC830];
	v1 =	vsel vm12, v25, v9;
	vm2 =	vgt.f32 v2, $0.0e+00;
	v2 =	vadd.s32 v14, v4  }
0x1ea: {  	v22 =	vld [tilespmem:s29+$0x4840];
	v4 =	vnsel vm12, $0x0, v9;
	v9 =	vadd.s32 $0x10000, v12;
	v2 =	vadd.s32 v20, v2  }
0x1eb: {  	s20 =	sand.u32 $0xFFFFF000, s26;
	v25 =	vld [tilespmem:s29+$0xC850];
	v4 =	vadd.s32 v4, v18;
	v18 =	vnsel vm3, $0x0, v19;
	v20 =	vnsel vm0, $0x0, v12  }
0x1ec: {  	s26 =	sadd.s32 $0x0, s20;
	v14 =	vld [tilespmem:s29+$0xC820];
	v29 =	vadd.s32 v5, v2;
	v4 =	vadd.s32 v18, v4;
	v2 =	vsel vm0, v9, v12  }
0x1ed: {  	s0 =	sor.u32 $0x4C00, s26;
	v5 =	vsel vm3, v7, v19;
	vm3 =	vgt.f32 v26, $0.0e+00;
	v12 =	vld [tilespmem:s29+$0x4870];
	v7 =	vsel vm10, v24, v10  }
0x1ee: {  	v18 =	vadd.s32 $0x10000, v17;
	v24 =	vld [tilespmem:s0+$0x0];
	v27 =	vadd.s32 $0x10000, v23;
	v4 =	vadd.s32 v16, v4  }
0x1ef: {  	v16 =	vld [tilespmem:s29+$0xC840];
	vm13 =	vgt.f32 v22, $0.0e+00;
	v13 =	vadd.s32 v13, v29;
	v6 =	vadd.s32 v6, v4  }
0x1f0: {  	v10 =	vnsel vm3, $0x0, v25;
	v4 =	vld [tilespmem:s29+$0xC870];
	s29 =	sor.u32 $0x4C20, s26;
	v61 =	vadd.s32 v8, v13;
	v62 =	vadd.s32 $0x10000, v25  }
0x1f1: {  	s25 =	sor.u32 $0x4C10, s26;
	v6 =	vadd.s32 v20, v6;
	v9 =	vnsel vm2, $0x0, v14;
	v20 =	vadd.s32 $0x10000, v11;
	v26 =	vld [tilespmem:s29+$0x8000]  }
0x1f2: {  	v19 =	vadd.s32 v9, v6;
	v9 =	vsel vm1, v18, v17;
	vm1 =	vgt.f32 v21, $0.0e+00;
	v18 =	vld [tilespmem:s25+$0x0]  }
0x1f3: {  	v3 =	vadd.s32 v3, v61;
	v17 =	vnsel vm14, $0x0, v30;
	v6 =	vld [tilespmem:s25+$0x8000];
	v21 =	vnsel vm1, $0x0, v23  }
0x1f4: {  	vm0 =	vgt.f32 v12, $0.0e+00;
	v12 =	vadd.s32 v21, v19;
	v21 =	vld [tilespmem:s29+$0x0];
	v22 =	vnsel vm13, $0x0, v16  }
0x1f5: {  	s20 =	sor.u32 $0x4C30, s26;
	v11 =	vsel vm11, v20, v11;
	v20 =	vadd.s32 $0x10000, v14;
	v8 =	vadd.s32 v22, v12;
	v12 =	vld [tilespmem:s0+$0x8000]  }
0x1f6: {  	s28 =	sor.u32 $0x4C60, s26;
	v13 =	vsel vm2, v20, v14;
	v14 =	vsel vm1, v27, v23;
	v20 =	vld [tilespmem:s20+$0x8000];
	vm2 =	vgt.f32 v24, $0.0e+00  }
0x1f7: {  	v24 =	vld [tilespmem:s28+$0x0];
	v19 =	vnsel vm0, $0x0, v4;
	v8 =	vadd.s32 v10, v8;
	v10 =	vadd.s32 $0x10000, v30  }
0x1f8: {  	s30 =	sor.u32 $0x4C40, s26;
	v22 =	vld [tilespmem:s20+$0x0];
	vm1 =	vgt.f32 v18, $0.0e+00;
	v8 =	vadd.s32 v17, v8;
	v17 =	vadd.s32 $0x10000, v16  }
0x1f9: {  	s25 =	sor.u32 $0x4C50, s26;
	v23 =	vnsel vm1, $0x0, v6;
	v27 =	vadd.s32 v19, v8;
	v19 =	vld [tilespmem:s30+$0x0];
	v18 =	vsel vm13, v17, v16  }
0x1fa: {  	v8 =	vadd.s32 $0x10000, v26;
	v16 =	vld [tilespmem:s25+$0x0];
	vm15 =	vgt.f32 v21, $0.0e+00;
	v21 =	vnsel vm2, $0x0, v12  }
0x1fb: {  	s29 =	sor.u32 $0x4C70, s26;
	v17 =	vsel vm14, v10, v30;
	v10 =	vld [tilespmem:s25+$0x8000];
	v8 =	vsel vm15, v8, v26;
	v27 =	vadd.s32 v21, v27  }
0x1fc: {  	v63 =	vnsel vm15, $0x0, v26;
	v26 =	vadd.s32 v15, v3;
	v3 =	vld [tilespmem:s29+$0x8000];
	v27 =	vadd.s32 v23, v27  }
0x1fd: {  	s31 =	simm.s32 $0x200;
	s25 =	simm.s32 $0x80;
	v21 =	vsel vm3, v62, v25;
	v25 =	vld [tilespmem:s29+$0x0];
	v23 =	vadd.s32 $0x10000, v6;
	v15 =	vadd.s32 v63, v27  }
.LBB2_8:
0x1fe: {  	s0 =	sand.u32 $0x3000, s31  }
0x1ff: {  	s20 =	sand.u32 $0x380, s25;
	v0 =	vadd.s32 v0, v26;
	vm3 =	vgt.f32 v22, $0.0e+00;
	v22 =	vadd.s32 $0x10000, v20;
	v26 =	vld [tilespmem:s28+$0x8000];
	s29 =	smov.u32 s31;
	s26 =	sadd.s32 $0x200, s31  }
0x200: {  	p1 =	sne.s32 s31, $0x3E00;
	s28 =	sor.u32 s20, s0;
	v0 =	vadd.s32 v7, v0;
	v7 =	vsel vm3, v22, v20;
	v20 =	vnsel vm3, $0x0, v20;
	v22 =	vld [tilespmem:s30+$0x8000]  }
0x201: {  	vm4 =	vgt.f32 v19, $0.0e+00;
	v27 =	vld [tilespmem:s28+$0xC400];
	v0 =	vadd.s32 v1, v0;
	v1 =	vadd.s32 $0x10000, v10  }
0x202: {  	vm3 =	vgt.f32 v24, $0.0e+00;
	v19 =	vld [tilespmem:s28+$0xC060];
	v0 =	vadd.s32 v5, v0;
	v5 =	vadd.s32 $0x10000, v4  }
0x203: {  	v24 =	vld [tilespmem:s28+$0xC410];
	v0 =	vadd.s32 v9, v0;
	v4 =	vsel vm0, v5, v4;
	vm0 =	vgt.f32 v25, $0.0e+00  }
0x204: {  	v9 =	vadd.s32 $0x10000, v12;
	v5 =	vld [tilespmem:s28+$0x4810];
	v0 =	vadd.s32 v11, v0;
	v11 =	vnsel vm3, $0x0, v26  }
0x205: {  	v25 =	vld [tilespmem:s28+$0xC000];
	v0 =	vadd.s32 v2, v0;
	v2 =	vsel vm2, v9, v12;
	v9 =	vadd.s32 $0x10000, v3  }
0x206: {  	v28 =	vnsel vm4, $0x0, v22;
	v12 =	vld [tilespmem:s28+$0x4060];
	v0 =	vadd.s32 v13, v0;
	v13 =	vadd.s32 $0x10000, v22  }
0x207: {  	vm2 =	vgt.f32 v16, $0.0e+00;
	v29 =	vld [tilespmem:s28+$0x4410];
	v0 =	vadd.s32 v14, v0;
	v14 =	vadd.s32 $0x10000, v26  }
0x208: {  	v6 =	vsel vm1, v23, v6;
	v16 =	vld [tilespmem:s28+$0xC010];
	v0 =	vadd.s32 v18, v0;
	v18 =	vnsel vm0, $0x0, v3  }
0x209: {  	v15 =	vadd.s32 v20, v15;
	v13 =	vsel vm4, v13, v22;
	v23 =	vld [tilespmem:s28+$0xC050];
	v0 =	vadd.s32 v21, v0  }
0x20a: {  	v15 =	vadd.s32 v28, v15;
	v20 =	vld [tilespmem:s28+$0x4030];
	v0 =	vadd.s32 v17, v0;
	v17 =	vnsel vm2, $0x0, v10  }
0x20b: {  	v1 =	vsel vm2, v1, v10;
	v21 =	vld [tilespmem:s28+$0xC030];
	v0 =	vadd.s32 v4, v0;
	v4 =	vadd.s32 v17, v15  }
0x20c: {  	v14 =	vsel vm3, v14, v26;
	v10 =	vld [tilespmem:s28+$0xC040];
	v0 =	vadd.s32 v2, v0;
	v4 =	vadd.s32 v11, v4  }
0x20d: {  	vm1 =	vgt.f32 v12, $0.0e+00;
	v2 =	vadd.s32 $0x10000, v19;
	v11 =	vld [tilespmem:s28+$0x4400];
	v0 =	vadd.s32 v6, v0  }
0x20e: {  	v12 =	vnsel vm1, $0x0, v19;
	v2 =	vsel vm1, v2, v19;
	v6 =	vld [tilespmem:s28+$0x4050];
	v0 =	vadd.s32 v8, v0  }
0x20f: {  	v4 =	vadd.s32 v18, v4;
	v17 =	vadd.s32 $0x10000, v23;
	v15 =	vld [tilespmem:s28+$0x4040];
	v0 =	vadd.s32 v7, v0  }
0x210: {  	v9 =	vsel vm0, v9, v3;
	v7 =	vld [tilespmem:s28+$0x4020];
	v18 =	vadd.s32 $0x10000, v21;
	v0 =	vadd.s32 v13, v0  }
0x211: {  	vm0 =	vgt.f32 v5, $0.0e+00;
	v19 =	vadd.s32 $0x10000, v16;
	v13 =	vld [tilespmem:s28+$0x4000];
	v0 =	vadd.s32 v1, v0  }
0x212: {  	v3 =	vadd.s32 $0x10000, v24;
	vm1 =	vgt.f32 v29, $0.0e+00;
	v1 =	vld [tilespmem:s28+$0xC020];
	v0 =	vadd.s32 v14, v0  }
0x213: {  	v8 =	vadd.s32 $0x10000, v27;
	v3 =	vsel vm1, v3, v24;
	vm4 =	vgt.f32 v11, $0.0e+00;
	v5 =	vld [tilespmem:s28+$0x4010]  }
0x214: {  	vm3 =	vgt.f32 v20, $0.0e+00;
	v8 =	vsel vm4, v8, v27;
	v0 =	vadd.s32 v9, v0;
	v11 =	vld [tilespmem:s28+$0x4070]  }
0x215: {  	v14 =	vsel vm3, v18, v21;
	v18 =	vadd.s32 $0x10000, v10;
	v9 =	vadd.s32 $0x10000, v25;
	v20 =	vld [tilespmem:s28+$0xC070]  }
0x216: {  	vm6 =	vgt.f32 v6, $0.0e+00;
	vm5 =	vgt.f32 v15, $0.0e+00;
	vm2 =	vgt.f32 v7, $0.0e+00;
	v6 =	vld [tilespmem:s28+$0x4420]  }
0x217: {  	vm7 =	vgt.f32 v13, $0.0e+00;
	v13 =	vnsel vm5, $0x0, v10;
	v7 =	vadd.s32 $0x10000, v1;
	v15 =	vld [tilespmem:s28+$0xC420]  }
0x218: {  	v9 =	vsel vm7, v9, v25;
	vm8 =	vgt.f32 v5, $0.0e+00;
	v5 =	vsel vm5, v18, v10;
	v10 =	vld [tilespmem:s28+$0x4430]  }
0x219: {  	v21 =	vnsel vm3, $0x0, v21;
	v18 =	vnsel vm7, $0x0, v25;
	vm3 =	vgt.f32 v11, $0.0e+00;
	v11 =	vld [tilespmem:s28+$0x4440]  }
0x21a: {  	v22 =	vnsel vm1, $0x0, v24;
	v0 =	vadd.s32 v0, v9;
	v9 =	vnsel vm4, $0x0, v27;
	v24 =	vld [tilespmem:s28+$0xC440]  }
0x21b: {  	v17 =	vsel vm6, v17, v23;
	v25 =	vnsel vm8, $0x0, v16;
	v26 =	vadd.s32 $0x10000, v20;
	v27 =	vld [tilespmem:s28+$0x4450]  }
0x21c: {  	v4 =	vadd.s32 v4, v18;
	v18 =	vnsel vm6, $0x0, v23;
	vm1 =	vgt.f32 v6, $0.0e+00;
	v6 =	vld [tilespmem:s28+$0xC450]  }
0x21d: {  	v16 =	vsel vm8, v19, v16;
	v19 =	vnsel vm2, $0x0, v1;
	v4 =	vadd.s32 v25, v4;
	v23 =	vld [tilespmem:s28+$0x4460]  }
0x21e: {  	v1 =	vsel vm2, v7, v1;
	v4 =	vadd.s32 v19, v4;
	v7 =	vadd.s32 $0x10000, v15;
	v19 =	vld [tilespmem:s28+$0x4470]  }
0x21f: {  	v0 =	vadd.s32 v16, v0;
	v16 =	vsel vm3, v26, v20;
	v4 =	vadd.s32 v21, v4;
	v21 =	vld [tilespmem:s28+$0xC470]  }
0x220: {  	v0 =	vadd.s32 v1, v0;
	v1 =	vadd.s32 v13, v4;
	v4 =	vnsel vm3, $0x0, v20;
	v13 =	vld [tilespmem:s28+$0xC460]  }
0x221: {  	v1 =	vadd.s32 v18, v1;
	v20 =	vadd.s32 $0x10000, v24;
	v18 =	vld [tilespmem:s28+$0xC430];
	v25 =	vadd.s32 $0x10000, v6  }
0x222: {  	v1 =	vadd.s32 v12, v1;
	v12 =	vnsel vm1, $0x0, v15;
	vm3 =	vgt.f32 v23, $0.0e+00;
	v23 =	vld [tilespmem:s28+$0x4800]  }
0x223: {  	v15 =	vsel vm1, v7, v15;
	v1 =	vadd.s32 v4, v1;
	vm1 =	vgt.f32 v19, $0.0e+00;
	v19 =	vld [tilespmem:s28+$0xC800]  }
0x224: {  	vm2 =	vgt.f32 v10, $0.0e+00;
	v1 =	vadd.s32 v9, v1;
	v4 =	vnsel vm1, $0x0, v21;
	v7 =	vld [tilespmem:s28+$0x4820]  }
0x225: {  	vm5 =	vgt.f32 v11, $0.0e+00;
	v1 =	vadd.s32 v22, v1;
	v9 =	vadd.s32 $0x10000, v13;
	v10 =	vld [tilespmem:s28+$0xC810]  }
0x226: {  	v11 =	vadd.s32 v14, v0;
	v1 =	vadd.s32 v12, v1;
	v12 =	vnsel vm5, $0x0, v24;
	v14 =	vld [tilespmem:s28+$0x4830]  }
0x227: {  	v0 =	vadd.s32 $0x10000, v18;
	v22 =	vnsel vm2, $0x0, v18;
	vm4 =	vgt.f32 v23, $0.0e+00;
	v23 =	vld [tilespmem:s28+$0xC830]  }
0x228: {  	v0 =	vsel vm2, v0, v18;
	v1 =	vadd.s32 v22, v1;
	v18 =	vnsel vm4, $0x0, v19;
	v22 =	vld [tilespmem:s28+$0x4840]  }
0x229: {  	vm6 =	vgt.f32 v27, $0.0e+00;
	v12 =	vadd.s32 v12, v1;
	vm2 =	vgt.f32 v7, $0.0e+00;
	v7 =	vld [tilespmem:s28+$0x4850]  }
0x22a: {  	v5 =	vadd.s32 v5, v11;
	v1 =	vsel vm6, v25, v6;
	v6 =	vnsel vm6, $0x0, v6;
	v25 =	vld [tilespmem:s28+$0xC850]  }
0x22b: {  	v5 =	vadd.s32 v17, v5;
	v6 =	vadd.s32 v6, v12;
	v11 =	vadd.s32 $0x10000, v10;
	v12 =	vld [tilespmem:s28+$0xC820]  }
0x22c: {  	v17 =	vnsel vm3, $0x0, v13;
	v26 =	vnsel vm0, $0x0, v10;
	v27 =	vadd.s32 $0x10000, v23;
	v28 =	vld [tilespmem:s28+$0x4860]  }
0x22d: {  	v29 =	vadd.s32 v2, v5;
	v6 =	vadd.s32 v17, v6;
	v2 =	vsel vm0, v11, v10;
	v10 =	vld [tilespmem:s28+$0xC860]  }
0x22e: {  	s0 =	sand.u32 $0xFFFFF000, s29;
	v5 =	vsel vm3, v9, v13;
	v4 =	vadd.s32 v4, v6;
	vm3 =	vgt.f32 v7, $0.0e+00;
	v6 =	vld [tilespmem:s28+$0x4870]  }
0x22f: {  	s29 =	sadd.s32 s0, s25;
	v9 =	vadd.s32 v18, v4;
	v7 =	vsel vm5, v20, v24;
	v17 =	vnsel vm3, $0x0, v25;
	v4 =	vld [tilespmem:s28+$0xC870]  }
0x230: {  	s0 =	sor.u32 $0x4C00, s29;
	v9 =	vadd.s32 v26, v9;
	vm5 =	vgt.f32 v22, $0.0e+00;
	v11 =	vnsel vm2, $0x0, v12;
	v18 =	vld [tilespmem:s28+$0xC840]  }
0x231: {  	s20 =	sor.u32 $0x4C10, s29;
	v13 =	vadd.s32 $0x10000, v21;
	v20 =	vadd.s32 v11, v9;
	vm6 =	vgt.f32 v28, $0.0e+00;
	v24 =	vld [tilespmem:s0+$0x0]  }
0x232: {  	v9 =	vsel vm1, v13, v21;
	vm1 =	vgt.f32 v14, $0.0e+00;
	v21 =	vnsel vm6, $0x0, v10;
	v22 =	vld [tilespmem:s20+$0x0]  }
0x233: {  	v11 =	vadd.s32 $0x10000, v19;
	v13 =	vnsel vm1, $0x0, v23;
	vm0 =	vgt.f32 v6, $0.0e+00;
	v6 =	vld [tilespmem:s20+$0x8000];
	s20 =	sor.u32 $0x4C20, s29  }
0x234: {  	v11 =	vsel vm4, v11, v19;
	v14 =	vadd.s32 v13, v20;
	v19 =	vnsel vm0, $0x0, v4;
	v26 =	vld [tilespmem:s20+$0x0]  }
0x235: {  	v13 =	vadd.s32 v16, v29;
	v16 =	vadd.s32 $0x10000, v12;
	v20 =	vnsel vm5, $0x0, v18;
	v28 =	vld [tilespmem:s20+$0x8000]  }
0x236: {  	v29 =	vadd.s32 v8, v13;
	v13 =	vsel vm2, v16, v12;
	v8 =	vadd.s32 v20, v14;
	v12 =	vld [tilespmem:s0+$0x8000];
	s0 =	sor.u32 $0x4C30, s29  }
0x237: {  	v14 =	vsel vm1, v27, v23;
	v8 =	vadd.s32 v17, v8;
	vm1 =	vgt.f32 v22, $0.0e+00;
	v22 =	vld [tilespmem:s0+$0x0]  }
0x238: {  	s30 =	sor.u32 $0x4C40, s29;
	v17 =	vadd.s32 $0x10000, v10;
	v8 =	vadd.s32 v21, v8;
	v23 =	vnsel vm1, $0x0, v6;
	v20 =	vld [tilespmem:s0+$0x8000]  }
0x239: {  	v16 =	vadd.s32 $0x10000, v18;
	s0 =	sor.u32 $0x4C50, s29;
	v21 =	vadd.s32 v19, v8;
	vm4 =	vgt.f32 v26, $0.0e+00;
	v19 =	vld [tilespmem:s30+$0x0]  }
.Ltmp5:
0x23a: {  	v18 =	vsel vm5, v16, v18;
	vm2 =	vgt.f32 v24, $0.0e+00;
	v8 =	vadd.s32 $0x10000, v28;
	v16 =	vld [tilespmem:s0+$0x0];
	(pc) =	sbr.rel @p1 .LBB2_8-.Ltmp5, $4  }
0x23b: {  	s28 =	sor.u32 $0x4C60, s29;
	v17 =	vsel vm6, v17, v10;
	v24 =	vnsel vm2, $0x0, v12;
	v8 =	vsel vm4, v8, v28;
	v10 =	vld [tilespmem:s0+$0x8000]  }
0x23c: {  	v26 =	vadd.s32 $0x10000, v25;
	v28 =	vnsel vm4, $0x0, v28;
	s0 =	sor.u32 $0x4C70, s29;
	v27 =	vadd.s32 v24, v21;
	v24 =	vld [tilespmem:s28+$0x0]  }
0x23d: {  	v3 =	vadd.s32 v3, v29;
	v21 =	vsel vm3, v26, v25;
	v27 =	vadd.s32 v23, v27;
	v25 =	vld [tilespmem:s0+$0x0]  }
0x23e: {  	s31 =	smov.u32 s26;
	s25 =	sadd.s32 $0x80, s25;
	v26 =	vadd.s32 v15, v3;
	v23 =	vadd.s32 $0x10000, v6;
	v15 =	vadd.s32 v28, v27;
	v3 =	vld [tilespmem:s0+$0x8000]  }
0x23f: {  	v0 =	vadd.s32 v0, v26  }
0x240: {  	v0 =	vadd.s32 v7, v0  }
0x241: {  	v0 =	vadd.s32 v1, v0  }
0x242: {  	v0 =	vadd.s32 v5, v0  }
0x243: {  	v0 =	vadd.s32 v9, v0  }
0x244: {  	v0 =	vadd.s32 v11, v0  }
0x245: {  	v0 =	vadd.s32 v2, v0  }
0x246: {  	v0 =	vadd.s32 v13, v0  }
0x247: {  	vm3 =	vgt.f32 v22, $0.0e+00;
	v0 =	vadd.s32 v14, v0  }
0x248: {  	v48 =	vadd.s32 $0x10000, v20;
	v51 =	vadd.s32 $0x10000, v4;
	v0 =	vadd.s32 v18, v0  }
0x249: {  	v50 =	vld [tilespmem:s30+$0x8000];
	v52 =	vadd.s32 $0x10000, v12;
	vm12 =	vgt.f32 v19, $0.0e+00;
	v0 =	vadd.s32 v21, v0  }
0x24a: {  	v6 =	vsel vm1, v23, v6;
	v4 =	vsel vm0, v51, v4;
	v0 =	vadd.s32 v17, v0  }
0x24b: {  	v53 =	vld [tilespmem:s28+$0x8000];
	vm15 =	vgt.f32 v16, $0.0e+00;
	v7 =	vsel vm2, v52, v12;
	v0 =	vadd.s32 v4, v0  }
0x24c: {  	v49 =	vnsel vm3, $0x0, v20;
	v54 =	vadd.s32 $0x10000, v10;
	v0 =	vadd.s32 v7, v0  }
0x24d: {  	v1 =	vsel vm3, v48, v20;
	vm13 =	vgt.f32 v24, $0.0e+00;
	v0 =	vadd.s32 v6, v0  }
0x24e: {  	vm14 =	vgt.f32 v25, $0.0e+00;
	v56 =	vadd.s32 $0x10000, v50;
	v0 =	vadd.s32 v8, v0  }
0x24f: {  	v55 =	vadd.s32 $0x10000, v3;
	v7 =	vsel vm12, v56, v50;
	v0 =	vadd.s32 v1, v0  }
0x250: {  	v57 =	vadd.s32 $0x10000, v53;
	v4 =	vsel vm15, v54, v10;
	v0 =	vadd.s32 v7, v0  }
0x251: {  	v5 =	vnsel vm12, $0x0, v50;
	v1 =	vsel vm13, v57, v53;
	v0 =	vadd.s32 v4, v0  }
0x252: {  	v58 =	vsel vm14, v55, v3;
	v2 =	vadd.s32 v49, v15;
	v0 =	vadd.s32 v1, v0  }
0x253: {  	v60 =	vnsel vm15, $0x0, v10;
	v59 =	vadd.s32 v5, v2;
	v0 =	vadd.s32 v58, v0  }
0x254: {  	v61 =	vnsel vm13, $0x0, v53;
	v1 =	vadd.s32 v60, v59;
	v62 =	vand.u32 $0xFFFF, v0  }
0x255: {  	v63 =	vnsel vm14, $0x0, v3;
	v1 =	vadd.s32 v61, v1;
	v0 =	vshrl.u32 v0, $0x10;
	[tilespmem:$0x10000] =	vst v62  }
0x256: {  	v1 =	vadd.s32 v63, v1;
	[tilespmem:$0x10080] =	vst v0  }
0x257: {  	[tilespmem:$0x10100] =	vst v1  }
0x258: {  	[hbm4b:s10+s1] =	stream.linear.scatter [tilespmem:s18], [sflag:$0x3], $0x180, $0x38;
	[tilespmem:$0x12200] =	vst v63  }
.Ltmp6:
0x259: {  	_ =	swait.ge [sflag:s19], $0x180;
	(pc) =	sbr.rel @p0 .LBB2_11-.Ltmp6, $3  }
0x25a: {  	[sflag:s19] =	ssyncset.done $0x0  }
0x25b: {  	[sflag:s19] =	ssyncadd.s32 $0xFFFFFE80  }
0x25c: {  	[bflag:$0x0] =	sbarrier.arrive $0xFFFF;
	_ =	sdelay $0x1  }
0x25d: {  	s0 =	simm.s32 $0x10200  }
0x25e: {  	[tilespmem:s0], [sflag:$0x3] =	stream.linear.gather [hbm4b:s11+s1], $0x180, $0x38;
	[tilespmem:$0x12200] =	vst v63  }
0x25f: {  	s31 =	sadd.s32 $0x40, s11;
	s20 =	simm.s32 $0x10400  }
0x260: {  	[tilespmem:s20], [sflag:$0x3] =	stream.linear.gather [hbm4b:s31+s1], $0x180, $0x38;
	[tilespmem:$0x12200] =	vst v63  }
0x261: {  	s25 =	sadd.s32 $0x80, s11;
	s26 =	simm.s32 $0x10600  }
0x262: {  	[tilespmem:s26], [sflag:$0x3] =	stream.linear.gather [hbm4b:s25+s1], $0x180, $0x38;
	[tilespmem:$0x12200] =	vst v63  }
0x263: {  	s28 =	sadd.s32 $0xC0, s11;
	s29 =	simm.s32 $0x10800  }
0x264: {  	[tilespmem:s29], [sflag:$0x3] =	stream.linear.gather [hbm4b:s28+s1], $0x180, $0x38;
	[tilespmem:$0x12200] =	vst v63  }
0x265: {  	s30 =	sadd.s32 $0x100, s11;
	s31 =	simm.s32 $0x10A00  }
0x266: {  	[tilespmem:s31], [sflag:$0x3] =	stream.linear.gather [hbm4b:s30+s1], $0x180, $0x38;
	[tilespmem:$0x12200] =	vst v63  }
0x267: {  	s25 =	sadd.s32 $0x140, s11;
	s26 =	simm.s32 $0x10C00  }
0x268: {  	[tilespmem:s26], [sflag:$0x3] =	stream.linear.gather [hbm4b:s25+s1], $0x180, $0x38;
	[tilespmem:$0x12200] =	vst v63  }
0x269: {  	s28 =	sadd.s32 $0x180, s11;
	s29 =	simm.s32 $0x10E00  }
0x26a: {  	[tilespmem:s29], [sflag:$0x3] =	stream.linear.gather [hbm4b:s28+s1], $0x180, $0x38;
	[tilespmem:$0x12200] =	vst v63  }
0x26b: {  	s30 =	sadd.s32 $0x1C0, s11;
	s31 =	simm.s32 $0x11000  }
0x26c: {  	[tilespmem:s31], [sflag:$0x3] =	stream.linear.gather [hbm4b:s30+s1], $0x180, $0x38;
	[tilespmem:$0x12200] =	vst v63  }
0x26d: {  	s25 =	sadd.s32 $0x200, s11;
	s26 =	simm.s32 $0x11200  }
0x26e: {  	[tilespmem:s26], [sflag:$0x3] =	stream.linear.gather [hbm4b:s25+s1], $0x180, $0x38;
	[tilespmem:$0x12200] =	vst v63  }
0x26f: {  	s28 =	sadd.s32 $0x240, s11;
	s29 =	simm.s32 $0x11400  }
0x270: {  	[tilespmem:s29], [sflag:$0x3] =	stream.linear.gather [hbm4b:s28+s1], $0x180, $0x38;
	[tilespmem:$0x12200] =	vst v63  }
0x271: {  	s30 =	sadd.s32 $0x280, s11;
	s31 =	simm.s32 $0x11600  }
0x272: {  	[tilespmem:s31], [sflag:$0x3] =	stream.linear.gather [hbm4b:s30+s1], $0x180, $0x38;
	[tilespmem:$0x12200] =	vst v63  }
0x273: {  	s20 =	sadd.s32 $0x2C0, s11;
	s25 =	simm.s32 $0x11800  }
0x274: {  	[tilespmem:s25], [sflag:$0x3] =	stream.linear.gather [hbm4b:s20+s1], $0x180, $0x38;
	[tilespmem:$0x12200] =	vst v63  }
0x275: {  	s26 =	sadd.s32 $0x300, s11;
	s28 =	simm.s32 $0x11A00  }
0x276: {  	[tilespmem:s28], [sflag:$0x3] =	stream.linear.gather [hbm4b:s26+s1], $0x180, $0x38;
	[tilespmem:$0x12200] =	vst v63  }
0x277: {  	s29 =	sadd.s32 $0x340, s11  }
0x278: {  	[tilespmem:s21], [sflag:$0x3] =	stream.linear.gather [hbm4b:s29+s1], $0x180, $0x38;
	[tilespmem:$0x12200] =	vst v63  }
0x279: {  	s30 =	sadd.s32 $0x380, s11  }
0x27a: {  	[tilespmem:s22], [sflag:$0x3] =	stream.linear.gather [hbm4b:s30+s1], $0x180, $0x38;
	[tilespmem:$0x12200] =	vst v63  }
0x27b: {  	s31 =	sadd.s32 $0x3C0, s11  }
0x27c: {  	[tilespmem:s23], [sflag:$0x3] =	stream.linear.gather [hbm4b:s31+s1], $0x180, $0x38;
	[tilespmem:$0x12200] =	vst v63  }
0x27d: {  	_ =	swait.ge [sflag:s19], $0x1800  }
0x27e: {  	[sflag:s19] =	ssyncset.done $0x0  }
0x27f: {  	[sflag:s19] =	ssyncadd.s32 $0xFFFFE800  }
0x280: {  	v0 =	vld [tilespmem:$0x10200]  }
0x281: {  	v1 =	vld [tilespmem:$0x10280]  }
0x282: {  	v2 =	vld [tilespmem:$0x10300]  }
0x283: {  	v3 =	vld [tilespmem:$0x10400]  }
0x284: {  	v4 =	vld [tilespmem:$0x10480]  }
0x285: {  	v5 =	vld [tilespmem:$0x10500]  }
0x286: {  	v6 =	vld [tilespmem:$0x10600]  }
0x287: {  	v7 =	vld [tilespmem:$0x10680]  }
0x288: {  	v8 =	vld [tilespmem:$0x10700]  }
0x289: {  	v9 =	vld [tilespmem:$0x10800]  }
0x28a: {  	v10 =	vld [tilespmem:$0x10880]  }
0x28b: {  	v11 =	vld [tilespmem:$0x10900]  }
0x28c: {  	v12 =	vld [tilespmem:$0x10A00]  }
0x28d: {  	v13 =	vld [tilespmem:$0x10A80]  }
0x28e: {  	v14 =	vld [tilespmem:$0x10B00]  }
0x28f: {  	v15 =	vld [tilespmem:$0x10C00]  }
0x290: {  	v16 =	vld [tilespmem:$0x10C80]  }
0x291: {  	v17 =	vld [tilespmem:$0x10D00]  }
0x292: {  	v18 =	vld [tilespmem:$0x10E00]  }
0x293: {  	v19 =	vld [tilespmem:$0x10E80]  }
0x294: {  	v20 =	vld [tilespmem:$0x10F00]  }
0x295: {  	v21 =	vld [tilespmem:$0x11000]  }
0x296: {  	v22 =	vld [tilespmem:$0x11080]  }
0x297: {  	v23 =	vld [tilespmem:$0x11100]  }
0x298: {  	v24 =	vld [tilespmem:$0x11200]  }
0x299: {  	v25 =	vld [tilespmem:$0x11280]  }
0x29a: {  	v26 =	vld [tilespmem:$0x11300]  }
0x29b: {  	v27 =	vld [tilespmem:$0x11400]  }
0x29c: {  	v28 =	vld [tilespmem:$0x11480]  }
0x29d: {  	v29 =	vld [tilespmem:$0x11500]  }
0x29e: {  	v30 =	vld [tilespmem:$0x11600]  }
0x29f: {  	v31 =	vld [tilespmem:$0x11680]  }
0x2a0: {  	v32 =	vld [tilespmem:$0x11700]  }
0x2a1: {  	v33 =	vld [tilespmem:$0x11800]  }
0x2a2: {  	v34 =	vld [tilespmem:$0x11880]  }
0x2a3: {  	v35 =	vld [tilespmem:$0x11900]  }
0x2a4: {  	v51 =	vld [tilespmem:$0x11A00];
	v0 =	vadd.s32 v0, v3  }
0x2a5: {  	v52 =	vld [tilespmem:$0x11A80];
	v1 =	vadd.s32 v1, v4;
	v0 =	vadd.s32 v6, v0  }
0x2a6: {  	v53 =	vld [tilespmem:$0x11B00];
	v2 =	vadd.s32 v2, v5;
	v1 =	vadd.s32 v7, v1;
	v0 =	vadd.s32 v9, v0  }
0x2a7: {  	v54 =	vld [tilespmem:$0x11C00];
	v2 =	vadd.s32 v8, v2;
	v1 =	vadd.s32 v10, v1;
	v0 =	vadd.s32 v12, v0  }
0x2a8: {  	v55 =	vld [tilespmem:$0x11C80];
	v2 =	vadd.s32 v11, v2;
	v1 =	vadd.s32 v13, v1;
	v0 =	vadd.s32 v15, v0  }
0x2a9: {  	v56 =	vld [tilespmem:$0x11D00];
	v2 =	vadd.s32 v14, v2;
	v1 =	vadd.s32 v16, v1;
	v0 =	vadd.s32 v18, v0  }
0x2aa: {  	v57 =	vld [tilespmem:$0x11E00];
	v2 =	vadd.s32 v17, v2;
	v1 =	vadd.s32 v19, v1;
	v0 =	vadd.s32 v21, v0  }
0x2ab: {  	v58 =	vld [tilespmem:$0x11E80];
	v2 =	vadd.s32 v20, v2;
	v1 =	vadd.s32 v22, v1;
	v0 =	vadd.s32 v24, v0  }
0x2ac: {  	v59 =	vld [tilespmem:$0x11F00];
	v2 =	vadd.s32 v23, v2;
	v1 =	vadd.s32 v25, v1;
	v0 =	vadd.s32 v27, v0  }
0x2ad: {  	v60 =	vld [tilespmem:$0x12000];
	v2 =	vadd.s32 v26, v2;
	v1 =	vadd.s32 v28, v1;
	v0 =	vadd.s32 v30, v0  }
0x2ae: {  	v61 =	vld [tilespmem:$0x12080];
	v2 =	vadd.s32 v29, v2;
	v1 =	vadd.s32 v31, v1;
	v0 =	vadd.s32 v33, v0  }
0x2af: {  	v62 =	vld [tilespmem:$0x12100];
	v2 =	vadd.s32 v32, v2;
	v1 =	vadd.s32 v34, v1;
	v0 =	vadd.s32 v51, v0  }
0x2b0: {  	v2 =	vadd.s32 v35, v2;
	v1 =	vadd.s32 v52, v1;
	v0 =	vadd.s32 v54, v0  }
0x2b1: {  	v2 =	vadd.s32 v53, v2;
	v1 =	vadd.s32 v55, v1;
	v0 =	vadd.s32 v57, v0  }
0x2b2: {  	v2 =	vadd.s32 v56, v2;
	v1 =	vadd.s32 v58, v1;
	v0 =	vadd.s32 v60, v0  }
0x2b3: {  	v2 =	vadd.s32 v59, v2;
	v1 =	vadd.s32 v61, v1;
	[tilespmem:$0x10000] =	vst v0  }
0x2b4: {  	v63 =	vadd.s32 v62, v2;
	[tilespmem:$0x10080] =	vst v1  }
.Ltmp7:
0x2b5: {  	[tilespmem:$0x10100] =	vst v63;
	(pc) =	sbr.rel .LBB2_11-.Ltmp7, $4  }
0x2b6: {  	[hbm4b:s11+s1] =	stream.linear.scatter [tilespmem:s18], [sflag:$0x3], $0x180, $0x38;
	[tilespmem:$0x12200] =	vst v63  }
0x2b7: {  	_ =	swait.ge [sflag:s19], $0x180  }
0x2b8: {  	[sflag:s19] =	ssyncset.done $0x0  }
0x2b9: {  	[sflag:s19] =	ssyncadd.s32 $0xFFFFFE80  }
.LBB2_12:
0x2ba: {  	_ =	sfence.sel $0x180000  }
0x2bb: {  	[bflag:$0x0] =	sbarrier.arrive $0xFFFF  }
0x2bc: {  	_ =	strace $0x90000047  }
0x2bd: {  	[bflag:$0x2] =	sbarrier.arrive $0xFFFF  }
0x2be: {  	s0 =	rddreg [dreg:$0x3]  }
0x2bf: {  	s0 =	sadd.s32 @!p0 $0x100000, s0  }
0x2c0: {  	[sflag:s0] =	ssyncadd.tile.s32 @!p0 $0x1;
	_ =	shalt  }
.Lfunc_end2:
_tile_overlayer_lowered:
.L_overlay_start_2:
0x2c1: {  	(tag) =	ssettag $0x2  }
0x2c2: {  	s0 =	rddreg [dreg:$0x0];
	s2 =	stileid.u32  }
0x2c3: {  	s1 =	rddreg [dreg:$0x1];
	p0 =	sne.s32 s2, $0x0  }
0x2c4: {  	s3 =	rddreg [dreg:$0x2];
	[bflag:$0x3] =	sbarrier.arrive $0xFFFF;
	s2 =	simm.s32 @!p0 $0x1C03  }
0x2c5: {  	[timem:s3], [sflag:s2] =	dma.local @!p0 [hbm:s0], s1  }
0x2c6: {  	s0 =	simm.s32 @!p0 $0x3  }
0x2c7: {  	_ =	swait.ge @!p0 [sflag:s0], s1  }
0x2c8: {  	s1 =	ssub.s32 @!p0 $0x0, s1;
	[sflag:s0] =	ssyncset.done @!p0 $0x0  }
0x2c9: {  	[sflag:s0] =	ssyncadd.s32 @!p0 s1  }
0x2ca: {  	[bflag:$0x3] =	sbarrier.arrive $0xFFFF  }
0x2cb: {  	_ =	shalt  }

</sc_bundles>
